<compile_context>
chip_gen: v7x
topology: tpu7x:2x2x1
jax: 0.10.2.dev20260603
libtpu: 0.0.44.dev20260713+nightly
codegen_flags: <defaults>
</compile_context>

<pallas_src>
import functools

import jax
import jax.numpy as jnp
from jax.experimental import pallas as pl
from jax.experimental.pallas import tpu as pltpu
from jax.experimental.pallas import tpu_sc as plsc

KNN = 20
EPSV = 1e-5
_HI = jax.lax.Precision.HIGHEST
F32 = jnp.float32


def _lrelu(v):
    return jnp.where(v >= 0, v, 0.2 * v)


def _mm(a, b):
    return jax.lax.dot_general(a, b, (((1,), (0,)), ((), ())),
                               precision=_HI, preferred_element_type=F32)


def _mmt(a, b):
    return jax.lax.dot_general(a, b, (((1,), (1,)), ((), ())),
                               precision=_HI, preferred_element_type=F32)


BF16 = jnp.bfloat16


def _mmb(a, b):
    return jax.lax.dot_general(a.astype(BF16), b.astype(BF16),
                               (((1,), (0,)), ((), ())),
                               preferred_element_type=F32)


def _mmtb(a, b):
    return jax.lax.dot_general(a.astype(BF16), b.astype(BF16),
                               (((1,), (1,)), ((), ())),
                               preferred_element_type=F32)


def _dist(xc, scol, srow, m, n):
    g = _mmtb(xc[:m], xc[:n])
    return (scol[:m] - 2.0 * g) + srow[:, :n]


def _mmbb(a, b):
    return jax.lax.dot_general(a, b, (((1,), (0,)), ((), ())),
                               preferred_element_type=F32)


def _knn_maxpool(d, feats):
    M, N = d.shape
    C = feats.shape[1]
    h1 = feats.astype(BF16)
    r1 = feats - h1.astype(F32)
    h2 = r1.astype(BF16)
    h3 = (r1 - h2.astype(F32)).astype(BF16)
    iota = jax.lax.broadcasted_iota(jnp.int32, (M, N), 1)
    pooled = jnp.full((M, C), -jnp.inf, F32)
    for t in range(KNN):
        if t < KNN - 1:
            am = jnp.argmin(d, axis=1)[:, None]
        else:
            rowmin = jnp.min(d, axis=1, keepdims=True)
            am = jnp.min(jnp.where(d == rowmin, iota, N), axis=1,
                         keepdims=True)
        onehot = iota == am
        d = jnp.where(onehot, F32(1e30), d)
        ohb = onehot.astype(BF16)
        sel = (_mmbb(ohb, h1) + _mmbb(ohb, h2)) + _mmbb(ohb, h3)
        pooled = jnp.maximum(pooled, sel)
    return pooled


def _norm(y, st, gb, cnt):
    m = st[0:1, :] / cnt
    v = st[1:2, :] / cnt - m * m
    sc = gb[0:1, :] * jax.lax.rsqrt(v + EPSV)
    return _lrelu((y - m) * sc + gb[1:2, :])


def _stat_rows(y):
    s0 = jnp.sum(y, axis=0, keepdims=True)
    s1 = jnp.sum(y * y, axis=0, keepdims=True)
    rows = jax.lax.broadcasted_iota(jnp.int32, (8, y.shape[1]), 0)
    return jnp.where(rows == 0, jnp.broadcast_to(s0, (8, y.shape[1])),
                     jnp.where(rows == 1, jnp.broadcast_to(s1, (8, y.shape[1])),
                               F32(0.0)))


def _accum_stats(b, nb, upd, st_ref, acc_ref):
    @pl.when(b == 0)
    def _():
        acc_ref[...] = jnp.zeros_like(acc_ref)
    acc_ref[...] += upd

    @pl.when(b == nb - 1)
    def _():
        st_ref[...] = acc_ref[...]


def _c1_body(nb, xd_ref, w_ref, y_ref, st_ref, acc_ref):
    b = pl.program_id(0)
    y = _mmb(xd_ref[0], w_ref[...])
    y_ref[0] = y
    _accum_stats(b, nb, _stat_rows(y), st_ref, acc_ref)


def _mid_body(nb, npts_in, npool, nsub, y_ref, st_ref, xc_ref, scol_ref,
              srow_ref, w_ref, gb_ref, yo_ref, xs_ref, st2_ref, acc_ref):
    b = pl.program_id(0)
    cnt = F32(nb * npts_in)
    f = _norm(y_ref[0], st_ref[...], gb_ref[...], cnt)
    xc = xc_ref[0]
    scol = scol_ref[0]
    srow = srow_ref[0]
    d = _dist(xc, scol, srow, npool, npts_in)
    fp = _knn_maxpool(d, f)
    ds = _dist(xc, scol, srow, nsub, npool)
    xs_ref[0] = _knn_maxpool(ds, fp)
    yo = _mmb(fp, w_ref[...])
    yo_ref[0] = yo
    _accum_stats(b, nb, _stat_rows(yo), st2_ref, acc_ref)


def _c2a_body(nb, npts, npool, y_ref, st_ref, xc_ref, scol_ref, srow_ref,
              gb_ref, f_ref, idx_ref):
    b = pl.program_id(0)
    cnt = F32(nb * npts)
    f = _norm(y_ref[0], st_ref[...], gb_ref[...], cnt)
    f_ref[0] = jnp.concatenate(
        [f, jnp.zeros((f.shape[0], 128 - f.shape[1]), F32)], axis=1)
    d = _dist(xc_ref[0], scol_ref[0], srow_ref[0], npool, npts)
    base = b * npts
    iota = jax.lax.broadcasted_iota(jnp.int32, (npool, npts), 1)
    for t in range(KNN):
        if t < KNN - 1:
            am = jnp.argmin(d, axis=1)[:, None]
        else:
            rowmin = jnp.min(d, axis=1, keepdims=True)
            am = jnp.min(jnp.where(d == rowmin, iota, npts), axis=1,
                         keepdims=True)
        idx_ref[0, :, t:t + 1] = am + base
        d = jnp.where(iota == am, F32(1e30), d)


def _sc_gather_body(per_tile, chunk, table_ref, idx_ref, out_ref,
                    idx_v, rows_v, sem):
    c = jax.lax.axis_index("c")
    s = jax.lax.axis_index("s")
    base = (s * 2 + c) * per_tile

    @pl.loop(0, per_tile, step=chunk)
    def _(off):
        pltpu.sync_copy(idx_ref.at[pl.ds(base + off, chunk)], idx_v)
        pltpu.async_copy(table_ref.at[idx_v], rows_v, sem).wait()
        pltpu.sync_copy(rows_v, out_ref.at[pl.ds(base + off, chunk)])


def _c2c_body(nb, npool, nsub, cin, cout, g_ref, xc_ref, scol_ref, srow_ref,
              w_ref, yo_ref, xs_ref, st2_ref, acc_ref):
    b = pl.program_id(0)
    g = g_ref[0]
    fp = jnp.max(g.reshape(npool, KNN, 128), axis=1)[:, :cin]
    ds = _dist(xc_ref[0], scol_ref[0], srow_ref[0], nsub, npool)
    xs_ref[0] = _knn_maxpool(ds, fp)
    yo = _mmb(fp, w_ref[...])
    yo_ref[0] = yo
    _accum_stats(b, nb, _stat_rows(yo), st2_ref, acc_ref)


def _c5_body(nb, npts_in, nsub, y_ref, st_ref, xc_ref, scol_ref, srow_ref,
             x1_ref, x2_ref, x3_ref, w_ref, gb_ref, yo_ref, st2_ref, acc_ref):
    b = pl.program_id(0)
    cnt = F32(nb * npts_in)
    f4 = _norm(y_ref[0], st_ref[...], gb_ref[...], cnt)
    d4 = _dist(xc_ref[0], scol_ref[0], srow_ref[0], nsub, npts_in)
    fp4 = _knn_maxpool(d4, f4)
    h = jnp.concatenate([x1_ref[0], x2_ref[0], x3_ref[0], fp4], axis=1)
    yo = _mmb(h, w_ref[...])
    yo_ref[0] = yo
    _accum_stats(b, nb, _stat_rows(yo), st2_ref, acc_ref)


def _head_body(nb, nsub, y5_ref, st_ref, gb5_ref, l1_ref, gb6_ref, l2_ref,
               b2_ref, gb7_ref, l3_ref, b3_ref, o_ref):
    cnt = F32(nb * nsub)
    y5 = y5_ref[...]
    st = st_ref[...]
    m = (st[0:1, :] / cnt)[None]
    v = (st[1:2, :] / cnt)[None] - m * m
    sc = gb5_ref[0:1, :][None] * jax.lax.rsqrt(v + EPSV)
    f5 = _lrelu((y5 - m) * sc + gb5_ref[1:2, :][None])
    h1 = jnp.max(f5, axis=1)
    h2 = jnp.mean(f5, axis=1)
    h = jnp.concatenate([h1, h2], axis=1)

    t = _mmb(h, l1_ref[...])
    mb = jnp.mean(t, axis=0, keepdims=True)
    vb = jnp.mean(t * t, axis=0, keepdims=True) - mb * mb
    t = _lrelu(gb6_ref[0:1, :] * (t - mb) * jax.lax.rsqrt(vb + EPSV)
               + gb6_ref[1:2, :])

    t = _mmb(t, l2_ref[...]) + b2_ref[...]
    mb = jnp.mean(t, axis=0, keepdims=True)
    vb = jnp.mean(t * t, axis=0, keepdims=True) - mb * mb
    t = _lrelu(gb7_ref[0:1, :] * (t - mb) * jax.lax.rsqrt(vb + EPSV)
               + gb7_ref[1:2, :])

    o_ref[...] = _mmb(t, l3_ref[...]) + b3_ref[...]


def _pack_gb(g, be):
    z = jnp.zeros((8, g.shape[0]), F32)
    return z.at[0].set(g).at[1].set(be)


def kernel(x, W1, W2, W3, W4, W5, L1, L2, b2, L3, b3,
           g1, be1, g2, be2, g3, be3, g4, be4, g5, be5, g6, be6, g7, be7):
    B, _, N = x.shape
    xt = jnp.transpose(x, (0, 2, 1))
    scol = jnp.sum(xt * xt, axis=2, keepdims=True)
    srow = jnp.transpose(scol, (0, 2, 1))
    xc = jnp.concatenate([xt, jnp.zeros((B, N, 5), F32)], axis=2)

    w1p = jnp.zeros((8, 64), F32).at[:3].set(W1.T)
    gbs = [_pack_gb(g1, be1), _pack_gb(g2, be2), _pack_gb(g3, be3),
           _pack_gb(g4, be4), _pack_gb(g5, be5), _pack_gb(g6, be6),
           _pack_gb(g7, be7)]

    cparams = pltpu.CompilerParams(dimension_semantics=("arbitrary",))

    per_b = lambda *dims: pl.BlockSpec((1,) + dims, lambda b: (b, 0, 0))
    const2 = lambda r, c: pl.BlockSpec((r, c), lambda b: (0, 0))

    y1, st1 = pl.pallas_call(
        functools.partial(_c1_body, B),
        grid=(B,),
        in_specs=[per_b(N, 8), const2(8, 64)],
        out_specs=[per_b(N, 64), const2(8, 64)],
        out_shape=[jax.ShapeDtypeStruct((B, N, 64), F32),
                   jax.ShapeDtypeStruct((8, 64), F32)],
        scratch_shapes=[pltpu.VMEM((8, 64), F32)],
        compiler_params=cparams,
    )(xc, w1p)

    def mid_call(yin, stin, cin, cout, npts_in, npool, nsub, wt, gb):
        return pl.pallas_call(
            functools.partial(_mid_body, B, npts_in, npool, nsub),
            grid=(B,),
            in_specs=[per_b(npts_in, cin), const2(8, cin),
                      per_b(npts_in, 8), per_b(npts_in, 1),
                      pl.BlockSpec((1, 1, npts_in), lambda b: (b, 0, 0)),
                      const2(cin, cout), const2(8, cin)],

            out_specs=[per_b(npool, cout), per_b(nsub, cin), const2(8, cout)],
            out_shape=[jax.ShapeDtypeStruct((B, npool, cout), F32),
                       jax.ShapeDtypeStruct((B, nsub, cin), F32),
                       jax.ShapeDtypeStruct((8, cout), F32)],
            scratch_shapes=[pltpu.VMEM((8, cout), F32)],
            compiler_params=cparams,
        )(yin, stin, xc[:, :npts_in], scol[:, :npts_in],
          srow[:, :, :npts_in], wt, gb)

    npool1 = N // 4
    hb = B // 2

    def stage1_half(y1h, xch, scolh, srowh):
        f1h, idxh = pl.pallas_call(
            functools.partial(_c2a_body, B, N, npool1),
            grid=(hb,),
            in_specs=[per_b(N, 64), const2(8, 64),
                      per_b(N, 8), per_b(N, 1),
                      pl.BlockSpec((1, 1, N), lambda b: (b, 0, 0)),
                      const2(8, 64)],
            out_specs=[per_b(N, 128), per_b(npool1, KNN)],
            out_shape=[jax.ShapeDtypeStruct((hb, N, 128), F32),
                       jax.ShapeDtypeStruct((hb, npool1, KNN), jnp.int32)],
            compiler_params=cparams,
        )(y1h, st1, xch, scolh, srowh, gbs[0])

        tot = hb * npool1 * KNN
        per_tile = tot // 32
        chunk = 256
        gath = pl.kernel(
            functools.partial(_sc_gather_body, per_tile, chunk),
            out_type=jax.ShapeDtypeStruct((tot, 128), F32),
            mesh=plsc.VectorSubcoreMesh(core_axis_name="c",
                                        subcore_axis_name="s"),
            scratch_types=[pltpu.VMEM((chunk,), jnp.int32),
                           pltpu.VMEM((chunk, 128), F32),
                           pltpu.SemaphoreType.DMA],
        )(f1h.reshape(hb * N, 128), idxh.reshape(tot))
        return gath

    def stage1_back(gath, xch, scolh, srowh):
        return pl.pallas_call(
            functools.partial(_c2c_body, hb, npool1, N // 64, 64, 64),
            grid=(hb,),
            in_specs=[per_b(npool1 * KNN, 128),
                      per_b(npool1, 8), per_b(npool1, 1),
                      pl.BlockSpec((1, 1, npool1), lambda b: (b, 0, 0)),
                      const2(64, 64)],
            out_specs=[per_b(npool1, 64), per_b(N // 64, 64), const2(8, 64)],
            out_shape=[jax.ShapeDtypeStruct((hb, npool1, 64), F32),
                       jax.ShapeDtypeStruct((hb, N // 64, 64), F32),
                       jax.ShapeDtypeStruct((8, 64), F32)],
            scratch_shapes=[pltpu.VMEM((8, 64), F32)],
            compiler_params=cparams,
        )(gath.reshape(hb, npool1 * KNN, 128), xch,
          scolh, srowh, W2.T)

    g_h1 = stage1_half(y1[:hb], xc[:hb], scol[:hb], srow[:hb])
    g_h2 = stage1_half(y1[hb:], xc[hb:], scol[hb:], srow[hb:])
    y2a, x1a, st2a = stage1_back(g_h1, xc[:hb, :npool1],
                                 scol[:hb, :npool1], srow[:hb, :, :npool1])
    y2b, x1b, st2b = stage1_back(g_h2, xc[hb:, :npool1],
                                 scol[hb:, :npool1], srow[hb:, :, :npool1])
    y2 = jnp.concatenate([y2a, y2b], axis=0)
    x1 = jnp.concatenate([x1a, x1b], axis=0)
    st2 = st2a + st2b
    y3, x2, st3 = mid_call(y2, st2, 64, 128, N // 4, N // 16, N // 64,
                           W3.T, gbs[1])
    y4, x3, st4 = mid_call(y3, st3, 128, 256, N // 16, N // 32, N // 64,
                           W4.T, gbs[2])

    p5 = N // 32
    ns = N // 64
    y5, st5 = pl.pallas_call(
        functools.partial(_c5_body, B, p5, ns),
        grid=(B,),
        in_specs=[per_b(p5, 256), const2(8, 256),
                  per_b(p5, 8), per_b(p5, 1),
                  pl.BlockSpec((1, 1, p5), lambda b: (b, 0, 0)),
                  per_b(ns, 64), per_b(ns, 64), per_b(ns, 128),
                  const2(512, 1024), const2(8, 256)],
        out_specs=[per_b(ns, 1024), const2(8, 1024)],
        out_shape=[jax.ShapeDtypeStruct((B, ns, 1024), F32),
                   jax.ShapeDtypeStruct((8, 1024), F32)],
        scratch_shapes=[pltpu.VMEM((8, 1024), F32)],
        compiler_params=cparams,
    )(y4, st4, xc[:, :p5], scol[:, :p5], srow[:, :, :p5],
      x1, x2, x3, W5.T, gbs[3])

    out = pl.pallas_call(
        functools.partial(_head_body, B, ns),
        in_specs=[pl.BlockSpec((B, ns, 1024), lambda: (0, 0, 0)),
                  pl.BlockSpec((8, 1024), lambda: (0, 0)),
                  pl.BlockSpec((8, 1024), lambda: (0, 0)),
                  pl.BlockSpec((2048, 512), lambda: (0, 0)),
                  pl.BlockSpec((8, 512), lambda: (0, 0)),
                  pl.BlockSpec((512, 256), lambda: (0, 0)),
                  pl.BlockSpec((1, 256), lambda: (0, 0)),
                  pl.BlockSpec((8, 256), lambda: (0, 0)),
                  pl.BlockSpec((256, 40), lambda: (0, 0)),
                  pl.BlockSpec((1, 40), lambda: (0, 0))],
        out_specs=pl.BlockSpec((B, 40), lambda: (0, 0)),
        out_shape=jax.ShapeDtypeStruct((B, 40), F32),
    )(y5, st5, gbs[4], L1.T, gbs[5], L2.T, b2[None, :], gbs[6],
      L3.T, b3[None, :])

    return out

# --- scband reference (transcript-rebuilt; emitter-appended) ---
"""Pipeline reference for scband-point-net-38981123178753 (READ-ONLY COPY).

The authoritative reference and input builder live on the scoring server;
editing this copy changes nothing except your own understanding.
"""

import jax, jax.numpy as jnp
import numpy as np

EMB = 1024
KNN_K = 20
EPS = 1e-5


def setup_inputs(seed: int = 0) -> dict:
    key = jax.random.key(seed)
    ks = jax.random.split(key, 12)
    B, N = 32, 2048
    def w(k, shape):
        fan_in = shape[-1]
        return jax.random.normal(k, shape, dtype=jnp.float32) * (1.0 / np.sqrt(fan_in))
    inp = {}
    inp['x'] = jax.random.normal(ks[0], (B, 3, N), dtype=jnp.float32)
    inp['W1'] = w(ks[1], (64, 3))
    inp['W2'] = w(ks[2], (64, 64))
    inp['W3'] = w(ks[3], (128, 64))
    inp['W4'] = w(ks[4], (256, 128))
    inp['W5'] = w(ks[5], (EMB, 512))
    inp['L1'] = w(ks[6], (512, 2 * EMB))
    inp['L2'] = w(ks[7], (256, 512))
    inp['b2'] = jnp.zeros((256,), jnp.float32)
    inp['L3'] = w(ks[8], (40, 256))
    inp['b3'] = jnp.zeros((40,), jnp.float32)
    for i, c in enumerate([64, 64, 128, 256, EMB, 512, 256]):
        inp['g' + str(i + 1)] = jnp.ones((c,), jnp.float32)
        inp['be' + str(i + 1)] = jnp.zeros((c,), jnp.float32)
    return inp


def _bn(x, g, b):
    # x: [B, C, N], training-mode batch norm over (B, N)
    m = jnp.mean(x, axis=(0, 2), keepdims=True)
    v = jnp.var(x, axis=(0, 2), keepdims=True)
    return g[None, :, None] * (x - m) / jnp.sqrt(v + EPS) + b[None, :, None]


def _bn1d(x, g, b):
    # x: [B, C]
    m = jnp.mean(x, axis=0, keepdims=True)
    v = jnp.var(x, axis=0, keepdims=True)
    return g[None, :] * (x - m) / jnp.sqrt(v + EPS) + b[None, :]


def _lrelu(x):
    return jnp.where(x >= 0, x, 0.2 * x)


def _conv_bn(x, W, g, b):
    y = jnp.einsum('oc,bcn->bon', W, x)
    return _lrelu(_bn(y, g, b))


def _knn_idx(q, db, k):
    # q: [B, M, 3], db: [B, N, 3] -> [B, M, k] indices of k smallest sq-dists
    d = (jnp.sum(q ** 2, -1, keepdims=True)
         - 2.0 * jnp.einsum('bmd,bnd->bmn', q, db)
         + jnp.sum(db ** 2, -1)[:, None, :])
    _, idx = jax.lax.top_k(-d, k)
    return idx


def _pooling(x, feature, num_pool):
    # x: [B, 3, N], feature: [B, C, N]
    B = x.shape[0]
    x_sub = x[:, :, :num_pool]
    q = jnp.transpose(x_sub, (0, 2, 1))
    db = jnp.transpose(x, (0, 2, 1))
    idx = _knn_idx(q, db, KNN_K)                 # [B, M, K]
    feat = jnp.transpose(feature, (0, 2, 1))      # [B, N, C]
    bidx = jnp.arange(B)[:, None, None]
    gathered = feat[bidx, idx]                    # [B, M, K, C] gather
    pooled = jnp.max(gathered, axis=2)            # [B, M, C]
    return x_sub, jnp.transpose(pooled, (0, 2, 1))


def reference(x, W1, W2, W3, W4, W5, L1, L2, b2, L3, b3,
              g1, be1, g2, be2, g3, be3, g4, be4, g5, be5, g6, be6, g7, be7):
    B, _, N = x.shape
    feature = _conv_bn(x, W1, g1, be1)
    x_p, feature = _pooling(x, feature, N // 4)
    _, x1 = _pooling(x_p, feature, N // 64)
    feature = _conv_bn(feature, W2, g2, be2)
    x_p, feature = _pooling(x_p, feature, N // 16)
    _, x2 = _pooling(x_p, feature, N // 64)
    feature = _conv_bn(feature, W3, g3, be3)
    x_p, feature = _pooling(x_p, feature, N // 32)
    _, x3 = _pooling(x_p, feature, N // 64)
    feature = _conv_bn(feature, W4, g4, be4)
    x_p, feature = _pooling(x_p, feature, N // 64)
    h = jnp.concatenate([x1, x2, x3, feature], axis=1)   # [B, 512, N//64]
    h = _conv_bn(h, W5, g5, be5)                          # [B, EMB, N//64]
    h1 = jnp.max(h, axis=2)
    h2 = jnp.mean(h, axis=2)
    h = jnp.concatenate([h1, h2], axis=1)                 # [B, 2*EMB]
    h = _lrelu(_bn1d(h @ L1.T, g6, be6))
    h = _lrelu(_bn1d(h @ L2.T + b2, g7, be7))
    h = h @ L3.T + b3
    return h

if __name__ == "__main__":
    import jax
    _d = setup_inputs()
    print(jax.jit(kernel)(*tuple(_d.values())))

</pallas_src>

<mosaic_0001>
#map = affine_map<(d0, d1) -> (0, 0)>
#map1 = affine_map<(d0, d1) -> (0)>
module attributes {stable_mosaic.version = 14 : i64} {
  func.func @_sc_gather_body(%arg0: i32, %arg1: i32, %arg2: memref<32768x128xf32, #tpu.memory_space<hbm>>, %arg3: memref<163840xi32, #tpu.memory_space<hbm>>, %arg4: memref<163840x128xf32, #tpu.memory_space<hbm>>, %arg5: memref<256xi32, #tpu.memory_space<vmem>>, %arg6: memref<256x128xf32, #tpu.memory_space<vmem>>, %arg7: memref<!tpu.dma_semaphore, #tpu.memory_space<semaphore_mem>>) attributes {dimension_semantics = [#tpu.dimension_semantics<core_parallel>, #tpu.dimension_semantics<subcore_parallel>], iteration_bounds = array<i64: 2, 16>, scalar_prefetch = 0 : i64, scratch_operands = 3 : i64, tpu.core_type = #tpu.core_type<sc_vector_subcore>, window_params = [{transform_indices = #map}, {transform_indices = #map1}, {transform_indices = #map}]} {
    %mul3A = arith.constant 2 : i32
    %mul3A_0 = arith.muli %arg1, %mul3A : i32
    %add3A = arith.addi %mul3A_0, %arg0 : i32
    %mul3A_1 = arith.constant 5120 : i32
    %mul3A_2 = arith.muli %add3A, %mul3A_1 : i32
    %scan3A = arith.constant 0 : i32
    %scan3A_3 = arith.constant 20 : i32
    %scan3A_4 = arith.addi %scan3A, %scan3A_3 : i32
    %scan3A_5 = arith.constant 1 : i32
    scf.for %scan3A_7 = %scan3A to %scan3A_4 step %scan3A_5  : i32 {
      %mul3A_8 = arith.constant 256 : i32
      %mul3A_9 = arith.muli %scan3A_7, %mul3A_8 : i32
      %add3A_10 = arith.constant 0 : i32
      %add3A_11 = arith.addi %add3A_10, %mul3A_9 : i32
      %add3A_12 = arith.addi %mul3A_2, %add3A_11 : i32
      "tpu.region"() ({
        %run_scoped3A = tpu.sem_alloc : memref<!tpu.dma_semaphore, #tpu.memory_space<semaphore_mem>>
        %dma_start3A_18 = tpu.memref_slice %arg3[%add3A_12] : memref<163840xi32, #tpu.memory_space<hbm>> -> memref<256xi32, #tpu.memory_space<hbm>>
        %dma_start3A_19 = tpu.memref_slice %arg3[%add3A_12] : memref<163840xi32, #tpu.memory_space<hbm>> -> memref<256xi32, #tpu.memory_space<hbm>>
        tpu.enqueue_dma source(%dma_start3A_19 : memref<256xi32, #tpu.memory_space<hbm>>) target(%arg5 : memref<256xi32, #tpu.memory_space<vmem>>) target_semaphore(%run_scoped3A : memref<!tpu.dma_semaphore, #tpu.memory_space<semaphore_mem>>)
        %dma_wait3A_20 = tpu.memref_slice %arg3[%add3A_12] : memref<163840xi32, #tpu.memory_space<hbm>> -> memref<256xi32, #tpu.memory_space<hbm>>
        %dma_wait3A_21 = tpu.memref_slice %arg3[%add3A_12] : memref<163840xi32, #tpu.memory_space<hbm>> -> memref<256xi32, #tpu.memory_space<hbm>>
        tpu.wait_dma2 semaphore(%run_scoped3A : memref<!tpu.dma_semaphore, #tpu.memory_space<semaphore_mem>>) src(%dma_wait3A_21 : memref<256xi32, #tpu.memory_space<hbm>>) dst(%arg5 : memref<256xi32, #tpu.memory_space<vmem>>)
        tpu.yield
      }) : () -> ()
      %dma_start3A = arith.constant 0 : i32
      %dma_start3A_13 = arith.constant 0 : i32
      %dma_start3A_14 = tpu.memref_slice %arg2[%dma_start3A, %dma_start3A_13] : memref<32768x128xf32, #tpu.memory_space<hbm>> -> memref<32768x128xf32, #tpu.memory_space<hbm>>
      tpu.enqueue_indirect_dma source(%dma_start3A_14 : memref<32768x128xf32, #tpu.memory_space<hbm>>) target(%arg6 : memref<256x128xf32, #tpu.memory_space<vmem>>) offsets(%arg5 : memref<256xi32, #tpu.memory_space<vmem>>) semaphore(%arg7 : memref<!tpu.dma_semaphore, #tpu.memory_space<semaphore_mem>>)
      %dma_wait3A = arith.constant 0 : i32
      %dma_wait3A_15 = arith.constant 0 : i32
      %dma_wait3A_16 = tpu.memref_slice %arg2[%dma_wait3A, %dma_wait3A_15] : memref<32768x128xf32, #tpu.memory_space<hbm>> -> memref<32768x128xf32, #tpu.memory_space<hbm>>
      tpu.wait_indirect_dma semaphore(%arg7 : memref<!tpu.dma_semaphore, #tpu.memory_space<semaphore_mem>>) src(%dma_wait3A_16 : memref<32768x128xf32, #tpu.memory_space<hbm>>) dst(%arg6 : memref<256x128xf32, #tpu.memory_space<vmem>>)
      %add3A_17 = arith.addi %mul3A_2, %add3A_11 : i32
      "tpu.region"() ({
        %run_scoped3A = tpu.sem_alloc : memref<!tpu.dma_semaphore, #tpu.memory_space<semaphore_mem>>
        %dma_start3A_18 = arith.constant 0 : i32
        %dma_start3A_19 = tpu.memref_slice %arg4[%add3A_17, %dma_start3A_18] : memref<163840x128xf32, #tpu.memory_space<hbm>> -> memref<256x128xf32, #tpu.memory_space<hbm>>
        %dma_start3A_20 = arith.constant 0 : i32
        %dma_start3A_21 = tpu.memref_slice %arg4[%add3A_17, %dma_start3A_20] : memref<163840x128xf32, #tpu.memory_space<hbm>> -> memref<256x128xf32, #tpu.memory_space<hbm>>
        tpu.enqueue_dma source(%arg6 : memref<256x128xf32, #tpu.memory_space<vmem>>) target(%dma_start3A_21 : memref<256x128xf32, #tpu.memory_space<hbm>>) target_semaphore(%run_scoped3A : memref<!tpu.dma_semaphore, #tpu.memory_space<semaphore_mem>>)
        %dma_wait3A_22 = arith.constant 0 : i32
        %dma_wait3A_23 = tpu.memref_slice %arg4[%add3A_17, %dma_wait3A_22] : memref<163840x128xf32, #tpu.memory_space<hbm>> -> memref<256x128xf32, #tpu.memory_space<hbm>>
        %dma_wait3A_24 = arith.constant 0 : i32
        %dma_wait3A_25 = tpu.memref_slice %arg4[%add3A_17, %dma_wait3A_24] : memref<163840x128xf32, #tpu.memory_space<hbm>> -> memref<256x128xf32, #tpu.memory_space<hbm>>
        tpu.wait_dma2 semaphore(%run_scoped3A : memref<!tpu.dma_semaphore, #tpu.memory_space<semaphore_mem>>) src(%arg6 : memref<256x128xf32, #tpu.memory_space<vmem>>) dst(%dma_wait3A_25 : memref<256x128xf32, #tpu.memory_space<hbm>>)
        tpu.yield
      }) : () -> ()
    }
    %scan3A_6 = arith.constant 20 : i32
    return
  }
}

#map = affine_map<(d0, d1) -> (0, 0)>
#map1 = affine_map<(d0, d1) -> (0)>
module attributes {stable_mosaic.version = 14 : i64} {
  func.func @_sc_gather_body(%arg0: i32, %arg1: i32, %arg2: memref<32768x128xf32, #tpu.memory_space<hbm>>, %arg3: memref<163840xi32, #tpu.memory_space<hbm>>, %arg4: memref<163840x128xf32, #tpu.memory_space<hbm>>, %arg5: memref<256xi32, #tpu.memory_space<vmem>>, %arg6: memref<256x128xf32, #tpu.memory_space<vmem>>, %arg7: memref<!tpu.dma_semaphore, #tpu.memory_space<semaphore_mem>>) attributes {dimension_semantics = [#tpu.dimension_semantics<core_parallel>, #tpu.dimension_semantics<subcore_parallel>], iteration_bounds = array<i64: 2, 16>, scalar_prefetch = 0 : i64, scratch_operands = 3 : i64, tpu.core_type = #tpu.core_type<sc_vector_subcore>, window_params = [{transform_indices = #map}, {transform_indices = #map1}, {transform_indices = #map}]} {
    %mul3A = arith.constant 2 : i32
    %mul3A_0 = arith.muli %arg1, %mul3A : i32
    %add3A = arith.addi %mul3A_0, %arg0 : i32
    %mul3A_1 = arith.constant 5120 : i32
    %mul3A_2 = arith.muli %add3A, %mul3A_1 : i32
    %scan3A = arith.constant 0 : i32
    %scan3A_3 = arith.constant 20 : i32
    %scan3A_4 = arith.addi %scan3A, %scan3A_3 : i32
    %scan3A_5 = arith.constant 1 : i32
    scf.for %scan3A_7 = %scan3A to %scan3A_4 step %scan3A_5  : i32 {
      %mul3A_8 = arith.constant 256 : i32
      %mul3A_9 = arith.muli %scan3A_7, %mul3A_8 : i32
      %add3A_10 = arith.constant 0 : i32
      %add3A_11 = arith.addi %add3A_10, %mul3A_9 : i32
      %add3A_12 = arith.addi %mul3A_2, %add3A_11 : i32
      "tpu.region"() ({
        %run_scoped3A = tpu.sem_alloc : memref<!tpu.dma_semaphore, #tpu.memory_space<semaphore_mem>>
        %dma_start3A_18 = tpu.memref_slice %arg3[%add3A_12] : memref<163840xi32, #tpu.memory_space<hbm>> -> memref<256xi32, #tpu.memory_space<hbm>>
        %dma_start3A_19 = tpu.memref_slice %arg3[%add3A_12] : memref<163840xi32, #tpu.memory_space<hbm>> -> memref<256xi32, #tpu.memory_space<hbm>>
        tpu.enqueue_dma source(%dma_start3A_19 : memref<256xi32, #tpu.memory_space<hbm>>) target(%arg5 : memref<256xi32, #tpu.memory_space<vmem>>) target_semaphore(%run_scoped3A : memref<!tpu.dma_semaphore, #tpu.memory_space<semaphore_mem>>)
        %dma_wait3A_20 = tpu.memref_slice %arg3[%add3A_12] : memref<163840xi32, #tpu.memory_space<hbm>> -> memref<256xi32, #tpu.memory_space<hbm>>
        %dma_wait3A_21 = tpu.memref_slice %arg3[%add3A_12] : memref<163840xi32, #tpu.memory_space<hbm>> -> memref<256xi32, #tpu.memory_space<hbm>>
        tpu.wait_dma2 semaphore(%run_scoped3A : memref<!tpu.dma_semaphore, #tpu.memory_space<semaphore_mem>>) src(%dma_wait3A_21 : memref<256xi32, #tpu.memory_space<hbm>>) dst(%arg5 : memref<256xi32, #tpu.memory_space<vmem>>)
        tpu.yield
      }) : () -> ()
      %dma_start3A = arith.constant 0 : i32
      %dma_start3A_13 = arith.constant 0 : i32
      %dma_start3A_14 = tpu.memref_slice %arg2[%dma_start3A, %dma_start3A_13] : memref<32768x128xf32, #tpu.memory_space<hbm>> -> memref<32768x128xf32, #tpu.memory_space<hbm>>
      tpu.enqueue_indirect_dma source(%dma_start3A_14 : memref<32768x128xf32, #tpu.memory_space<hbm>>) target(%arg6 : memref<256x128xf32, #tpu.memory_space<vmem>>) offsets(%arg5 : memref<256xi32, #tpu.memory_space<vmem>>) semaphore(%arg7 : memref<!tpu.dma_semaphore, #tpu.memory_space<semaphore_mem>>)
      %dma_wait3A = arith.constant 0 : i32
      %dma_wait3A_15 = arith.constant 0 : i32
      %dma_wait3A_16 = tpu.memref_slice %arg2[%dma_wait3A, %dma_wait3A_15] : memref<32768x128xf32, #tpu.memory_space<hbm>> -> memref<32768x128xf32, #tpu.memory_space<hbm>>
      tpu.wait_indirect_dma semaphore(%arg7 : memref<!tpu.dma_semaphore, #tpu.memory_space<semaphore_mem>>) src(%dma_wait3A_16 : memref<32768x128xf32, #tpu.memory_space<hbm>>) dst(%arg6 : memref<256x128xf32, #tpu.memory_space<vmem>>)
      %add3A_17 = arith.addi %mul3A_2, %add3A_11 : i32
      "tpu.region"() ({
        %run_scoped3A = tpu.sem_alloc : memref<!tpu.dma_semaphore, #tpu.memory_space<semaphore_mem>>
        %dma_start3A_18 = arith.constant 0 : i32
        %dma_start3A_19 = tpu.memref_slice %arg4[%add3A_17, %dma_start3A_18] : memref<163840x128xf32, #tpu.memory_space<hbm>> -> memref<256x128xf32, #tpu.memory_space<hbm>>
        %dma_start3A_20 = arith.constant 0 : i32
        %dma_start3A_21 = tpu.memref_slice %arg4[%add3A_17, %dma_start3A_20] : memref<163840x128xf32, #tpu.memory_space<hbm>> -> memref<256x128xf32, #tpu.memory_space<hbm>>
        tpu.enqueue_dma source(%arg6 : memref<256x128xf32, #tpu.memory_space<vmem>>) target(%dma_start3A_21 : memref<256x128xf32, #tpu.memory_space<hbm>>) target_semaphore(%run_scoped3A : memref<!tpu.dma_semaphore, #tpu.memory_space<semaphore_mem>>)
        %dma_wait3A_22 = arith.constant 0 : i32
        %dma_wait3A_23 = tpu.memref_slice %arg4[%add3A_17, %dma_wait3A_22] : memref<163840x128xf32, #tpu.memory_space<hbm>> -> memref<256x128xf32, #tpu.memory_space<hbm>>
        %dma_wait3A_24 = arith.constant 0 : i32
        %dma_wait3A_25 = tpu.memref_slice %arg4[%add3A_17, %dma_wait3A_24] : memref<163840x128xf32, #tpu.memory_space<hbm>> -> memref<256x128xf32, #tpu.memory_space<hbm>>
        tpu.wait_dma2 semaphore(%run_scoped3A : memref<!tpu.dma_semaphore, #tpu.memory_space<semaphore_mem>>) src(%arg6 : memref<256x128xf32, #tpu.memory_space<vmem>>) dst(%dma_wait3A_25 : memref<256x128xf32, #tpu.memory_space<hbm>>)
        tpu.yield
      }) : () -> ()
    }
    %scan3A_6 = arith.constant 20 : i32
    return
  }
}

module attributes {stable_mosaic.version = 14 : i64} {
  func.func @_c1_body(%arg0: i32, %arg1: memref<1x2048x8xf32, #tpu.memory_space<vmem>>, %arg2: memref<8x64xf32, #tpu.memory_space<vmem>>, %arg3: memref<1x2048x64xf32, #tpu.memory_space<vmem>>, %arg4: memref<8x64xf32, #tpu.memory_space<vmem>>, %arg5: memref<8x64xf32, #tpu.memory_space<vmem>>) attributes {dimension_semantics = [#tpu.dimension_semantics<arbitrary>], iteration_bounds = array<i64: 32>, scalar_prefetch = 0 : i64, scratch_operands = 1 : i64, tpu.core_type = #tpu.core_type<tc>, window_params = [{transform_indices = @transform_0, window_bounds = array<i64: 1, 2048, 8>}, {pipeline_mode = #tpu.pipeline_mode<synchronous>, transform_indices = @transform_1, window_bounds = array<i64: 8, 64>}, {transform_indices = @transform_2, window_bounds = array<i64: 1, 2048, 64>}, {pipeline_mode = #tpu.pipeline_mode<synchronous>, transform_indices = @transform_3, window_bounds = array<i64: 8, 64>}]} {
    %get3A = arith.constant 0 : index
    %get3A_0 = arith.constant 0 : index
    %get3A_1 = arith.constant 0 : index
    %get3A_2 = vector.load %arg1[%get3A, %get3A_0, %get3A_1] : memref<1x2048x8xf32, #tpu.memory_space<vmem>>, vector<1x2048x8xf32>
    %get3A_3 = vector.shape_cast %get3A_2 : vector<1x2048x8xf32> to vector<2048x8xf32>
    %get3A_4 = arith.constant 0 : index
    %get3A_5 = arith.constant 0 : index
    %get3A_6 = vector.load %arg2[%get3A_4, %get3A_5] : memref<8x64xf32, #tpu.memory_space<vmem>>, vector<8x64xf32>
    %convert_element_type3A = arith.truncf %get3A_3 : vector<2048x8xf32> to vector<2048x8xbf16>
    %convert_element_type3A_7 = arith.truncf %get3A_6 : vector<8x64xf32> to vector<8x64xbf16>
    %dot_general3A = arith.constant dense<0.000000e+00> : vector<2048x64xf32>
    %dot_general3A_8 = tpu.matmul %convert_element_type3A, %convert_element_type3A_7, %dot_general3A {dimension_numbers = #tpu.dot_dimension_numbers<[1], [0], [0], [1], [0, 0, 1, 1], [], []>, transpose_lhs_hint = false} : vector<2048x8xbf16>, vector<8x64xbf16>, vector<2048x64xf32> -> vector<2048x64xf32>
    %swap3A = arith.constant 0 : index
    %swap3A_9 = arith.constant 0 : index
    %swap3A_10 = arith.constant 0 : index
    %swap3A_11 = vector.load %arg3[%swap3A, %swap3A_9, %swap3A_10] : memref<1x2048x64xf32, #tpu.memory_space<vmem>>, vector<1x2048x64xf32>
    %swap3A_12 = vector.shape_cast %swap3A_11 : vector<1x2048x64xf32> to vector<2048x64xf32>
    %swap3A_13 = vector.shape_cast %dot_general3A_8 : vector<2048x64xf32> to vector<1x2048x64xf32>
    tpu.vector_store %arg3[%swap3A, %swap3A_9, %swap3A_10], %swap3A_13 {strides = array<i32>} : memref<1x2048x64xf32, #tpu.memory_space<vmem>>, vector<1x2048x64xf32>,
    %reduce_sum3A = arith.constant dense<0.000000e+00> : vector<64xf32>
    %reduce_sum3A_14 = vector.multi_reduction <add>, %dot_general3A_8, %reduce_sum3A [0] : vector<2048x64xf32> to vector<64xf32>
    %broadcast_in_dim3A = vector.shape_cast %reduce_sum3A_14 : vector<64xf32> to vector<1x64xf32>
    %mul3A = arith.mulf %dot_general3A_8, %dot_general3A_8 : vector<2048x64xf32>
    %reduce_sum3A_15 = arith.constant dense<0.000000e+00> : vector<64xf32>
    %reduce_sum3A_16 = vector.multi_reduction <add>, %mul3A, %reduce_sum3A_15 [0] : vector<2048x64xf32> to vector<64xf32>
    %broadcast_in_dim3A_17 = vector.shape_cast %reduce_sum3A_16 : vector<64xf32> to vector<1x64xf32>
    %iota3A = tpu.iota {dimensions = array<i32: 0>} : vector<8x64xi32>
    %eq3A = arith.constant 0 : i32
    %eq3A_18 = vector.broadcast %eq3A : i32 to vector<8x64xi32>
    %eq3A_19 = arith.cmpi eq, %iota3A, %eq3A_18 : vector<8x64xi32>
    %broadcast_in_dim3A_20 = vector.shape_cast %broadcast_in_dim3A : vector<1x64xf32> to vector<1x64xf32>
    %broadcast_in_dim3A_21 = vector.broadcast %broadcast_in_dim3A_20 : vector<1x64xf32> to vector<8x64xf32>
    %eq3A_22 = arith.constant 1 : i32
    %eq3A_23 = vector.broadcast %eq3A_22 : i32 to vector<8x64xi32>
    %eq3A_24 = arith.cmpi eq, %iota3A, %eq3A_23 : vector<8x64xi32>
    %broadcast_in_dim3A_25 = vector.shape_cast %broadcast_in_dim3A_17 : vector<1x64xf32> to vector<1x64xf32>
    %broadcast_in_dim3A_26 = vector.broadcast %broadcast_in_dim3A_25 : vector<1x64xf32> to vector<8x64xf32>
    %jit3A = arith.constant 0.000000e+00 : f32
    %broadcast_in_dim3A_27 = vector.broadcast %jit3A : f32 to vector<8x64xf32>
    %select_n3A = arith.select %eq3A_24, %broadcast_in_dim3A_26, %broadcast_in_dim3A_27 : vector<8x64xi1>, vector<8x64xf32>
    %select_n3A_28 = arith.select %eq3A_19, %broadcast_in_dim3A_21, %select_n3A : vector<8x64xi1>, vector<8x64xf32>
    %eq3A_29 = arith.constant 0 : i32
    %eq3A_30 = arith.cmpi eq, %arg0, %eq3A_29 : i32
    %convert_element_type3A_31 = arith.extui %eq3A_30 : i1 to i32
    %cond3A = arith.constant 0 : i32
    %cond3A_32 = arith.cmpi ne, %convert_element_type3A_31, %cond3A : i32
    scf.if %cond3A_32 {
      %broadcast_in_dim3A_44 = arith.constant 0.000000e+00 : f32
      %broadcast_in_dim3A_45 = vector.broadcast %broadcast_in_dim3A_44 : f32 to vector<8x64xf32>
      %swap3A_46 = arith.constant 0 : index
      %swap3A_47 = arith.constant 0 : index
      %swap3A_48 = vector.load %arg5[%swap3A_46, %swap3A_47] : memref<8x64xf32, #tpu.memory_space<vmem>>, vector<8x64xf32>
      tpu.vector_store %arg5[%swap3A_46, %swap3A_47], %broadcast_in_dim3A_45 {strides = array<i32>} : memref<8x64xf32, #tpu.memory_space<vmem>>, vector<8x64xf32>,
    } else {
    }
    %get3A_33 = arith.constant 0 : index
    %get3A_34 = arith.constant 0 : index
    %get3A_35 = vector.load %arg5[%get3A_33, %get3A_34] : memref<8x64xf32, #tpu.memory_space<vmem>>, vector<8x64xf32>
    %add3A = arith.addf %get3A_35, %select_n3A_28 : vector<8x64xf32>
    %swap3A_36 = arith.constant 0 : index
    %swap3A_37 = arith.constant 0 : index
    %swap3A_38 = vector.load %arg5[%swap3A_36, %swap3A_37] : memref<8x64xf32, #tpu.memory_space<vmem>>, vector<8x64xf32>
    tpu.vector_store %arg5[%swap3A_36, %swap3A_37], %add3A {strides = array<i32>} : memref<8x64xf32, #tpu.memory_space<vmem>>, vector<8x64xf32>,
    %eq3A_39 = arith.constant 31 : i32
    %eq3A_40 = arith.cmpi eq, %arg0, %eq3A_39 : i32
    %convert_element_type3A_41 = arith.extui %eq3A_40 : i1 to i32
    %cond3A_42 = arith.constant 0 : i32
    %cond3A_43 = arith.cmpi ne, %convert_element_type3A_41, %cond3A_42 : i32
    scf.if %cond3A_43 {
      %get3A_44 = arith.constant 0 : index
      %get3A_45 = arith.constant 0 : index
      %get3A_46 = vector.load %arg5[%get3A_44, %get3A_45] : memref<8x64xf32, #tpu.memory_space<vmem>>, vector<8x64xf32>
      %swap3A_47 = arith.constant 0 : index
      %swap3A_48 = arith.constant 0 : index
      %swap3A_49 = vector.load %arg4[%swap3A_47, %swap3A_48] : memref<8x64xf32, #tpu.memory_space<vmem>>, vector<8x64xf32>
      tpu.vector_store %arg4[%swap3A_47, %swap3A_48], %get3A_46 {strides = array<i32>} : memref<8x64xf32, #tpu.memory_space<vmem>>, vector<8x64xf32>,
    } else {
    }
    return
  }
  func.func @transform_0(%arg0: i32) -> (i32, i32, i32) {
    %c0_i32 = arith.constant 0 : i32
    %c0_i32_0 = arith.constant 0 : i32
    %c0_i32_1 = arith.constant 0 : i32
    return %arg0, %c0_i32, %c0_i32_0 : i32, i32, i32
  }
  func.func @transform_1(%arg0: i32) -> (i32, i32) {
    %c0_i32 = arith.constant 0 : i32
    %c0_i32_0 = arith.constant 0 : i32
    %c0_i32_1 = arith.constant 0 : i32
    return %c0_i32, %c0_i32_0 : i32, i32
  }
  func.func @transform_2(%arg0: i32) -> (i32, i32, i32) {
    %c0_i32 = arith.constant 0 : i32
    %c0_i32_0 = arith.constant 0 : i32
    %c0_i32_1 = arith.constant 0 : i32
    return %arg0, %c0_i32, %c0_i32_0 : i32, i32, i32
  }
  func.func @transform_3(%arg0: i32) -> (i32, i32) {
    %c0_i32 = arith.constant 0 : i32
    %c0_i32_0 = arith.constant 0 : i32
    %c0_i32_1 = arith.constant 0 : i32
    return %c0_i32, %c0_i32_0 : i32, i32
  }
}

module attributes {stable_mosaic.version = 14 : i64} {
  func.func @_c2a_body(%arg0: i32, %arg1: memref<1x2048x64xf32, #tpu.memory_space<vmem>>, %arg2: memref<8x64xf32, #tpu.memory_space<vmem>>, %arg3: memref<1x2048x8xf32, #tpu.memory_space<vmem>>, %arg4: memref<1x2048x1xf32, #tpu.memory_space<vmem>>, %arg5: memref<1x1x2048xf32, #tpu.memory_space<vmem>>, %arg6: memref<8x64xf32, #tpu.memory_space<vmem>>, %arg7: memref<1x2048x128xf32, #tpu.memory_space<vmem>>, %arg8: memref<1x512x20xi32, #tpu.memory_space<vmem>>) attributes {dimension_semantics = [#tpu.dimension_semantics<arbitrary>], iteration_bounds = array<i64: 16>, scalar_prefetch = 0 : i64, scratch_operands = 0 : i64, tpu.core_type = #tpu.core_type<tc>, window_params = [{transform_indices = @transform_0, window_bounds = array<i64: 1, 2048, 64>}, {pipeline_mode = #tpu.pipeline_mode<synchronous>, transform_indices = @transform_1, window_bounds = array<i64: 8, 64>}, {transform_indices = @transform_2, window_bounds = array<i64: 1, 2048, 8>}, {transform_indices = @transform_3, window_bounds = array<i64: 1, 2048, 1>}, {transform_indices = @transform_4, window_bounds = array<i64: 1, 1, 2048>}, {pipeline_mode = #tpu.pipeline_mode<synchronous>, transform_indices = @transform_5, window_bounds = array<i64: 8, 64>}, {transform_indices = @transform_6, window_bounds = array<i64: 1, 2048, 128>}, {transform_indices = @transform_7, window_bounds = array<i64: 1, 512, 20>}]} {
    %get3A = arith.constant 0 : index
    %get3A_0 = arith.constant 0 : index
    %get3A_1 = arith.constant 0 : index
    %get3A_2 = vector.load %arg1[%get3A, %get3A_0, %get3A_1] : memref<1x2048x64xf32, #tpu.memory_space<vmem>>, vector<1x2048x64xf32>
    %get3A_3 = vector.shape_cast %get3A_2 : vector<1x2048x64xf32> to vector<2048x64xf32>
    %get3A_4 = arith.constant 0 : index
    %get3A_5 = arith.constant 0 : index
    %get3A_6 = vector.load %arg2[%get3A_4, %get3A_5] : memref<8x64xf32, #tpu.memory_space<vmem>>, vector<8x64xf32>
    %get3A_7 = arith.constant 0 : index
    %get3A_8 = arith.constant 0 : index
    %get3A_9 = vector.load %arg6[%get3A_7, %get3A_8] : memref<8x64xf32, #tpu.memory_space<vmem>>, vector<8x64xf32>
    %slice3A = vector.extract_strided_slice %get3A_6 {offsets = [0, 0], sizes = [1, 64], strides = [1, 1]} : vector<8x64xf32> to vector<1x64xf32>
    %div3A = arith.constant 6.553600e+04 : f32
    %div3A_10 = vector.broadcast %div3A : f32 to vector<1x64xf32>
    %div3A_11 = arith.divf %slice3A, %div3A_10 : vector<1x64xf32>
    %slice3A_12 = vector.extract_strided_slice %get3A_6 {offsets = [1, 0], sizes = [1, 64], strides = [1, 1]} : vector<8x64xf32> to vector<1x64xf32>
    %div3A_13 = arith.constant 6.553600e+04 : f32
    %div3A_14 = vector.broadcast %div3A_13 : f32 to vector<1x64xf32>
    %div3A_15 = arith.divf %slice3A_12, %div3A_14 : vector<1x64xf32>
    %mul3A = arith.mulf %div3A_11, %div3A_11 : vector<1x64xf32>
    %sub3A = arith.subf %div3A_15, %mul3A : vector<1x64xf32>
    %slice3A_16 = vector.extract_strided_slice %get3A_9 {offsets = [0, 0], sizes = [1, 64], strides = [1, 1]} : vector<8x64xf32> to vector<1x64xf32>
    %add3A = arith.constant 9.99999974E-6 : f32
    %add3A_17 = vector.broadcast %add3A : f32 to vector<1x64xf32>
    %add3A_18 = arith.addf %sub3A, %add3A_17 : vector<1x64xf32>
    %rsqrt3A = math.rsqrt %add3A_18 : vector<1x64xf32>
    %mul3A_19 = arith.mulf %slice3A_16, %rsqrt3A : vector<1x64xf32>
    %sub3A_20 = vector.broadcast %div3A_11 : vector<1x64xf32> to vector<2048x64xf32>
    %sub3A_21 = arith.subf %get3A_3, %sub3A_20 : vector<2048x64xf32>
    %mul3A_22 = vector.broadcast %mul3A_19 : vector<1x64xf32> to vector<2048x64xf32>
    %mul3A_23 = arith.mulf %sub3A_21, %mul3A_22 : vector<2048x64xf32>
    %slice3A_24 = vector.extract_strided_slice %get3A_9 {offsets = [1, 0], sizes = [1, 64], strides = [1, 1]} : vector<8x64xf32> to vector<1x64xf32>
    %add3A_25 = vector.broadcast %slice3A_24 : vector<1x64xf32> to vector<2048x64xf32>
    %add3A_26 = arith.addf %mul3A_23, %add3A_25 : vector<2048x64xf32>
    %ge3A = arith.constant 0.000000e+00 : f32
    %ge3A_27 = vector.broadcast %ge3A : f32 to vector<2048x64xf32>
    %ge3A_28 = arith.cmpf oge, %add3A_26, %ge3A_27 : vector<2048x64xf32>
    %mul3A_29 = arith.constant 2.000000e-01 : f32
    %mul3A_30 = vector.broadcast %mul3A_29 : f32 to vector<2048x64xf32>
    %mul3A_31 = arith.mulf %mul3A_30, %add3A_26 : vector<2048x64xf32>
    %select_n3A = arith.select %ge3A_28, %add3A_26, %mul3A_31 : vector<2048x64xi1>, vector<2048x64xf32>
    %broadcast_in_dim3A = arith.constant 0.000000e+00 : f32
    %broadcast_in_dim3A_32 = vector.broadcast %broadcast_in_dim3A : f32 to vector<2048x64xf32>
    %concatenate3A = tpu.concatenate %select_n3A, %broadcast_in_dim3A_32 in 1 : vector<2048x64xf32>, vector<2048x64xf32> -> vector<2048x128xf32>
    %swap3A = arith.constant 0 : index
    %swap3A_33 = arith.constant 0 : index
    %swap3A_34 = arith.constant 0 : index
    %swap3A_35 = vector.load %arg7[%swap3A, %swap3A_33, %swap3A_34] : memref<1x2048x128xf32, #tpu.memory_space<vmem>>, vector<1x2048x128xf32>
    %swap3A_36 = vector.shape_cast %swap3A_35 : vector<1x2048x128xf32> to vector<2048x128xf32>
    %swap3A_37 = vector.shape_cast %concatenate3A : vector<2048x128xf32> to vector<1x2048x128xf32>
    tpu.vector_store %arg7[%swap3A, %swap3A_33, %swap3A_34], %swap3A_37 {strides = array<i32>} : memref<1x2048x128xf32, #tpu.memory_space<vmem>>, vector<1x2048x128xf32>,
    %get3A_38 = arith.constant 0 : index
    %get3A_39 = arith.constant 0 : index
    %get3A_40 = arith.constant 0 : index
    %get3A_41 = vector.load %arg3[%get3A_38, %get3A_39, %get3A_40] : memref<1x2048x8xf32, #tpu.memory_space<vmem>>, vector<1x2048x8xf32>
    %get3A_42 = vector.shape_cast %get3A_41 : vector<1x2048x8xf32> to vector<2048x8xf32>
    %get3A_43 = arith.constant 0 : index
    %get3A_44 = arith.constant 0 : index
    %get3A_45 = arith.constant 0 : index
    %get3A_46 = vector.load %arg4[%get3A_43, %get3A_44, %get3A_45] : memref<1x2048x1xf32, #tpu.memory_space<vmem>>, vector<1x2048x1xf32>
    %get3A_47 = vector.shape_cast %get3A_46 : vector<1x2048x1xf32> to vector<2048x1xf32>
    %get3A_48 = arith.constant 0 : index
    %get3A_49 = arith.constant 0 : index
    %get3A_50 = arith.constant 0 : index
    %get3A_51 = vector.load %arg5[%get3A_48, %get3A_49, %get3A_50] : memref<1x1x2048xf32, #tpu.memory_space<vmem>>, vector<1x1x2048xf32>
    %get3A_52 = vector.shape_cast %get3A_51 : vector<1x1x2048xf32> to vector<1x2048xf32>
    %slice3A_53 = vector.extract_strided_slice %get3A_42 {offsets = [0, 0], sizes = [512, 8], strides = [1, 1]} : vector<2048x8xf32> to vector<512x8xf32>
    %convert_element_type3A = arith.truncf %slice3A_53 : vector<512x8xf32> to vector<512x8xbf16>
    %convert_element_type3A_54 = arith.truncf %get3A_42 : vector<2048x8xf32> to vector<2048x8xbf16>
    %dot_general3A = arith.constant dense<0.000000e+00> : vector<512x2048xf32>
    %dot_general3A_55 = tpu.matmul %convert_element_type3A, %convert_element_type3A_54, %dot_general3A {dimension_numbers = #tpu.dot_dimension_numbers<[1], [1], [0], [0], [0, 0, 1, 0], [], []>, transpose_lhs_hint = false} : vector<512x8xbf16>, vector<2048x8xbf16>, vector<512x2048xf32> -> vector<512x2048xf32>
    %slice3A_56 = vector.extract_strided_slice %get3A_47 {offsets = [0, 0], sizes = [512, 1], strides = [1, 1]} : vector<2048x1xf32> to vector<512x1xf32>
    %mul3A_57 = arith.constant 2.000000e+00 : f32
    %mul3A_58 = vector.broadcast %mul3A_57 : f32 to vector<512x2048xf32>
    %mul3A_59 = arith.mulf %mul3A_58, %dot_general3A_55 : vector<512x2048xf32>
    %sub3A_60 = vector.broadcast %slice3A_56 : vector<512x1xf32> to vector<512x2048xf32>
    %sub3A_61 = arith.subf %sub3A_60, %mul3A_59 : vector<512x2048xf32>
    %add3A_62 = vector.broadcast %get3A_52 : vector<1x2048xf32> to vector<512x2048xf32>
    %add3A_63 = arith.addf %sub3A_61, %add3A_62 : vector<512x2048xf32>
    %mul3A_64 = arith.constant 2048 : i32
    %mul3A_65 = arith.muli %arg0, %mul3A_64 : i32
    %iota3A = tpu.iota {dimensions = array<i32: 1>} : vector<512x2048xi32>
    %argmin3A = tpu.reduce_index %add3A_63 {axis = 1 : i32, kind = #tpu.reduction_kind<arg_min>} : vector<512x2048xf32> -> vector<512xi32>
    %broadcast_in_dim3A_66 = vector.shape_cast %argmin3A : vector<512xi32> to vector<512x1xi32>
    %add3A_67 = vector.broadcast %mul3A_65 : i32 to vector<512x1xi32>
    %add3A_68 = arith.addi %broadcast_in_dim3A_66, %add3A_67 : vector<512x1xi32>
    %swap3A_69 = arith.constant 0 : index
    %swap3A_70 = arith.constant 0 : index
    %swap3A_71 = arith.constant 0 : index
    %swap3A_72 = vector.load %arg8[%swap3A_69, %swap3A_70, %swap3A_71] : memref<1x512x20xi32, #tpu.memory_space<vmem>>, vector<1x512x1xi32>
    %swap3A_73 = vector.shape_cast %swap3A_72 : vector<1x512x1xi32> to vector<512x1xi32>
    %swap3A_74 = vector.shape_cast %add3A_68 : vector<512x1xi32> to vector<1x512x1xi32>
    tpu.vector_store %arg8[%swap3A_69, %swap3A_70, %swap3A_71], %swap3A_74 {strides = array<i32>} : memref<1x512x20xi32, #tpu.memory_space<vmem>>, vector<1x512x1xi32>,
    %eq3A = vector.broadcast %broadcast_in_dim3A_66 : vector<512x1xi32> to vector<512x2048xi32>
    %eq3A_75 = arith.cmpi eq, %iota3A, %eq3A : vector<512x2048xi32>
    %jit3A = arith.constant 1.000000e+30 : f32
    %broadcast_in_dim3A_76 = vector.broadcast %jit3A : f32 to vector<512x2048xf32>
    %select_n3A_77 = arith.select %eq3A_75, %broadcast_in_dim3A_76, %add3A_63 : vector<512x2048xi1>, vector<512x2048xf32>
    %argmin3A_78 = tpu.reduce_index %select_n3A_77 {axis = 1 : i32, kind = #tpu.reduction_kind<arg_min>} : vector<512x2048xf32> -> vector<512xi32>
    %broadcast_in_dim3A_79 = vector.shape_cast %argmin3A_78 : vector<512xi32> to vector<512x1xi32>
    %add3A_80 = vector.broadcast %mul3A_65 : i32 to vector<512x1xi32>
    %add3A_81 = arith.addi %broadcast_in_dim3A_79, %add3A_80 : vector<512x1xi32>
    %swap3A_82 = arith.constant 0 : index
    %swap3A_83 = arith.constant 0 : index
    %swap3A_84 = arith.constant 1 : index
    %swap3A_85 = vector.load %arg8[%swap3A_82, %swap3A_83, %swap3A_84] : memref<1x512x20xi32, #tpu.memory_space<vmem>>, vector<1x512x1xi32>
    %swap3A_86 = vector.shape_cast %swap3A_85 : vector<1x512x1xi32> to vector<512x1xi32>
    %swap3A_87 = vector.shape_cast %add3A_81 : vector<512x1xi32> to vector<1x512x1xi32>
    tpu.vector_store %arg8[%swap3A_82, %swap3A_83, %swap3A_84], %swap3A_87 {strides = array<i32>} : memref<1x512x20xi32, #tpu.memory_space<vmem>>, vector<1x512x1xi32>,
    %eq3A_88 = vector.broadcast %broadcast_in_dim3A_79 : vector<512x1xi32> to vector<512x2048xi32>
    %eq3A_89 = arith.cmpi eq, %iota3A, %eq3A_88 : vector<512x2048xi32>
    %jit3A_90 = arith.constant 1.000000e+30 : f32
    %broadcast_in_dim3A_91 = vector.broadcast %jit3A_90 : f32 to vector<512x2048xf32>
    %select_n3A_92 = arith.select %eq3A_89, %broadcast_in_dim3A_91, %select_n3A_77 : vector<512x2048xi1>, vector<512x2048xf32>
    %argmin3A_93 = tpu.reduce_index %select_n3A_92 {axis = 1 : i32, kind = #tpu.reduction_kind<arg_min>} : vector<512x2048xf32> -> vector<512xi32>
    %broadcast_in_dim3A_94 = vector.shape_cast %argmin3A_93 : vector<512xi32> to vector<512x1xi32>
    %add3A_95 = vector.broadcast %mul3A_65 : i32 to vector<512x1xi32>
    %add3A_96 = arith.addi %broadcast_in_dim3A_94, %add3A_95 : vector<512x1xi32>
    %swap3A_97 = arith.constant 0 : index
    %swap3A_98 = arith.constant 0 : index
    %swap3A_99 = arith.constant 2 : index
    %swap3A_100 = vector.load %arg8[%swap3A_97, %swap3A_98, %swap3A_99] : memref<1x512x20xi32, #tpu.memory_space<vmem>>, vector<1x512x1xi32>
    %swap3A_101 = vector.shape_cast %swap3A_100 : vector<1x512x1xi32> to vector<512x1xi32>
    %swap3A_102 = vector.shape_cast %add3A_96 : vector<512x1xi32> to vector<1x512x1xi32>
    tpu.vector_store %arg8[%swap3A_97, %swap3A_98, %swap3A_99], %swap3A_102 {strides = array<i32>} : memref<1x512x20xi32, #tpu.memory_space<vmem>>, vector<1x512x1xi32>,
    %eq3A_103 = vector.broadcast %broadcast_in_dim3A_94 : vector<512x1xi32> to vector<512x2048xi32>
    %eq3A_104 = arith.cmpi eq, %iota3A, %eq3A_103 : vector<512x2048xi32>
    %jit3A_105 = arith.constant 1.000000e+30 : f32
    %broadcast_in_dim3A_106 = vector.broadcast %jit3A_105 : f32 to vector<512x2048xf32>
    %select_n3A_107 = arith.select %eq3A_104, %broadcast_in_dim3A_106, %select_n3A_92 : vector<512x2048xi1>, vector<512x2048xf32>
    %argmin3A_108 = tpu.reduce_index %select_n3A_107 {axis = 1 : i32, kind = #tpu.reduction_kind<arg_min>} : vector<512x2048xf32> -> vector<512xi32>
    %broadcast_in_dim3A_109 = vector.shape_cast %argmin3A_108 : vector<512xi32> to vector<512x1xi32>
    %add3A_110 = vector.broadcast %mul3A_65 : i32 to vector<512x1xi32>
    %add3A_111 = arith.addi %broadcast_in_dim3A_109, %add3A_110 : vector<512x1xi32>
    %swap3A_112 = arith.constant 0 : index
    %swap3A_113 = arith.constant 0 : index
    %swap3A_114 = arith.constant 3 : index
    %swap3A_115 = vector.load %arg8[%swap3A_112, %swap3A_113, %swap3A_114] : memref<1x512x20xi32, #tpu.memory_space<vmem>>, vector<1x512x1xi32>
    %swap3A_116 = vector.shape_cast %swap3A_115 : vector<1x512x1xi32> to vector<512x1xi32>
    %swap3A_117 = vector.shape_cast %add3A_111 : vector<512x1xi32> to vector<1x512x1xi32>
    tpu.vector_store %arg8[%swap3A_112, %swap3A_113, %swap3A_114], %swap3A_117 {strides = array<i32>} : memref<1x512x20xi32, #tpu.memory_space<vmem>>, vector<1x512x1xi32>,
    %eq3A_118 = vector.broadcast %broadcast_in_dim3A_109 : vector<512x1xi32> to vector<512x2048xi32>
    %eq3A_119 = arith.cmpi eq, %iota3A, %eq3A_118 : vector<512x2048xi32>
    %jit3A_120 = arith.constant 1.000000e+30 : f32
    %broadcast_in_dim3A_121 = vector.broadcast %jit3A_120 : f32 to vector<512x2048xf32>
    %select_n3A_122 = arith.select %eq3A_119, %broadcast_in_dim3A_121, %select_n3A_107 : vector<512x2048xi1>, vector<512x2048xf32>
    %argmin3A_123 = tpu.reduce_index %select_n3A_122 {axis = 1 : i32, kind = #tpu.reduction_kind<arg_min>} : vector<512x2048xf32> -> vector<512xi32>
    %broadcast_in_dim3A_124 = vector.shape_cast %argmin3A_123 : vector<512xi32> to vector<512x1xi32>
    %add3A_125 = vector.broadcast %mul3A_65 : i32 to vector<512x1xi32>
    %add3A_126 = arith.addi %broadcast_in_dim3A_124, %add3A_125 : vector<512x1xi32>
    %swap3A_127 = arith.constant 0 : index
    %swap3A_128 = arith.constant 0 : index
    %swap3A_129 = arith.constant 4 : index
    %swap3A_130 = vector.load %arg8[%swap3A_127, %swap3A_128, %swap3A_129] : memref<1x512x20xi32, #tpu.memory_space<vmem>>, vector<1x512x1xi32>
    %swap3A_131 = vector.shape_cast %swap3A_130 : vector<1x512x1xi32> to vector<512x1xi32>
    %swap3A_132 = vector.shape_cast %add3A_126 : vector<512x1xi32> to vector<1x512x1xi32>
    tpu.vector_store %arg8[%swap3A_127, %swap3A_128, %swap3A_129], %swap3A_132 {strides = array<i32>} : memref<1x512x20xi32, #tpu.memory_space<vmem>>, vector<1x512x1xi32>,
    %eq3A_133 = vector.broadcast %broadcast_in_dim3A_124 : vector<512x1xi32> to vector<512x2048xi32>
    %eq3A_134 = arith.cmpi eq, %iota3A, %eq3A_133 : vector<512x2048xi32>
    %jit3A_135 = arith.constant 1.000000e+30 : f32
    %broadcast_in_dim3A_136 = vector.broadcast %jit3A_135 : f32 to vector<512x2048xf32>
    %select_n3A_137 = arith.select %eq3A_134, %broadcast_in_dim3A_136, %select_n3A_122 : vector<512x2048xi1>, vector<512x2048xf32>
    %argmin3A_138 = tpu.reduce_index %select_n3A_137 {axis = 1 : i32, kind = #tpu.reduction_kind<arg_min>} : vector<512x2048xf32> -> vector<512xi32>
    %broadcast_in_dim3A_139 = vector.shape_cast %argmin3A_138 : vector<512xi32> to vector<512x1xi32>
    %add3A_140 = vector.broadcast %mul3A_65 : i32 to vector<512x1xi32>
    %add3A_141 = arith.addi %broadcast_in_dim3A_139, %add3A_140 : vector<512x1xi32>
    %swap3A_142 = arith.constant 0 : index
    %swap3A_143 = arith.constant 0 : index
    %swap3A_144 = arith.constant 5 : index
    %swap3A_145 = vector.load %arg8[%swap3A_142, %swap3A_143, %swap3A_144] : memref<1x512x20xi32, #tpu.memory_space<vmem>>, vector<1x512x1xi32>
    %swap3A_146 = vector.shape_cast %swap3A_145 : vector<1x512x1xi32> to vector<512x1xi32>
    %swap3A_147 = vector.shape_cast %add3A_141 : vector<512x1xi32> to vector<1x512x1xi32>
    tpu.vector_store %arg8[%swap3A_142, %swap3A_143, %swap3A_144], %swap3A_147 {strides = array<i32>} : memref<1x512x20xi32, #tpu.memory_space<vmem>>, vector<1x512x1xi32>,
    %eq3A_148 = vector.broadcast %broadcast_in_dim3A_139 : vector<512x1xi32> to vector<512x2048xi32>
    %eq3A_149 = arith.cmpi eq, %iota3A, %eq3A_148 : vector<512x2048xi32>
    %jit3A_150 = arith.constant 1.000000e+30 : f32
    %broadcast_in_dim3A_151 = vector.broadcast %jit3A_150 : f32 to vector<512x2048xf32>
    %select_n3A_152 = arith.select %eq3A_149, %broadcast_in_dim3A_151, %select_n3A_137 : vector<512x2048xi1>, vector<512x2048xf32>
    %argmin3A_153 = tpu.reduce_index %select_n3A_152 {axis = 1 : i32, kind = #tpu.reduction_kind<arg_min>} : vector<512x2048xf32> -> vector<512xi32>
    %broadcast_in_dim3A_154 = vector.shape_cast %argmin3A_153 : vector<512xi32> to vector<512x1xi32>
    %add3A_155 = vector.broadcast %mul3A_65 : i32 to vector<512x1xi32>
    %add3A_156 = arith.addi %broadcast_in_dim3A_154, %add3A_155 : vector<512x1xi32>
    %swap3A_157 = arith.constant 0 : index
    %swap3A_158 = arith.constant 0 : index
    %swap3A_159 = arith.constant 6 : index
    %swap3A_160 = vector.load %arg8[%swap3A_157, %swap3A_158, %swap3A_159] : memref<1x512x20xi32, #tpu.memory_space<vmem>>, vector<1x512x1xi32>
    %swap3A_161 = vector.shape_cast %swap3A_160 : vector<1x512x1xi32> to vector<512x1xi32>
    %swap3A_162 = vector.shape_cast %add3A_156 : vector<512x1xi32> to vector<1x512x1xi32>
    tpu.vector_store %arg8[%swap3A_157, %swap3A_158, %swap3A_159], %swap3A_162 {strides = array<i32>} : memref<1x512x20xi32, #tpu.memory_space<vmem>>, vector<1x512x1xi32>,
    %eq3A_163 = vector.broadcast %broadcast_in_dim3A_154 : vector<512x1xi32> to vector<512x2048xi32>
    %eq3A_164 = arith.cmpi eq, %iota3A, %eq3A_163 : vector<512x2048xi32>
    %jit3A_165 = arith.constant 1.000000e+30 : f32
    %broadcast_in_dim3A_166 = vector.broadcast %jit3A_165 : f32 to vector<512x2048xf32>
    %select_n3A_167 = arith.select %eq3A_164, %broadcast_in_dim3A_166, %select_n3A_152 : vector<512x2048xi1>, vector<512x2048xf32>
    %argmin3A_168 = tpu.reduce_index %select_n3A_167 {axis = 1 : i32, kind = #tpu.reduction_kind<arg_min>} : vector<512x2048xf32> -> vector<512xi32>
    %broadcast_in_dim3A_169 = vector.shape_cast %argmin3A_168 : vector<512xi32> to vector<512x1xi32>
    %add3A_170 = vector.broadcast %mul3A_65 : i32 to vector<512x1xi32>
    %add3A_171 = arith.addi %broadcast_in_dim3A_169, %add3A_170 : vector<512x1xi32>
    %swap3A_172 = arith.constant 0 : index
    %swap3A_173 = arith.constant 0 : index
    %swap3A_174 = arith.constant 7 : index
    %swap3A_175 = vector.load %arg8[%swap3A_172, %swap3A_173, %swap3A_174] : memref<1x512x20xi32, #tpu.memory_space<vmem>>, vector<1x512x1xi32>
    %swap3A_176 = vector.shape_cast %swap3A_175 : vector<1x512x1xi32> to vector<512x1xi32>
    %swap3A_177 = vector.shape_cast %add3A_171 : vector<512x1xi32> to vector<1x512x1xi32>
    tpu.vector_store %arg8[%swap3A_172, %swap3A_173, %swap3A_174], %swap3A_177 {strides = array<i32>} : memref<1x512x20xi32, #tpu.memory_space<vmem>>, vector<1x512x1xi32>,
    %eq3A_178 = vector.broadcast %broadcast_in_dim3A_169 : vector<512x1xi32> to vector<512x2048xi32>
    %eq3A_179 = arith.cmpi eq, %iota3A, %eq3A_178 : vector<512x2048xi32>
    %jit3A_180 = arith.constant 1.000000e+30 : f32
    %broadcast_in_dim3A_181 = vector.broadcast %jit3A_180 : f32 to vector<512x2048xf32>
    %select_n3A_182 = arith.select %eq3A_179, %broadcast_in_dim3A_181, %select_n3A_167 : vector<512x2048xi1>, vector<512x2048xf32>
    %argmin3A_183 = tpu.reduce_index %select_n3A_182 {axis = 1 : i32, kind = #tpu.reduction_kind<arg_min>} : vector<512x2048xf32> -> vector<512xi32>
    %broadcast_in_dim3A_184 = vector.shape_cast %argmin3A_183 : vector<512xi32> to vector<512x1xi32>
    %add3A_185 = vector.broadcast %mul3A_65 : i32 to vector<512x1xi32>
    %add3A_186 = arith.addi %broadcast_in_dim3A_184, %add3A_185 : vector<512x1xi32>
    %swap3A_187 = arith.constant 0 : index
    %swap3A_188 = arith.constant 0 : index
    %swap3A_189 = arith.constant 8 : index
    %swap3A_190 = vector.load %arg8[%swap3A_187, %swap3A_188, %swap3A_189] : memref<1x512x20xi32, #tpu.memory_space<vmem>>, vector<1x512x1xi32>
    %swap3A_191 = vector.shape_cast %swap3A_190 : vector<1x512x1xi32> to vector<512x1xi32>
    %swap3A_192 = vector.shape_cast %add3A_186 : vector<512x1xi32> to vector<1x512x1xi32>
    tpu.vector_store %arg8[%swap3A_187, %swap3A_188, %swap3A_189], %swap3A_192 {strides = array<i32>} : memref<1x512x20xi32, #tpu.memory_space<vmem>>, vector<1x512x1xi32>,
    %eq3A_193 = vector.broadcast %broadcast_in_dim3A_184 : vector<512x1xi32> to vector<512x2048xi32>
    %eq3A_194 = arith.cmpi eq, %iota3A, %eq3A_193 : vector<512x2048xi32>
    %jit3A_195 = arith.constant 1.000000e+30 : f32
    %broadcast_in_dim3A_196 = vector.broadcast %jit3A_195 : f32 to vector<512x2048xf32>
    %select_n3A_197 = arith.select %eq3A_194, %broadcast_in_dim3A_196, %select_n3A_182 : vector<512x2048xi1>, vector<512x2048xf32>
    %argmin3A_198 = tpu.reduce_index %select_n3A_197 {axis = 1 : i32, kind = #tpu.reduction_kind<arg_min>} : vector<512x2048xf32> -> vector<512xi32>
    %broadcast_in_dim3A_199 = vector.shape_cast %argmin3A_198 : vector<512xi32> to vector<512x1xi32>
    %add3A_200 = vector.broadcast %mul3A_65 : i32 to vector<512x1xi32>
    %add3A_201 = arith.addi %broadcast_in_dim3A_199, %add3A_200 : vector<512x1xi32>
    %swap3A_202 = arith.constant 0 : index
    %swap3A_203 = arith.constant 0 : index
    %swap3A_204 = arith.constant 9 : index
    %swap3A_205 = vector.load %arg8[%swap3A_202, %swap3A_203, %swap3A_204] : memref<1x512x20xi32, #tpu.memory_space<vmem>>, vector<1x512x1xi32>
    %swap3A_206 = vector.shape_cast %swap3A_205 : vector<1x512x1xi32> to vector<512x1xi32>
    %swap3A_207 = vector.shape_cast %add3A_201 : vector<512x1xi32> to vector<1x512x1xi32>
    tpu.vector_store %arg8[%swap3A_202, %swap3A_203, %swap3A_204], %swap3A_207 {strides = array<i32>} : memref<1x512x20xi32, #tpu.memory_space<vmem>>, vector<1x512x1xi32>,
    %eq3A_208 = vector.broadcast %broadcast_in_dim3A_199 : vector<512x1xi32> to vector<512x2048xi32>
    %eq3A_209 = arith.cmpi eq, %iota3A, %eq3A_208 : vector<512x2048xi32>
    %jit3A_210 = arith.constant 1.000000e+30 : f32
    %broadcast_in_dim3A_211 = vector.broadcast %jit3A_210 : f32 to vector<512x2048xf32>
    %select_n3A_212 = arith.select %eq3A_209, %broadcast_in_dim3A_211, %select_n3A_197 : vector<512x2048xi1>, vector<512x2048xf32>
    %argmin3A_213 = tpu.reduce_index %select_n3A_212 {axis = 1 : i32, kind = #tpu.reduction_kind<arg_min>} : vector<512x2048xf32> -> vector<512xi32>
    %broadcast_in_dim3A_214 = vector.shape_cast %argmin3A_213 : vector<512xi32> to vector<512x1xi32>
    %add3A_215 = vector.broadcast %mul3A_65 : i32 to vector<512x1xi32>
    %add3A_216 = arith.addi %broadcast_in_dim3A_214, %add3A_215 : vector<512x1xi32>
    %swap3A_217 = arith.constant 0 : index
    %swap3A_218 = arith.constant 0 : index
    %swap3A_219 = arith.constant 10 : index
    %swap3A_220 = vector.load %arg8[%swap3A_217, %swap3A_218, %swap3A_219] : memref<1x512x20xi32, #tpu.memory_space<vmem>>, vector<1x512x1xi32>
    %swap3A_221 = vector.shape_cast %swap3A_220 : vector<1x512x1xi32> to vector<512x1xi32>
    %swap3A_222 = vector.shape_cast %add3A_216 : vector<512x1xi32> to vector<1x512x1xi32>
    tpu.vector_store %arg8[%swap3A_217, %swap3A_218, %swap3A_219], %swap3A_222 {strides = array<i32>} : memref<1x512x20xi32, #tpu.memory_space<vmem>>, vector<1x512x1xi32>,
    %eq3A_223 = vector.broadcast %broadcast_in_dim3A_214 : vector<512x1xi32> to vector<512x2048xi32>
    %eq3A_224 = arith.cmpi eq, %iota3A, %eq3A_223 : vector<512x2048xi32>
    %jit3A_225 = arith.constant 1.000000e+30 : f32
    %broadcast_in_dim3A_226 = vector.broadcast %jit3A_225 : f32 to vector<512x2048xf32>
    %select_n3A_227 = arith.select %eq3A_224, %broadcast_in_dim3A_226, %select_n3A_212 : vector<512x2048xi1>, vector<512x2048xf32>
    %argmin3A_228 = tpu.reduce_index %select_n3A_227 {axis = 1 : i32, kind = #tpu.reduction_kind<arg_min>} : vector<512x2048xf32> -> vector<512xi32>
    %broadcast_in_dim3A_229 = vector.shape_cast %argmin3A_228 : vector<512xi32> to vector<512x1xi32>
    %add3A_230 = vector.broadcast %mul3A_65 : i32 to vector<512x1xi32>
    %add3A_231 = arith.addi %broadcast_in_dim3A_229, %add3A_230 : vector<512x1xi32>
    %swap3A_232 = arith.constant 0 : index
    %swap3A_233 = arith.constant 0 : index
    %swap3A_234 = arith.constant 11 : index
    %swap3A_235 = vector.load %arg8[%swap3A_232, %swap3A_233, %swap3A_234] : memref<1x512x20xi32, #tpu.memory_space<vmem>>, vector<1x512x1xi32>
    %swap3A_236 = vector.shape_cast %swap3A_235 : vector<1x512x1xi32> to vector<512x1xi32>
    %swap3A_237 = vector.shape_cast %add3A_231 : vector<512x1xi32> to vector<1x512x1xi32>
    tpu.vector_store %arg8[%swap3A_232, %swap3A_233, %swap3A_234], %swap3A_237 {strides = array<i32>} : memref<1x512x20xi32, #tpu.memory_space<vmem>>, vector<1x512x1xi32>,
    %eq3A_238 = vector.broadcast %broadcast_in_dim3A_229 : vector<512x1xi32> to vector<512x2048xi32>
    %eq3A_239 = arith.cmpi eq, %iota3A, %eq3A_238 : vector<512x2048xi32>
    %jit3A_240 = arith.constant 1.000000e+30 : f32
    %broadcast_in_dim3A_241 = vector.broadcast %jit3A_240 : f32 to vector<512x2048xf32>
    %select_n3A_242 = arith.select %eq3A_239, %broadcast_in_dim3A_241, %select_n3A_227 : vector<512x2048xi1>, vector<512x2048xf32>
    %argmin3A_243 = tpu.reduce_index %select_n3A_242 {axis = 1 : i32, kind = #tpu.reduction_kind<arg_min>} : vector<512x2048xf32> -> vector<512xi32>
    %broadcast_in_dim3A_244 = vector.shape_cast %argmin3A_243 : vector<512xi32> to vector<512x1xi32>
    %add3A_245 = vector.broadcast %mul3A_65 : i32 to vector<512x1xi32>
    %add3A_246 = arith.addi %broadcast_in_dim3A_244, %add3A_245 : vector<512x1xi32>
    %swap3A_247 = arith.constant 0 : index
    %swap3A_248 = arith.constant 0 : index
    %swap3A_249 = arith.constant 12 : index
    %swap3A_250 = vector.load %arg8[%swap3A_247, %swap3A_248, %swap3A_249] : memref<1x512x20xi32, #tpu.memory_space<vmem>>, vector<1x512x1xi32>
    %swap3A_251 = vector.shape_cast %swap3A_250 : vector<1x512x1xi32> to vector<512x1xi32>
    %swap3A_252 = vector.shape_cast %add3A_246 : vector<512x1xi32> to vector<1x512x1xi32>
    tpu.vector_store %arg8[%swap3A_247, %swap3A_248, %swap3A_249], %swap3A_252 {strides = array<i32>} : memref<1x512x20xi32, #tpu.memory_space<vmem>>, vector<1x512x1xi32>,
    %eq3A_253 = vector.broadcast %broadcast_in_dim3A_244 : vector<512x1xi32> to vector<512x2048xi32>
    %eq3A_254 = arith.cmpi eq, %iota3A, %eq3A_253 : vector<512x2048xi32>
    %jit3A_255 = arith.constant 1.000000e+30 : f32
    %broadcast_in_dim3A_256 = vector.broadcast %jit3A_255 : f32 to vector<512x2048xf32>
    %select_n3A_257 = arith.select %eq3A_254, %broadcast_in_dim3A_256, %select_n3A_242 : vector<512x2048xi1>, vector<512x2048xf32>
    %argmin3A_258 = tpu.reduce_index %select_n3A_257 {axis = 1 : i32, kind = #tpu.reduction_kind<arg_min>} : vector<512x2048xf32> -> vector<512xi32>
    %broadcast_in_dim3A_259 = vector.shape_cast %argmin3A_258 : vector<512xi32> to vector<512x1xi32>
    %add3A_260 = vector.broadcast %mul3A_65 : i32 to vector<512x1xi32>
    %add3A_261 = arith.addi %broadcast_in_dim3A_259, %add3A_260 : vector<512x1xi32>
    %swap3A_262 = arith.constant 0 : index
    %swap3A_263 = arith.constant 0 : index
    %swap3A_264 = arith.constant 13 : index
    %swap3A_265 = vector.load %arg8[%swap3A_262, %swap3A_263, %swap3A_264] : memref<1x512x20xi32, #tpu.memory_space<vmem>>, vector<1x512x1xi32>
    %swap3A_266 = vector.shape_cast %swap3A_265 : vector<1x512x1xi32> to vector<512x1xi32>
    %swap3A_267 = vector.shape_cast %add3A_261 : vector<512x1xi32> to vector<1x512x1xi32>
    tpu.vector_store %arg8[%swap3A_262, %swap3A_263, %swap3A_264], %swap3A_267 {strides = array<i32>} : memref<1x512x20xi32, #tpu.memory_space<vmem>>, vector<1x512x1xi32>,
    %eq3A_268 = vector.broadcast %broadcast_in_dim3A_259 : vector<512x1xi32> to vector<512x2048xi32>
    %eq3A_269 = arith.cmpi eq, %iota3A, %eq3A_268 : vector<512x2048xi32>
    %jit3A_270 = arith.constant 1.000000e+30 : f32
    %broadcast_in_dim3A_271 = vector.broadcast %jit3A_270 : f32 to vector<512x2048xf32>
    %select_n3A_272 = arith.select %eq3A_269, %broadcast_in_dim3A_271, %select_n3A_257 : vector<512x2048xi1>, vector<512x2048xf32>
    %argmin3A_273 = tpu.reduce_index %select_n3A_272 {axis = 1 : i32, kind = #tpu.reduction_kind<arg_min>} : vector<512x2048xf32> -> vector<512xi32>
    %broadcast_in_dim3A_274 = vector.shape_cast %argmin3A_273 : vector<512xi32> to vector<512x1xi32>
    %add3A_275 = vector.broadcast %mul3A_65 : i32 to vector<512x1xi32>
    %add3A_276 = arith.addi %broadcast_in_dim3A_274, %add3A_275 : vector<512x1xi32>
    %swap3A_277 = arith.constant 0 : index
    %swap3A_278 = arith.constant 0 : index
    %swap3A_279 = arith.constant 14 : index
    %swap3A_280 = vector.load %arg8[%swap3A_277, %swap3A_278, %swap3A_279] : memref<1x512x20xi32, #tpu.memory_space<vmem>>, vector<1x512x1xi32>
    %swap3A_281 = vector.shape_cast %swap3A_280 : vector<1x512x1xi32> to vector<512x1xi32>
    %swap3A_282 = vector.shape_cast %add3A_276 : vector<512x1xi32> to vector<1x512x1xi32>
    tpu.vector_store %arg8[%swap3A_277, %swap3A_278, %swap3A_279], %swap3A_282 {strides = array<i32>} : memref<1x512x20xi32, #tpu.memory_space<vmem>>, vector<1x512x1xi32>,
    %eq3A_283 = vector.broadcast %broadcast_in_dim3A_274 : vector<512x1xi32> to vector<512x2048xi32>
    %eq3A_284 = arith.cmpi eq, %iota3A, %eq3A_283 : vector<512x2048xi32>
    %jit3A_285 = arith.constant 1.000000e+30 : f32
    %broadcast_in_dim3A_286 = vector.broadcast %jit3A_285 : f32 to vector<512x2048xf32>
    %select_n3A_287 = arith.select %eq3A_284, %broadcast_in_dim3A_286, %select_n3A_272 : vector<512x2048xi1>, vector<512x2048xf32>
    %argmin3A_288 = tpu.reduce_index %select_n3A_287 {axis = 1 : i32, kind = #tpu.reduction_kind<arg_min>} : vector<512x2048xf32> -> vector<512xi32>
    %broadcast_in_dim3A_289 = vector.shape_cast %argmin3A_288 : vector<512xi32> to vector<512x1xi32>
    %add3A_290 = vector.broadcast %mul3A_65 : i32 to vector<512x1xi32>
    %add3A_291 = arith.addi %broadcast_in_dim3A_289, %add3A_290 : vector<512x1xi32>
    %swap3A_292 = arith.constant 0 : index
    %swap3A_293 = arith.constant 0 : index
    %swap3A_294 = arith.constant 15 : index
    %swap3A_295 = vector.load %arg8[%swap3A_292, %swap3A_293, %swap3A_294] : memref<1x512x20xi32, #tpu.memory_space<vmem>>, vector<1x512x1xi32>
    %swap3A_296 = vector.shape_cast %swap3A_295 : vector<1x512x1xi32> to vector<512x1xi32>
    %swap3A_297 = vector.shape_cast %add3A_291 : vector<512x1xi32> to vector<1x512x1xi32>
    tpu.vector_store %arg8[%swap3A_292, %swap3A_293, %swap3A_294], %swap3A_297 {strides = array<i32>} : memref<1x512x20xi32, #tpu.memory_space<vmem>>, vector<1x512x1xi32>,
    %eq3A_298 = vector.broadcast %broadcast_in_dim3A_289 : vector<512x1xi32> to vector<512x2048xi32>
    %eq3A_299 = arith.cmpi eq, %iota3A, %eq3A_298 : vector<512x2048xi32>
    %jit3A_300 = arith.constant 1.000000e+30 : f32
    %broadcast_in_dim3A_301 = vector.broadcast %jit3A_300 : f32 to vector<512x2048xf32>
    %select_n3A_302 = arith.select %eq3A_299, %broadcast_in_dim3A_301, %select_n3A_287 : vector<512x2048xi1>, vector<512x2048xf32>
    %argmin3A_303 = tpu.reduce_index %select_n3A_302 {axis = 1 : i32, kind = #tpu.reduction_kind<arg_min>} : vector<512x2048xf32> -> vector<512xi32>
    %broadcast_in_dim3A_304 = vector.shape_cast %argmin3A_303 : vector<512xi32> to vector<512x1xi32>
    %add3A_305 = vector.broadcast %mul3A_65 : i32 to vector<512x1xi32>
    %add3A_306 = arith.addi %broadcast_in_dim3A_304, %add3A_305 : vector<512x1xi32>
    %swap3A_307 = arith.constant 0 : index
    %swap3A_308 = arith.constant 0 : index
    %swap3A_309 = arith.constant 16 : index
    %swap3A_310 = vector.load %arg8[%swap3A_307, %swap3A_308, %swap3A_309] : memref<1x512x20xi32, #tpu.memory_space<vmem>>, vector<1x512x1xi32>
    %swap3A_311 = vector.shape_cast %swap3A_310 : vector<1x512x1xi32> to vector<512x1xi32>
    %swap3A_312 = vector.shape_cast %add3A_306 : vector<512x1xi32> to vector<1x512x1xi32>
    tpu.vector_store %arg8[%swap3A_307, %swap3A_308, %swap3A_309], %swap3A_312 {strides = array<i32>} : memref<1x512x20xi32, #tpu.memory_space<vmem>>, vector<1x512x1xi32>,
    %eq3A_313 = vector.broadcast %broadcast_in_dim3A_304 : vector<512x1xi32> to vector<512x2048xi32>
    %eq3A_314 = arith.cmpi eq, %iota3A, %eq3A_313 : vector<512x2048xi32>
    %jit3A_315 = arith.constant 1.000000e+30 : f32
    %broadcast_in_dim3A_316 = vector.broadcast %jit3A_315 : f32 to vector<512x2048xf32>
    %select_n3A_317 = arith.select %eq3A_314, %broadcast_in_dim3A_316, %select_n3A_302 : vector<512x2048xi1>, vector<512x2048xf32>
    %argmin3A_318 = tpu.reduce_index %select_n3A_317 {axis = 1 : i32, kind = #tpu.reduction_kind<arg_min>} : vector<512x2048xf32> -> vector<512xi32>
    %broadcast_in_dim3A_319 = vector.shape_cast %argmin3A_318 : vector<512xi32> to vector<512x1xi32>
    %add3A_320 = vector.broadcast %mul3A_65 : i32 to vector<512x1xi32>
    %add3A_321 = arith.addi %broadcast_in_dim3A_319, %add3A_320 : vector<512x1xi32>
    %swap3A_322 = arith.constant 0 : index
    %swap3A_323 = arith.constant 0 : index
    %swap3A_324 = arith.constant 17 : index
    %swap3A_325 = vector.load %arg8[%swap3A_322, %swap3A_323, %swap3A_324] : memref<1x512x20xi32, #tpu.memory_space<vmem>>, vector<1x512x1xi32>
    %swap3A_326 = vector.shape_cast %swap3A_325 : vector<1x512x1xi32> to vector<512x1xi32>
    %swap3A_327 = vector.shape_cast %add3A_321 : vector<512x1xi32> to vector<1x512x1xi32>
    tpu.vector_store %arg8[%swap3A_322, %swap3A_323, %swap3A_324], %swap3A_327 {strides = array<i32>} : memref<1x512x20xi32, #tpu.memory_space<vmem>>, vector<1x512x1xi32>,
    %eq3A_328 = vector.broadcast %broadcast_in_dim3A_319 : vector<512x1xi32> to vector<512x2048xi32>
    %eq3A_329 = arith.cmpi eq, %iota3A, %eq3A_328 : vector<512x2048xi32>
    %jit3A_330 = arith.constant 1.000000e+30 : f32
    %broadcast_in_dim3A_331 = vector.broadcast %jit3A_330 : f32 to vector<512x2048xf32>
    %select_n3A_332 = arith.select %eq3A_329, %broadcast_in_dim3A_331, %select_n3A_317 : vector<512x2048xi1>, vector<512x2048xf32>
    %argmin3A_333 = tpu.reduce_index %select_n3A_332 {axis = 1 : i32, kind = #tpu.reduction_kind<arg_min>} : vector<512x2048xf32> -> vector<512xi32>
    %broadcast_in_dim3A_334 = vector.shape_cast %argmin3A_333 : vector<512xi32> to vector<512x1xi32>
    %add3A_335 = vector.broadcast %mul3A_65 : i32 to vector<512x1xi32>
    %add3A_336 = arith.addi %broadcast_in_dim3A_334, %add3A_335 : vector<512x1xi32>
    %swap3A_337 = arith.constant 0 : index
    %swap3A_338 = arith.constant 0 : index
    %swap3A_339 = arith.constant 18 : index
    %swap3A_340 = vector.load %arg8[%swap3A_337, %swap3A_338, %swap3A_339] : memref<1x512x20xi32, #tpu.memory_space<vmem>>, vector<1x512x1xi32>
    %swap3A_341 = vector.shape_cast %swap3A_340 : vector<1x512x1xi32> to vector<512x1xi32>
    %swap3A_342 = vector.shape_cast %add3A_336 : vector<512x1xi32> to vector<1x512x1xi32>
    tpu.vector_store %arg8[%swap3A_337, %swap3A_338, %swap3A_339], %swap3A_342 {strides = array<i32>} : memref<1x512x20xi32, #tpu.memory_space<vmem>>, vector<1x512x1xi32>,
    %eq3A_343 = vector.broadcast %broadcast_in_dim3A_334 : vector<512x1xi32> to vector<512x2048xi32>
    %eq3A_344 = arith.cmpi eq, %iota3A, %eq3A_343 : vector<512x2048xi32>
    %jit3A_345 = arith.constant 1.000000e+30 : f32
    %broadcast_in_dim3A_346 = vector.broadcast %jit3A_345 : f32 to vector<512x2048xf32>
    %select_n3A_347 = arith.select %eq3A_344, %broadcast_in_dim3A_346, %select_n3A_332 : vector<512x2048xi1>, vector<512x2048xf32>
    %reduce_min3A = arith.constant dense<0x7F800000> : vector<512xf32>
    %reduce_min3A_348 = vector.multi_reduction <minimumf>, %select_n3A_347, %reduce_min3A [1] : vector<512x2048xf32> to vector<512xf32>
    %broadcast_in_dim3A_349 = vector.shape_cast %reduce_min3A_348 : vector<512xf32> to vector<512x1xf32>
    %eq3A_350 = vector.broadcast %broadcast_in_dim3A_349 : vector<512x1xf32> to vector<512x2048xf32>
    %eq3A_351 = arith.cmpf oeq, %select_n3A_347, %eq3A_350 : vector<512x2048xf32>
    %jit3A_352 = arith.constant 2048 : i32
    %broadcast_in_dim3A_353 = vector.broadcast %jit3A_352 : i32 to vector<512x2048xi32>
    %select_n3A_354 = arith.select %eq3A_351, %iota3A, %broadcast_in_dim3A_353 : vector<512x2048xi1>, vector<512x2048xi32>
    %reduce_min3A_355 = arith.constant dense<2147483647> : vector<512xi32>
    %reduce_min3A_356 = vector.multi_reduction <minsi>, %select_n3A_354, %reduce_min3A_355 [1] : vector<512x2048xi32> to vector<512xi32>
    %broadcast_in_dim3A_357 = vector.shape_cast %reduce_min3A_356 : vector<512xi32> to vector<512x1xi32>
    %add3A_358 = vector.broadcast %mul3A_65 : i32 to vector<512x1xi32>
    %add3A_359 = arith.addi %broadcast_in_dim3A_357, %add3A_358 : vector<512x1xi32>
    %swap3A_360 = arith.constant 0 : index
    %swap3A_361 = arith.constant 0 : index
    %swap3A_362 = arith.constant 19 : index
    %swap3A_363 = vector.load %arg8[%swap3A_360, %swap3A_361, %swap3A_362] : memref<1x512x20xi32, #tpu.memory_space<vmem>>, vector<1x512x1xi32>
    %swap3A_364 = vector.shape_cast %swap3A_363 : vector<1x512x1xi32> to vector<512x1xi32>
    %swap3A_365 = vector.shape_cast %add3A_359 : vector<512x1xi32> to vector<1x512x1xi32>
    tpu.vector_store %arg8[%swap3A_360, %swap3A_361, %swap3A_362], %swap3A_365 {strides = array<i32>} : memref<1x512x20xi32, #tpu.memory_space<vmem>>, vector<1x512x1xi32>,
    return
  }
  func.func @transform_0(%arg0: i32) -> (i32, i32, i32) {
    %c0_i32 = arith.constant 0 : i32
    %c0_i32_0 = arith.constant 0 : i32
    %c0_i32_1 = arith.constant 0 : i32
    return %arg0, %c0_i32, %c0_i32_0 : i32, i32, i32
  }
  func.func @transform_1(%arg0: i32) -> (i32, i32) {
    %c0_i32 = arith.constant 0 : i32
    %c0_i32_0 = arith.constant 0 : i32
    %c0_i32_1 = arith.constant 0 : i32
    return %c0_i32, %c0_i32_0 : i32, i32
  }
  func.func @transform_2(%arg0: i32) -> (i32, i32, i32) {
    %c0_i32 = arith.constant 0 : i32
    %c0_i32_0 = arith.constant 0 : i32
    %c0_i32_1 = arith.constant 0 : i32
    return %arg0, %c0_i32, %c0_i32_0 : i32, i32, i32
  }
  func.func @transform_3(%arg0: i32) -> (i32, i32, i32) {
    %c0_i32 = arith.constant 0 : i32
    %c0_i32_0 = arith.constant 0 : i32
    %c0_i32_1 = arith.constant 0 : i32
    return %arg0, %c0_i32, %c0_i32_0 : i32, i32, i32
  }
  func.func @transform_4(%arg0: i32) -> (i32, i32, i32) {
    %c0_i32 = arith.constant 0 : i32
    %c0_i32_0 = arith.constant 0 : i32
    %c0_i32_1 = arith.constant 0 : i32
    return %arg0, %c0_i32, %c0_i32_0 : i32, i32, i32
  }
  func.func @transform_5(%arg0: i32) -> (i32, i32) {
    %c0_i32 = arith.constant 0 : i32
    %c0_i32_0 = arith.constant 0 : i32
    %c0_i32_1 = arith.constant 0 : i32
    return %c0_i32, %c0_i32_0 : i32, i32
  }
  func.func @transform_6(%arg0: i32) -> (i32, i32, i32) {
    %c0_i32 = arith.constant 0 : i32
    %c0_i32_0 = arith.constant 0 : i32
    %c0_i32_1 = arith.constant 0 : i32
    return %arg0, %c0_i32, %c0_i32_0 : i32, i32, i32
  }
  func.func @transform_7(%arg0: i32) -> (i32, i32, i32) {
    %c0_i32 = arith.constant 0 : i32
    %c0_i32_0 = arith.constant 0 : i32
    %c0_i32_1 = arith.constant 0 : i32
    return %arg0, %c0_i32, %c0_i32_0 : i32, i32, i32
  }
}

module attributes {stable_mosaic.version = 14 : i64} {
  func.func @_c2c_body(%arg0: i32, %arg1: memref<1x10240x128xf32, #tpu.memory_space<vmem>>, %arg2: memref<1x512x8xf32, #tpu.memory_space<vmem>>, %arg3: memref<1x512x1xf32, #tpu.memory_space<vmem>>, %arg4: memref<1x1x512xf32, #tpu.memory_space<vmem>>, %arg5: memref<64x64xf32, #tpu.memory_space<vmem>>, %arg6: memref<1x512x64xf32, #tpu.memory_space<vmem>>, %arg7: memref<1x32x64xf32, #tpu.memory_space<vmem>>, %arg8: memref<8x64xf32, #tpu.memory_space<vmem>>, %arg9: memref<8x64xf32, #tpu.memory_space<vmem>>) attributes {dimension_semantics = [#tpu.dimension_semantics<arbitrary>], iteration_bounds = array<i64: 16>, scalar_prefetch = 0 : i64, scratch_operands = 1 : i64, tpu.core_type = #tpu.core_type<tc>, window_params = [{transform_indices = @transform_0, window_bounds = array<i64: 1, 10240, 128>}, {transform_indices = @transform_1, window_bounds = array<i64: 1, 512, 8>}, {transform_indices = @transform_2, window_bounds = array<i64: 1, 512, 1>}, {transform_indices = @transform_3, window_bounds = array<i64: 1, 1, 512>}, {pipeline_mode = #tpu.pipeline_mode<synchronous>, transform_indices = @transform_4, window_bounds = array<i64: 64, 64>}, {transform_indices = @transform_5, window_bounds = array<i64: 1, 512, 64>}, {transform_indices = @transform_6, window_bounds = array<i64: 1, 32, 64>}, {pipeline_mode = #tpu.pipeline_mode<synchronous>, transform_indices = @transform_7, window_bounds = array<i64: 8, 64>}]} {
    %get3A = arith.constant 0 : index
    %get3A_0 = arith.constant 0 : index
    %get3A_1 = arith.constant 0 : index
    %get3A_2 = vector.load %arg1[%get3A, %get3A_0, %get3A_1] : memref<1x10240x128xf32, #tpu.memory_space<vmem>>, vector<1x10240x128xf32>
    %get3A_3 = vector.shape_cast %get3A_2 : vector<1x10240x128xf32> to vector<10240x128xf32>
    %reshape3A = vector.shape_cast %get3A_3 : vector<10240x128xf32> to vector<512x20x128xf32>
    %reduce_max3A = arith.constant dense<0xFF800000> : vector<512x128xf32>
    %reduce_max3A_4 = vector.multi_reduction <maximumf>, %reshape3A, %reduce_max3A [1] : vector<512x20x128xf32> to vector<512x128xf32>
    %slice3A = vector.extract_strided_slice %reduce_max3A_4 {offsets = [0, 0], sizes = [512, 64], strides = [1, 1]} : vector<512x128xf32> to vector<512x64xf32>
    %get3A_5 = arith.constant 0 : index
    %get3A_6 = arith.constant 0 : index
    %get3A_7 = arith.constant 0 : index
    %get3A_8 = vector.load %arg2[%get3A_5, %get3A_6, %get3A_7] : memref<1x512x8xf32, #tpu.memory_space<vmem>>, vector<1x512x8xf32>
    %get3A_9 = vector.shape_cast %get3A_8 : vector<1x512x8xf32> to vector<512x8xf32>
    %get3A_10 = arith.constant 0 : index
    %get3A_11 = arith.constant 0 : index
    %get3A_12 = arith.constant 0 : index
    %get3A_13 = vector.load %arg3[%get3A_10, %get3A_11, %get3A_12] : memref<1x512x1xf32, #tpu.memory_space<vmem>>, vector<1x512x1xf32>
    %get3A_14 = vector.shape_cast %get3A_13 : vector<1x512x1xf32> to vector<512x1xf32>
    %get3A_15 = arith.constant 0 : index
    %get3A_16 = arith.constant 0 : index
    %get3A_17 = arith.constant 0 : index
    %get3A_18 = vector.load %arg4[%get3A_15, %get3A_16, %get3A_17] : memref<1x1x512xf32, #tpu.memory_space<vmem>>, vector<1x1x512xf32>
    %get3A_19 = vector.shape_cast %get3A_18 : vector<1x1x512xf32> to vector<1x512xf32>
    %slice3A_20 = vector.extract_strided_slice %get3A_9 {offsets = [0, 0], sizes = [32, 8], strides = [1, 1]} : vector<512x8xf32> to vector<32x8xf32>
    %convert_element_type3A = arith.truncf %slice3A_20 : vector<32x8xf32> to vector<32x8xbf16>
    %convert_element_type3A_21 = arith.truncf %get3A_9 : vector<512x8xf32> to vector<512x8xbf16>
    %dot_general3A = arith.constant dense<0.000000e+00> : vector<32x512xf32>
    %dot_general3A_22 = tpu.matmul %convert_element_type3A, %convert_element_type3A_21, %dot_general3A {dimension_numbers = #tpu.dot_dimension_numbers<[1], [1], [0], [0], [0, 0, 1, 0], [], []>, transpose_lhs_hint = false} : vector<32x8xbf16>, vector<512x8xbf16>, vector<32x512xf32> -> vector<32x512xf32>
    %slice3A_23 = vector.extract_strided_slice %get3A_14 {offsets = [0, 0], sizes = [32, 1], strides = [1, 1]} : vector<512x1xf32> to vector<32x1xf32>
    %mul3A = arith.constant 2.000000e+00 : f32
    %mul3A_24 = vector.broadcast %mul3A : f32 to vector<32x512xf32>
    %mul3A_25 = arith.mulf %mul3A_24, %dot_general3A_22 : vector<32x512xf32>
    %sub3A = vector.broadcast %slice3A_23 : vector<32x1xf32> to vector<32x512xf32>
    %sub3A_26 = arith.subf %sub3A, %mul3A_25 : vector<32x512xf32>
    %add3A = vector.broadcast %get3A_19 : vector<1x512xf32> to vector<32x512xf32>
    %add3A_27 = arith.addf %sub3A_26, %add3A : vector<32x512xf32>
    %convert_element_type3A_28 = arith.truncf %slice3A : vector<512x64xf32> to vector<512x64xbf16>
    %convert_element_type3A_29 = arith.extf %convert_element_type3A_28 : vector<512x64xbf16> to vector<512x64xf32>
    %sub3A_30 = arith.subf %slice3A, %convert_element_type3A_29 : vector<512x64xf32>
    %convert_element_type3A_31 = arith.truncf %sub3A_30 : vector<512x64xf32> to vector<512x64xbf16>
    %convert_element_type3A_32 = arith.extf %convert_element_type3A_31 : vector<512x64xbf16> to vector<512x64xf32>
    %sub3A_33 = arith.subf %sub3A_30, %convert_element_type3A_32 : vector<512x64xf32>
    %convert_element_type3A_34 = arith.truncf %sub3A_33 : vector<512x64xf32> to vector<512x64xbf16>
    %iota3A = tpu.iota {dimensions = array<i32: 1>} : vector<32x512xi32>
    %broadcast_in_dim3A = arith.constant 0xFF800000 : f32
    %broadcast_in_dim3A_35 = vector.broadcast %broadcast_in_dim3A : f32 to vector<32x64xf32>
    %argmin3A = tpu.reduce_index %add3A_27 {axis = 1 : i32, kind = #tpu.reduction_kind<arg_min>} : vector<32x512xf32> -> vector<32xi32>
    %broadcast_in_dim3A_36 = vector.shape_cast %argmin3A : vector<32xi32> to vector<32x1xi32>
    %eq3A = vector.broadcast %broadcast_in_dim3A_36 : vector<32x1xi32> to vector<32x512xi32>
    %eq3A_37 = arith.cmpi eq, %iota3A, %eq3A : vector<32x512xi32>
    %jit3A = arith.constant 1.000000e+30 : f32
    %broadcast_in_dim3A_38 = vector.broadcast %jit3A : f32 to vector<32x512xf32>
    %select_n3A = arith.select %eq3A_37, %broadcast_in_dim3A_38, %add3A_27 : vector<32x512xi1>, vector<32x512xf32>
    %convert_element_type3A_39 = arith.extui %eq3A_37 : vector<32x512xi1> to vector<32x512xi32>
    %convert_element_type3A_40 = arith.sitofp %convert_element_type3A_39 : vector<32x512xi32> to vector<32x512xf32>
    %convert_element_type3A_41 = arith.truncf %convert_element_type3A_40 : vector<32x512xf32> to vector<32x512xbf16>
    %dot_general3A_42 = arith.constant dense<0.000000e+00> : vector<32x64xf32>
    %dot_general3A_43 = tpu.matmul %convert_element_type3A_41, %convert_element_type3A_28, %dot_general3A_42 {dimension_numbers = #tpu.dot_dimension_numbers<[1], [0], [0], [1], [0, 0, 1, 1], [], []>, transpose_lhs_hint = false} : vector<32x512xbf16>, vector<512x64xbf16>, vector<32x64xf32> -> vector<32x64xf32>
    %dot_general3A_44 = arith.constant dense<0.000000e+00> : vector<32x64xf32>
    %dot_general3A_45 = tpu.matmul %convert_element_type3A_41, %convert_element_type3A_31, %dot_general3A_44 {dimension_numbers = #tpu.dot_dimension_numbers<[1], [0], [0], [1], [0, 0, 1, 1], [], []>, transpose_lhs_hint = false} : vector<32x512xbf16>, vector<512x64xbf16>, vector<32x64xf32> -> vector<32x64xf32>
    %add3A_46 = arith.addf %dot_general3A_43, %dot_general3A_45 : vector<32x64xf32>
    %dot_general3A_47 = arith.constant dense<0.000000e+00> : vector<32x64xf32>
    %dot_general3A_48 = tpu.matmul %convert_element_type3A_41, %convert_element_type3A_34, %dot_general3A_47 {dimension_numbers = #tpu.dot_dimension_numbers<[1], [0], [0], [1], [0, 0, 1, 1], [], []>, transpose_lhs_hint = false} : vector<32x512xbf16>, vector<512x64xbf16>, vector<32x64xf32> -> vector<32x64xf32>
    %add3A_49 = arith.addf %add3A_46, %dot_general3A_48 : vector<32x64xf32>
    %max3A = arith.maximumf %broadcast_in_dim3A_35, %add3A_49 : vector<32x64xf32>
    %argmin3A_50 = tpu.reduce_index %select_n3A {axis = 1 : i32, kind = #tpu.reduction_kind<arg_min>} : vector<32x512xf32> -> vector<32xi32>
    %broadcast_in_dim3A_51 = vector.shape_cast %argmin3A_50 : vector<32xi32> to vector<32x1xi32>
    %eq3A_52 = vector.broadcast %broadcast_in_dim3A_51 : vector<32x1xi32> to vector<32x512xi32>
    %eq3A_53 = arith.cmpi eq, %iota3A, %eq3A_52 : vector<32x512xi32>
    %jit3A_54 = arith.constant 1.000000e+30 : f32
    %broadcast_in_dim3A_55 = vector.broadcast %jit3A_54 : f32 to vector<32x512xf32>
    %select_n3A_56 = arith.select %eq3A_53, %broadcast_in_dim3A_55, %select_n3A : vector<32x512xi1>, vector<32x512xf32>
    %convert_element_type3A_57 = arith.extui %eq3A_53 : vector<32x512xi1> to vector<32x512xi32>
    %convert_element_type3A_58 = arith.sitofp %convert_element_type3A_57 : vector<32x512xi32> to vector<32x512xf32>
    %convert_element_type3A_59 = arith.truncf %convert_element_type3A_58 : vector<32x512xf32> to vector<32x512xbf16>
    %dot_general3A_60 = arith.constant dense<0.000000e+00> : vector<32x64xf32>
    %dot_general3A_61 = tpu.matmul %convert_element_type3A_59, %convert_element_type3A_28, %dot_general3A_60 {dimension_numbers = #tpu.dot_dimension_numbers<[1], [0], [0], [1], [0, 0, 1, 1], [], []>, transpose_lhs_hint = false} : vector<32x512xbf16>, vector<512x64xbf16>, vector<32x64xf32> -> vector<32x64xf32>
    %dot_general3A_62 = arith.constant dense<0.000000e+00> : vector<32x64xf32>
    %dot_general3A_63 = tpu.matmul %convert_element_type3A_59, %convert_element_type3A_31, %dot_general3A_62 {dimension_numbers = #tpu.dot_dimension_numbers<[1], [0], [0], [1], [0, 0, 1, 1], [], []>, transpose_lhs_hint = false} : vector<32x512xbf16>, vector<512x64xbf16>, vector<32x64xf32> -> vector<32x64xf32>
    %add3A_64 = arith.addf %dot_general3A_61, %dot_general3A_63 : vector<32x64xf32>
    %dot_general3A_65 = arith.constant dense<0.000000e+00> : vector<32x64xf32>
    %dot_general3A_66 = tpu.matmul %convert_element_type3A_59, %convert_element_type3A_34, %dot_general3A_65 {dimension_numbers = #tpu.dot_dimension_numbers<[1], [0], [0], [1], [0, 0, 1, 1], [], []>, transpose_lhs_hint = false} : vector<32x512xbf16>, vector<512x64xbf16>, vector<32x64xf32> -> vector<32x64xf32>
    %add3A_67 = arith.addf %add3A_64, %dot_general3A_66 : vector<32x64xf32>
    %max3A_68 = arith.maximumf %max3A, %add3A_67 : vector<32x64xf32>
    %argmin3A_69 = tpu.reduce_index %select_n3A_56 {axis = 1 : i32, kind = #tpu.reduction_kind<arg_min>} : vector<32x512xf32> -> vector<32xi32>
    %broadcast_in_dim3A_70 = vector.shape_cast %argmin3A_69 : vector<32xi32> to vector<32x1xi32>
    %eq3A_71 = vector.broadcast %broadcast_in_dim3A_70 : vector<32x1xi32> to vector<32x512xi32>
    %eq3A_72 = arith.cmpi eq, %iota3A, %eq3A_71 : vector<32x512xi32>
    %jit3A_73 = arith.constant 1.000000e+30 : f32
    %broadcast_in_dim3A_74 = vector.broadcast %jit3A_73 : f32 to vector<32x512xf32>
    %select_n3A_75 = arith.select %eq3A_72, %broadcast_in_dim3A_74, %select_n3A_56 : vector<32x512xi1>, vector<32x512xf32>
    %convert_element_type3A_76 = arith.extui %eq3A_72 : vector<32x512xi1> to vector<32x512xi32>
    %convert_element_type3A_77 = arith.sitofp %convert_element_type3A_76 : vector<32x512xi32> to vector<32x512xf32>
    %convert_element_type3A_78 = arith.truncf %convert_element_type3A_77 : vector<32x512xf32> to vector<32x512xbf16>
    %dot_general3A_79 = arith.constant dense<0.000000e+00> : vector<32x64xf32>
    %dot_general3A_80 = tpu.matmul %convert_element_type3A_78, %convert_element_type3A_28, %dot_general3A_79 {dimension_numbers = #tpu.dot_dimension_numbers<[1], [0], [0], [1], [0, 0, 1, 1], [], []>, transpose_lhs_hint = false} : vector<32x512xbf16>, vector<512x64xbf16>, vector<32x64xf32> -> vector<32x64xf32>
    %dot_general3A_81 = arith.constant dense<0.000000e+00> : vector<32x64xf32>
    %dot_general3A_82 = tpu.matmul %convert_element_type3A_78, %convert_element_type3A_31, %dot_general3A_81 {dimension_numbers = #tpu.dot_dimension_numbers<[1], [0], [0], [1], [0, 0, 1, 1], [], []>, transpose_lhs_hint = false} : vector<32x512xbf16>, vector<512x64xbf16>, vector<32x64xf32> -> vector<32x64xf32>
    %add3A_83 = arith.addf %dot_general3A_80, %dot_general3A_82 : vector<32x64xf32>
    %dot_general3A_84 = arith.constant dense<0.000000e+00> : vector<32x64xf32>
    %dot_general3A_85 = tpu.matmul %convert_element_type3A_78, %convert_element_type3A_34, %dot_general3A_84 {dimension_numbers = #tpu.dot_dimension_numbers<[1], [0], [0], [1], [0, 0, 1, 1], [], []>, transpose_lhs_hint = false} : vector<32x512xbf16>, vector<512x64xbf16>, vector<32x64xf32> -> vector<32x64xf32>
    %add3A_86 = arith.addf %add3A_83, %dot_general3A_85 : vector<32x64xf32>
    %max3A_87 = arith.maximumf %max3A_68, %add3A_86 : vector<32x64xf32>
    %argmin3A_88 = tpu.reduce_index %select_n3A_75 {axis = 1 : i32, kind = #tpu.reduction_kind<arg_min>} : vector<32x512xf32> -> vector<32xi32>
    %broadcast_in_dim3A_89 = vector.shape_cast %argmin3A_88 : vector<32xi32> to vector<32x1xi32>
    %eq3A_90 = vector.broadcast %broadcast_in_dim3A_89 : vector<32x1xi32> to vector<32x512xi32>
    %eq3A_91 = arith.cmpi eq, %iota3A, %eq3A_90 : vector<32x512xi32>
    %jit3A_92 = arith.constant 1.000000e+30 : f32
    %broadcast_in_dim3A_93 = vector.broadcast %jit3A_92 : f32 to vector<32x512xf32>
    %select_n3A_94 = arith.select %eq3A_91, %broadcast_in_dim3A_93, %select_n3A_75 : vector<32x512xi1>, vector<32x512xf32>
    %convert_element_type3A_95 = arith.extui %eq3A_91 : vector<32x512xi1> to vector<32x512xi32>
    %convert_element_type3A_96 = arith.sitofp %convert_element_type3A_95 : vector<32x512xi32> to vector<32x512xf32>
    %convert_element_type3A_97 = arith.truncf %convert_element_type3A_96 : vector<32x512xf32> to vector<32x512xbf16>
    %dot_general3A_98 = arith.constant dense<0.000000e+00> : vector<32x64xf32>
    %dot_general3A_99 = tpu.matmul %convert_element_type3A_97, %convert_element_type3A_28, %dot_general3A_98 {dimension_numbers = #tpu.dot_dimension_numbers<[1], [0], [0], [1], [0, 0, 1, 1], [], []>, transpose_lhs_hint = false} : vector<32x512xbf16>, vector<512x64xbf16>, vector<32x64xf32> -> vector<32x64xf32>
    %dot_general3A_100 = arith.constant dense<0.000000e+00> : vector<32x64xf32>
    %dot_general3A_101 = tpu.matmul %convert_element_type3A_97, %convert_element_type3A_31, %dot_general3A_100 {dimension_numbers = #tpu.dot_dimension_numbers<[1], [0], [0], [1], [0, 0, 1, 1], [], []>, transpose_lhs_hint = false} : vector<32x512xbf16>, vector<512x64xbf16>, vector<32x64xf32> -> vector<32x64xf32>
    %add3A_102 = arith.addf %dot_general3A_99, %dot_general3A_101 : vector<32x64xf32>
    %dot_general3A_103 = arith.constant dense<0.000000e+00> : vector<32x64xf32>
    %dot_general3A_104 = tpu.matmul %convert_element_type3A_97, %convert_element_type3A_34, %dot_general3A_103 {dimension_numbers = #tpu.dot_dimension_numbers<[1], [0], [0], [1], [0, 0, 1, 1], [], []>, transpose_lhs_hint = false} : vector<32x512xbf16>, vector<512x64xbf16>, vector<32x64xf32> -> vector<32x64xf32>
    %add3A_105 = arith.addf %add3A_102, %dot_general3A_104 : vector<32x64xf32>
    %max3A_106 = arith.maximumf %max3A_87, %add3A_105 : vector<32x64xf32>
    %argmin3A_107 = tpu.reduce_index %select_n3A_94 {axis = 1 : i32, kind = #tpu.reduction_kind<arg_min>} : vector<32x512xf32> -> vector<32xi32>
    %broadcast_in_dim3A_108 = vector.shape_cast %argmin3A_107 : vector<32xi32> to vector<32x1xi32>
    %eq3A_109 = vector.broadcast %broadcast_in_dim3A_108 : vector<32x1xi32> to vector<32x512xi32>
    %eq3A_110 = arith.cmpi eq, %iota3A, %eq3A_109 : vector<32x512xi32>
    %jit3A_111 = arith.constant 1.000000e+30 : f32
    %broadcast_in_dim3A_112 = vector.broadcast %jit3A_111 : f32 to vector<32x512xf32>
    %select_n3A_113 = arith.select %eq3A_110, %broadcast_in_dim3A_112, %select_n3A_94 : vector<32x512xi1>, vector<32x512xf32>
    %convert_element_type3A_114 = arith.extui %eq3A_110 : vector<32x512xi1> to vector<32x512xi32>
    %convert_element_type3A_115 = arith.sitofp %convert_element_type3A_114 : vector<32x512xi32> to vector<32x512xf32>
    %convert_element_type3A_116 = arith.truncf %convert_element_type3A_115 : vector<32x512xf32> to vector<32x512xbf16>
    %dot_general3A_117 = arith.constant dense<0.000000e+00> : vector<32x64xf32>
    %dot_general3A_118 = tpu.matmul %convert_element_type3A_116, %convert_element_type3A_28, %dot_general3A_117 {dimension_numbers = #tpu.dot_dimension_numbers<[1], [0], [0], [1], [0, 0, 1, 1], [], []>, transpose_lhs_hint = false} : vector<32x512xbf16>, vector<512x64xbf16>, vector<32x64xf32> -> vector<32x64xf32>
    %dot_general3A_119 = arith.constant dense<0.000000e+00> : vector<32x64xf32>
    %dot_general3A_120 = tpu.matmul %convert_element_type3A_116, %convert_element_type3A_31, %dot_general3A_119 {dimension_numbers = #tpu.dot_dimension_numbers<[1], [0], [0], [1], [0, 0, 1, 1], [], []>, transpose_lhs_hint = false} : vector<32x512xbf16>, vector<512x64xbf16>, vector<32x64xf32> -> vector<32x64xf32>
    %add3A_121 = arith.addf %dot_general3A_118, %dot_general3A_120 : vector<32x64xf32>
    %dot_general3A_122 = arith.constant dense<0.000000e+00> : vector<32x64xf32>
    %dot_general3A_123 = tpu.matmul %convert_element_type3A_116, %convert_element_type3A_34, %dot_general3A_122 {dimension_numbers = #tpu.dot_dimension_numbers<[1], [0], [0], [1], [0, 0, 1, 1], [], []>, transpose_lhs_hint = false} : vector<32x512xbf16>, vector<512x64xbf16>, vector<32x64xf32> -> vector<32x64xf32>
    %add3A_124 = arith.addf %add3A_121, %dot_general3A_123 : vector<32x64xf32>
    %max3A_125 = arith.maximumf %max3A_106, %add3A_124 : vector<32x64xf32>
    %argmin3A_126 = tpu.reduce_index %select_n3A_113 {axis = 1 : i32, kind = #tpu.reduction_kind<arg_min>} : vector<32x512xf32> -> vector<32xi32>
    %broadcast_in_dim3A_127 = vector.shape_cast %argmin3A_126 : vector<32xi32> to vector<32x1xi32>
    %eq3A_128 = vector.broadcast %broadcast_in_dim3A_127 : vector<32x1xi32> to vector<32x512xi32>
    %eq3A_129 = arith.cmpi eq, %iota3A, %eq3A_128 : vector<32x512xi32>
    %jit3A_130 = arith.constant 1.000000e+30 : f32
    %broadcast_in_dim3A_131 = vector.broadcast %jit3A_130 : f32 to vector<32x512xf32>
    %select_n3A_132 = arith.select %eq3A_129, %broadcast_in_dim3A_131, %select_n3A_113 : vector<32x512xi1>, vector<32x512xf32>
    %convert_element_type3A_133 = arith.extui %eq3A_129 : vector<32x512xi1> to vector<32x512xi32>
    %convert_element_type3A_134 = arith.sitofp %convert_element_type3A_133 : vector<32x512xi32> to vector<32x512xf32>
    %convert_element_type3A_135 = arith.truncf %convert_element_type3A_134 : vector<32x512xf32> to vector<32x512xbf16>
    %dot_general3A_136 = arith.constant dense<0.000000e+00> : vector<32x64xf32>
    %dot_general3A_137 = tpu.matmul %convert_element_type3A_135, %convert_element_type3A_28, %dot_general3A_136 {dimension_numbers = #tpu.dot_dimension_numbers<[1], [0], [0], [1], [0, 0, 1, 1], [], []>, transpose_lhs_hint = false} : vector<32x512xbf16>, vector<512x64xbf16>, vector<32x64xf32> -> vector<32x64xf32>
    %dot_general3A_138 = arith.constant dense<0.000000e+00> : vector<32x64xf32>
    %dot_general3A_139 = tpu.matmul %convert_element_type3A_135, %convert_element_type3A_31, %dot_general3A_138 {dimension_numbers = #tpu.dot_dimension_numbers<[1], [0], [0], [1], [0, 0, 1, 1], [], []>, transpose_lhs_hint = false} : vector<32x512xbf16>, vector<512x64xbf16>, vector<32x64xf32> -> vector<32x64xf32>
    %add3A_140 = arith.addf %dot_general3A_137, %dot_general3A_139 : vector<32x64xf32>
    %dot_general3A_141 = arith.constant dense<0.000000e+00> : vector<32x64xf32>
    %dot_general3A_142 = tpu.matmul %convert_element_type3A_135, %convert_element_type3A_34, %dot_general3A_141 {dimension_numbers = #tpu.dot_dimension_numbers<[1], [0], [0], [1], [0, 0, 1, 1], [], []>, transpose_lhs_hint = false} : vector<32x512xbf16>, vector<512x64xbf16>, vector<32x64xf32> -> vector<32x64xf32>
    %add3A_143 = arith.addf %add3A_140, %dot_general3A_142 : vector<32x64xf32>
    %max3A_144 = arith.maximumf %max3A_125, %add3A_143 : vector<32x64xf32>
    %argmin3A_145 = tpu.reduce_index %select_n3A_132 {axis = 1 : i32, kind = #tpu.reduction_kind<arg_min>} : vector<32x512xf32> -> vector<32xi32>
    %broadcast_in_dim3A_146 = vector.shape_cast %argmin3A_145 : vector<32xi32> to vector<32x1xi32>
    %eq3A_147 = vector.broadcast %broadcast_in_dim3A_146 : vector<32x1xi32> to vector<32x512xi32>
    %eq3A_148 = arith.cmpi eq, %iota3A, %eq3A_147 : vector<32x512xi32>
    %jit3A_149 = arith.constant 1.000000e+30 : f32
    %broadcast_in_dim3A_150 = vector.broadcast %jit3A_149 : f32 to vector<32x512xf32>
    %select_n3A_151 = arith.select %eq3A_148, %broadcast_in_dim3A_150, %select_n3A_132 : vector<32x512xi1>, vector<32x512xf32>
    %convert_element_type3A_152 = arith.extui %eq3A_148 : vector<32x512xi1> to vector<32x512xi32>
    %convert_element_type3A_153 = arith.sitofp %convert_element_type3A_152 : vector<32x512xi32> to vector<32x512xf32>
    %convert_element_type3A_154 = arith.truncf %convert_element_type3A_153 : vector<32x512xf32> to vector<32x512xbf16>
    %dot_general3A_155 = arith.constant dense<0.000000e+00> : vector<32x64xf32>
    %dot_general3A_156 = tpu.matmul %convert_element_type3A_154, %convert_element_type3A_28, %dot_general3A_155 {dimension_numbers = #tpu.dot_dimension_numbers<[1], [0], [0], [1], [0, 0, 1, 1], [], []>, transpose_lhs_hint = false} : vector<32x512xbf16>, vector<512x64xbf16>, vector<32x64xf32> -> vector<32x64xf32>
    %dot_general3A_157 = arith.constant dense<0.000000e+00> : vector<32x64xf32>
    %dot_general3A_158 = tpu.matmul %convert_element_type3A_154, %convert_element_type3A_31, %dot_general3A_157 {dimension_numbers = #tpu.dot_dimension_numbers<[1], [0], [0], [1], [0, 0, 1, 1], [], []>, transpose_lhs_hint = false} : vector<32x512xbf16>, vector<512x64xbf16>, vector<32x64xf32> -> vector<32x64xf32>
    %add3A_159 = arith.addf %dot_general3A_156, %dot_general3A_158 : vector<32x64xf32>
    %dot_general3A_160 = arith.constant dense<0.000000e+00> : vector<32x64xf32>
    %dot_general3A_161 = tpu.matmul %convert_element_type3A_154, %convert_element_type3A_34, %dot_general3A_160 {dimension_numbers = #tpu.dot_dimension_numbers<[1], [0], [0], [1], [0, 0, 1, 1], [], []>, transpose_lhs_hint = false} : vector<32x512xbf16>, vector<512x64xbf16>, vector<32x64xf32> -> vector<32x64xf32>
    %add3A_162 = arith.addf %add3A_159, %dot_general3A_161 : vector<32x64xf32>
    %max3A_163 = arith.maximumf %max3A_144, %add3A_162 : vector<32x64xf32>
    %argmin3A_164 = tpu.reduce_index %select_n3A_151 {axis = 1 : i32, kind = #tpu.reduction_kind<arg_min>} : vector<32x512xf32> -> vector<32xi32>
    %broadcast_in_dim3A_165 = vector.shape_cast %argmin3A_164 : vector<32xi32> to vector<32x1xi32>
    %eq3A_166 = vector.broadcast %broadcast_in_dim3A_165 : vector<32x1xi32> to vector<32x512xi32>
    %eq3A_167 = arith.cmpi eq, %iota3A, %eq3A_166 : vector<32x512xi32>
    %jit3A_168 = arith.constant 1.000000e+30 : f32
    %broadcast_in_dim3A_169 = vector.broadcast %jit3A_168 : f32 to vector<32x512xf32>
    %select_n3A_170 = arith.select %eq3A_167, %broadcast_in_dim3A_169, %select_n3A_151 : vector<32x512xi1>, vector<32x512xf32>
    %convert_element_type3A_171 = arith.extui %eq3A_167 : vector<32x512xi1> to vector<32x512xi32>
    %convert_element_type3A_172 = arith.sitofp %convert_element_type3A_171 : vector<32x512xi32> to vector<32x512xf32>
    %convert_element_type3A_173 = arith.truncf %convert_element_type3A_172 : vector<32x512xf32> to vector<32x512xbf16>
    %dot_general3A_174 = arith.constant dense<0.000000e+00> : vector<32x64xf32>
    %dot_general3A_175 = tpu.matmul %convert_element_type3A_173, %convert_element_type3A_28, %dot_general3A_174 {dimension_numbers = #tpu.dot_dimension_numbers<[1], [0], [0], [1], [0, 0, 1, 1], [], []>, transpose_lhs_hint = false} : vector<32x512xbf16>, vector<512x64xbf16>, vector<32x64xf32> -> vector<32x64xf32>
    %dot_general3A_176 = arith.constant dense<0.000000e+00> : vector<32x64xf32>
    %dot_general3A_177 = tpu.matmul %convert_element_type3A_173, %convert_element_type3A_31, %dot_general3A_176 {dimension_numbers = #tpu.dot_dimension_numbers<[1], [0], [0], [1], [0, 0, 1, 1], [], []>, transpose_lhs_hint = false} : vector<32x512xbf16>, vector<512x64xbf16>, vector<32x64xf32> -> vector<32x64xf32>
    %add3A_178 = arith.addf %dot_general3A_175, %dot_general3A_177 : vector<32x64xf32>
    %dot_general3A_179 = arith.constant dense<0.000000e+00> : vector<32x64xf32>
    %dot_general3A_180 = tpu.matmul %convert_element_type3A_173, %convert_element_type3A_34, %dot_general3A_179 {dimension_numbers = #tpu.dot_dimension_numbers<[1], [0], [0], [1], [0, 0, 1, 1], [], []>, transpose_lhs_hint = false} : vector<32x512xbf16>, vector<512x64xbf16>, vector<32x64xf32> -> vector<32x64xf32>
    %add3A_181 = arith.addf %add3A_178, %dot_general3A_180 : vector<32x64xf32>
    %max3A_182 = arith.maximumf %max3A_163, %add3A_181 : vector<32x64xf32>
    %argmin3A_183 = tpu.reduce_index %select_n3A_170 {axis = 1 : i32, kind = #tpu.reduction_kind<arg_min>} : vector<32x512xf32> -> vector<32xi32>
    %broadcast_in_dim3A_184 = vector.shape_cast %argmin3A_183 : vector<32xi32> to vector<32x1xi32>
    %eq3A_185 = vector.broadcast %broadcast_in_dim3A_184 : vector<32x1xi32> to vector<32x512xi32>
    %eq3A_186 = arith.cmpi eq, %iota3A, %eq3A_185 : vector<32x512xi32>
    %jit3A_187 = arith.constant 1.000000e+30 : f32
    %broadcast_in_dim3A_188 = vector.broadcast %jit3A_187 : f32 to vector<32x512xf32>
    %select_n3A_189 = arith.select %eq3A_186, %broadcast_in_dim3A_188, %select_n3A_170 : vector<32x512xi1>, vector<32x512xf32>
    %convert_element_type3A_190 = arith.extui %eq3A_186 : vector<32x512xi1> to vector<32x512xi32>
    %convert_element_type3A_191 = arith.sitofp %convert_element_type3A_190 : vector<32x512xi32> to vector<32x512xf32>
    %convert_element_type3A_192 = arith.truncf %convert_element_type3A_191 : vector<32x512xf32> to vector<32x512xbf16>
    %dot_general3A_193 = arith.constant dense<0.000000e+00> : vector<32x64xf32>
    %dot_general3A_194 = tpu.matmul %convert_element_type3A_192, %convert_element_type3A_28, %dot_general3A_193 {dimension_numbers = #tpu.dot_dimension_numbers<[1], [0], [0], [1], [0, 0, 1, 1], [], []>, transpose_lhs_hint = false} : vector<32x512xbf16>, vector<512x64xbf16>, vector<32x64xf32> -> vector<32x64xf32>
    %dot_general3A_195 = arith.constant dense<0.000000e+00> : vector<32x64xf32>
    %dot_general3A_196 = tpu.matmul %convert_element_type3A_192, %convert_element_type3A_31, %dot_general3A_195 {dimension_numbers = #tpu.dot_dimension_numbers<[1], [0], [0], [1], [0, 0, 1, 1], [], []>, transpose_lhs_hint = false} : vector<32x512xbf16>, vector<512x64xbf16>, vector<32x64xf32> -> vector<32x64xf32>
    %add3A_197 = arith.addf %dot_general3A_194, %dot_general3A_196 : vector<32x64xf32>
    %dot_general3A_198 = arith.constant dense<0.000000e+00> : vector<32x64xf32>
    %dot_general3A_199 = tpu.matmul %convert_element_type3A_192, %convert_element_type3A_34, %dot_general3A_198 {dimension_numbers = #tpu.dot_dimension_numbers<[1], [0], [0], [1], [0, 0, 1, 1], [], []>, transpose_lhs_hint = false} : vector<32x512xbf16>, vector<512x64xbf16>, vector<32x64xf32> -> vector<32x64xf32>
    %add3A_200 = arith.addf %add3A_197, %dot_general3A_199 : vector<32x64xf32>
    %max3A_201 = arith.maximumf %max3A_182, %add3A_200 : vector<32x64xf32>
    %argmin3A_202 = tpu.reduce_index %select_n3A_189 {axis = 1 : i32, kind = #tpu.reduction_kind<arg_min>} : vector<32x512xf32> -> vector<32xi32>
    %broadcast_in_dim3A_203 = vector.shape_cast %argmin3A_202 : vector<32xi32> to vector<32x1xi32>
    %eq3A_204 = vector.broadcast %broadcast_in_dim3A_203 : vector<32x1xi32> to vector<32x512xi32>
    %eq3A_205 = arith.cmpi eq, %iota3A, %eq3A_204 : vector<32x512xi32>
    %jit3A_206 = arith.constant 1.000000e+30 : f32
    %broadcast_in_dim3A_207 = vector.broadcast %jit3A_206 : f32 to vector<32x512xf32>
    %select_n3A_208 = arith.select %eq3A_205, %broadcast_in_dim3A_207, %select_n3A_189 : vector<32x512xi1>, vector<32x512xf32>
    %convert_element_type3A_209 = arith.extui %eq3A_205 : vector<32x512xi1> to vector<32x512xi32>
    %convert_element_type3A_210 = arith.sitofp %convert_element_type3A_209 : vector<32x512xi32> to vector<32x512xf32>
    %convert_element_type3A_211 = arith.truncf %convert_element_type3A_210 : vector<32x512xf32> to vector<32x512xbf16>
    %dot_general3A_212 = arith.constant dense<0.000000e+00> : vector<32x64xf32>
    %dot_general3A_213 = tpu.matmul %convert_element_type3A_211, %convert_element_type3A_28, %dot_general3A_212 {dimension_numbers = #tpu.dot_dimension_numbers<[1], [0], [0], [1], [0, 0, 1, 1], [], []>, transpose_lhs_hint = false} : vector<32x512xbf16>, vector<512x64xbf16>, vector<32x64xf32> -> vector<32x64xf32>
    %dot_general3A_214 = arith.constant dense<0.000000e+00> : vector<32x64xf32>
    %dot_general3A_215 = tpu.matmul %convert_element_type3A_211, %convert_element_type3A_31, %dot_general3A_214 {dimension_numbers = #tpu.dot_dimension_numbers<[1], [0], [0], [1], [0, 0, 1, 1], [], []>, transpose_lhs_hint = false} : vector<32x512xbf16>, vector<512x64xbf16>, vector<32x64xf32> -> vector<32x64xf32>
    %add3A_216 = arith.addf %dot_general3A_213, %dot_general3A_215 : vector<32x64xf32>
    %dot_general3A_217 = arith.constant dense<0.000000e+00> : vector<32x64xf32>
    %dot_general3A_218 = tpu.matmul %convert_element_type3A_211, %convert_element_type3A_34, %dot_general3A_217 {dimension_numbers = #tpu.dot_dimension_numbers<[1], [0], [0], [1], [0, 0, 1, 1], [], []>, transpose_lhs_hint = false} : vector<32x512xbf16>, vector<512x64xbf16>, vector<32x64xf32> -> vector<32x64xf32>
    %add3A_219 = arith.addf %add3A_216, %dot_general3A_218 : vector<32x64xf32>
    %max3A_220 = arith.maximumf %max3A_201, %add3A_219 : vector<32x64xf32>
    %argmin3A_221 = tpu.reduce_index %select_n3A_208 {axis = 1 : i32, kind = #tpu.reduction_kind<arg_min>} : vector<32x512xf32> -> vector<32xi32>
    %broadcast_in_dim3A_222 = vector.shape_cast %argmin3A_221 : vector<32xi32> to vector<32x1xi32>
    %eq3A_223 = vector.broadcast %broadcast_in_dim3A_222 : vector<32x1xi32> to vector<32x512xi32>
    %eq3A_224 = arith.cmpi eq, %iota3A, %eq3A_223 : vector<32x512xi32>
    %jit3A_225 = arith.constant 1.000000e+30 : f32
    %broadcast_in_dim3A_226 = vector.broadcast %jit3A_225 : f32 to vector<32x512xf32>
    %select_n3A_227 = arith.select %eq3A_224, %broadcast_in_dim3A_226, %select_n3A_208 : vector<32x512xi1>, vector<32x512xf32>
    %convert_element_type3A_228 = arith.extui %eq3A_224 : vector<32x512xi1> to vector<32x512xi32>
    %convert_element_type3A_229 = arith.sitofp %convert_element_type3A_228 : vector<32x512xi32> to vector<32x512xf32>
    %convert_element_type3A_230 = arith.truncf %convert_element_type3A_229 : vector<32x512xf32> to vector<32x512xbf16>
    %dot_general3A_231 = arith.constant dense<0.000000e+00> : vector<32x64xf32>
    %dot_general3A_232 = tpu.matmul %convert_element_type3A_230, %convert_element_type3A_28, %dot_general3A_231 {dimension_numbers = #tpu.dot_dimension_numbers<[1], [0], [0], [1], [0, 0, 1, 1], [], []>, transpose_lhs_hint = false} : vector<32x512xbf16>, vector<512x64xbf16>, vector<32x64xf32> -> vector<32x64xf32>
    %dot_general3A_233 = arith.constant dense<0.000000e+00> : vector<32x64xf32>
    %dot_general3A_234 = tpu.matmul %convert_element_type3A_230, %convert_element_type3A_31, %dot_general3A_233 {dimension_numbers = #tpu.dot_dimension_numbers<[1], [0], [0], [1], [0, 0, 1, 1], [], []>, transpose_lhs_hint = false} : vector<32x512xbf16>, vector<512x64xbf16>, vector<32x64xf32> -> vector<32x64xf32>
    %add3A_235 = arith.addf %dot_general3A_232, %dot_general3A_234 : vector<32x64xf32>
    %dot_general3A_236 = arith.constant dense<0.000000e+00> : vector<32x64xf32>
    %dot_general3A_237 = tpu.matmul %convert_element_type3A_230, %convert_element_type3A_34, %dot_general3A_236 {dimension_numbers = #tpu.dot_dimension_numbers<[1], [0], [0], [1], [0, 0, 1, 1], [], []>, transpose_lhs_hint = false} : vector<32x512xbf16>, vector<512x64xbf16>, vector<32x64xf32> -> vector<32x64xf32>
    %add3A_238 = arith.addf %add3A_235, %dot_general3A_237 : vector<32x64xf32>
    %max3A_239 = arith.maximumf %max3A_220, %add3A_238 : vector<32x64xf32>
    %argmin3A_240 = tpu.reduce_index %select_n3A_227 {axis = 1 : i32, kind = #tpu.reduction_kind<arg_min>} : vector<32x512xf32> -> vector<32xi32>
    %broadcast_in_dim3A_241 = vector.shape_cast %argmin3A_240 : vector<32xi32> to vector<32x1xi32>
    %eq3A_242 = vector.broadcast %broadcast_in_dim3A_241 : vector<32x1xi32> to vector<32x512xi32>
    %eq3A_243 = arith.cmpi eq, %iota3A, %eq3A_242 : vector<32x512xi32>
    %jit3A_244 = arith.constant 1.000000e+30 : f32
    %broadcast_in_dim3A_245 = vector.broadcast %jit3A_244 : f32 to vector<32x512xf32>
    %select_n3A_246 = arith.select %eq3A_243, %broadcast_in_dim3A_245, %select_n3A_227 : vector<32x512xi1>, vector<32x512xf32>
    %convert_element_type3A_247 = arith.extui %eq3A_243 : vector<32x512xi1> to vector<32x512xi32>
    %convert_element_type3A_248 = arith.sitofp %convert_element_type3A_247 : vector<32x512xi32> to vector<32x512xf32>
    %convert_element_type3A_249 = arith.truncf %convert_element_type3A_248 : vector<32x512xf32> to vector<32x512xbf16>
    %dot_general3A_250 = arith.constant dense<0.000000e+00> : vector<32x64xf32>
    %dot_general3A_251 = tpu.matmul %convert_element_type3A_249, %convert_element_type3A_28, %dot_general3A_250 {dimension_numbers = #tpu.dot_dimension_numbers<[1], [0], [0], [1], [0, 0, 1, 1], [], []>, transpose_lhs_hint = false} : vector<32x512xbf16>, vector<512x64xbf16>, vector<32x64xf32> -> vector<32x64xf32>
    %dot_general3A_252 = arith.constant dense<0.000000e+00> : vector<32x64xf32>
    %dot_general3A_253 = tpu.matmul %convert_element_type3A_249, %convert_element_type3A_31, %dot_general3A_252 {dimension_numbers = #tpu.dot_dimension_numbers<[1], [0], [0], [1], [0, 0, 1, 1], [], []>, transpose_lhs_hint = false} : vector<32x512xbf16>, vector<512x64xbf16>, vector<32x64xf32> -> vector<32x64xf32>
    %add3A_254 = arith.addf %dot_general3A_251, %dot_general3A_253 : vector<32x64xf32>
    %dot_general3A_255 = arith.constant dense<0.000000e+00> : vector<32x64xf32>
    %dot_general3A_256 = tpu.matmul %convert_element_type3A_249, %convert_element_type3A_34, %dot_general3A_255 {dimension_numbers = #tpu.dot_dimension_numbers<[1], [0], [0], [1], [0, 0, 1, 1], [], []>, transpose_lhs_hint = false} : vector<32x512xbf16>, vector<512x64xbf16>, vector<32x64xf32> -> vector<32x64xf32>
    %add3A_257 = arith.addf %add3A_254, %dot_general3A_256 : vector<32x64xf32>
    %max3A_258 = arith.maximumf %max3A_239, %add3A_257 : vector<32x64xf32>
    %argmin3A_259 = tpu.reduce_index %select_n3A_246 {axis = 1 : i32, kind = #tpu.reduction_kind<arg_min>} : vector<32x512xf32> -> vector<32xi32>
    %broadcast_in_dim3A_260 = vector.shape_cast %argmin3A_259 : vector<32xi32> to vector<32x1xi32>
    %eq3A_261 = vector.broadcast %broadcast_in_dim3A_260 : vector<32x1xi32> to vector<32x512xi32>
    %eq3A_262 = arith.cmpi eq, %iota3A, %eq3A_261 : vector<32x512xi32>
    %jit3A_263 = arith.constant 1.000000e+30 : f32
    %broadcast_in_dim3A_264 = vector.broadcast %jit3A_263 : f32 to vector<32x512xf32>
    %select_n3A_265 = arith.select %eq3A_262, %broadcast_in_dim3A_264, %select_n3A_246 : vector<32x512xi1>, vector<32x512xf32>
    %convert_element_type3A_266 = arith.extui %eq3A_262 : vector<32x512xi1> to vector<32x512xi32>
    %convert_element_type3A_267 = arith.sitofp %convert_element_type3A_266 : vector<32x512xi32> to vector<32x512xf32>
    %convert_element_type3A_268 = arith.truncf %convert_element_type3A_267 : vector<32x512xf32> to vector<32x512xbf16>
    %dot_general3A_269 = arith.constant dense<0.000000e+00> : vector<32x64xf32>
    %dot_general3A_270 = tpu.matmul %convert_element_type3A_268, %convert_element_type3A_28, %dot_general3A_269 {dimension_numbers = #tpu.dot_dimension_numbers<[1], [0], [0], [1], [0, 0, 1, 1], [], []>, transpose_lhs_hint = false} : vector<32x512xbf16>, vector<512x64xbf16>, vector<32x64xf32> -> vector<32x64xf32>
    %dot_general3A_271 = arith.constant dense<0.000000e+00> : vector<32x64xf32>
    %dot_general3A_272 = tpu.matmul %convert_element_type3A_268, %convert_element_type3A_31, %dot_general3A_271 {dimension_numbers = #tpu.dot_dimension_numbers<[1], [0], [0], [1], [0, 0, 1, 1], [], []>, transpose_lhs_hint = false} : vector<32x512xbf16>, vector<512x64xbf16>, vector<32x64xf32> -> vector<32x64xf32>
    %add3A_273 = arith.addf %dot_general3A_270, %dot_general3A_272 : vector<32x64xf32>
    %dot_general3A_274 = arith.constant dense<0.000000e+00> : vector<32x64xf32>
    %dot_general3A_275 = tpu.matmul %convert_element_type3A_268, %convert_element_type3A_34, %dot_general3A_274 {dimension_numbers = #tpu.dot_dimension_numbers<[1], [0], [0], [1], [0, 0, 1, 1], [], []>, transpose_lhs_hint = false} : vector<32x512xbf16>, vector<512x64xbf16>, vector<32x64xf32> -> vector<32x64xf32>
    %add3A_276 = arith.addf %add3A_273, %dot_general3A_275 : vector<32x64xf32>
    %max3A_277 = arith.maximumf %max3A_258, %add3A_276 : vector<32x64xf32>
    %argmin3A_278 = tpu.reduce_index %select_n3A_265 {axis = 1 : i32, kind = #tpu.reduction_kind<arg_min>} : vector<32x512xf32> -> vector<32xi32>
    %broadcast_in_dim3A_279 = vector.shape_cast %argmin3A_278 : vector<32xi32> to vector<32x1xi32>
    %eq3A_280 = vector.broadcast %broadcast_in_dim3A_279 : vector<32x1xi32> to vector<32x512xi32>
    %eq3A_281 = arith.cmpi eq, %iota3A, %eq3A_280 : vector<32x512xi32>
    %jit3A_282 = arith.constant 1.000000e+30 : f32
    %broadcast_in_dim3A_283 = vector.broadcast %jit3A_282 : f32 to vector<32x512xf32>
    %select_n3A_284 = arith.select %eq3A_281, %broadcast_in_dim3A_283, %select_n3A_265 : vector<32x512xi1>, vector<32x512xf32>
    %convert_element_type3A_285 = arith.extui %eq3A_281 : vector<32x512xi1> to vector<32x512xi32>
    %convert_element_type3A_286 = arith.sitofp %convert_element_type3A_285 : vector<32x512xi32> to vector<32x512xf32>
    %convert_element_type3A_287 = arith.truncf %convert_element_type3A_286 : vector<32x512xf32> to vector<32x512xbf16>
    %dot_general3A_288 = arith.constant dense<0.000000e+00> : vector<32x64xf32>
    %dot_general3A_289 = tpu.matmul %convert_element_type3A_287, %convert_element_type3A_28, %dot_general3A_288 {dimension_numbers = #tpu.dot_dimension_numbers<[1], [0], [0], [1], [0, 0, 1, 1], [], []>, transpose_lhs_hint = false} : vector<32x512xbf16>, vector<512x64xbf16>, vector<32x64xf32> -> vector<32x64xf32>
    %dot_general3A_290 = arith.constant dense<0.000000e+00> : vector<32x64xf32>
    %dot_general3A_291 = tpu.matmul %convert_element_type3A_287, %convert_element_type3A_31, %dot_general3A_290 {dimension_numbers = #tpu.dot_dimension_numbers<[1], [0], [0], [1], [0, 0, 1, 1], [], []>, transpose_lhs_hint = false} : vector<32x512xbf16>, vector<512x64xbf16>, vector<32x64xf32> -> vector<32x64xf32>
    %add3A_292 = arith.addf %dot_general3A_289, %dot_general3A_291 : vector<32x64xf32>
    %dot_general3A_293 = arith.constant dense<0.000000e+00> : vector<32x64xf32>
    %dot_general3A_294 = tpu.matmul %convert_element_type3A_287, %convert_element_type3A_34, %dot_general3A_293 {dimension_numbers = #tpu.dot_dimension_numbers<[1], [0], [0], [1], [0, 0, 1, 1], [], []>, transpose_lhs_hint = false} : vector<32x512xbf16>, vector<512x64xbf16>, vector<32x64xf32> -> vector<32x64xf32>
    %add3A_295 = arith.addf %add3A_292, %dot_general3A_294 : vector<32x64xf32>
    %max3A_296 = arith.maximumf %max3A_277, %add3A_295 : vector<32x64xf32>
    %argmin3A_297 = tpu.reduce_index %select_n3A_284 {axis = 1 : i32, kind = #tpu.reduction_kind<arg_min>} : vector<32x512xf32> -> vector<32xi32>
    %broadcast_in_dim3A_298 = vector.shape_cast %argmin3A_297 : vector<32xi32> to vector<32x1xi32>
    %eq3A_299 = vector.broadcast %broadcast_in_dim3A_298 : vector<32x1xi32> to vector<32x512xi32>
    %eq3A_300 = arith.cmpi eq, %iota3A, %eq3A_299 : vector<32x512xi32>
    %jit3A_301 = arith.constant 1.000000e+30 : f32
    %broadcast_in_dim3A_302 = vector.broadcast %jit3A_301 : f32 to vector<32x512xf32>
    %select_n3A_303 = arith.select %eq3A_300, %broadcast_in_dim3A_302, %select_n3A_284 : vector<32x512xi1>, vector<32x512xf32>
    %convert_element_type3A_304 = arith.extui %eq3A_300 : vector<32x512xi1> to vector<32x512xi32>
    %convert_element_type3A_305 = arith.sitofp %convert_element_type3A_304 : vector<32x512xi32> to vector<32x512xf32>
    %convert_element_type3A_306 = arith.truncf %convert_element_type3A_305 : vector<32x512xf32> to vector<32x512xbf16>
    %dot_general3A_307 = arith.constant dense<0.000000e+00> : vector<32x64xf32>
    %dot_general3A_308 = tpu.matmul %convert_element_type3A_306, %convert_element_type3A_28, %dot_general3A_307 {dimension_numbers = #tpu.dot_dimension_numbers<[1], [0], [0], [1], [0, 0, 1, 1], [], []>, transpose_lhs_hint = false} : vector<32x512xbf16>, vector<512x64xbf16>, vector<32x64xf32> -> vector<32x64xf32>
    %dot_general3A_309 = arith.constant dense<0.000000e+00> : vector<32x64xf32>
    %dot_general3A_310 = tpu.matmul %convert_element_type3A_306, %convert_element_type3A_31, %dot_general3A_309 {dimension_numbers = #tpu.dot_dimension_numbers<[1], [0], [0], [1], [0, 0, 1, 1], [], []>, transpose_lhs_hint = false} : vector<32x512xbf16>, vector<512x64xbf16>, vector<32x64xf32> -> vector<32x64xf32>
    %add3A_311 = arith.addf %dot_general3A_308, %dot_general3A_310 : vector<32x64xf32>
    %dot_general3A_312 = arith.constant dense<0.000000e+00> : vector<32x64xf32>
    %dot_general3A_313 = tpu.matmul %convert_element_type3A_306, %convert_element_type3A_34, %dot_general3A_312 {dimension_numbers = #tpu.dot_dimension_numbers<[1], [0], [0], [1], [0, 0, 1, 1], [], []>, transpose_lhs_hint = false} : vector<32x512xbf16>, vector<512x64xbf16>, vector<32x64xf32> -> vector<32x64xf32>
    %add3A_314 = arith.addf %add3A_311, %dot_general3A_313 : vector<32x64xf32>
    %max3A_315 = arith.maximumf %max3A_296, %add3A_314 : vector<32x64xf32>
    %argmin3A_316 = tpu.reduce_index %select_n3A_303 {axis = 1 : i32, kind = #tpu.reduction_kind<arg_min>} : vector<32x512xf32> -> vector<32xi32>
    %broadcast_in_dim3A_317 = vector.shape_cast %argmin3A_316 : vector<32xi32> to vector<32x1xi32>
    %eq3A_318 = vector.broadcast %broadcast_in_dim3A_317 : vector<32x1xi32> to vector<32x512xi32>
    %eq3A_319 = arith.cmpi eq, %iota3A, %eq3A_318 : vector<32x512xi32>
    %jit3A_320 = arith.constant 1.000000e+30 : f32
    %broadcast_in_dim3A_321 = vector.broadcast %jit3A_320 : f32 to vector<32x512xf32>
    %select_n3A_322 = arith.select %eq3A_319, %broadcast_in_dim3A_321, %select_n3A_303 : vector<32x512xi1>, vector<32x512xf32>
    %convert_element_type3A_323 = arith.extui %eq3A_319 : vector<32x512xi1> to vector<32x512xi32>
    %convert_element_type3A_324 = arith.sitofp %convert_element_type3A_323 : vector<32x512xi32> to vector<32x512xf32>
    %convert_element_type3A_325 = arith.truncf %convert_element_type3A_324 : vector<32x512xf32> to vector<32x512xbf16>
    %dot_general3A_326 = arith.constant dense<0.000000e+00> : vector<32x64xf32>
    %dot_general3A_327 = tpu.matmul %convert_element_type3A_325, %convert_element_type3A_28, %dot_general3A_326 {dimension_numbers = #tpu.dot_dimension_numbers<[1], [0], [0], [1], [0, 0, 1, 1], [], []>, transpose_lhs_hint = false} : vector<32x512xbf16>, vector<512x64xbf16>, vector<32x64xf32> -> vector<32x64xf32>
    %dot_general3A_328 = arith.constant dense<0.000000e+00> : vector<32x64xf32>
    %dot_general3A_329 = tpu.matmul %convert_element_type3A_325, %convert_element_type3A_31, %dot_general3A_328 {dimension_numbers = #tpu.dot_dimension_numbers<[1], [0], [0], [1], [0, 0, 1, 1], [], []>, transpose_lhs_hint = false} : vector<32x512xbf16>, vector<512x64xbf16>, vector<32x64xf32> -> vector<32x64xf32>
    %add3A_330 = arith.addf %dot_general3A_327, %dot_general3A_329 : vector<32x64xf32>
    %dot_general3A_331 = arith.constant dense<0.000000e+00> : vector<32x64xf32>
    %dot_general3A_332 = tpu.matmul %convert_element_type3A_325, %convert_element_type3A_34, %dot_general3A_331 {dimension_numbers = #tpu.dot_dimension_numbers<[1], [0], [0], [1], [0, 0, 1, 1], [], []>, transpose_lhs_hint = false} : vector<32x512xbf16>, vector<512x64xbf16>, vector<32x64xf32> -> vector<32x64xf32>
    %add3A_333 = arith.addf %add3A_330, %dot_general3A_332 : vector<32x64xf32>
    %max3A_334 = arith.maximumf %max3A_315, %add3A_333 : vector<32x64xf32>
    %argmin3A_335 = tpu.reduce_index %select_n3A_322 {axis = 1 : i32, kind = #tpu.reduction_kind<arg_min>} : vector<32x512xf32> -> vector<32xi32>
    %broadcast_in_dim3A_336 = vector.shape_cast %argmin3A_335 : vector<32xi32> to vector<32x1xi32>
    %eq3A_337 = vector.broadcast %broadcast_in_dim3A_336 : vector<32x1xi32> to vector<32x512xi32>
    %eq3A_338 = arith.cmpi eq, %iota3A, %eq3A_337 : vector<32x512xi32>
    %jit3A_339 = arith.constant 1.000000e+30 : f32
    %broadcast_in_dim3A_340 = vector.broadcast %jit3A_339 : f32 to vector<32x512xf32>
    %select_n3A_341 = arith.select %eq3A_338, %broadcast_in_dim3A_340, %select_n3A_322 : vector<32x512xi1>, vector<32x512xf32>
    %convert_element_type3A_342 = arith.extui %eq3A_338 : vector<32x512xi1> to vector<32x512xi32>
    %convert_element_type3A_343 = arith.sitofp %convert_element_type3A_342 : vector<32x512xi32> to vector<32x512xf32>
    %convert_element_type3A_344 = arith.truncf %convert_element_type3A_343 : vector<32x512xf32> to vector<32x512xbf16>
    %dot_general3A_345 = arith.constant dense<0.000000e+00> : vector<32x64xf32>
    %dot_general3A_346 = tpu.matmul %convert_element_type3A_344, %convert_element_type3A_28, %dot_general3A_345 {dimension_numbers = #tpu.dot_dimension_numbers<[1], [0], [0], [1], [0, 0, 1, 1], [], []>, transpose_lhs_hint = false} : vector<32x512xbf16>, vector<512x64xbf16>, vector<32x64xf32> -> vector<32x64xf32>
    %dot_general3A_347 = arith.constant dense<0.000000e+00> : vector<32x64xf32>
    %dot_general3A_348 = tpu.matmul %convert_element_type3A_344, %convert_element_type3A_31, %dot_general3A_347 {dimension_numbers = #tpu.dot_dimension_numbers<[1], [0], [0], [1], [0, 0, 1, 1], [], []>, transpose_lhs_hint = false} : vector<32x512xbf16>, vector<512x64xbf16>, vector<32x64xf32> -> vector<32x64xf32>
    %add3A_349 = arith.addf %dot_general3A_346, %dot_general3A_348 : vector<32x64xf32>
    %dot_general3A_350 = arith.constant dense<0.000000e+00> : vector<32x64xf32>
    %dot_general3A_351 = tpu.matmul %convert_element_type3A_344, %convert_element_type3A_34, %dot_general3A_350 {dimension_numbers = #tpu.dot_dimension_numbers<[1], [0], [0], [1], [0, 0, 1, 1], [], []>, transpose_lhs_hint = false} : vector<32x512xbf16>, vector<512x64xbf16>, vector<32x64xf32> -> vector<32x64xf32>
    %add3A_352 = arith.addf %add3A_349, %dot_general3A_351 : vector<32x64xf32>
    %max3A_353 = arith.maximumf %max3A_334, %add3A_352 : vector<32x64xf32>
    %argmin3A_354 = tpu.reduce_index %select_n3A_341 {axis = 1 : i32, kind = #tpu.reduction_kind<arg_min>} : vector<32x512xf32> -> vector<32xi32>
    %broadcast_in_dim3A_355 = vector.shape_cast %argmin3A_354 : vector<32xi32> to vector<32x1xi32>
    %eq3A_356 = vector.broadcast %broadcast_in_dim3A_355 : vector<32x1xi32> to vector<32x512xi32>
    %eq3A_357 = arith.cmpi eq, %iota3A, %eq3A_356 : vector<32x512xi32>
    %jit3A_358 = arith.constant 1.000000e+30 : f32
    %broadcast_in_dim3A_359 = vector.broadcast %jit3A_358 : f32 to vector<32x512xf32>
    %select_n3A_360 = arith.select %eq3A_357, %broadcast_in_dim3A_359, %select_n3A_341 : vector<32x512xi1>, vector<32x512xf32>
    %convert_element_type3A_361 = arith.extui %eq3A_357 : vector<32x512xi1> to vector<32x512xi32>
    %convert_element_type3A_362 = arith.sitofp %convert_element_type3A_361 : vector<32x512xi32> to vector<32x512xf32>
    %convert_element_type3A_363 = arith.truncf %convert_element_type3A_362 : vector<32x512xf32> to vector<32x512xbf16>
    %dot_general3A_364 = arith.constant dense<0.000000e+00> : vector<32x64xf32>
    %dot_general3A_365 = tpu.matmul %convert_element_type3A_363, %convert_element_type3A_28, %dot_general3A_364 {dimension_numbers = #tpu.dot_dimension_numbers<[1], [0], [0], [1], [0, 0, 1, 1], [], []>, transpose_lhs_hint = false} : vector<32x512xbf16>, vector<512x64xbf16>, vector<32x64xf32> -> vector<32x64xf32>
    %dot_general3A_366 = arith.constant dense<0.000000e+00> : vector<32x64xf32>
    %dot_general3A_367 = tpu.matmul %convert_element_type3A_363, %convert_element_type3A_31, %dot_general3A_366 {dimension_numbers = #tpu.dot_dimension_numbers<[1], [0], [0], [1], [0, 0, 1, 1], [], []>, transpose_lhs_hint = false} : vector<32x512xbf16>, vector<512x64xbf16>, vector<32x64xf32> -> vector<32x64xf32>
    %add3A_368 = arith.addf %dot_general3A_365, %dot_general3A_367 : vector<32x64xf32>
    %dot_general3A_369 = arith.constant dense<0.000000e+00> : vector<32x64xf32>
    %dot_general3A_370 = tpu.matmul %convert_element_type3A_363, %convert_element_type3A_34, %dot_general3A_369 {dimension_numbers = #tpu.dot_dimension_numbers<[1], [0], [0], [1], [0, 0, 1, 1], [], []>, transpose_lhs_hint = false} : vector<32x512xbf16>, vector<512x64xbf16>, vector<32x64xf32> -> vector<32x64xf32>
    %add3A_371 = arith.addf %add3A_368, %dot_general3A_370 : vector<32x64xf32>
    %max3A_372 = arith.maximumf %max3A_353, %add3A_371 : vector<32x64xf32>
    %argmin3A_373 = tpu.reduce_index %select_n3A_360 {axis = 1 : i32, kind = #tpu.reduction_kind<arg_min>} : vector<32x512xf32> -> vector<32xi32>
    %broadcast_in_dim3A_374 = vector.shape_cast %argmin3A_373 : vector<32xi32> to vector<32x1xi32>
    %eq3A_375 = vector.broadcast %broadcast_in_dim3A_374 : vector<32x1xi32> to vector<32x512xi32>
    %eq3A_376 = arith.cmpi eq, %iota3A, %eq3A_375 : vector<32x512xi32>
    %jit3A_377 = arith.constant 1.000000e+30 : f32
    %broadcast_in_dim3A_378 = vector.broadcast %jit3A_377 : f32 to vector<32x512xf32>
    %select_n3A_379 = arith.select %eq3A_376, %broadcast_in_dim3A_378, %select_n3A_360 : vector<32x512xi1>, vector<32x512xf32>
    %convert_element_type3A_380 = arith.extui %eq3A_376 : vector<32x512xi1> to vector<32x512xi32>
    %convert_element_type3A_381 = arith.sitofp %convert_element_type3A_380 : vector<32x512xi32> to vector<32x512xf32>
    %convert_element_type3A_382 = arith.truncf %convert_element_type3A_381 : vector<32x512xf32> to vector<32x512xbf16>
    %dot_general3A_383 = arith.constant dense<0.000000e+00> : vector<32x64xf32>
    %dot_general3A_384 = tpu.matmul %convert_element_type3A_382, %convert_element_type3A_28, %dot_general3A_383 {dimension_numbers = #tpu.dot_dimension_numbers<[1], [0], [0], [1], [0, 0, 1, 1], [], []>, transpose_lhs_hint = false} : vector<32x512xbf16>, vector<512x64xbf16>, vector<32x64xf32> -> vector<32x64xf32>
    %dot_general3A_385 = arith.constant dense<0.000000e+00> : vector<32x64xf32>
    %dot_general3A_386 = tpu.matmul %convert_element_type3A_382, %convert_element_type3A_31, %dot_general3A_385 {dimension_numbers = #tpu.dot_dimension_numbers<[1], [0], [0], [1], [0, 0, 1, 1], [], []>, transpose_lhs_hint = false} : vector<32x512xbf16>, vector<512x64xbf16>, vector<32x64xf32> -> vector<32x64xf32>
    %add3A_387 = arith.addf %dot_general3A_384, %dot_general3A_386 : vector<32x64xf32>
    %dot_general3A_388 = arith.constant dense<0.000000e+00> : vector<32x64xf32>
    %dot_general3A_389 = tpu.matmul %convert_element_type3A_382, %convert_element_type3A_34, %dot_general3A_388 {dimension_numbers = #tpu.dot_dimension_numbers<[1], [0], [0], [1], [0, 0, 1, 1], [], []>, transpose_lhs_hint = false} : vector<32x512xbf16>, vector<512x64xbf16>, vector<32x64xf32> -> vector<32x64xf32>
    %add3A_390 = arith.addf %add3A_387, %dot_general3A_389 : vector<32x64xf32>
    %max3A_391 = arith.maximumf %max3A_372, %add3A_390 : vector<32x64xf32>
    %reduce_min3A = arith.constant dense<0x7F800000> : vector<32xf32>
    %reduce_min3A_392 = vector.multi_reduction <minimumf>, %select_n3A_379, %reduce_min3A [1] : vector<32x512xf32> to vector<32xf32>
    %broadcast_in_dim3A_393 = vector.shape_cast %reduce_min3A_392 : vector<32xf32> to vector<32x1xf32>
    %eq3A_394 = vector.broadcast %broadcast_in_dim3A_393 : vector<32x1xf32> to vector<32x512xf32>
    %eq3A_395 = arith.cmpf oeq, %select_n3A_379, %eq3A_394 : vector<32x512xf32>
    %jit3A_396 = arith.constant 512 : i32
    %broadcast_in_dim3A_397 = vector.broadcast %jit3A_396 : i32 to vector<32x512xi32>
    %select_n3A_398 = arith.select %eq3A_395, %iota3A, %broadcast_in_dim3A_397 : vector<32x512xi1>, vector<32x512xi32>
    %reduce_min3A_399 = arith.constant dense<2147483647> : vector<32xi32>
    %reduce_min3A_400 = vector.multi_reduction <minsi>, %select_n3A_398, %reduce_min3A_399 [1] : vector<32x512xi32> to vector<32xi32>
    %broadcast_in_dim3A_401 = vector.shape_cast %reduce_min3A_400 : vector<32xi32> to vector<32x1xi32>
    %eq3A_402 = vector.broadcast %broadcast_in_dim3A_401 : vector<32x1xi32> to vector<32x512xi32>
    %eq3A_403 = arith.cmpi eq, %iota3A, %eq3A_402 : vector<32x512xi32>
    %convert_element_type3A_404 = arith.extui %eq3A_403 : vector<32x512xi1> to vector<32x512xi32>
    %convert_element_type3A_405 = arith.sitofp %convert_element_type3A_404 : vector<32x512xi32> to vector<32x512xf32>
    %convert_element_type3A_406 = arith.truncf %convert_element_type3A_405 : vector<32x512xf32> to vector<32x512xbf16>
    %dot_general3A_407 = arith.constant dense<0.000000e+00> : vector<32x64xf32>
    %dot_general3A_408 = tpu.matmul %convert_element_type3A_406, %convert_element_type3A_28, %dot_general3A_407 {dimension_numbers = #tpu.dot_dimension_numbers<[1], [0], [0], [1], [0, 0, 1, 1], [], []>, transpose_lhs_hint = false} : vector<32x512xbf16>, vector<512x64xbf16>, vector<32x64xf32> -> vector<32x64xf32>
    %dot_general3A_409 = arith.constant dense<0.000000e+00> : vector<32x64xf32>
    %dot_general3A_410 = tpu.matmul %convert_element_type3A_406, %convert_element_type3A_31, %dot_general3A_409 {dimension_numbers = #tpu.dot_dimension_numbers<[1], [0], [0], [1], [0, 0, 1, 1], [], []>, transpose_lhs_hint = false} : vector<32x512xbf16>, vector<512x64xbf16>, vector<32x64xf32> -> vector<32x64xf32>
    %add3A_411 = arith.addf %dot_general3A_408, %dot_general3A_410 : vector<32x64xf32>
    %dot_general3A_412 = arith.constant dense<0.000000e+00> : vector<32x64xf32>
    %dot_general3A_413 = tpu.matmul %convert_element_type3A_406, %convert_element_type3A_34, %dot_general3A_412 {dimension_numbers = #tpu.dot_dimension_numbers<[1], [0], [0], [1], [0, 0, 1, 1], [], []>, transpose_lhs_hint = false} : vector<32x512xbf16>, vector<512x64xbf16>, vector<32x64xf32> -> vector<32x64xf32>
    %add3A_414 = arith.addf %add3A_411, %dot_general3A_413 : vector<32x64xf32>
    %max3A_415 = arith.maximumf %max3A_391, %add3A_414 : vector<32x64xf32>
    %swap3A = arith.constant 0 : index
    %swap3A_416 = arith.constant 0 : index
    %swap3A_417 = arith.constant 0 : index
    %swap3A_418 = vector.load %arg7[%swap3A, %swap3A_416, %swap3A_417] : memref<1x32x64xf32, #tpu.memory_space<vmem>>, vector<1x32x64xf32>
    %swap3A_419 = vector.shape_cast %swap3A_418 : vector<1x32x64xf32> to vector<32x64xf32>
    %swap3A_420 = vector.shape_cast %max3A_415 : vector<32x64xf32> to vector<1x32x64xf32>
    tpu.vector_store %arg7[%swap3A, %swap3A_416, %swap3A_417], %swap3A_420 {strides = array<i32>} : memref<1x32x64xf32, #tpu.memory_space<vmem>>, vector<1x32x64xf32>,
    %get3A_421 = arith.constant 0 : index
    %get3A_422 = arith.constant 0 : index
    %get3A_423 = vector.load %arg5[%get3A_421, %get3A_422] : memref<64x64xf32, #tpu.memory_space<vmem>>, vector<64x64xf32>
    %convert_element_type3A_424 = arith.truncf %slice3A : vector<512x64xf32> to vector<512x64xbf16>
    %convert_element_type3A_425 = arith.truncf %get3A_423 : vector<64x64xf32> to vector<64x64xbf16>
    %dot_general3A_426 = arith.constant dense<0.000000e+00> : vector<512x64xf32>
    %dot_general3A_427 = tpu.matmul %convert_element_type3A_424, %convert_element_type3A_425, %dot_general3A_426 {dimension_numbers = #tpu.dot_dimension_numbers<[1], [0], [0], [1], [0, 0, 1, 1], [], []>, transpose_lhs_hint = false} : vector<512x64xbf16>, vector<64x64xbf16>, vector<512x64xf32> -> vector<512x64xf32>
    %swap3A_428 = arith.constant 0 : index
    %swap3A_429 = arith.constant 0 : index
    %swap3A_430 = arith.constant 0 : index
    %swap3A_431 = vector.load %arg6[%swap3A_428, %swap3A_429, %swap3A_430] : memref<1x512x64xf32, #tpu.memory_space<vmem>>, vector<1x512x64xf32>
    %swap3A_432 = vector.shape_cast %swap3A_431 : vector<1x512x64xf32> to vector<512x64xf32>
    %swap3A_433 = vector.shape_cast %dot_general3A_427 : vector<512x64xf32> to vector<1x512x64xf32>
    tpu.vector_store %arg6[%swap3A_428, %swap3A_429, %swap3A_430], %swap3A_433 {strides = array<i32>} : memref<1x512x64xf32, #tpu.memory_space<vmem>>, vector<1x512x64xf32>,
    %reduce_sum3A = arith.constant dense<0.000000e+00> : vector<64xf32>
    %reduce_sum3A_434 = vector.multi_reduction <add>, %dot_general3A_427, %reduce_sum3A [0] : vector<512x64xf32> to vector<64xf32>
    %broadcast_in_dim3A_435 = vector.shape_cast %reduce_sum3A_434 : vector<64xf32> to vector<1x64xf32>
    %mul3A_436 = arith.mulf %dot_general3A_427, %dot_general3A_427 : vector<512x64xf32>
    %reduce_sum3A_437 = arith.constant dense<0.000000e+00> : vector<64xf32>
    %reduce_sum3A_438 = vector.multi_reduction <add>, %mul3A_436, %reduce_sum3A_437 [0] : vector<512x64xf32> to vector<64xf32>
    %broadcast_in_dim3A_439 = vector.shape_cast %reduce_sum3A_438 : vector<64xf32> to vector<1x64xf32>
    %iota3A_440 = tpu.iota {dimensions = array<i32: 0>} : vector<8x64xi32>
    %eq3A_441 = arith.constant 0 : i32
    %eq3A_442 = vector.broadcast %eq3A_441 : i32 to vector<8x64xi32>
    %eq3A_443 = arith.cmpi eq, %iota3A_440, %eq3A_442 : vector<8x64xi32>
    %broadcast_in_dim3A_444 = vector.shape_cast %broadcast_in_dim3A_435 : vector<1x64xf32> to vector<1x64xf32>
    %broadcast_in_dim3A_445 = vector.broadcast %broadcast_in_dim3A_444 : vector<1x64xf32> to vector<8x64xf32>
    %eq3A_446 = arith.constant 1 : i32
    %eq3A_447 = vector.broadcast %eq3A_446 : i32 to vector<8x64xi32>
    %eq3A_448 = arith.cmpi eq, %iota3A_440, %eq3A_447 : vector<8x64xi32>
    %broadcast_in_dim3A_449 = vector.shape_cast %broadcast_in_dim3A_439 : vector<1x64xf32> to vector<1x64xf32>
    %broadcast_in_dim3A_450 = vector.broadcast %broadcast_in_dim3A_449 : vector<1x64xf32> to vector<8x64xf32>
    %jit3A_451 = arith.constant 0.000000e+00 : f32
    %broadcast_in_dim3A_452 = vector.broadcast %jit3A_451 : f32 to vector<8x64xf32>
    %select_n3A_453 = arith.select %eq3A_448, %broadcast_in_dim3A_450, %broadcast_in_dim3A_452 : vector<8x64xi1>, vector<8x64xf32>
    %select_n3A_454 = arith.select %eq3A_443, %broadcast_in_dim3A_445, %select_n3A_453 : vector<8x64xi1>, vector<8x64xf32>
    %eq3A_455 = arith.constant 0 : i32
    %eq3A_456 = arith.cmpi eq, %arg0, %eq3A_455 : i32
    %convert_element_type3A_457 = arith.extui %eq3A_456 : i1 to i32
    %cond3A = arith.constant 0 : i32
    %cond3A_458 = arith.cmpi ne, %convert_element_type3A_457, %cond3A : i32
    scf.if %cond3A_458 {
      %broadcast_in_dim3A_471 = arith.constant 0.000000e+00 : f32
      %broadcast_in_dim3A_472 = vector.broadcast %broadcast_in_dim3A_471 : f32 to vector<8x64xf32>
      %swap3A_473 = arith.constant 0 : index
      %swap3A_474 = arith.constant 0 : index
      %swap3A_475 = vector.load %arg9[%swap3A_473, %swap3A_474] : memref<8x64xf32, #tpu.memory_space<vmem>>, vector<8x64xf32>
      tpu.vector_store %arg9[%swap3A_473, %swap3A_474], %broadcast_in_dim3A_472 {strides = array<i32>} : memref<8x64xf32, #tpu.memory_space<vmem>>, vector<8x64xf32>,
    } else {
    }
    %get3A_459 = arith.constant 0 : index
    %get3A_460 = arith.constant 0 : index
    %get3A_461 = vector.load %arg9[%get3A_459, %get3A_460] : memref<8x64xf32, #tpu.memory_space<vmem>>, vector<8x64xf32>
    %add3A_462 = arith.addf %get3A_461, %select_n3A_454 : vector<8x64xf32>
    %swap3A_463 = arith.constant 0 : index
    %swap3A_464 = arith.constant 0 : index
    %swap3A_465 = vector.load %arg9[%swap3A_463, %swap3A_464] : memref<8x64xf32, #tpu.memory_space<vmem>>, vector<8x64xf32>
    tpu.vector_store %arg9[%swap3A_463, %swap3A_464], %add3A_462 {strides = array<i32>} : memref<8x64xf32, #tpu.memory_space<vmem>>, vector<8x64xf32>,
    %eq3A_466 = arith.constant 15 : i32
    %eq3A_467 = arith.cmpi eq, %arg0, %eq3A_466 : i32
    %convert_element_type3A_468 = arith.extui %eq3A_467 : i1 to i32
    %cond3A_469 = arith.constant 0 : i32
    %cond3A_470 = arith.cmpi ne, %convert_element_type3A_468, %cond3A_469 : i32
    scf.if %cond3A_470 {
      %get3A_471 = arith.constant 0 : index
      %get3A_472 = arith.constant 0 : index
      %get3A_473 = vector.load %arg9[%get3A_471, %get3A_472] : memref<8x64xf32, #tpu.memory_space<vmem>>, vector<8x64xf32>
      %swap3A_474 = arith.constant 0 : index
      %swap3A_475 = arith.constant 0 : index
      %swap3A_476 = vector.load %arg8[%swap3A_474, %swap3A_475] : memref<8x64xf32, #tpu.memory_space<vmem>>, vector<8x64xf32>
      tpu.vector_store %arg8[%swap3A_474, %swap3A_475], %get3A_473 {strides = array<i32>} : memref<8x64xf32, #tpu.memory_space<vmem>>, vector<8x64xf32>,
    } else {
    }
    return
  }
  func.func @transform_0(%arg0: i32) -> (i32, i32, i32) {
    %c0_i32 = arith.constant 0 : i32
    %c0_i32_0 = arith.constant 0 : i32
    %c0_i32_1 = arith.constant 0 : i32
    return %arg0, %c0_i32, %c0_i32_0 : i32, i32, i32
  }
  func.func @transform_1(%arg0: i32) -> (i32, i32, i32) {
    %c0_i32 = arith.constant 0 : i32
    %c0_i32_0 = arith.constant 0 : i32
    %c0_i32_1 = arith.constant 0 : i32
    return %arg0, %c0_i32, %c0_i32_0 : i32, i32, i32
  }
  func.func @transform_2(%arg0: i32) -> (i32, i32, i32) {
    %c0_i32 = arith.constant 0 : i32
    %c0_i32_0 = arith.constant 0 : i32
    %c0_i32_1 = arith.constant 0 : i32
    return %arg0, %c0_i32, %c0_i32_0 : i32, i32, i32
  }
  func.func @transform_3(%arg0: i32) -> (i32, i32, i32) {
    %c0_i32 = arith.constant 0 : i32
    %c0_i32_0 = arith.constant 0 : i32
    %c0_i32_1 = arith.constant 0 : i32
    return %arg0, %c0_i32, %c0_i32_0 : i32, i32, i32
  }
  func.func @transform_4(%arg0: i32) -> (i32, i32) {
    %c0_i32 = arith.constant 0 : i32
    %c0_i32_0 = arith.constant 0 : i32
    %c0_i32_1 = arith.constant 0 : i32
    return %c0_i32, %c0_i32_0 : i32, i32
  }
  func.func @transform_5(%arg0: i32) -> (i32, i32, i32) {
    %c0_i32 = arith.constant 0 : i32
    %c0_i32_0 = arith.constant 0 : i32
    %c0_i32_1 = arith.constant 0 : i32
    return %arg0, %c0_i32, %c0_i32_0 : i32, i32, i32
  }
  func.func @transform_6(%arg0: i32) -> (i32, i32, i32) {
    %c0_i32 = arith.constant 0 : i32
    %c0_i32_0 = arith.constant 0 : i32
    %c0_i32_1 = arith.constant 0 : i32
    return %arg0, %c0_i32, %c0_i32_0 : i32, i32, i32
  }
  func.func @transform_7(%arg0: i32) -> (i32, i32) {
    %c0_i32 = arith.constant 0 : i32
    %c0_i32_0 = arith.constant 0 : i32
    %c0_i32_1 = arith.constant 0 : i32
    return %c0_i32, %c0_i32_0 : i32, i32
  }
}

module attributes {stable_mosaic.version = 14 : i64} {
  func.func @_mid_body(%arg0: i32, %arg1: memref<1x512x64xf32, #tpu.memory_space<vmem>>, %arg2: memref<8x64xf32, #tpu.memory_space<vmem>>, %arg3: memref<1x512x8xf32, #tpu.memory_space<vmem>>, %arg4: memref<1x512x1xf32, #tpu.memory_space<vmem>>, %arg5: memref<1x1x512xf32, #tpu.memory_space<vmem>>, %arg6: memref<64x128xf32, #tpu.memory_space<vmem>>, %arg7: memref<8x64xf32, #tpu.memory_space<vmem>>, %arg8: memref<1x128x128xf32, #tpu.memory_space<vmem>>, %arg9: memref<1x32x64xf32, #tpu.memory_space<vmem>>, %arg10: memref<8x128xf32, #tpu.memory_space<vmem>>, %arg11: memref<8x128xf32, #tpu.memory_space<vmem>>) attributes {dimension_semantics = [#tpu.dimension_semantics<arbitrary>], iteration_bounds = array<i64: 32>, scalar_prefetch = 0 : i64, scratch_operands = 1 : i64, tpu.core_type = #tpu.core_type<tc>, window_params = [{transform_indices = @transform_0, window_bounds = array<i64: 1, 512, 64>}, {pipeline_mode = #tpu.pipeline_mode<synchronous>, transform_indices = @transform_1, window_bounds = array<i64: 8, 64>}, {transform_indices = @transform_2, window_bounds = array<i64: 1, 512, 8>}, {transform_indices = @transform_3, window_bounds = array<i64: 1, 512, 1>}, {transform_indices = @transform_4, window_bounds = array<i64: 1, 1, 512>}, {pipeline_mode = #tpu.pipeline_mode<synchronous>, transform_indices = @transform_5, window_bounds = array<i64: 64, 128>}, {pipeline_mode = #tpu.pipeline_mode<synchronous>, transform_indices = @transform_6, window_bounds = array<i64: 8, 64>}, {transform_indices = @transform_7, window_bounds = array<i64: 1, 128, 128>}, {transform_indices = @transform_8, window_bounds = array<i64: 1, 32, 64>}, {pipeline_mode = #tpu.pipeline_mode<synchronous>, transform_indices = @transform_9, window_bounds = array<i64: 8, 128>}]} {
    %get3A = arith.constant 0 : index
    %get3A_0 = arith.constant 0 : index
    %get3A_1 = arith.constant 0 : index
    %get3A_2 = vector.load %arg1[%get3A, %get3A_0, %get3A_1] : memref<1x512x64xf32, #tpu.memory_space<vmem>>, vector<1x512x64xf32>
    %get3A_3 = vector.shape_cast %get3A_2 : vector<1x512x64xf32> to vector<512x64xf32>
    %get3A_4 = arith.constant 0 : index
    %get3A_5 = arith.constant 0 : index
    %get3A_6 = vector.load %arg2[%get3A_4, %get3A_5] : memref<8x64xf32, #tpu.memory_space<vmem>>, vector<8x64xf32>
    %get3A_7 = arith.constant 0 : index
    %get3A_8 = arith.constant 0 : index
    %get3A_9 = vector.load %arg7[%get3A_7, %get3A_8] : memref<8x64xf32, #tpu.memory_space<vmem>>, vector<8x64xf32>
    %slice3A = vector.extract_strided_slice %get3A_6 {offsets = [0, 0], sizes = [1, 64], strides = [1, 1]} : vector<8x64xf32> to vector<1x64xf32>
    %div3A = arith.constant 1.638400e+04 : f32
    %div3A_10 = vector.broadcast %div3A : f32 to vector<1x64xf32>
    %div3A_11 = arith.divf %slice3A, %div3A_10 : vector<1x64xf32>
    %slice3A_12 = vector.extract_strided_slice %get3A_6 {offsets = [1, 0], sizes = [1, 64], strides = [1, 1]} : vector<8x64xf32> to vector<1x64xf32>
    %div3A_13 = arith.constant 1.638400e+04 : f32
    %div3A_14 = vector.broadcast %div3A_13 : f32 to vector<1x64xf32>
    %div3A_15 = arith.divf %slice3A_12, %div3A_14 : vector<1x64xf32>
    %mul3A = arith.mulf %div3A_11, %div3A_11 : vector<1x64xf32>
    %sub3A = arith.subf %div3A_15, %mul3A : vector<1x64xf32>
    %slice3A_16 = vector.extract_strided_slice %get3A_9 {offsets = [0, 0], sizes = [1, 64], strides = [1, 1]} : vector<8x64xf32> to vector<1x64xf32>
    %add3A = arith.constant 9.99999974E-6 : f32
    %add3A_17 = vector.broadcast %add3A : f32 to vector<1x64xf32>
    %add3A_18 = arith.addf %sub3A, %add3A_17 : vector<1x64xf32>
    %rsqrt3A = math.rsqrt %add3A_18 : vector<1x64xf32>
    %mul3A_19 = arith.mulf %slice3A_16, %rsqrt3A : vector<1x64xf32>
    %sub3A_20 = vector.broadcast %div3A_11 : vector<1x64xf32> to vector<512x64xf32>
    %sub3A_21 = arith.subf %get3A_3, %sub3A_20 : vector<512x64xf32>
    %mul3A_22 = vector.broadcast %mul3A_19 : vector<1x64xf32> to vector<512x64xf32>
    %mul3A_23 = arith.mulf %sub3A_21, %mul3A_22 : vector<512x64xf32>
    %slice3A_24 = vector.extract_strided_slice %get3A_9 {offsets = [1, 0], sizes = [1, 64], strides = [1, 1]} : vector<8x64xf32> to vector<1x64xf32>
    %add3A_25 = vector.broadcast %slice3A_24 : vector<1x64xf32> to vector<512x64xf32>
    %add3A_26 = arith.addf %mul3A_23, %add3A_25 : vector<512x64xf32>
    %ge3A = arith.constant 0.000000e+00 : f32
    %ge3A_27 = vector.broadcast %ge3A : f32 to vector<512x64xf32>
    %ge3A_28 = arith.cmpf oge, %add3A_26, %ge3A_27 : vector<512x64xf32>
    %mul3A_29 = arith.constant 2.000000e-01 : f32
    %mul3A_30 = vector.broadcast %mul3A_29 : f32 to vector<512x64xf32>
    %mul3A_31 = arith.mulf %mul3A_30, %add3A_26 : vector<512x64xf32>
    %select_n3A = arith.select %ge3A_28, %add3A_26, %mul3A_31 : vector<512x64xi1>, vector<512x64xf32>
    %get3A_32 = arith.constant 0 : index
    %get3A_33 = arith.constant 0 : index
    %get3A_34 = arith.constant 0 : index
    %get3A_35 = vector.load %arg3[%get3A_32, %get3A_33, %get3A_34] : memref<1x512x8xf32, #tpu.memory_space<vmem>>, vector<1x512x8xf32>
    %get3A_36 = vector.shape_cast %get3A_35 : vector<1x512x8xf32> to vector<512x8xf32>
    %get3A_37 = arith.constant 0 : index
    %get3A_38 = arith.constant 0 : index
    %get3A_39 = arith.constant 0 : index
    %get3A_40 = vector.load %arg4[%get3A_37, %get3A_38, %get3A_39] : memref<1x512x1xf32, #tpu.memory_space<vmem>>, vector<1x512x1xf32>
    %get3A_41 = vector.shape_cast %get3A_40 : vector<1x512x1xf32> to vector<512x1xf32>
    %get3A_42 = arith.constant 0 : index
    %get3A_43 = arith.constant 0 : index
    %get3A_44 = arith.constant 0 : index
    %get3A_45 = vector.load %arg5[%get3A_42, %get3A_43, %get3A_44] : memref<1x1x512xf32, #tpu.memory_space<vmem>>, vector<1x1x512xf32>
    %get3A_46 = vector.shape_cast %get3A_45 : vector<1x1x512xf32> to vector<1x512xf32>
    %slice3A_47 = vector.extract_strided_slice %get3A_36 {offsets = [0, 0], sizes = [128, 8], strides = [1, 1]} : vector<512x8xf32> to vector<128x8xf32>
    %convert_element_type3A = arith.truncf %slice3A_47 : vector<128x8xf32> to vector<128x8xbf16>
    %convert_element_type3A_48 = arith.truncf %get3A_36 : vector<512x8xf32> to vector<512x8xbf16>
    %dot_general3A = arith.constant dense<0.000000e+00> : vector<128x512xf32>
    %dot_general3A_49 = tpu.matmul %convert_element_type3A, %convert_element_type3A_48, %dot_general3A {dimension_numbers = #tpu.dot_dimension_numbers<[1], [1], [0], [0], [0, 0, 1, 0], [], []>, transpose_lhs_hint = false} : vector<128x8xbf16>, vector<512x8xbf16>, vector<128x512xf32> -> vector<128x512xf32>
    %slice3A_50 = vector.extract_strided_slice %get3A_41 {offsets = [0, 0], sizes = [128, 1], strides = [1, 1]} : vector<512x1xf32> to vector<128x1xf32>
    %mul3A_51 = arith.constant 2.000000e+00 : f32
    %mul3A_52 = vector.broadcast %mul3A_51 : f32 to vector<128x512xf32>
    %mul3A_53 = arith.mulf %mul3A_52, %dot_general3A_49 : vector<128x512xf32>
    %sub3A_54 = vector.broadcast %slice3A_50 : vector<128x1xf32> to vector<128x512xf32>
    %sub3A_55 = arith.subf %sub3A_54, %mul3A_53 : vector<128x512xf32>
    %add3A_56 = vector.broadcast %get3A_46 : vector<1x512xf32> to vector<128x512xf32>
    %add3A_57 = arith.addf %sub3A_55, %add3A_56 : vector<128x512xf32>
    %convert_element_type3A_58 = arith.truncf %select_n3A : vector<512x64xf32> to vector<512x64xbf16>
    %convert_element_type3A_59 = arith.extf %convert_element_type3A_58 : vector<512x64xbf16> to vector<512x64xf32>
    %sub3A_60 = arith.subf %select_n3A, %convert_element_type3A_59 : vector<512x64xf32>
    %convert_element_type3A_61 = arith.truncf %sub3A_60 : vector<512x64xf32> to vector<512x64xbf16>
    %convert_element_type3A_62 = arith.extf %convert_element_type3A_61 : vector<512x64xbf16> to vector<512x64xf32>
    %sub3A_63 = arith.subf %sub3A_60, %convert_element_type3A_62 : vector<512x64xf32>
    %convert_element_type3A_64 = arith.truncf %sub3A_63 : vector<512x64xf32> to vector<512x64xbf16>
    %iota3A = tpu.iota {dimensions = array<i32: 1>} : vector<128x512xi32>
    %broadcast_in_dim3A = arith.constant 0xFF800000 : f32
    %broadcast_in_dim3A_65 = vector.broadcast %broadcast_in_dim3A : f32 to vector<128x64xf32>
    %argmin3A = tpu.reduce_index %add3A_57 {axis = 1 : i32, kind = #tpu.reduction_kind<arg_min>} : vector<128x512xf32> -> vector<128xi32>
    %broadcast_in_dim3A_66 = vector.shape_cast %argmin3A : vector<128xi32> to vector<128x1xi32>
    %eq3A = vector.broadcast %broadcast_in_dim3A_66 : vector<128x1xi32> to vector<128x512xi32>
    %eq3A_67 = arith.cmpi eq, %iota3A, %eq3A : vector<128x512xi32>
    %jit3A = arith.constant 1.000000e+30 : f32
    %broadcast_in_dim3A_68 = vector.broadcast %jit3A : f32 to vector<128x512xf32>
    %select_n3A_69 = arith.select %eq3A_67, %broadcast_in_dim3A_68, %add3A_57 : vector<128x512xi1>, vector<128x512xf32>
    %convert_element_type3A_70 = arith.extui %eq3A_67 : vector<128x512xi1> to vector<128x512xi32>
    %convert_element_type3A_71 = arith.sitofp %convert_element_type3A_70 : vector<128x512xi32> to vector<128x512xf32>
    %convert_element_type3A_72 = arith.truncf %convert_element_type3A_71 : vector<128x512xf32> to vector<128x512xbf16>
    %dot_general3A_73 = arith.constant dense<0.000000e+00> : vector<128x64xf32>
    %dot_general3A_74 = tpu.matmul %convert_element_type3A_72, %convert_element_type3A_58, %dot_general3A_73 {dimension_numbers = #tpu.dot_dimension_numbers<[1], [0], [0], [1], [0, 0, 1, 1], [], []>, transpose_lhs_hint = false} : vector<128x512xbf16>, vector<512x64xbf16>, vector<128x64xf32> -> vector<128x64xf32>
    %dot_general3A_75 = arith.constant dense<0.000000e+00> : vector<128x64xf32>
    %dot_general3A_76 = tpu.matmul %convert_element_type3A_72, %convert_element_type3A_61, %dot_general3A_75 {dimension_numbers = #tpu.dot_dimension_numbers<[1], [0], [0], [1], [0, 0, 1, 1], [], []>, transpose_lhs_hint = false} : vector<128x512xbf16>, vector<512x64xbf16>, vector<128x64xf32> -> vector<128x64xf32>
    %add3A_77 = arith.addf %dot_general3A_74, %dot_general3A_76 : vector<128x64xf32>
    %dot_general3A_78 = arith.constant dense<0.000000e+00> : vector<128x64xf32>
    %dot_general3A_79 = tpu.matmul %convert_element_type3A_72, %convert_element_type3A_64, %dot_general3A_78 {dimension_numbers = #tpu.dot_dimension_numbers<[1], [0], [0], [1], [0, 0, 1, 1], [], []>, transpose_lhs_hint = false} : vector<128x512xbf16>, vector<512x64xbf16>, vector<128x64xf32> -> vector<128x64xf32>
    %add3A_80 = arith.addf %add3A_77, %dot_general3A_79 : vector<128x64xf32>
    %max3A = arith.maximumf %broadcast_in_dim3A_65, %add3A_80 : vector<128x64xf32>
    %argmin3A_81 = tpu.reduce_index %select_n3A_69 {axis = 1 : i32, kind = #tpu.reduction_kind<arg_min>} : vector<128x512xf32> -> vector<128xi32>
    %broadcast_in_dim3A_82 = vector.shape_cast %argmin3A_81 : vector<128xi32> to vector<128x1xi32>
    %eq3A_83 = vector.broadcast %broadcast_in_dim3A_82 : vector<128x1xi32> to vector<128x512xi32>
    %eq3A_84 = arith.cmpi eq, %iota3A, %eq3A_83 : vector<128x512xi32>
    %jit3A_85 = arith.constant 1.000000e+30 : f32
    %broadcast_in_dim3A_86 = vector.broadcast %jit3A_85 : f32 to vector<128x512xf32>
    %select_n3A_87 = arith.select %eq3A_84, %broadcast_in_dim3A_86, %select_n3A_69 : vector<128x512xi1>, vector<128x512xf32>
    %convert_element_type3A_88 = arith.extui %eq3A_84 : vector<128x512xi1> to vector<128x512xi32>
    %convert_element_type3A_89 = arith.sitofp %convert_element_type3A_88 : vector<128x512xi32> to vector<128x512xf32>
    %convert_element_type3A_90 = arith.truncf %convert_element_type3A_89 : vector<128x512xf32> to vector<128x512xbf16>
    %dot_general3A_91 = arith.constant dense<0.000000e+00> : vector<128x64xf32>
    %dot_general3A_92 = tpu.matmul %convert_element_type3A_90, %convert_element_type3A_58, %dot_general3A_91 {dimension_numbers = #tpu.dot_dimension_numbers<[1], [0], [0], [1], [0, 0, 1, 1], [], []>, transpose_lhs_hint = false} : vector<128x512xbf16>, vector<512x64xbf16>, vector<128x64xf32> -> vector<128x64xf32>
    %dot_general3A_93 = arith.constant dense<0.000000e+00> : vector<128x64xf32>
    %dot_general3A_94 = tpu.matmul %convert_element_type3A_90, %convert_element_type3A_61, %dot_general3A_93 {dimension_numbers = #tpu.dot_dimension_numbers<[1], [0], [0], [1], [0, 0, 1, 1], [], []>, transpose_lhs_hint = false} : vector<128x512xbf16>, vector<512x64xbf16>, vector<128x64xf32> -> vector<128x64xf32>
    %add3A_95 = arith.addf %dot_general3A_92, %dot_general3A_94 : vector<128x64xf32>
    %dot_general3A_96 = arith.constant dense<0.000000e+00> : vector<128x64xf32>
    %dot_general3A_97 = tpu.matmul %convert_element_type3A_90, %convert_element_type3A_64, %dot_general3A_96 {dimension_numbers = #tpu.dot_dimension_numbers<[1], [0], [0], [1], [0, 0, 1, 1], [], []>, transpose_lhs_hint = false} : vector<128x512xbf16>, vector<512x64xbf16>, vector<128x64xf32> -> vector<128x64xf32>
    %add3A_98 = arith.addf %add3A_95, %dot_general3A_97 : vector<128x64xf32>
    %max3A_99 = arith.maximumf %max3A, %add3A_98 : vector<128x64xf32>
    %argmin3A_100 = tpu.reduce_index %select_n3A_87 {axis = 1 : i32, kind = #tpu.reduction_kind<arg_min>} : vector<128x512xf32> -> vector<128xi32>
    %broadcast_in_dim3A_101 = vector.shape_cast %argmin3A_100 : vector<128xi32> to vector<128x1xi32>
    %eq3A_102 = vector.broadcast %broadcast_in_dim3A_101 : vector<128x1xi32> to vector<128x512xi32>
    %eq3A_103 = arith.cmpi eq, %iota3A, %eq3A_102 : vector<128x512xi32>
    %jit3A_104 = arith.constant 1.000000e+30 : f32
    %broadcast_in_dim3A_105 = vector.broadcast %jit3A_104 : f32 to vector<128x512xf32>
    %select_n3A_106 = arith.select %eq3A_103, %broadcast_in_dim3A_105, %select_n3A_87 : vector<128x512xi1>, vector<128x512xf32>
    %convert_element_type3A_107 = arith.extui %eq3A_103 : vector<128x512xi1> to vector<128x512xi32>
    %convert_element_type3A_108 = arith.sitofp %convert_element_type3A_107 : vector<128x512xi32> to vector<128x512xf32>
    %convert_element_type3A_109 = arith.truncf %convert_element_type3A_108 : vector<128x512xf32> to vector<128x512xbf16>
    %dot_general3A_110 = arith.constant dense<0.000000e+00> : vector<128x64xf32>
    %dot_general3A_111 = tpu.matmul %convert_element_type3A_109, %convert_element_type3A_58, %dot_general3A_110 {dimension_numbers = #tpu.dot_dimension_numbers<[1], [0], [0], [1], [0, 0, 1, 1], [], []>, transpose_lhs_hint = false} : vector<128x512xbf16>, vector<512x64xbf16>, vector<128x64xf32> -> vector<128x64xf32>
    %dot_general3A_112 = arith.constant dense<0.000000e+00> : vector<128x64xf32>
    %dot_general3A_113 = tpu.matmul %convert_element_type3A_109, %convert_element_type3A_61, %dot_general3A_112 {dimension_numbers = #tpu.dot_dimension_numbers<[1], [0], [0], [1], [0, 0, 1, 1], [], []>, transpose_lhs_hint = false} : vector<128x512xbf16>, vector<512x64xbf16>, vector<128x64xf32> -> vector<128x64xf32>
    %add3A_114 = arith.addf %dot_general3A_111, %dot_general3A_113 : vector<128x64xf32>
    %dot_general3A_115 = arith.constant dense<0.000000e+00> : vector<128x64xf32>
    %dot_general3A_116 = tpu.matmul %convert_element_type3A_109, %convert_element_type3A_64, %dot_general3A_115 {dimension_numbers = #tpu.dot_dimension_numbers<[1], [0], [0], [1], [0, 0, 1, 1], [], []>, transpose_lhs_hint = false} : vector<128x512xbf16>, vector<512x64xbf16>, vector<128x64xf32> -> vector<128x64xf32>
    %add3A_117 = arith.addf %add3A_114, %dot_general3A_116 : vector<128x64xf32>
    %max3A_118 = arith.maximumf %max3A_99, %add3A_117 : vector<128x64xf32>
    %argmin3A_119 = tpu.reduce_index %select_n3A_106 {axis = 1 : i32, kind = #tpu.reduction_kind<arg_min>} : vector<128x512xf32> -> vector<128xi32>
    %broadcast_in_dim3A_120 = vector.shape_cast %argmin3A_119 : vector<128xi32> to vector<128x1xi32>
    %eq3A_121 = vector.broadcast %broadcast_in_dim3A_120 : vector<128x1xi32> to vector<128x512xi32>
    %eq3A_122 = arith.cmpi eq, %iota3A, %eq3A_121 : vector<128x512xi32>
    %jit3A_123 = arith.constant 1.000000e+30 : f32
    %broadcast_in_dim3A_124 = vector.broadcast %jit3A_123 : f32 to vector<128x512xf32>
    %select_n3A_125 = arith.select %eq3A_122, %broadcast_in_dim3A_124, %select_n3A_106 : vector<128x512xi1>, vector<128x512xf32>
    %convert_element_type3A_126 = arith.extui %eq3A_122 : vector<128x512xi1> to vector<128x512xi32>
    %convert_element_type3A_127 = arith.sitofp %convert_element_type3A_126 : vector<128x512xi32> to vector<128x512xf32>
    %convert_element_type3A_128 = arith.truncf %convert_element_type3A_127 : vector<128x512xf32> to vector<128x512xbf16>
    %dot_general3A_129 = arith.constant dense<0.000000e+00> : vector<128x64xf32>
    %dot_general3A_130 = tpu.matmul %convert_element_type3A_128, %convert_element_type3A_58, %dot_general3A_129 {dimension_numbers = #tpu.dot_dimension_numbers<[1], [0], [0], [1], [0, 0, 1, 1], [], []>, transpose_lhs_hint = false} : vector<128x512xbf16>, vector<512x64xbf16>, vector<128x64xf32> -> vector<128x64xf32>
    %dot_general3A_131 = arith.constant dense<0.000000e+00> : vector<128x64xf32>
    %dot_general3A_132 = tpu.matmul %convert_element_type3A_128, %convert_element_type3A_61, %dot_general3A_131 {dimension_numbers = #tpu.dot_dimension_numbers<[1], [0], [0], [1], [0, 0, 1, 1], [], []>, transpose_lhs_hint = false} : vector<128x512xbf16>, vector<512x64xbf16>, vector<128x64xf32> -> vector<128x64xf32>
    %add3A_133 = arith.addf %dot_general3A_130, %dot_general3A_132 : vector<128x64xf32>
    %dot_general3A_134 = arith.constant dense<0.000000e+00> : vector<128x64xf32>
    %dot_general3A_135 = tpu.matmul %convert_element_type3A_128, %convert_element_type3A_64, %dot_general3A_134 {dimension_numbers = #tpu.dot_dimension_numbers<[1], [0], [0], [1], [0, 0, 1, 1], [], []>, transpose_lhs_hint = false} : vector<128x512xbf16>, vector<512x64xbf16>, vector<128x64xf32> -> vector<128x64xf32>
    %add3A_136 = arith.addf %add3A_133, %dot_general3A_135 : vector<128x64xf32>
    %max3A_137 = arith.maximumf %max3A_118, %add3A_136 : vector<128x64xf32>
    %argmin3A_138 = tpu.reduce_index %select_n3A_125 {axis = 1 : i32, kind = #tpu.reduction_kind<arg_min>} : vector<128x512xf32> -> vector<128xi32>
    %broadcast_in_dim3A_139 = vector.shape_cast %argmin3A_138 : vector<128xi32> to vector<128x1xi32>
    %eq3A_140 = vector.broadcast %broadcast_in_dim3A_139 : vector<128x1xi32> to vector<128x512xi32>
    %eq3A_141 = arith.cmpi eq, %iota3A, %eq3A_140 : vector<128x512xi32>
    %jit3A_142 = arith.constant 1.000000e+30 : f32
    %broadcast_in_dim3A_143 = vector.broadcast %jit3A_142 : f32 to vector<128x512xf32>
    %select_n3A_144 = arith.select %eq3A_141, %broadcast_in_dim3A_143, %select_n3A_125 : vector<128x512xi1>, vector<128x512xf32>
    %convert_element_type3A_145 = arith.extui %eq3A_141 : vector<128x512xi1> to vector<128x512xi32>
    %convert_element_type3A_146 = arith.sitofp %convert_element_type3A_145 : vector<128x512xi32> to vector<128x512xf32>
    %convert_element_type3A_147 = arith.truncf %convert_element_type3A_146 : vector<128x512xf32> to vector<128x512xbf16>
    %dot_general3A_148 = arith.constant dense<0.000000e+00> : vector<128x64xf32>
    %dot_general3A_149 = tpu.matmul %convert_element_type3A_147, %convert_element_type3A_58, %dot_general3A_148 {dimension_numbers = #tpu.dot_dimension_numbers<[1], [0], [0], [1], [0, 0, 1, 1], [], []>, transpose_lhs_hint = false} : vector<128x512xbf16>, vector<512x64xbf16>, vector<128x64xf32> -> vector<128x64xf32>
    %dot_general3A_150 = arith.constant dense<0.000000e+00> : vector<128x64xf32>
    %dot_general3A_151 = tpu.matmul %convert_element_type3A_147, %convert_element_type3A_61, %dot_general3A_150 {dimension_numbers = #tpu.dot_dimension_numbers<[1], [0], [0], [1], [0, 0, 1, 1], [], []>, transpose_lhs_hint = false} : vector<128x512xbf16>, vector<512x64xbf16>, vector<128x64xf32> -> vector<128x64xf32>
    %add3A_152 = arith.addf %dot_general3A_149, %dot_general3A_151 : vector<128x64xf32>
    %dot_general3A_153 = arith.constant dense<0.000000e+00> : vector<128x64xf32>
    %dot_general3A_154 = tpu.matmul %convert_element_type3A_147, %convert_element_type3A_64, %dot_general3A_153 {dimension_numbers = #tpu.dot_dimension_numbers<[1], [0], [0], [1], [0, 0, 1, 1], [], []>, transpose_lhs_hint = false} : vector<128x512xbf16>, vector<512x64xbf16>, vector<128x64xf32> -> vector<128x64xf32>
    %add3A_155 = arith.addf %add3A_152, %dot_general3A_154 : vector<128x64xf32>
    %max3A_156 = arith.maximumf %max3A_137, %add3A_155 : vector<128x64xf32>
    %argmin3A_157 = tpu.reduce_index %select_n3A_144 {axis = 1 : i32, kind = #tpu.reduction_kind<arg_min>} : vector<128x512xf32> -> vector<128xi32>
    %broadcast_in_dim3A_158 = vector.shape_cast %argmin3A_157 : vector<128xi32> to vector<128x1xi32>
    %eq3A_159 = vector.broadcast %broadcast_in_dim3A_158 : vector<128x1xi32> to vector<128x512xi32>
    %eq3A_160 = arith.cmpi eq, %iota3A, %eq3A_159 : vector<128x512xi32>
    %jit3A_161 = arith.constant 1.000000e+30 : f32
    %broadcast_in_dim3A_162 = vector.broadcast %jit3A_161 : f32 to vector<128x512xf32>
    %select_n3A_163 = arith.select %eq3A_160, %broadcast_in_dim3A_162, %select_n3A_144 : vector<128x512xi1>, vector<128x512xf32>
    %convert_element_type3A_164 = arith.extui %eq3A_160 : vector<128x512xi1> to vector<128x512xi32>
    %convert_element_type3A_165 = arith.sitofp %convert_element_type3A_164 : vector<128x512xi32> to vector<128x512xf32>
    %convert_element_type3A_166 = arith.truncf %convert_element_type3A_165 : vector<128x512xf32> to vector<128x512xbf16>
    %dot_general3A_167 = arith.constant dense<0.000000e+00> : vector<128x64xf32>
    %dot_general3A_168 = tpu.matmul %convert_element_type3A_166, %convert_element_type3A_58, %dot_general3A_167 {dimension_numbers = #tpu.dot_dimension_numbers<[1], [0], [0], [1], [0, 0, 1, 1], [], []>, transpose_lhs_hint = false} : vector<128x512xbf16>, vector<512x64xbf16>, vector<128x64xf32> -> vector<128x64xf32>
    %dot_general3A_169 = arith.constant dense<0.000000e+00> : vector<128x64xf32>
    %dot_general3A_170 = tpu.matmul %convert_element_type3A_166, %convert_element_type3A_61, %dot_general3A_169 {dimension_numbers = #tpu.dot_dimension_numbers<[1], [0], [0], [1], [0, 0, 1, 1], [], []>, transpose_lhs_hint = false} : vector<128x512xbf16>, vector<512x64xbf16>, vector<128x64xf32> -> vector<128x64xf32>
    %add3A_171 = arith.addf %dot_general3A_168, %dot_general3A_170 : vector<128x64xf32>
    %dot_general3A_172 = arith.constant dense<0.000000e+00> : vector<128x64xf32>
    %dot_general3A_173 = tpu.matmul %convert_element_type3A_166, %convert_element_type3A_64, %dot_general3A_172 {dimension_numbers = #tpu.dot_dimension_numbers<[1], [0], [0], [1], [0, 0, 1, 1], [], []>, transpose_lhs_hint = false} : vector<128x512xbf16>, vector<512x64xbf16>, vector<128x64xf32> -> vector<128x64xf32>
    %add3A_174 = arith.addf %add3A_171, %dot_general3A_173 : vector<128x64xf32>
    %max3A_175 = arith.maximumf %max3A_156, %add3A_174 : vector<128x64xf32>
    %argmin3A_176 = tpu.reduce_index %select_n3A_163 {axis = 1 : i32, kind = #tpu.reduction_kind<arg_min>} : vector<128x512xf32> -> vector<128xi32>
    %broadcast_in_dim3A_177 = vector.shape_cast %argmin3A_176 : vector<128xi32> to vector<128x1xi32>
    %eq3A_178 = vector.broadcast %broadcast_in_dim3A_177 : vector<128x1xi32> to vector<128x512xi32>
    %eq3A_179 = arith.cmpi eq, %iota3A, %eq3A_178 : vector<128x512xi32>
    %jit3A_180 = arith.constant 1.000000e+30 : f32
    %broadcast_in_dim3A_181 = vector.broadcast %jit3A_180 : f32 to vector<128x512xf32>
    %select_n3A_182 = arith.select %eq3A_179, %broadcast_in_dim3A_181, %select_n3A_163 : vector<128x512xi1>, vector<128x512xf32>
    %convert_element_type3A_183 = arith.extui %eq3A_179 : vector<128x512xi1> to vector<128x512xi32>
    %convert_element_type3A_184 = arith.sitofp %convert_element_type3A_183 : vector<128x512xi32> to vector<128x512xf32>
    %convert_element_type3A_185 = arith.truncf %convert_element_type3A_184 : vector<128x512xf32> to vector<128x512xbf16>
    %dot_general3A_186 = arith.constant dense<0.000000e+00> : vector<128x64xf32>
    %dot_general3A_187 = tpu.matmul %convert_element_type3A_185, %convert_element_type3A_58, %dot_general3A_186 {dimension_numbers = #tpu.dot_dimension_numbers<[1], [0], [0], [1], [0, 0, 1, 1], [], []>, transpose_lhs_hint = false} : vector<128x512xbf16>, vector<512x64xbf16>, vector<128x64xf32> -> vector<128x64xf32>
    %dot_general3A_188 = arith.constant dense<0.000000e+00> : vector<128x64xf32>
    %dot_general3A_189 = tpu.matmul %convert_element_type3A_185, %convert_element_type3A_61, %dot_general3A_188 {dimension_numbers = #tpu.dot_dimension_numbers<[1], [0], [0], [1], [0, 0, 1, 1], [], []>, transpose_lhs_hint = false} : vector<128x512xbf16>, vector<512x64xbf16>, vector<128x64xf32> -> vector<128x64xf32>
    %add3A_190 = arith.addf %dot_general3A_187, %dot_general3A_189 : vector<128x64xf32>
    %dot_general3A_191 = arith.constant dense<0.000000e+00> : vector<128x64xf32>
    %dot_general3A_192 = tpu.matmul %convert_element_type3A_185, %convert_element_type3A_64, %dot_general3A_191 {dimension_numbers = #tpu.dot_dimension_numbers<[1], [0], [0], [1], [0, 0, 1, 1], [], []>, transpose_lhs_hint = false} : vector<128x512xbf16>, vector<512x64xbf16>, vector<128x64xf32> -> vector<128x64xf32>
    %add3A_193 = arith.addf %add3A_190, %dot_general3A_192 : vector<128x64xf32>
    %max3A_194 = arith.maximumf %max3A_175, %add3A_193 : vector<128x64xf32>
    %argmin3A_195 = tpu.reduce_index %select_n3A_182 {axis = 1 : i32, kind = #tpu.reduction_kind<arg_min>} : vector<128x512xf32> -> vector<128xi32>
    %broadcast_in_dim3A_196 = vector.shape_cast %argmin3A_195 : vector<128xi32> to vector<128x1xi32>
    %eq3A_197 = vector.broadcast %broadcast_in_dim3A_196 : vector<128x1xi32> to vector<128x512xi32>
    %eq3A_198 = arith.cmpi eq, %iota3A, %eq3A_197 : vector<128x512xi32>
    %jit3A_199 = arith.constant 1.000000e+30 : f32
    %broadcast_in_dim3A_200 = vector.broadcast %jit3A_199 : f32 to vector<128x512xf32>
    %select_n3A_201 = arith.select %eq3A_198, %broadcast_in_dim3A_200, %select_n3A_182 : vector<128x512xi1>, vector<128x512xf32>
    %convert_element_type3A_202 = arith.extui %eq3A_198 : vector<128x512xi1> to vector<128x512xi32>
    %convert_element_type3A_203 = arith.sitofp %convert_element_type3A_202 : vector<128x512xi32> to vector<128x512xf32>
    %convert_element_type3A_204 = arith.truncf %convert_element_type3A_203 : vector<128x512xf32> to vector<128x512xbf16>
    %dot_general3A_205 = arith.constant dense<0.000000e+00> : vector<128x64xf32>
    %dot_general3A_206 = tpu.matmul %convert_element_type3A_204, %convert_element_type3A_58, %dot_general3A_205 {dimension_numbers = #tpu.dot_dimension_numbers<[1], [0], [0], [1], [0, 0, 1, 1], [], []>, transpose_lhs_hint = false} : vector<128x512xbf16>, vector<512x64xbf16>, vector<128x64xf32> -> vector<128x64xf32>
    %dot_general3A_207 = arith.constant dense<0.000000e+00> : vector<128x64xf32>
    %dot_general3A_208 = tpu.matmul %convert_element_type3A_204, %convert_element_type3A_61, %dot_general3A_207 {dimension_numbers = #tpu.dot_dimension_numbers<[1], [0], [0], [1], [0, 0, 1, 1], [], []>, transpose_lhs_hint = false} : vector<128x512xbf16>, vector<512x64xbf16>, vector<128x64xf32> -> vector<128x64xf32>
    %add3A_209 = arith.addf %dot_general3A_206, %dot_general3A_208 : vector<128x64xf32>
    %dot_general3A_210 = arith.constant dense<0.000000e+00> : vector<128x64xf32>
    %dot_general3A_211 = tpu.matmul %convert_element_type3A_204, %convert_element_type3A_64, %dot_general3A_210 {dimension_numbers = #tpu.dot_dimension_numbers<[1], [0], [0], [1], [0, 0, 1, 1], [], []>, transpose_lhs_hint = false} : vector<128x512xbf16>, vector<512x64xbf16>, vector<128x64xf32> -> vector<128x64xf32>
    %add3A_212 = arith.addf %add3A_209, %dot_general3A_211 : vector<128x64xf32>
    %max3A_213 = arith.maximumf %max3A_194, %add3A_212 : vector<128x64xf32>
    %argmin3A_214 = tpu.reduce_index %select_n3A_201 {axis = 1 : i32, kind = #tpu.reduction_kind<arg_min>} : vector<128x512xf32> -> vector<128xi32>
    %broadcast_in_dim3A_215 = vector.shape_cast %argmin3A_214 : vector<128xi32> to vector<128x1xi32>
    %eq3A_216 = vector.broadcast %broadcast_in_dim3A_215 : vector<128x1xi32> to vector<128x512xi32>
    %eq3A_217 = arith.cmpi eq, %iota3A, %eq3A_216 : vector<128x512xi32>
    %jit3A_218 = arith.constant 1.000000e+30 : f32
    %broadcast_in_dim3A_219 = vector.broadcast %jit3A_218 : f32 to vector<128x512xf32>
    %select_n3A_220 = arith.select %eq3A_217, %broadcast_in_dim3A_219, %select_n3A_201 : vector<128x512xi1>, vector<128x512xf32>
    %convert_element_type3A_221 = arith.extui %eq3A_217 : vector<128x512xi1> to vector<128x512xi32>
    %convert_element_type3A_222 = arith.sitofp %convert_element_type3A_221 : vector<128x512xi32> to vector<128x512xf32>
    %convert_element_type3A_223 = arith.truncf %convert_element_type3A_222 : vector<128x512xf32> to vector<128x512xbf16>
    %dot_general3A_224 = arith.constant dense<0.000000e+00> : vector<128x64xf32>
    %dot_general3A_225 = tpu.matmul %convert_element_type3A_223, %convert_element_type3A_58, %dot_general3A_224 {dimension_numbers = #tpu.dot_dimension_numbers<[1], [0], [0], [1], [0, 0, 1, 1], [], []>, transpose_lhs_hint = false} : vector<128x512xbf16>, vector<512x64xbf16>, vector<128x64xf32> -> vector<128x64xf32>
    %dot_general3A_226 = arith.constant dense<0.000000e+00> : vector<128x64xf32>
    %dot_general3A_227 = tpu.matmul %convert_element_type3A_223, %convert_element_type3A_61, %dot_general3A_226 {dimension_numbers = #tpu.dot_dimension_numbers<[1], [0], [0], [1], [0, 0, 1, 1], [], []>, transpose_lhs_hint = false} : vector<128x512xbf16>, vector<512x64xbf16>, vector<128x64xf32> -> vector<128x64xf32>
    %add3A_228 = arith.addf %dot_general3A_225, %dot_general3A_227 : vector<128x64xf32>
    %dot_general3A_229 = arith.constant dense<0.000000e+00> : vector<128x64xf32>
    %dot_general3A_230 = tpu.matmul %convert_element_type3A_223, %convert_element_type3A_64, %dot_general3A_229 {dimension_numbers = #tpu.dot_dimension_numbers<[1], [0], [0], [1], [0, 0, 1, 1], [], []>, transpose_lhs_hint = false} : vector<128x512xbf16>, vector<512x64xbf16>, vector<128x64xf32> -> vector<128x64xf32>
    %add3A_231 = arith.addf %add3A_228, %dot_general3A_230 : vector<128x64xf32>
    %max3A_232 = arith.maximumf %max3A_213, %add3A_231 : vector<128x64xf32>
    %argmin3A_233 = tpu.reduce_index %select_n3A_220 {axis = 1 : i32, kind = #tpu.reduction_kind<arg_min>} : vector<128x512xf32> -> vector<128xi32>
    %broadcast_in_dim3A_234 = vector.shape_cast %argmin3A_233 : vector<128xi32> to vector<128x1xi32>
    %eq3A_235 = vector.broadcast %broadcast_in_dim3A_234 : vector<128x1xi32> to vector<128x512xi32>
    %eq3A_236 = arith.cmpi eq, %iota3A, %eq3A_235 : vector<128x512xi32>
    %jit3A_237 = arith.constant 1.000000e+30 : f32
    %broadcast_in_dim3A_238 = vector.broadcast %jit3A_237 : f32 to vector<128x512xf32>
    %select_n3A_239 = arith.select %eq3A_236, %broadcast_in_dim3A_238, %select_n3A_220 : vector<128x512xi1>, vector<128x512xf32>
    %convert_element_type3A_240 = arith.extui %eq3A_236 : vector<128x512xi1> to vector<128x512xi32>
    %convert_element_type3A_241 = arith.sitofp %convert_element_type3A_240 : vector<128x512xi32> to vector<128x512xf32>
    %convert_element_type3A_242 = arith.truncf %convert_element_type3A_241 : vector<128x512xf32> to vector<128x512xbf16>
    %dot_general3A_243 = arith.constant dense<0.000000e+00> : vector<128x64xf32>
    %dot_general3A_244 = tpu.matmul %convert_element_type3A_242, %convert_element_type3A_58, %dot_general3A_243 {dimension_numbers = #tpu.dot_dimension_numbers<[1], [0], [0], [1], [0, 0, 1, 1], [], []>, transpose_lhs_hint = false} : vector<128x512xbf16>, vector<512x64xbf16>, vector<128x64xf32> -> vector<128x64xf32>
    %dot_general3A_245 = arith.constant dense<0.000000e+00> : vector<128x64xf32>
    %dot_general3A_246 = tpu.matmul %convert_element_type3A_242, %convert_element_type3A_61, %dot_general3A_245 {dimension_numbers = #tpu.dot_dimension_numbers<[1], [0], [0], [1], [0, 0, 1, 1], [], []>, transpose_lhs_hint = false} : vector<128x512xbf16>, vector<512x64xbf16>, vector<128x64xf32> -> vector<128x64xf32>
    %add3A_247 = arith.addf %dot_general3A_244, %dot_general3A_246 : vector<128x64xf32>
    %dot_general3A_248 = arith.constant dense<0.000000e+00> : vector<128x64xf32>
    %dot_general3A_249 = tpu.matmul %convert_element_type3A_242, %convert_element_type3A_64, %dot_general3A_248 {dimension_numbers = #tpu.dot_dimension_numbers<[1], [0], [0], [1], [0, 0, 1, 1], [], []>, transpose_lhs_hint = false} : vector<128x512xbf16>, vector<512x64xbf16>, vector<128x64xf32> -> vector<128x64xf32>
    %add3A_250 = arith.addf %add3A_247, %dot_general3A_249 : vector<128x64xf32>
    %max3A_251 = arith.maximumf %max3A_232, %add3A_250 : vector<128x64xf32>
    %argmin3A_252 = tpu.reduce_index %select_n3A_239 {axis = 1 : i32, kind = #tpu.reduction_kind<arg_min>} : vector<128x512xf32> -> vector<128xi32>
    %broadcast_in_dim3A_253 = vector.shape_cast %argmin3A_252 : vector<128xi32> to vector<128x1xi32>
    %eq3A_254 = vector.broadcast %broadcast_in_dim3A_253 : vector<128x1xi32> to vector<128x512xi32>
    %eq3A_255 = arith.cmpi eq, %iota3A, %eq3A_254 : vector<128x512xi32>
    %jit3A_256 = arith.constant 1.000000e+30 : f32
    %broadcast_in_dim3A_257 = vector.broadcast %jit3A_256 : f32 to vector<128x512xf32>
    %select_n3A_258 = arith.select %eq3A_255, %broadcast_in_dim3A_257, %select_n3A_239 : vector<128x512xi1>, vector<128x512xf32>
    %convert_element_type3A_259 = arith.extui %eq3A_255 : vector<128x512xi1> to vector<128x512xi32>
    %convert_element_type3A_260 = arith.sitofp %convert_element_type3A_259 : vector<128x512xi32> to vector<128x512xf32>
    %convert_element_type3A_261 = arith.truncf %convert_element_type3A_260 : vector<128x512xf32> to vector<128x512xbf16>
    %dot_general3A_262 = arith.constant dense<0.000000e+00> : vector<128x64xf32>
    %dot_general3A_263 = tpu.matmul %convert_element_type3A_261, %convert_element_type3A_58, %dot_general3A_262 {dimension_numbers = #tpu.dot_dimension_numbers<[1], [0], [0], [1], [0, 0, 1, 1], [], []>, transpose_lhs_hint = false} : vector<128x512xbf16>, vector<512x64xbf16>, vector<128x64xf32> -> vector<128x64xf32>
    %dot_general3A_264 = arith.constant dense<0.000000e+00> : vector<128x64xf32>
    %dot_general3A_265 = tpu.matmul %convert_element_type3A_261, %convert_element_type3A_61, %dot_general3A_264 {dimension_numbers = #tpu.dot_dimension_numbers<[1], [0], [0], [1], [0, 0, 1, 1], [], []>, transpose_lhs_hint = false} : vector<128x512xbf16>, vector<512x64xbf16>, vector<128x64xf32> -> vector<128x64xf32>
    %add3A_266 = arith.addf %dot_general3A_263, %dot_general3A_265 : vector<128x64xf32>
    %dot_general3A_267 = arith.constant dense<0.000000e+00> : vector<128x64xf32>
    %dot_general3A_268 = tpu.matmul %convert_element_type3A_261, %convert_element_type3A_64, %dot_general3A_267 {dimension_numbers = #tpu.dot_dimension_numbers<[1], [0], [0], [1], [0, 0, 1, 1], [], []>, transpose_lhs_hint = false} : vector<128x512xbf16>, vector<512x64xbf16>, vector<128x64xf32> -> vector<128x64xf32>
    %add3A_269 = arith.addf %add3A_266, %dot_general3A_268 : vector<128x64xf32>
    %max3A_270 = arith.maximumf %max3A_251, %add3A_269 : vector<128x64xf32>
    %argmin3A_271 = tpu.reduce_index %select_n3A_258 {axis = 1 : i32, kind = #tpu.reduction_kind<arg_min>} : vector<128x512xf32> -> vector<128xi32>
    %broadcast_in_dim3A_272 = vector.shape_cast %argmin3A_271 : vector<128xi32> to vector<128x1xi32>
    %eq3A_273 = vector.broadcast %broadcast_in_dim3A_272 : vector<128x1xi32> to vector<128x512xi32>
    %eq3A_274 = arith.cmpi eq, %iota3A, %eq3A_273 : vector<128x512xi32>
    %jit3A_275 = arith.constant 1.000000e+30 : f32
    %broadcast_in_dim3A_276 = vector.broadcast %jit3A_275 : f32 to vector<128x512xf32>
    %select_n3A_277 = arith.select %eq3A_274, %broadcast_in_dim3A_276, %select_n3A_258 : vector<128x512xi1>, vector<128x512xf32>
    %convert_element_type3A_278 = arith.extui %eq3A_274 : vector<128x512xi1> to vector<128x512xi32>
    %convert_element_type3A_279 = arith.sitofp %convert_element_type3A_278 : vector<128x512xi32> to vector<128x512xf32>
    %convert_element_type3A_280 = arith.truncf %convert_element_type3A_279 : vector<128x512xf32> to vector<128x512xbf16>
    %dot_general3A_281 = arith.constant dense<0.000000e+00> : vector<128x64xf32>
    %dot_general3A_282 = tpu.matmul %convert_element_type3A_280, %convert_element_type3A_58, %dot_general3A_281 {dimension_numbers = #tpu.dot_dimension_numbers<[1], [0], [0], [1], [0, 0, 1, 1], [], []>, transpose_lhs_hint = false} : vector<128x512xbf16>, vector<512x64xbf16>, vector<128x64xf32> -> vector<128x64xf32>
    %dot_general3A_283 = arith.constant dense<0.000000e+00> : vector<128x64xf32>
    %dot_general3A_284 = tpu.matmul %convert_element_type3A_280, %convert_element_type3A_61, %dot_general3A_283 {dimension_numbers = #tpu.dot_dimension_numbers<[1], [0], [0], [1], [0, 0, 1, 1], [], []>, transpose_lhs_hint = false} : vector<128x512xbf16>, vector<512x64xbf16>, vector<128x64xf32> -> vector<128x64xf32>
    %add3A_285 = arith.addf %dot_general3A_282, %dot_general3A_284 : vector<128x64xf32>
    %dot_general3A_286 = arith.constant dense<0.000000e+00> : vector<128x64xf32>
    %dot_general3A_287 = tpu.matmul %convert_element_type3A_280, %convert_element_type3A_64, %dot_general3A_286 {dimension_numbers = #tpu.dot_dimension_numbers<[1], [0], [0], [1], [0, 0, 1, 1], [], []>, transpose_lhs_hint = false} : vector<128x512xbf16>, vector<512x64xbf16>, vector<128x64xf32> -> vector<128x64xf32>
    %add3A_288 = arith.addf %add3A_285, %dot_general3A_287 : vector<128x64xf32>
    %max3A_289 = arith.maximumf %max3A_270, %add3A_288 : vector<128x64xf32>
    %argmin3A_290 = tpu.reduce_index %select_n3A_277 {axis = 1 : i32, kind = #tpu.reduction_kind<arg_min>} : vector<128x512xf32> -> vector<128xi32>
    %broadcast_in_dim3A_291 = vector.shape_cast %argmin3A_290 : vector<128xi32> to vector<128x1xi32>
    %eq3A_292 = vector.broadcast %broadcast_in_dim3A_291 : vector<128x1xi32> to vector<128x512xi32>
    %eq3A_293 = arith.cmpi eq, %iota3A, %eq3A_292 : vector<128x512xi32>
    %jit3A_294 = arith.constant 1.000000e+30 : f32
    %broadcast_in_dim3A_295 = vector.broadcast %jit3A_294 : f32 to vector<128x512xf32>
    %select_n3A_296 = arith.select %eq3A_293, %broadcast_in_dim3A_295, %select_n3A_277 : vector<128x512xi1>, vector<128x512xf32>
    %convert_element_type3A_297 = arith.extui %eq3A_293 : vector<128x512xi1> to vector<128x512xi32>
    %convert_element_type3A_298 = arith.sitofp %convert_element_type3A_297 : vector<128x512xi32> to vector<128x512xf32>
    %convert_element_type3A_299 = arith.truncf %convert_element_type3A_298 : vector<128x512xf32> to vector<128x512xbf16>
    %dot_general3A_300 = arith.constant dense<0.000000e+00> : vector<128x64xf32>
    %dot_general3A_301 = tpu.matmul %convert_element_type3A_299, %convert_element_type3A_58, %dot_general3A_300 {dimension_numbers = #tpu.dot_dimension_numbers<[1], [0], [0], [1], [0, 0, 1, 1], [], []>, transpose_lhs_hint = false} : vector<128x512xbf16>, vector<512x64xbf16>, vector<128x64xf32> -> vector<128x64xf32>
    %dot_general3A_302 = arith.constant dense<0.000000e+00> : vector<128x64xf32>
    %dot_general3A_303 = tpu.matmul %convert_element_type3A_299, %convert_element_type3A_61, %dot_general3A_302 {dimension_numbers = #tpu.dot_dimension_numbers<[1], [0], [0], [1], [0, 0, 1, 1], [], []>, transpose_lhs_hint = false} : vector<128x512xbf16>, vector<512x64xbf16>, vector<128x64xf32> -> vector<128x64xf32>
    %add3A_304 = arith.addf %dot_general3A_301, %dot_general3A_303 : vector<128x64xf32>
    %dot_general3A_305 = arith.constant dense<0.000000e+00> : vector<128x64xf32>
    %dot_general3A_306 = tpu.matmul %convert_element_type3A_299, %convert_element_type3A_64, %dot_general3A_305 {dimension_numbers = #tpu.dot_dimension_numbers<[1], [0], [0], [1], [0, 0, 1, 1], [], []>, transpose_lhs_hint = false} : vector<128x512xbf16>, vector<512x64xbf16>, vector<128x64xf32> -> vector<128x64xf32>
    %add3A_307 = arith.addf %add3A_304, %dot_general3A_306 : vector<128x64xf32>
    %max3A_308 = arith.maximumf %max3A_289, %add3A_307 : vector<128x64xf32>
    %argmin3A_309 = tpu.reduce_index %select_n3A_296 {axis = 1 : i32, kind = #tpu.reduction_kind<arg_min>} : vector<128x512xf32> -> vector<128xi32>
    %broadcast_in_dim3A_310 = vector.shape_cast %argmin3A_309 : vector<128xi32> to vector<128x1xi32>
    %eq3A_311 = vector.broadcast %broadcast_in_dim3A_310 : vector<128x1xi32> to vector<128x512xi32>
    %eq3A_312 = arith.cmpi eq, %iota3A, %eq3A_311 : vector<128x512xi32>
    %jit3A_313 = arith.constant 1.000000e+30 : f32
    %broadcast_in_dim3A_314 = vector.broadcast %jit3A_313 : f32 to vector<128x512xf32>
    %select_n3A_315 = arith.select %eq3A_312, %broadcast_in_dim3A_314, %select_n3A_296 : vector<128x512xi1>, vector<128x512xf32>
    %convert_element_type3A_316 = arith.extui %eq3A_312 : vector<128x512xi1> to vector<128x512xi32>
    %convert_element_type3A_317 = arith.sitofp %convert_element_type3A_316 : vector<128x512xi32> to vector<128x512xf32>
    %convert_element_type3A_318 = arith.truncf %convert_element_type3A_317 : vector<128x512xf32> to vector<128x512xbf16>
    %dot_general3A_319 = arith.constant dense<0.000000e+00> : vector<128x64xf32>
    %dot_general3A_320 = tpu.matmul %convert_element_type3A_318, %convert_element_type3A_58, %dot_general3A_319 {dimension_numbers = #tpu.dot_dimension_numbers<[1], [0], [0], [1], [0, 0, 1, 1], [], []>, transpose_lhs_hint = false} : vector<128x512xbf16>, vector<512x64xbf16>, vector<128x64xf32> -> vector<128x64xf32>
    %dot_general3A_321 = arith.constant dense<0.000000e+00> : vector<128x64xf32>
    %dot_general3A_322 = tpu.matmul %convert_element_type3A_318, %convert_element_type3A_61, %dot_general3A_321 {dimension_numbers = #tpu.dot_dimension_numbers<[1], [0], [0], [1], [0, 0, 1, 1], [], []>, transpose_lhs_hint = false} : vector<128x512xbf16>, vector<512x64xbf16>, vector<128x64xf32> -> vector<128x64xf32>
    %add3A_323 = arith.addf %dot_general3A_320, %dot_general3A_322 : vector<128x64xf32>
    %dot_general3A_324 = arith.constant dense<0.000000e+00> : vector<128x64xf32>
    %dot_general3A_325 = tpu.matmul %convert_element_type3A_318, %convert_element_type3A_64, %dot_general3A_324 {dimension_numbers = #tpu.dot_dimension_numbers<[1], [0], [0], [1], [0, 0, 1, 1], [], []>, transpose_lhs_hint = false} : vector<128x512xbf16>, vector<512x64xbf16>, vector<128x64xf32> -> vector<128x64xf32>
    %add3A_326 = arith.addf %add3A_323, %dot_general3A_325 : vector<128x64xf32>
    %max3A_327 = arith.maximumf %max3A_308, %add3A_326 : vector<128x64xf32>
    %argmin3A_328 = tpu.reduce_index %select_n3A_315 {axis = 1 : i32, kind = #tpu.reduction_kind<arg_min>} : vector<128x512xf32> -> vector<128xi32>
    %broadcast_in_dim3A_329 = vector.shape_cast %argmin3A_328 : vector<128xi32> to vector<128x1xi32>
    %eq3A_330 = vector.broadcast %broadcast_in_dim3A_329 : vector<128x1xi32> to vector<128x512xi32>
    %eq3A_331 = arith.cmpi eq, %iota3A, %eq3A_330 : vector<128x512xi32>
    %jit3A_332 = arith.constant 1.000000e+30 : f32
    %broadcast_in_dim3A_333 = vector.broadcast %jit3A_332 : f32 to vector<128x512xf32>
    %select_n3A_334 = arith.select %eq3A_331, %broadcast_in_dim3A_333, %select_n3A_315 : vector<128x512xi1>, vector<128x512xf32>
    %convert_element_type3A_335 = arith.extui %eq3A_331 : vector<128x512xi1> to vector<128x512xi32>
    %convert_element_type3A_336 = arith.sitofp %convert_element_type3A_335 : vector<128x512xi32> to vector<128x512xf32>
    %convert_element_type3A_337 = arith.truncf %convert_element_type3A_336 : vector<128x512xf32> to vector<128x512xbf16>
    %dot_general3A_338 = arith.constant dense<0.000000e+00> : vector<128x64xf32>
    %dot_general3A_339 = tpu.matmul %convert_element_type3A_337, %convert_element_type3A_58, %dot_general3A_338 {dimension_numbers = #tpu.dot_dimension_numbers<[1], [0], [0], [1], [0, 0, 1, 1], [], []>, transpose_lhs_hint = false} : vector<128x512xbf16>, vector<512x64xbf16>, vector<128x64xf32> -> vector<128x64xf32>
    %dot_general3A_340 = arith.constant dense<0.000000e+00> : vector<128x64xf32>
    %dot_general3A_341 = tpu.matmul %convert_element_type3A_337, %convert_element_type3A_61, %dot_general3A_340 {dimension_numbers = #tpu.dot_dimension_numbers<[1], [0], [0], [1], [0, 0, 1, 1], [], []>, transpose_lhs_hint = false} : vector<128x512xbf16>, vector<512x64xbf16>, vector<128x64xf32> -> vector<128x64xf32>
    %add3A_342 = arith.addf %dot_general3A_339, %dot_general3A_341 : vector<128x64xf32>
    %dot_general3A_343 = arith.constant dense<0.000000e+00> : vector<128x64xf32>
    %dot_general3A_344 = tpu.matmul %convert_element_type3A_337, %convert_element_type3A_64, %dot_general3A_343 {dimension_numbers = #tpu.dot_dimension_numbers<[1], [0], [0], [1], [0, 0, 1, 1], [], []>, transpose_lhs_hint = false} : vector<128x512xbf16>, vector<512x64xbf16>, vector<128x64xf32> -> vector<128x64xf32>
    %add3A_345 = arith.addf %add3A_342, %dot_general3A_344 : vector<128x64xf32>
    %max3A_346 = arith.maximumf %max3A_327, %add3A_345 : vector<128x64xf32>
    %argmin3A_347 = tpu.reduce_index %select_n3A_334 {axis = 1 : i32, kind = #tpu.reduction_kind<arg_min>} : vector<128x512xf32> -> vector<128xi32>
    %broadcast_in_dim3A_348 = vector.shape_cast %argmin3A_347 : vector<128xi32> to vector<128x1xi32>
    %eq3A_349 = vector.broadcast %broadcast_in_dim3A_348 : vector<128x1xi32> to vector<128x512xi32>
    %eq3A_350 = arith.cmpi eq, %iota3A, %eq3A_349 : vector<128x512xi32>
    %jit3A_351 = arith.constant 1.000000e+30 : f32
    %broadcast_in_dim3A_352 = vector.broadcast %jit3A_351 : f32 to vector<128x512xf32>
    %select_n3A_353 = arith.select %eq3A_350, %broadcast_in_dim3A_352, %select_n3A_334 : vector<128x512xi1>, vector<128x512xf32>
    %convert_element_type3A_354 = arith.extui %eq3A_350 : vector<128x512xi1> to vector<128x512xi32>
    %convert_element_type3A_355 = arith.sitofp %convert_element_type3A_354 : vector<128x512xi32> to vector<128x512xf32>
    %convert_element_type3A_356 = arith.truncf %convert_element_type3A_355 : vector<128x512xf32> to vector<128x512xbf16>
    %dot_general3A_357 = arith.constant dense<0.000000e+00> : vector<128x64xf32>
    %dot_general3A_358 = tpu.matmul %convert_element_type3A_356, %convert_element_type3A_58, %dot_general3A_357 {dimension_numbers = #tpu.dot_dimension_numbers<[1], [0], [0], [1], [0, 0, 1, 1], [], []>, transpose_lhs_hint = false} : vector<128x512xbf16>, vector<512x64xbf16>, vector<128x64xf32> -> vector<128x64xf32>
    %dot_general3A_359 = arith.constant dense<0.000000e+00> : vector<128x64xf32>
    %dot_general3A_360 = tpu.matmul %convert_element_type3A_356, %convert_element_type3A_61, %dot_general3A_359 {dimension_numbers = #tpu.dot_dimension_numbers<[1], [0], [0], [1], [0, 0, 1, 1], [], []>, transpose_lhs_hint = false} : vector<128x512xbf16>, vector<512x64xbf16>, vector<128x64xf32> -> vector<128x64xf32>
    %add3A_361 = arith.addf %dot_general3A_358, %dot_general3A_360 : vector<128x64xf32>
    %dot_general3A_362 = arith.constant dense<0.000000e+00> : vector<128x64xf32>
    %dot_general3A_363 = tpu.matmul %convert_element_type3A_356, %convert_element_type3A_64, %dot_general3A_362 {dimension_numbers = #tpu.dot_dimension_numbers<[1], [0], [0], [1], [0, 0, 1, 1], [], []>, transpose_lhs_hint = false} : vector<128x512xbf16>, vector<512x64xbf16>, vector<128x64xf32> -> vector<128x64xf32>
    %add3A_364 = arith.addf %add3A_361, %dot_general3A_363 : vector<128x64xf32>
    %max3A_365 = arith.maximumf %max3A_346, %add3A_364 : vector<128x64xf32>
    %argmin3A_366 = tpu.reduce_index %select_n3A_353 {axis = 1 : i32, kind = #tpu.reduction_kind<arg_min>} : vector<128x512xf32> -> vector<128xi32>
    %broadcast_in_dim3A_367 = vector.shape_cast %argmin3A_366 : vector<128xi32> to vector<128x1xi32>
    %eq3A_368 = vector.broadcast %broadcast_in_dim3A_367 : vector<128x1xi32> to vector<128x512xi32>
    %eq3A_369 = arith.cmpi eq, %iota3A, %eq3A_368 : vector<128x512xi32>
    %jit3A_370 = arith.constant 1.000000e+30 : f32
    %broadcast_in_dim3A_371 = vector.broadcast %jit3A_370 : f32 to vector<128x512xf32>
    %select_n3A_372 = arith.select %eq3A_369, %broadcast_in_dim3A_371, %select_n3A_353 : vector<128x512xi1>, vector<128x512xf32>
    %convert_element_type3A_373 = arith.extui %eq3A_369 : vector<128x512xi1> to vector<128x512xi32>
    %convert_element_type3A_374 = arith.sitofp %convert_element_type3A_373 : vector<128x512xi32> to vector<128x512xf32>
    %convert_element_type3A_375 = arith.truncf %convert_element_type3A_374 : vector<128x512xf32> to vector<128x512xbf16>
    %dot_general3A_376 = arith.constant dense<0.000000e+00> : vector<128x64xf32>
    %dot_general3A_377 = tpu.matmul %convert_element_type3A_375, %convert_element_type3A_58, %dot_general3A_376 {dimension_numbers = #tpu.dot_dimension_numbers<[1], [0], [0], [1], [0, 0, 1, 1], [], []>, transpose_lhs_hint = false} : vector<128x512xbf16>, vector<512x64xbf16>, vector<128x64xf32> -> vector<128x64xf32>
    %dot_general3A_378 = arith.constant dense<0.000000e+00> : vector<128x64xf32>
    %dot_general3A_379 = tpu.matmul %convert_element_type3A_375, %convert_element_type3A_61, %dot_general3A_378 {dimension_numbers = #tpu.dot_dimension_numbers<[1], [0], [0], [1], [0, 0, 1, 1], [], []>, transpose_lhs_hint = false} : vector<128x512xbf16>, vector<512x64xbf16>, vector<128x64xf32> -> vector<128x64xf32>
    %add3A_380 = arith.addf %dot_general3A_377, %dot_general3A_379 : vector<128x64xf32>
    %dot_general3A_381 = arith.constant dense<0.000000e+00> : vector<128x64xf32>
    %dot_general3A_382 = tpu.matmul %convert_element_type3A_375, %convert_element_type3A_64, %dot_general3A_381 {dimension_numbers = #tpu.dot_dimension_numbers<[1], [0], [0], [1], [0, 0, 1, 1], [], []>, transpose_lhs_hint = false} : vector<128x512xbf16>, vector<512x64xbf16>, vector<128x64xf32> -> vector<128x64xf32>
    %add3A_383 = arith.addf %add3A_380, %dot_general3A_382 : vector<128x64xf32>
    %max3A_384 = arith.maximumf %max3A_365, %add3A_383 : vector<128x64xf32>
    %argmin3A_385 = tpu.reduce_index %select_n3A_372 {axis = 1 : i32, kind = #tpu.reduction_kind<arg_min>} : vector<128x512xf32> -> vector<128xi32>
    %broadcast_in_dim3A_386 = vector.shape_cast %argmin3A_385 : vector<128xi32> to vector<128x1xi32>
    %eq3A_387 = vector.broadcast %broadcast_in_dim3A_386 : vector<128x1xi32> to vector<128x512xi32>
    %eq3A_388 = arith.cmpi eq, %iota3A, %eq3A_387 : vector<128x512xi32>
    %jit3A_389 = arith.constant 1.000000e+30 : f32
    %broadcast_in_dim3A_390 = vector.broadcast %jit3A_389 : f32 to vector<128x512xf32>
    %select_n3A_391 = arith.select %eq3A_388, %broadcast_in_dim3A_390, %select_n3A_372 : vector<128x512xi1>, vector<128x512xf32>
    %convert_element_type3A_392 = arith.extui %eq3A_388 : vector<128x512xi1> to vector<128x512xi32>
    %convert_element_type3A_393 = arith.sitofp %convert_element_type3A_392 : vector<128x512xi32> to vector<128x512xf32>
    %convert_element_type3A_394 = arith.truncf %convert_element_type3A_393 : vector<128x512xf32> to vector<128x512xbf16>
    %dot_general3A_395 = arith.constant dense<0.000000e+00> : vector<128x64xf32>
    %dot_general3A_396 = tpu.matmul %convert_element_type3A_394, %convert_element_type3A_58, %dot_general3A_395 {dimension_numbers = #tpu.dot_dimension_numbers<[1], [0], [0], [1], [0, 0, 1, 1], [], []>, transpose_lhs_hint = false} : vector<128x512xbf16>, vector<512x64xbf16>, vector<128x64xf32> -> vector<128x64xf32>
    %dot_general3A_397 = arith.constant dense<0.000000e+00> : vector<128x64xf32>
    %dot_general3A_398 = tpu.matmul %convert_element_type3A_394, %convert_element_type3A_61, %dot_general3A_397 {dimension_numbers = #tpu.dot_dimension_numbers<[1], [0], [0], [1], [0, 0, 1, 1], [], []>, transpose_lhs_hint = false} : vector<128x512xbf16>, vector<512x64xbf16>, vector<128x64xf32> -> vector<128x64xf32>
    %add3A_399 = arith.addf %dot_general3A_396, %dot_general3A_398 : vector<128x64xf32>
    %dot_general3A_400 = arith.constant dense<0.000000e+00> : vector<128x64xf32>
    %dot_general3A_401 = tpu.matmul %convert_element_type3A_394, %convert_element_type3A_64, %dot_general3A_400 {dimension_numbers = #tpu.dot_dimension_numbers<[1], [0], [0], [1], [0, 0, 1, 1], [], []>, transpose_lhs_hint = false} : vector<128x512xbf16>, vector<512x64xbf16>, vector<128x64xf32> -> vector<128x64xf32>
    %add3A_402 = arith.addf %add3A_399, %dot_general3A_401 : vector<128x64xf32>
    %max3A_403 = arith.maximumf %max3A_384, %add3A_402 : vector<128x64xf32>
    %argmin3A_404 = tpu.reduce_index %select_n3A_391 {axis = 1 : i32, kind = #tpu.reduction_kind<arg_min>} : vector<128x512xf32> -> vector<128xi32>
    %broadcast_in_dim3A_405 = vector.shape_cast %argmin3A_404 : vector<128xi32> to vector<128x1xi32>
    %eq3A_406 = vector.broadcast %broadcast_in_dim3A_405 : vector<128x1xi32> to vector<128x512xi32>
    %eq3A_407 = arith.cmpi eq, %iota3A, %eq3A_406 : vector<128x512xi32>
    %jit3A_408 = arith.constant 1.000000e+30 : f32
    %broadcast_in_dim3A_409 = vector.broadcast %jit3A_408 : f32 to vector<128x512xf32>
    %select_n3A_410 = arith.select %eq3A_407, %broadcast_in_dim3A_409, %select_n3A_391 : vector<128x512xi1>, vector<128x512xf32>
    %convert_element_type3A_411 = arith.extui %eq3A_407 : vector<128x512xi1> to vector<128x512xi32>
    %convert_element_type3A_412 = arith.sitofp %convert_element_type3A_411 : vector<128x512xi32> to vector<128x512xf32>
    %convert_element_type3A_413 = arith.truncf %convert_element_type3A_412 : vector<128x512xf32> to vector<128x512xbf16>
    %dot_general3A_414 = arith.constant dense<0.000000e+00> : vector<128x64xf32>
    %dot_general3A_415 = tpu.matmul %convert_element_type3A_413, %convert_element_type3A_58, %dot_general3A_414 {dimension_numbers = #tpu.dot_dimension_numbers<[1], [0], [0], [1], [0, 0, 1, 1], [], []>, transpose_lhs_hint = false} : vector<128x512xbf16>, vector<512x64xbf16>, vector<128x64xf32> -> vector<128x64xf32>
    %dot_general3A_416 = arith.constant dense<0.000000e+00> : vector<128x64xf32>
    %dot_general3A_417 = tpu.matmul %convert_element_type3A_413, %convert_element_type3A_61, %dot_general3A_416 {dimension_numbers = #tpu.dot_dimension_numbers<[1], [0], [0], [1], [0, 0, 1, 1], [], []>, transpose_lhs_hint = false} : vector<128x512xbf16>, vector<512x64xbf16>, vector<128x64xf32> -> vector<128x64xf32>
    %add3A_418 = arith.addf %dot_general3A_415, %dot_general3A_417 : vector<128x64xf32>
    %dot_general3A_419 = arith.constant dense<0.000000e+00> : vector<128x64xf32>
    %dot_general3A_420 = tpu.matmul %convert_element_type3A_413, %convert_element_type3A_64, %dot_general3A_419 {dimension_numbers = #tpu.dot_dimension_numbers<[1], [0], [0], [1], [0, 0, 1, 1], [], []>, transpose_lhs_hint = false} : vector<128x512xbf16>, vector<512x64xbf16>, vector<128x64xf32> -> vector<128x64xf32>
    %add3A_421 = arith.addf %add3A_418, %dot_general3A_420 : vector<128x64xf32>
    %max3A_422 = arith.maximumf %max3A_403, %add3A_421 : vector<128x64xf32>
    %reduce_min3A = arith.constant dense<0x7F800000> : vector<128xf32>
    %reduce_min3A_423 = vector.multi_reduction <minimumf>, %select_n3A_410, %reduce_min3A [1] : vector<128x512xf32> to vector<128xf32>
    %broadcast_in_dim3A_424 = vector.shape_cast %reduce_min3A_423 : vector<128xf32> to vector<128x1xf32>
    %eq3A_425 = vector.broadcast %broadcast_in_dim3A_424 : vector<128x1xf32> to vector<128x512xf32>
    %eq3A_426 = arith.cmpf oeq, %select_n3A_410, %eq3A_425 : vector<128x512xf32>
    %jit3A_427 = arith.constant 512 : i32
    %broadcast_in_dim3A_428 = vector.broadcast %jit3A_427 : i32 to vector<128x512xi32>
    %select_n3A_429 = arith.select %eq3A_426, %iota3A, %broadcast_in_dim3A_428 : vector<128x512xi1>, vector<128x512xi32>
    %reduce_min3A_430 = arith.constant dense<2147483647> : vector<128xi32>
    %reduce_min3A_431 = vector.multi_reduction <minsi>, %select_n3A_429, %reduce_min3A_430 [1] : vector<128x512xi32> to vector<128xi32>
    %broadcast_in_dim3A_432 = vector.shape_cast %reduce_min3A_431 : vector<128xi32> to vector<128x1xi32>
    %eq3A_433 = vector.broadcast %broadcast_in_dim3A_432 : vector<128x1xi32> to vector<128x512xi32>
    %eq3A_434 = arith.cmpi eq, %iota3A, %eq3A_433 : vector<128x512xi32>
    %convert_element_type3A_435 = arith.extui %eq3A_434 : vector<128x512xi1> to vector<128x512xi32>
    %convert_element_type3A_436 = arith.sitofp %convert_element_type3A_435 : vector<128x512xi32> to vector<128x512xf32>
    %convert_element_type3A_437 = arith.truncf %convert_element_type3A_436 : vector<128x512xf32> to vector<128x512xbf16>
    %dot_general3A_438 = arith.constant dense<0.000000e+00> : vector<128x64xf32>
    %dot_general3A_439 = tpu.matmul %convert_element_type3A_437, %convert_element_type3A_58, %dot_general3A_438 {dimension_numbers = #tpu.dot_dimension_numbers<[1], [0], [0], [1], [0, 0, 1, 1], [], []>, transpose_lhs_hint = false} : vector<128x512xbf16>, vector<512x64xbf16>, vector<128x64xf32> -> vector<128x64xf32>
    %dot_general3A_440 = arith.constant dense<0.000000e+00> : vector<128x64xf32>
    %dot_general3A_441 = tpu.matmul %convert_element_type3A_437, %convert_element_type3A_61, %dot_general3A_440 {dimension_numbers = #tpu.dot_dimension_numbers<[1], [0], [0], [1], [0, 0, 1, 1], [], []>, transpose_lhs_hint = false} : vector<128x512xbf16>, vector<512x64xbf16>, vector<128x64xf32> -> vector<128x64xf32>
    %add3A_442 = arith.addf %dot_general3A_439, %dot_general3A_441 : vector<128x64xf32>
    %dot_general3A_443 = arith.constant dense<0.000000e+00> : vector<128x64xf32>
    %dot_general3A_444 = tpu.matmul %convert_element_type3A_437, %convert_element_type3A_64, %dot_general3A_443 {dimension_numbers = #tpu.dot_dimension_numbers<[1], [0], [0], [1], [0, 0, 1, 1], [], []>, transpose_lhs_hint = false} : vector<128x512xbf16>, vector<512x64xbf16>, vector<128x64xf32> -> vector<128x64xf32>
    %add3A_445 = arith.addf %add3A_442, %dot_general3A_444 : vector<128x64xf32>
    %max3A_446 = arith.maximumf %max3A_422, %add3A_445 : vector<128x64xf32>
    %slice3A_447 = vector.extract_strided_slice %get3A_36 {offsets = [0, 0], sizes = [32, 8], strides = [1, 1]} : vector<512x8xf32> to vector<32x8xf32>
    %slice3A_448 = vector.extract_strided_slice %get3A_36 {offsets = [0, 0], sizes = [128, 8], strides = [1, 1]} : vector<512x8xf32> to vector<128x8xf32>
    %convert_element_type3A_449 = arith.truncf %slice3A_447 : vector<32x8xf32> to vector<32x8xbf16>
    %convert_element_type3A_450 = arith.truncf %slice3A_448 : vector<128x8xf32> to vector<128x8xbf16>
    %dot_general3A_451 = arith.constant dense<0.000000e+00> : vector<32x128xf32>
    %dot_general3A_452 = tpu.matmul %convert_element_type3A_449, %convert_element_type3A_450, %dot_general3A_451 {dimension_numbers = #tpu.dot_dimension_numbers<[1], [1], [0], [0], [0, 0, 1, 0], [], []>, transpose_lhs_hint = false} : vector<32x8xbf16>, vector<128x8xbf16>, vector<32x128xf32> -> vector<32x128xf32>
    %slice3A_453 = vector.extract_strided_slice %get3A_41 {offsets = [0, 0], sizes = [32, 1], strides = [1, 1]} : vector<512x1xf32> to vector<32x1xf32>
    %mul3A_454 = arith.constant 2.000000e+00 : f32
    %mul3A_455 = vector.broadcast %mul3A_454 : f32 to vector<32x128xf32>
    %mul3A_456 = arith.mulf %mul3A_455, %dot_general3A_452 : vector<32x128xf32>
    %sub3A_457 = vector.broadcast %slice3A_453 : vector<32x1xf32> to vector<32x128xf32>
    %sub3A_458 = arith.subf %sub3A_457, %mul3A_456 : vector<32x128xf32>
    %slice3A_459 = vector.extract_strided_slice %get3A_46 {offsets = [0, 0], sizes = [1, 128], strides = [1, 1]} : vector<1x512xf32> to vector<1x128xf32>
    %add3A_460 = vector.broadcast %slice3A_459 : vector<1x128xf32> to vector<32x128xf32>
    %add3A_461 = arith.addf %sub3A_458, %add3A_460 : vector<32x128xf32>
    %convert_element_type3A_462 = arith.truncf %max3A_446 : vector<128x64xf32> to vector<128x64xbf16>
    %convert_element_type3A_463 = arith.extf %convert_element_type3A_462 : vector<128x64xbf16> to vector<128x64xf32>
    %sub3A_464 = arith.subf %max3A_446, %convert_element_type3A_463 : vector<128x64xf32>
    %convert_element_type3A_465 = arith.truncf %sub3A_464 : vector<128x64xf32> to vector<128x64xbf16>
    %convert_element_type3A_466 = arith.extf %convert_element_type3A_465 : vector<128x64xbf16> to vector<128x64xf32>
    %sub3A_467 = arith.subf %sub3A_464, %convert_element_type3A_466 : vector<128x64xf32>
    %convert_element_type3A_468 = arith.truncf %sub3A_467 : vector<128x64xf32> to vector<128x64xbf16>
    %iota3A_469 = tpu.iota {dimensions = array<i32: 1>} : vector<32x128xi32>
    %broadcast_in_dim3A_470 = arith.constant 0xFF800000 : f32
    %broadcast_in_dim3A_471 = vector.broadcast %broadcast_in_dim3A_470 : f32 to vector<32x64xf32>
    %argmin3A_472 = tpu.reduce_index %add3A_461 {axis = 1 : i32, kind = #tpu.reduction_kind<arg_min>} : vector<32x128xf32> -> vector<32xi32>
    %broadcast_in_dim3A_473 = vector.shape_cast %argmin3A_472 : vector<32xi32> to vector<32x1xi32>
    %eq3A_474 = vector.broadcast %broadcast_in_dim3A_473 : vector<32x1xi32> to vector<32x128xi32>
    %eq3A_475 = arith.cmpi eq, %iota3A_469, %eq3A_474 : vector<32x128xi32>
    %jit3A_476 = arith.constant 1.000000e+30 : f32
    %broadcast_in_dim3A_477 = vector.broadcast %jit3A_476 : f32 to vector<32x128xf32>
    %select_n3A_478 = arith.select %eq3A_475, %broadcast_in_dim3A_477, %add3A_461 : vector<32x128xi1>, vector<32x128xf32>
    %convert_element_type3A_479 = arith.extui %eq3A_475 : vector<32x128xi1> to vector<32x128xi32>
    %convert_element_type3A_480 = arith.sitofp %convert_element_type3A_479 : vector<32x128xi32> to vector<32x128xf32>
    %convert_element_type3A_481 = arith.truncf %convert_element_type3A_480 : vector<32x128xf32> to vector<32x128xbf16>
    %dot_general3A_482 = arith.constant dense<0.000000e+00> : vector<32x64xf32>
    %dot_general3A_483 = tpu.matmul %convert_element_type3A_481, %convert_element_type3A_462, %dot_general3A_482 {dimension_numbers = #tpu.dot_dimension_numbers<[1], [0], [0], [1], [0, 0, 1, 1], [], []>, transpose_lhs_hint = false} : vector<32x128xbf16>, vector<128x64xbf16>, vector<32x64xf32> -> vector<32x64xf32>
    %dot_general3A_484 = arith.constant dense<0.000000e+00> : vector<32x64xf32>
    %dot_general3A_485 = tpu.matmul %convert_element_type3A_481, %convert_element_type3A_465, %dot_general3A_484 {dimension_numbers = #tpu.dot_dimension_numbers<[1], [0], [0], [1], [0, 0, 1, 1], [], []>, transpose_lhs_hint = false} : vector<32x128xbf16>, vector<128x64xbf16>, vector<32x64xf32> -> vector<32x64xf32>
    %add3A_486 = arith.addf %dot_general3A_483, %dot_general3A_485 : vector<32x64xf32>
    %dot_general3A_487 = arith.constant dense<0.000000e+00> : vector<32x64xf32>
    %dot_general3A_488 = tpu.matmul %convert_element_type3A_481, %convert_element_type3A_468, %dot_general3A_487 {dimension_numbers = #tpu.dot_dimension_numbers<[1], [0], [0], [1], [0, 0, 1, 1], [], []>, transpose_lhs_hint = false} : vector<32x128xbf16>, vector<128x64xbf16>, vector<32x64xf32> -> vector<32x64xf32>
    %add3A_489 = arith.addf %add3A_486, %dot_general3A_488 : vector<32x64xf32>
    %max3A_490 = arith.maximumf %broadcast_in_dim3A_471, %add3A_489 : vector<32x64xf32>
    %argmin3A_491 = tpu.reduce_index %select_n3A_478 {axis = 1 : i32, kind = #tpu.reduction_kind<arg_min>} : vector<32x128xf32> -> vector<32xi32>
    %broadcast_in_dim3A_492 = vector.shape_cast %argmin3A_491 : vector<32xi32> to vector<32x1xi32>
    %eq3A_493 = vector.broadcast %broadcast_in_dim3A_492 : vector<32x1xi32> to vector<32x128xi32>
    %eq3A_494 = arith.cmpi eq, %iota3A_469, %eq3A_493 : vector<32x128xi32>
    %jit3A_495 = arith.constant 1.000000e+30 : f32
    %broadcast_in_dim3A_496 = vector.broadcast %jit3A_495 : f32 to vector<32x128xf32>
    %select_n3A_497 = arith.select %eq3A_494, %broadcast_in_dim3A_496, %select_n3A_478 : vector<32x128xi1>, vector<32x128xf32>
    %convert_element_type3A_498 = arith.extui %eq3A_494 : vector<32x128xi1> to vector<32x128xi32>
    %convert_element_type3A_499 = arith.sitofp %convert_element_type3A_498 : vector<32x128xi32> to vector<32x128xf32>
    %convert_element_type3A_500 = arith.truncf %convert_element_type3A_499 : vector<32x128xf32> to vector<32x128xbf16>
    %dot_general3A_501 = arith.constant dense<0.000000e+00> : vector<32x64xf32>
    %dot_general3A_502 = tpu.matmul %convert_element_type3A_500, %convert_element_type3A_462, %dot_general3A_501 {dimension_numbers = #tpu.dot_dimension_numbers<[1], [0], [0], [1], [0, 0, 1, 1], [], []>, transpose_lhs_hint = false} : vector<32x128xbf16>, vector<128x64xbf16>, vector<32x64xf32> -> vector<32x64xf32>
    %dot_general3A_503 = arith.constant dense<0.000000e+00> : vector<32x64xf32>
    %dot_general3A_504 = tpu.matmul %convert_element_type3A_500, %convert_element_type3A_465, %dot_general3A_503 {dimension_numbers = #tpu.dot_dimension_numbers<[1], [0], [0], [1], [0, 0, 1, 1], [], []>, transpose_lhs_hint = false} : vector<32x128xbf16>, vector<128x64xbf16>, vector<32x64xf32> -> vector<32x64xf32>
    %add3A_505 = arith.addf %dot_general3A_502, %dot_general3A_504 : vector<32x64xf32>
    %dot_general3A_506 = arith.constant dense<0.000000e+00> : vector<32x64xf32>
    %dot_general3A_507 = tpu.matmul %convert_element_type3A_500, %convert_element_type3A_468, %dot_general3A_506 {dimension_numbers = #tpu.dot_dimension_numbers<[1], [0], [0], [1], [0, 0, 1, 1], [], []>, transpose_lhs_hint = false} : vector<32x128xbf16>, vector<128x64xbf16>, vector<32x64xf32> -> vector<32x64xf32>
    %add3A_508 = arith.addf %add3A_505, %dot_general3A_507 : vector<32x64xf32>
    %max3A_509 = arith.maximumf %max3A_490, %add3A_508 : vector<32x64xf32>
    %argmin3A_510 = tpu.reduce_index %select_n3A_497 {axis = 1 : i32, kind = #tpu.reduction_kind<arg_min>} : vector<32x128xf32> -> vector<32xi32>
    %broadcast_in_dim3A_511 = vector.shape_cast %argmin3A_510 : vector<32xi32> to vector<32x1xi32>
    %eq3A_512 = vector.broadcast %broadcast_in_dim3A_511 : vector<32x1xi32> to vector<32x128xi32>
    %eq3A_513 = arith.cmpi eq, %iota3A_469, %eq3A_512 : vector<32x128xi32>
    %jit3A_514 = arith.constant 1.000000e+30 : f32
    %broadcast_in_dim3A_515 = vector.broadcast %jit3A_514 : f32 to vector<32x128xf32>
    %select_n3A_516 = arith.select %eq3A_513, %broadcast_in_dim3A_515, %select_n3A_497 : vector<32x128xi1>, vector<32x128xf32>
    %convert_element_type3A_517 = arith.extui %eq3A_513 : vector<32x128xi1> to vector<32x128xi32>
    %convert_element_type3A_518 = arith.sitofp %convert_element_type3A_517 : vector<32x128xi32> to vector<32x128xf32>
    %convert_element_type3A_519 = arith.truncf %convert_element_type3A_518 : vector<32x128xf32> to vector<32x128xbf16>
    %dot_general3A_520 = arith.constant dense<0.000000e+00> : vector<32x64xf32>
    %dot_general3A_521 = tpu.matmul %convert_element_type3A_519, %convert_element_type3A_462, %dot_general3A_520 {dimension_numbers = #tpu.dot_dimension_numbers<[1], [0], [0], [1], [0, 0, 1, 1], [], []>, transpose_lhs_hint = false} : vector<32x128xbf16>, vector<128x64xbf16>, vector<32x64xf32> -> vector<32x64xf32>
    %dot_general3A_522 = arith.constant dense<0.000000e+00> : vector<32x64xf32>
    %dot_general3A_523 = tpu.matmul %convert_element_type3A_519, %convert_element_type3A_465, %dot_general3A_522 {dimension_numbers = #tpu.dot_dimension_numbers<[1], [0], [0], [1], [0, 0, 1, 1], [], []>, transpose_lhs_hint = false} : vector<32x128xbf16>, vector<128x64xbf16>, vector<32x64xf32> -> vector<32x64xf32>
    %add3A_524 = arith.addf %dot_general3A_521, %dot_general3A_523 : vector<32x64xf32>
    %dot_general3A_525 = arith.constant dense<0.000000e+00> : vector<32x64xf32>
    %dot_general3A_526 = tpu.matmul %convert_element_type3A_519, %convert_element_type3A_468, %dot_general3A_525 {dimension_numbers = #tpu.dot_dimension_numbers<[1], [0], [0], [1], [0, 0, 1, 1], [], []>, transpose_lhs_hint = false} : vector<32x128xbf16>, vector<128x64xbf16>, vector<32x64xf32> -> vector<32x64xf32>
    %add3A_527 = arith.addf %add3A_524, %dot_general3A_526 : vector<32x64xf32>
    %max3A_528 = arith.maximumf %max3A_509, %add3A_527 : vector<32x64xf32>
    %argmin3A_529 = tpu.reduce_index %select_n3A_516 {axis = 1 : i32, kind = #tpu.reduction_kind<arg_min>} : vector<32x128xf32> -> vector<32xi32>
    %broadcast_in_dim3A_530 = vector.shape_cast %argmin3A_529 : vector<32xi32> to vector<32x1xi32>
    %eq3A_531 = vector.broadcast %broadcast_in_dim3A_530 : vector<32x1xi32> to vector<32x128xi32>
    %eq3A_532 = arith.cmpi eq, %iota3A_469, %eq3A_531 : vector<32x128xi32>
    %jit3A_533 = arith.constant 1.000000e+30 : f32
    %broadcast_in_dim3A_534 = vector.broadcast %jit3A_533 : f32 to vector<32x128xf32>
    %select_n3A_535 = arith.select %eq3A_532, %broadcast_in_dim3A_534, %select_n3A_516 : vector<32x128xi1>, vector<32x128xf32>
    %convert_element_type3A_536 = arith.extui %eq3A_532 : vector<32x128xi1> to vector<32x128xi32>
    %convert_element_type3A_537 = arith.sitofp %convert_element_type3A_536 : vector<32x128xi32> to vector<32x128xf32>
    %convert_element_type3A_538 = arith.truncf %convert_element_type3A_537 : vector<32x128xf32> to vector<32x128xbf16>
    %dot_general3A_539 = arith.constant dense<0.000000e+00> : vector<32x64xf32>
    %dot_general3A_540 = tpu.matmul %convert_element_type3A_538, %convert_element_type3A_462, %dot_general3A_539 {dimension_numbers = #tpu.dot_dimension_numbers<[1], [0], [0], [1], [0, 0, 1, 1], [], []>, transpose_lhs_hint = false} : vector<32x128xbf16>, vector<128x64xbf16>, vector<32x64xf32> -> vector<32x64xf32>
    %dot_general3A_541 = arith.constant dense<0.000000e+00> : vector<32x64xf32>
    %dot_general3A_542 = tpu.matmul %convert_element_type3A_538, %convert_element_type3A_465, %dot_general3A_541 {dimension_numbers = #tpu.dot_dimension_numbers<[1], [0], [0], [1], [0, 0, 1, 1], [], []>, transpose_lhs_hint = false} : vector<32x128xbf16>, vector<128x64xbf16>, vector<32x64xf32> -> vector<32x64xf32>
    %add3A_543 = arith.addf %dot_general3A_540, %dot_general3A_542 : vector<32x64xf32>
    %dot_general3A_544 = arith.constant dense<0.000000e+00> : vector<32x64xf32>
    %dot_general3A_545 = tpu.matmul %convert_element_type3A_538, %convert_element_type3A_468, %dot_general3A_544 {dimension_numbers = #tpu.dot_dimension_numbers<[1], [0], [0], [1], [0, 0, 1, 1], [], []>, transpose_lhs_hint = false} : vector<32x128xbf16>, vector<128x64xbf16>, vector<32x64xf32> -> vector<32x64xf32>
    %add3A_546 = arith.addf %add3A_543, %dot_general3A_545 : vector<32x64xf32>
    %max3A_547 = arith.maximumf %max3A_528, %add3A_546 : vector<32x64xf32>
    %argmin3A_548 = tpu.reduce_index %select_n3A_535 {axis = 1 : i32, kind = #tpu.reduction_kind<arg_min>} : vector<32x128xf32> -> vector<32xi32>
    %broadcast_in_dim3A_549 = vector.shape_cast %argmin3A_548 : vector<32xi32> to vector<32x1xi32>
    %eq3A_550 = vector.broadcast %broadcast_in_dim3A_549 : vector<32x1xi32> to vector<32x128xi32>
    %eq3A_551 = arith.cmpi eq, %iota3A_469, %eq3A_550 : vector<32x128xi32>
    %jit3A_552 = arith.constant 1.000000e+30 : f32
    %broadcast_in_dim3A_553 = vector.broadcast %jit3A_552 : f32 to vector<32x128xf32>
    %select_n3A_554 = arith.select %eq3A_551, %broadcast_in_dim3A_553, %select_n3A_535 : vector<32x128xi1>, vector<32x128xf32>
    %convert_element_type3A_555 = arith.extui %eq3A_551 : vector<32x128xi1> to vector<32x128xi32>
    %convert_element_type3A_556 = arith.sitofp %convert_element_type3A_555 : vector<32x128xi32> to vector<32x128xf32>
    %convert_element_type3A_557 = arith.truncf %convert_element_type3A_556 : vector<32x128xf32> to vector<32x128xbf16>
    %dot_general3A_558 = arith.constant dense<0.000000e+00> : vector<32x64xf32>
    %dot_general3A_559 = tpu.matmul %convert_element_type3A_557, %convert_element_type3A_462, %dot_general3A_558 {dimension_numbers = #tpu.dot_dimension_numbers<[1], [0], [0], [1], [0, 0, 1, 1], [], []>, transpose_lhs_hint = false} : vector<32x128xbf16>, vector<128x64xbf16>, vector<32x64xf32> -> vector<32x64xf32>
    %dot_general3A_560 = arith.constant dense<0.000000e+00> : vector<32x64xf32>
    %dot_general3A_561 = tpu.matmul %convert_element_type3A_557, %convert_element_type3A_465, %dot_general3A_560 {dimension_numbers = #tpu.dot_dimension_numbers<[1], [0], [0], [1], [0, 0, 1, 1], [], []>, transpose_lhs_hint = false} : vector<32x128xbf16>, vector<128x64xbf16>, vector<32x64xf32> -> vector<32x64xf32>
    %add3A_562 = arith.addf %dot_general3A_559, %dot_general3A_561 : vector<32x64xf32>
    %dot_general3A_563 = arith.constant dense<0.000000e+00> : vector<32x64xf32>
    %dot_general3A_564 = tpu.matmul %convert_element_type3A_557, %convert_element_type3A_468, %dot_general3A_563 {dimension_numbers = #tpu.dot_dimension_numbers<[1], [0], [0], [1], [0, 0, 1, 1], [], []>, transpose_lhs_hint = false} : vector<32x128xbf16>, vector<128x64xbf16>, vector<32x64xf32> -> vector<32x64xf32>
    %add3A_565 = arith.addf %add3A_562, %dot_general3A_564 : vector<32x64xf32>
    %max3A_566 = arith.maximumf %max3A_547, %add3A_565 : vector<32x64xf32>
    %argmin3A_567 = tpu.reduce_index %select_n3A_554 {axis = 1 : i32, kind = #tpu.reduction_kind<arg_min>} : vector<32x128xf32> -> vector<32xi32>
    %broadcast_in_dim3A_568 = vector.shape_cast %argmin3A_567 : vector<32xi32> to vector<32x1xi32>
    %eq3A_569 = vector.broadcast %broadcast_in_dim3A_568 : vector<32x1xi32> to vector<32x128xi32>
    %eq3A_570 = arith.cmpi eq, %iota3A_469, %eq3A_569 : vector<32x128xi32>
    %jit3A_571 = arith.constant 1.000000e+30 : f32
    %broadcast_in_dim3A_572 = vector.broadcast %jit3A_571 : f32 to vector<32x128xf32>
    %select_n3A_573 = arith.select %eq3A_570, %broadcast_in_dim3A_572, %select_n3A_554 : vector<32x128xi1>, vector<32x128xf32>
    %convert_element_type3A_574 = arith.extui %eq3A_570 : vector<32x128xi1> to vector<32x128xi32>
    %convert_element_type3A_575 = arith.sitofp %convert_element_type3A_574 : vector<32x128xi32> to vector<32x128xf32>
    %convert_element_type3A_576 = arith.truncf %convert_element_type3A_575 : vector<32x128xf32> to vector<32x128xbf16>
    %dot_general3A_577 = arith.constant dense<0.000000e+00> : vector<32x64xf32>
    %dot_general3A_578 = tpu.matmul %convert_element_type3A_576, %convert_element_type3A_462, %dot_general3A_577 {dimension_numbers = #tpu.dot_dimension_numbers<[1], [0], [0], [1], [0, 0, 1, 1], [], []>, transpose_lhs_hint = false} : vector<32x128xbf16>, vector<128x64xbf16>, vector<32x64xf32> -> vector<32x64xf32>
    %dot_general3A_579 = arith.constant dense<0.000000e+00> : vector<32x64xf32>
    %dot_general3A_580 = tpu.matmul %convert_element_type3A_576, %convert_element_type3A_465, %dot_general3A_579 {dimension_numbers = #tpu.dot_dimension_numbers<[1], [0], [0], [1], [0, 0, 1, 1], [], []>, transpose_lhs_hint = false} : vector<32x128xbf16>, vector<128x64xbf16>, vector<32x64xf32> -> vector<32x64xf32>
    %add3A_581 = arith.addf %dot_general3A_578, %dot_general3A_580 : vector<32x64xf32>
    %dot_general3A_582 = arith.constant dense<0.000000e+00> : vector<32x64xf32>
    %dot_general3A_583 = tpu.matmul %convert_element_type3A_576, %convert_element_type3A_468, %dot_general3A_582 {dimension_numbers = #tpu.dot_dimension_numbers<[1], [0], [0], [1], [0, 0, 1, 1], [], []>, transpose_lhs_hint = false} : vector<32x128xbf16>, vector<128x64xbf16>, vector<32x64xf32> -> vector<32x64xf32>
    %add3A_584 = arith.addf %add3A_581, %dot_general3A_583 : vector<32x64xf32>
    %max3A_585 = arith.maximumf %max3A_566, %add3A_584 : vector<32x64xf32>
    %argmin3A_586 = tpu.reduce_index %select_n3A_573 {axis = 1 : i32, kind = #tpu.reduction_kind<arg_min>} : vector<32x128xf32> -> vector<32xi32>
    %broadcast_in_dim3A_587 = vector.shape_cast %argmin3A_586 : vector<32xi32> to vector<32x1xi32>
    %eq3A_588 = vector.broadcast %broadcast_in_dim3A_587 : vector<32x1xi32> to vector<32x128xi32>
    %eq3A_589 = arith.cmpi eq, %iota3A_469, %eq3A_588 : vector<32x128xi32>
    %jit3A_590 = arith.constant 1.000000e+30 : f32
    %broadcast_in_dim3A_591 = vector.broadcast %jit3A_590 : f32 to vector<32x128xf32>
    %select_n3A_592 = arith.select %eq3A_589, %broadcast_in_dim3A_591, %select_n3A_573 : vector<32x128xi1>, vector<32x128xf32>
    %convert_element_type3A_593 = arith.extui %eq3A_589 : vector<32x128xi1> to vector<32x128xi32>
    %convert_element_type3A_594 = arith.sitofp %convert_element_type3A_593 : vector<32x128xi32> to vector<32x128xf32>
    %convert_element_type3A_595 = arith.truncf %convert_element_type3A_594 : vector<32x128xf32> to vector<32x128xbf16>
    %dot_general3A_596 = arith.constant dense<0.000000e+00> : vector<32x64xf32>
    %dot_general3A_597 = tpu.matmul %convert_element_type3A_595, %convert_element_type3A_462, %dot_general3A_596 {dimension_numbers = #tpu.dot_dimension_numbers<[1], [0], [0], [1], [0, 0, 1, 1], [], []>, transpose_lhs_hint = false} : vector<32x128xbf16>, vector<128x64xbf16>, vector<32x64xf32> -> vector<32x64xf32>
    %dot_general3A_598 = arith.constant dense<0.000000e+00> : vector<32x64xf32>
    %dot_general3A_599 = tpu.matmul %convert_element_type3A_595, %convert_element_type3A_465, %dot_general3A_598 {dimension_numbers = #tpu.dot_dimension_numbers<[1], [0], [0], [1], [0, 0, 1, 1], [], []>, transpose_lhs_hint = false} : vector<32x128xbf16>, vector<128x64xbf16>, vector<32x64xf32> -> vector<32x64xf32>
    %add3A_600 = arith.addf %dot_general3A_597, %dot_general3A_599 : vector<32x64xf32>
    %dot_general3A_601 = arith.constant dense<0.000000e+00> : vector<32x64xf32>
    %dot_general3A_602 = tpu.matmul %convert_element_type3A_595, %convert_element_type3A_468, %dot_general3A_601 {dimension_numbers = #tpu.dot_dimension_numbers<[1], [0], [0], [1], [0, 0, 1, 1], [], []>, transpose_lhs_hint = false} : vector<32x128xbf16>, vector<128x64xbf16>, vector<32x64xf32> -> vector<32x64xf32>
    %add3A_603 = arith.addf %add3A_600, %dot_general3A_602 : vector<32x64xf32>
    %max3A_604 = arith.maximumf %max3A_585, %add3A_603 : vector<32x64xf32>
    %argmin3A_605 = tpu.reduce_index %select_n3A_592 {axis = 1 : i32, kind = #tpu.reduction_kind<arg_min>} : vector<32x128xf32> -> vector<32xi32>
    %broadcast_in_dim3A_606 = vector.shape_cast %argmin3A_605 : vector<32xi32> to vector<32x1xi32>
    %eq3A_607 = vector.broadcast %broadcast_in_dim3A_606 : vector<32x1xi32> to vector<32x128xi32>
    %eq3A_608 = arith.cmpi eq, %iota3A_469, %eq3A_607 : vector<32x128xi32>
    %jit3A_609 = arith.constant 1.000000e+30 : f32
    %broadcast_in_dim3A_610 = vector.broadcast %jit3A_609 : f32 to vector<32x128xf32>
    %select_n3A_611 = arith.select %eq3A_608, %broadcast_in_dim3A_610, %select_n3A_592 : vector<32x128xi1>, vector<32x128xf32>
    %convert_element_type3A_612 = arith.extui %eq3A_608 : vector<32x128xi1> to vector<32x128xi32>
    %convert_element_type3A_613 = arith.sitofp %convert_element_type3A_612 : vector<32x128xi32> to vector<32x128xf32>
    %convert_element_type3A_614 = arith.truncf %convert_element_type3A_613 : vector<32x128xf32> to vector<32x128xbf16>
    %dot_general3A_615 = arith.constant dense<0.000000e+00> : vector<32x64xf32>
    %dot_general3A_616 = tpu.matmul %convert_element_type3A_614, %convert_element_type3A_462, %dot_general3A_615 {dimension_numbers = #tpu.dot_dimension_numbers<[1], [0], [0], [1], [0, 0, 1, 1], [], []>, transpose_lhs_hint = false} : vector<32x128xbf16>, vector<128x64xbf16>, vector<32x64xf32> -> vector<32x64xf32>
    %dot_general3A_617 = arith.constant dense<0.000000e+00> : vector<32x64xf32>
    %dot_general3A_618 = tpu.matmul %convert_element_type3A_614, %convert_element_type3A_465, %dot_general3A_617 {dimension_numbers = #tpu.dot_dimension_numbers<[1], [0], [0], [1], [0, 0, 1, 1], [], []>, transpose_lhs_hint = false} : vector<32x128xbf16>, vector<128x64xbf16>, vector<32x64xf32> -> vector<32x64xf32>
    %add3A_619 = arith.addf %dot_general3A_616, %dot_general3A_618 : vector<32x64xf32>
    %dot_general3A_620 = arith.constant dense<0.000000e+00> : vector<32x64xf32>
    %dot_general3A_621 = tpu.matmul %convert_element_type3A_614, %convert_element_type3A_468, %dot_general3A_620 {dimension_numbers = #tpu.dot_dimension_numbers<[1], [0], [0], [1], [0, 0, 1, 1], [], []>, transpose_lhs_hint = false} : vector<32x128xbf16>, vector<128x64xbf16>, vector<32x64xf32> -> vector<32x64xf32>
    %add3A_622 = arith.addf %add3A_619, %dot_general3A_621 : vector<32x64xf32>
    %max3A_623 = arith.maximumf %max3A_604, %add3A_622 : vector<32x64xf32>
    %argmin3A_624 = tpu.reduce_index %select_n3A_611 {axis = 1 : i32, kind = #tpu.reduction_kind<arg_min>} : vector<32x128xf32> -> vector<32xi32>
    %broadcast_in_dim3A_625 = vector.shape_cast %argmin3A_624 : vector<32xi32> to vector<32x1xi32>
    %eq3A_626 = vector.broadcast %broadcast_in_dim3A_625 : vector<32x1xi32> to vector<32x128xi32>
    %eq3A_627 = arith.cmpi eq, %iota3A_469, %eq3A_626 : vector<32x128xi32>
    %jit3A_628 = arith.constant 1.000000e+30 : f32
    %broadcast_in_dim3A_629 = vector.broadcast %jit3A_628 : f32 to vector<32x128xf32>
    %select_n3A_630 = arith.select %eq3A_627, %broadcast_in_dim3A_629, %select_n3A_611 : vector<32x128xi1>, vector<32x128xf32>
    %convert_element_type3A_631 = arith.extui %eq3A_627 : vector<32x128xi1> to vector<32x128xi32>
    %convert_element_type3A_632 = arith.sitofp %convert_element_type3A_631 : vector<32x128xi32> to vector<32x128xf32>
    %convert_element_type3A_633 = arith.truncf %convert_element_type3A_632 : vector<32x128xf32> to vector<32x128xbf16>
    %dot_general3A_634 = arith.constant dense<0.000000e+00> : vector<32x64xf32>
    %dot_general3A_635 = tpu.matmul %convert_element_type3A_633, %convert_element_type3A_462, %dot_general3A_634 {dimension_numbers = #tpu.dot_dimension_numbers<[1], [0], [0], [1], [0, 0, 1, 1], [], []>, transpose_lhs_hint = false} : vector<32x128xbf16>, vector<128x64xbf16>, vector<32x64xf32> -> vector<32x64xf32>
    %dot_general3A_636 = arith.constant dense<0.000000e+00> : vector<32x64xf32>
    %dot_general3A_637 = tpu.matmul %convert_element_type3A_633, %convert_element_type3A_465, %dot_general3A_636 {dimension_numbers = #tpu.dot_dimension_numbers<[1], [0], [0], [1], [0, 0, 1, 1], [], []>, transpose_lhs_hint = false} : vector<32x128xbf16>, vector<128x64xbf16>, vector<32x64xf32> -> vector<32x64xf32>
    %add3A_638 = arith.addf %dot_general3A_635, %dot_general3A_637 : vector<32x64xf32>
    %dot_general3A_639 = arith.constant dense<0.000000e+00> : vector<32x64xf32>
    %dot_general3A_640 = tpu.matmul %convert_element_type3A_633, %convert_element_type3A_468, %dot_general3A_639 {dimension_numbers = #tpu.dot_dimension_numbers<[1], [0], [0], [1], [0, 0, 1, 1], [], []>, transpose_lhs_hint = false} : vector<32x128xbf16>, vector<128x64xbf16>, vector<32x64xf32> -> vector<32x64xf32>
    %add3A_641 = arith.addf %add3A_638, %dot_general3A_640 : vector<32x64xf32>
    %max3A_642 = arith.maximumf %max3A_623, %add3A_641 : vector<32x64xf32>
    %argmin3A_643 = tpu.reduce_index %select_n3A_630 {axis = 1 : i32, kind = #tpu.reduction_kind<arg_min>} : vector<32x128xf32> -> vector<32xi32>
    %broadcast_in_dim3A_644 = vector.shape_cast %argmin3A_643 : vector<32xi32> to vector<32x1xi32>
    %eq3A_645 = vector.broadcast %broadcast_in_dim3A_644 : vector<32x1xi32> to vector<32x128xi32>
    %eq3A_646 = arith.cmpi eq, %iota3A_469, %eq3A_645 : vector<32x128xi32>
    %jit3A_647 = arith.constant 1.000000e+30 : f32
    %broadcast_in_dim3A_648 = vector.broadcast %jit3A_647 : f32 to vector<32x128xf32>
    %select_n3A_649 = arith.select %eq3A_646, %broadcast_in_dim3A_648, %select_n3A_630 : vector<32x128xi1>, vector<32x128xf32>
    %convert_element_type3A_650 = arith.extui %eq3A_646 : vector<32x128xi1> to vector<32x128xi32>
    %convert_element_type3A_651 = arith.sitofp %convert_element_type3A_650 : vector<32x128xi32> to vector<32x128xf32>
    %convert_element_type3A_652 = arith.truncf %convert_element_type3A_651 : vector<32x128xf32> to vector<32x128xbf16>
    %dot_general3A_653 = arith.constant dense<0.000000e+00> : vector<32x64xf32>
    %dot_general3A_654 = tpu.matmul %convert_element_type3A_652, %convert_element_type3A_462, %dot_general3A_653 {dimension_numbers = #tpu.dot_dimension_numbers<[1], [0], [0], [1], [0, 0, 1, 1], [], []>, transpose_lhs_hint = false} : vector<32x128xbf16>, vector<128x64xbf16>, vector<32x64xf32> -> vector<32x64xf32>
    %dot_general3A_655 = arith.constant dense<0.000000e+00> : vector<32x64xf32>
    %dot_general3A_656 = tpu.matmul %convert_element_type3A_652, %convert_element_type3A_465, %dot_general3A_655 {dimension_numbers = #tpu.dot_dimension_numbers<[1], [0], [0], [1], [0, 0, 1, 1], [], []>, transpose_lhs_hint = false} : vector<32x128xbf16>, vector<128x64xbf16>, vector<32x64xf32> -> vector<32x64xf32>
    %add3A_657 = arith.addf %dot_general3A_654, %dot_general3A_656 : vector<32x64xf32>
    %dot_general3A_658 = arith.constant dense<0.000000e+00> : vector<32x64xf32>
    %dot_general3A_659 = tpu.matmul %convert_element_type3A_652, %convert_element_type3A_468, %dot_general3A_658 {dimension_numbers = #tpu.dot_dimension_numbers<[1], [0], [0], [1], [0, 0, 1, 1], [], []>, transpose_lhs_hint = false} : vector<32x128xbf16>, vector<128x64xbf16>, vector<32x64xf32> -> vector<32x64xf32>
    %add3A_660 = arith.addf %add3A_657, %dot_general3A_659 : vector<32x64xf32>
    %max3A_661 = arith.maximumf %max3A_642, %add3A_660 : vector<32x64xf32>
    %argmin3A_662 = tpu.reduce_index %select_n3A_649 {axis = 1 : i32, kind = #tpu.reduction_kind<arg_min>} : vector<32x128xf32> -> vector<32xi32>
    %broadcast_in_dim3A_663 = vector.shape_cast %argmin3A_662 : vector<32xi32> to vector<32x1xi32>
    %eq3A_664 = vector.broadcast %broadcast_in_dim3A_663 : vector<32x1xi32> to vector<32x128xi32>
    %eq3A_665 = arith.cmpi eq, %iota3A_469, %eq3A_664 : vector<32x128xi32>
    %jit3A_666 = arith.constant 1.000000e+30 : f32
    %broadcast_in_dim3A_667 = vector.broadcast %jit3A_666 : f32 to vector<32x128xf32>
    %select_n3A_668 = arith.select %eq3A_665, %broadcast_in_dim3A_667, %select_n3A_649 : vector<32x128xi1>, vector<32x128xf32>
    %convert_element_type3A_669 = arith.extui %eq3A_665 : vector<32x128xi1> to vector<32x128xi32>
    %convert_element_type3A_670 = arith.sitofp %convert_element_type3A_669 : vector<32x128xi32> to vector<32x128xf32>
    %convert_element_type3A_671 = arith.truncf %convert_element_type3A_670 : vector<32x128xf32> to vector<32x128xbf16>
    %dot_general3A_672 = arith.constant dense<0.000000e+00> : vector<32x64xf32>
    %dot_general3A_673 = tpu.matmul %convert_element_type3A_671, %convert_element_type3A_462, %dot_general3A_672 {dimension_numbers = #tpu.dot_dimension_numbers<[1], [0], [0], [1], [0, 0, 1, 1], [], []>, transpose_lhs_hint = false} : vector<32x128xbf16>, vector<128x64xbf16>, vector<32x64xf32> -> vector<32x64xf32>
    %dot_general3A_674 = arith.constant dense<0.000000e+00> : vector<32x64xf32>
    %dot_general3A_675 = tpu.matmul %convert_element_type3A_671, %convert_element_type3A_465, %dot_general3A_674 {dimension_numbers = #tpu.dot_dimension_numbers<[1], [0], [0], [1], [0, 0, 1, 1], [], []>, transpose_lhs_hint = false} : vector<32x128xbf16>, vector<128x64xbf16>, vector<32x64xf32> -> vector<32x64xf32>
    %add3A_676 = arith.addf %dot_general3A_673, %dot_general3A_675 : vector<32x64xf32>
    %dot_general3A_677 = arith.constant dense<0.000000e+00> : vector<32x64xf32>
    %dot_general3A_678 = tpu.matmul %convert_element_type3A_671, %convert_element_type3A_468, %dot_general3A_677 {dimension_numbers = #tpu.dot_dimension_numbers<[1], [0], [0], [1], [0, 0, 1, 1], [], []>, transpose_lhs_hint = false} : vector<32x128xbf16>, vector<128x64xbf16>, vector<32x64xf32> -> vector<32x64xf32>
    %add3A_679 = arith.addf %add3A_676, %dot_general3A_678 : vector<32x64xf32>
    %max3A_680 = arith.maximumf %max3A_661, %add3A_679 : vector<32x64xf32>
    %argmin3A_681 = tpu.reduce_index %select_n3A_668 {axis = 1 : i32, kind = #tpu.reduction_kind<arg_min>} : vector<32x128xf32> -> vector<32xi32>
    %broadcast_in_dim3A_682 = vector.shape_cast %argmin3A_681 : vector<32xi32> to vector<32x1xi32>
    %eq3A_683 = vector.broadcast %broadcast_in_dim3A_682 : vector<32x1xi32> to vector<32x128xi32>
    %eq3A_684 = arith.cmpi eq, %iota3A_469, %eq3A_683 : vector<32x128xi32>
    %jit3A_685 = arith.constant 1.000000e+30 : f32
    %broadcast_in_dim3A_686 = vector.broadcast %jit3A_685 : f32 to vector<32x128xf32>
    %select_n3A_687 = arith.select %eq3A_684, %broadcast_in_dim3A_686, %select_n3A_668 : vector<32x128xi1>, vector<32x128xf32>
    %convert_element_type3A_688 = arith.extui %eq3A_684 : vector<32x128xi1> to vector<32x128xi32>
    %convert_element_type3A_689 = arith.sitofp %convert_element_type3A_688 : vector<32x128xi32> to vector<32x128xf32>
    %convert_element_type3A_690 = arith.truncf %convert_element_type3A_689 : vector<32x128xf32> to vector<32x128xbf16>
    %dot_general3A_691 = arith.constant dense<0.000000e+00> : vector<32x64xf32>
    %dot_general3A_692 = tpu.matmul %convert_element_type3A_690, %convert_element_type3A_462, %dot_general3A_691 {dimension_numbers = #tpu.dot_dimension_numbers<[1], [0], [0], [1], [0, 0, 1, 1], [], []>, transpose_lhs_hint = false} : vector<32x128xbf16>, vector<128x64xbf16>, vector<32x64xf32> -> vector<32x64xf32>
    %dot_general3A_693 = arith.constant dense<0.000000e+00> : vector<32x64xf32>
    %dot_general3A_694 = tpu.matmul %convert_element_type3A_690, %convert_element_type3A_465, %dot_general3A_693 {dimension_numbers = #tpu.dot_dimension_numbers<[1], [0], [0], [1], [0, 0, 1, 1], [], []>, transpose_lhs_hint = false} : vector<32x128xbf16>, vector<128x64xbf16>, vector<32x64xf32> -> vector<32x64xf32>
    %add3A_695 = arith.addf %dot_general3A_692, %dot_general3A_694 : vector<32x64xf32>
    %dot_general3A_696 = arith.constant dense<0.000000e+00> : vector<32x64xf32>
    %dot_general3A_697 = tpu.matmul %convert_element_type3A_690, %convert_element_type3A_468, %dot_general3A_696 {dimension_numbers = #tpu.dot_dimension_numbers<[1], [0], [0], [1], [0, 0, 1, 1], [], []>, transpose_lhs_hint = false} : vector<32x128xbf16>, vector<128x64xbf16>, vector<32x64xf32> -> vector<32x64xf32>
    %add3A_698 = arith.addf %add3A_695, %dot_general3A_697 : vector<32x64xf32>
    %max3A_699 = arith.maximumf %max3A_680, %add3A_698 : vector<32x64xf32>
    %argmin3A_700 = tpu.reduce_index %select_n3A_687 {axis = 1 : i32, kind = #tpu.reduction_kind<arg_min>} : vector<32x128xf32> -> vector<32xi32>
    %broadcast_in_dim3A_701 = vector.shape_cast %argmin3A_700 : vector<32xi32> to vector<32x1xi32>
    %eq3A_702 = vector.broadcast %broadcast_in_dim3A_701 : vector<32x1xi32> to vector<32x128xi32>
    %eq3A_703 = arith.cmpi eq, %iota3A_469, %eq3A_702 : vector<32x128xi32>
    %jit3A_704 = arith.constant 1.000000e+30 : f32
    %broadcast_in_dim3A_705 = vector.broadcast %jit3A_704 : f32 to vector<32x128xf32>
    %select_n3A_706 = arith.select %eq3A_703, %broadcast_in_dim3A_705, %select_n3A_687 : vector<32x128xi1>, vector<32x128xf32>
    %convert_element_type3A_707 = arith.extui %eq3A_703 : vector<32x128xi1> to vector<32x128xi32>
    %convert_element_type3A_708 = arith.sitofp %convert_element_type3A_707 : vector<32x128xi32> to vector<32x128xf32>
    %convert_element_type3A_709 = arith.truncf %convert_element_type3A_708 : vector<32x128xf32> to vector<32x128xbf16>
    %dot_general3A_710 = arith.constant dense<0.000000e+00> : vector<32x64xf32>
    %dot_general3A_711 = tpu.matmul %convert_element_type3A_709, %convert_element_type3A_462, %dot_general3A_710 {dimension_numbers = #tpu.dot_dimension_numbers<[1], [0], [0], [1], [0, 0, 1, 1], [], []>, transpose_lhs_hint = false} : vector<32x128xbf16>, vector<128x64xbf16>, vector<32x64xf32> -> vector<32x64xf32>
    %dot_general3A_712 = arith.constant dense<0.000000e+00> : vector<32x64xf32>
    %dot_general3A_713 = tpu.matmul %convert_element_type3A_709, %convert_element_type3A_465, %dot_general3A_712 {dimension_numbers = #tpu.dot_dimension_numbers<[1], [0], [0], [1], [0, 0, 1, 1], [], []>, transpose_lhs_hint = false} : vector<32x128xbf16>, vector<128x64xbf16>, vector<32x64xf32> -> vector<32x64xf32>
    %add3A_714 = arith.addf %dot_general3A_711, %dot_general3A_713 : vector<32x64xf32>
    %dot_general3A_715 = arith.constant dense<0.000000e+00> : vector<32x64xf32>
    %dot_general3A_716 = tpu.matmul %convert_element_type3A_709, %convert_element_type3A_468, %dot_general3A_715 {dimension_numbers = #tpu.dot_dimension_numbers<[1], [0], [0], [1], [0, 0, 1, 1], [], []>, transpose_lhs_hint = false} : vector<32x128xbf16>, vector<128x64xbf16>, vector<32x64xf32> -> vector<32x64xf32>
    %add3A_717 = arith.addf %add3A_714, %dot_general3A_716 : vector<32x64xf32>
    %max3A_718 = arith.maximumf %max3A_699, %add3A_717 : vector<32x64xf32>
    %argmin3A_719 = tpu.reduce_index %select_n3A_706 {axis = 1 : i32, kind = #tpu.reduction_kind<arg_min>} : vector<32x128xf32> -> vector<32xi32>
    %broadcast_in_dim3A_720 = vector.shape_cast %argmin3A_719 : vector<32xi32> to vector<32x1xi32>
    %eq3A_721 = vector.broadcast %broadcast_in_dim3A_720 : vector<32x1xi32> to vector<32x128xi32>
    %eq3A_722 = arith.cmpi eq, %iota3A_469, %eq3A_721 : vector<32x128xi32>
    %jit3A_723 = arith.constant 1.000000e+30 : f32
    %broadcast_in_dim3A_724 = vector.broadcast %jit3A_723 : f32 to vector<32x128xf32>
    %select_n3A_725 = arith.select %eq3A_722, %broadcast_in_dim3A_724, %select_n3A_706 : vector<32x128xi1>, vector<32x128xf32>
    %convert_element_type3A_726 = arith.extui %eq3A_722 : vector<32x128xi1> to vector<32x128xi32>
    %convert_element_type3A_727 = arith.sitofp %convert_element_type3A_726 : vector<32x128xi32> to vector<32x128xf32>
    %convert_element_type3A_728 = arith.truncf %convert_element_type3A_727 : vector<32x128xf32> to vector<32x128xbf16>
    %dot_general3A_729 = arith.constant dense<0.000000e+00> : vector<32x64xf32>
    %dot_general3A_730 = tpu.matmul %convert_element_type3A_728, %convert_element_type3A_462, %dot_general3A_729 {dimension_numbers = #tpu.dot_dimension_numbers<[1], [0], [0], [1], [0, 0, 1, 1], [], []>, transpose_lhs_hint = false} : vector<32x128xbf16>, vector<128x64xbf16>, vector<32x64xf32> -> vector<32x64xf32>
    %dot_general3A_731 = arith.constant dense<0.000000e+00> : vector<32x64xf32>
    %dot_general3A_732 = tpu.matmul %convert_element_type3A_728, %convert_element_type3A_465, %dot_general3A_731 {dimension_numbers = #tpu.dot_dimension_numbers<[1], [0], [0], [1], [0, 0, 1, 1], [], []>, transpose_lhs_hint = false} : vector<32x128xbf16>, vector<128x64xbf16>, vector<32x64xf32> -> vector<32x64xf32>
    %add3A_733 = arith.addf %dot_general3A_730, %dot_general3A_732 : vector<32x64xf32>
    %dot_general3A_734 = arith.constant dense<0.000000e+00> : vector<32x64xf32>
    %dot_general3A_735 = tpu.matmul %convert_element_type3A_728, %convert_element_type3A_468, %dot_general3A_734 {dimension_numbers = #tpu.dot_dimension_numbers<[1], [0], [0], [1], [0, 0, 1, 1], [], []>, transpose_lhs_hint = false} : vector<32x128xbf16>, vector<128x64xbf16>, vector<32x64xf32> -> vector<32x64xf32>
    %add3A_736 = arith.addf %add3A_733, %dot_general3A_735 : vector<32x64xf32>
    %max3A_737 = arith.maximumf %max3A_718, %add3A_736 : vector<32x64xf32>
    %argmin3A_738 = tpu.reduce_index %select_n3A_725 {axis = 1 : i32, kind = #tpu.reduction_kind<arg_min>} : vector<32x128xf32> -> vector<32xi32>
    %broadcast_in_dim3A_739 = vector.shape_cast %argmin3A_738 : vector<32xi32> to vector<32x1xi32>
    %eq3A_740 = vector.broadcast %broadcast_in_dim3A_739 : vector<32x1xi32> to vector<32x128xi32>
    %eq3A_741 = arith.cmpi eq, %iota3A_469, %eq3A_740 : vector<32x128xi32>
    %jit3A_742 = arith.constant 1.000000e+30 : f32
    %broadcast_in_dim3A_743 = vector.broadcast %jit3A_742 : f32 to vector<32x128xf32>
    %select_n3A_744 = arith.select %eq3A_741, %broadcast_in_dim3A_743, %select_n3A_725 : vector<32x128xi1>, vector<32x128xf32>
    %convert_element_type3A_745 = arith.extui %eq3A_741 : vector<32x128xi1> to vector<32x128xi32>
    %convert_element_type3A_746 = arith.sitofp %convert_element_type3A_745 : vector<32x128xi32> to vector<32x128xf32>
    %convert_element_type3A_747 = arith.truncf %convert_element_type3A_746 : vector<32x128xf32> to vector<32x128xbf16>
    %dot_general3A_748 = arith.constant dense<0.000000e+00> : vector<32x64xf32>
    %dot_general3A_749 = tpu.matmul %convert_element_type3A_747, %convert_element_type3A_462, %dot_general3A_748 {dimension_numbers = #tpu.dot_dimension_numbers<[1], [0], [0], [1], [0, 0, 1, 1], [], []>, transpose_lhs_hint = false} : vector<32x128xbf16>, vector<128x64xbf16>, vector<32x64xf32> -> vector<32x64xf32>
    %dot_general3A_750 = arith.constant dense<0.000000e+00> : vector<32x64xf32>
    %dot_general3A_751 = tpu.matmul %convert_element_type3A_747, %convert_element_type3A_465, %dot_general3A_750 {dimension_numbers = #tpu.dot_dimension_numbers<[1], [0], [0], [1], [0, 0, 1, 1], [], []>, transpose_lhs_hint = false} : vector<32x128xbf16>, vector<128x64xbf16>, vector<32x64xf32> -> vector<32x64xf32>
    %add3A_752 = arith.addf %dot_general3A_749, %dot_general3A_751 : vector<32x64xf32>
    %dot_general3A_753 = arith.constant dense<0.000000e+00> : vector<32x64xf32>
    %dot_general3A_754 = tpu.matmul %convert_element_type3A_747, %convert_element_type3A_468, %dot_general3A_753 {dimension_numbers = #tpu.dot_dimension_numbers<[1], [0], [0], [1], [0, 0, 1, 1], [], []>, transpose_lhs_hint = false} : vector<32x128xbf16>, vector<128x64xbf16>, vector<32x64xf32> -> vector<32x64xf32>
    %add3A_755 = arith.addf %add3A_752, %dot_general3A_754 : vector<32x64xf32>
    %max3A_756 = arith.maximumf %max3A_737, %add3A_755 : vector<32x64xf32>
    %argmin3A_757 = tpu.reduce_index %select_n3A_744 {axis = 1 : i32, kind = #tpu.reduction_kind<arg_min>} : vector<32x128xf32> -> vector<32xi32>
    %broadcast_in_dim3A_758 = vector.shape_cast %argmin3A_757 : vector<32xi32> to vector<32x1xi32>
    %eq3A_759 = vector.broadcast %broadcast_in_dim3A_758 : vector<32x1xi32> to vector<32x128xi32>
    %eq3A_760 = arith.cmpi eq, %iota3A_469, %eq3A_759 : vector<32x128xi32>
    %jit3A_761 = arith.constant 1.000000e+30 : f32
    %broadcast_in_dim3A_762 = vector.broadcast %jit3A_761 : f32 to vector<32x128xf32>
    %select_n3A_763 = arith.select %eq3A_760, %broadcast_in_dim3A_762, %select_n3A_744 : vector<32x128xi1>, vector<32x128xf32>
    %convert_element_type3A_764 = arith.extui %eq3A_760 : vector<32x128xi1> to vector<32x128xi32>
    %convert_element_type3A_765 = arith.sitofp %convert_element_type3A_764 : vector<32x128xi32> to vector<32x128xf32>
    %convert_element_type3A_766 = arith.truncf %convert_element_type3A_765 : vector<32x128xf32> to vector<32x128xbf16>
    %dot_general3A_767 = arith.constant dense<0.000000e+00> : vector<32x64xf32>
    %dot_general3A_768 = tpu.matmul %convert_element_type3A_766, %convert_element_type3A_462, %dot_general3A_767 {dimension_numbers = #tpu.dot_dimension_numbers<[1], [0], [0], [1], [0, 0, 1, 1], [], []>, transpose_lhs_hint = false} : vector<32x128xbf16>, vector<128x64xbf16>, vector<32x64xf32> -> vector<32x64xf32>
    %dot_general3A_769 = arith.constant dense<0.000000e+00> : vector<32x64xf32>
    %dot_general3A_770 = tpu.matmul %convert_element_type3A_766, %convert_element_type3A_465, %dot_general3A_769 {dimension_numbers = #tpu.dot_dimension_numbers<[1], [0], [0], [1], [0, 0, 1, 1], [], []>, transpose_lhs_hint = false} : vector<32x128xbf16>, vector<128x64xbf16>, vector<32x64xf32> -> vector<32x64xf32>
    %add3A_771 = arith.addf %dot_general3A_768, %dot_general3A_770 : vector<32x64xf32>
    %dot_general3A_772 = arith.constant dense<0.000000e+00> : vector<32x64xf32>
    %dot_general3A_773 = tpu.matmul %convert_element_type3A_766, %convert_element_type3A_468, %dot_general3A_772 {dimension_numbers = #tpu.dot_dimension_numbers<[1], [0], [0], [1], [0, 0, 1, 1], [], []>, transpose_lhs_hint = false} : vector<32x128xbf16>, vector<128x64xbf16>, vector<32x64xf32> -> vector<32x64xf32>
    %add3A_774 = arith.addf %add3A_771, %dot_general3A_773 : vector<32x64xf32>
    %max3A_775 = arith.maximumf %max3A_756, %add3A_774 : vector<32x64xf32>
    %argmin3A_776 = tpu.reduce_index %select_n3A_763 {axis = 1 : i32, kind = #tpu.reduction_kind<arg_min>} : vector<32x128xf32> -> vector<32xi32>
    %broadcast_in_dim3A_777 = vector.shape_cast %argmin3A_776 : vector<32xi32> to vector<32x1xi32>
    %eq3A_778 = vector.broadcast %broadcast_in_dim3A_777 : vector<32x1xi32> to vector<32x128xi32>
    %eq3A_779 = arith.cmpi eq, %iota3A_469, %eq3A_778 : vector<32x128xi32>
    %jit3A_780 = arith.constant 1.000000e+30 : f32
    %broadcast_in_dim3A_781 = vector.broadcast %jit3A_780 : f32 to vector<32x128xf32>
    %select_n3A_782 = arith.select %eq3A_779, %broadcast_in_dim3A_781, %select_n3A_763 : vector<32x128xi1>, vector<32x128xf32>
    %convert_element_type3A_783 = arith.extui %eq3A_779 : vector<32x128xi1> to vector<32x128xi32>
    %convert_element_type3A_784 = arith.sitofp %convert_element_type3A_783 : vector<32x128xi32> to vector<32x128xf32>
    %convert_element_type3A_785 = arith.truncf %convert_element_type3A_784 : vector<32x128xf32> to vector<32x128xbf16>
    %dot_general3A_786 = arith.constant dense<0.000000e+00> : vector<32x64xf32>
    %dot_general3A_787 = tpu.matmul %convert_element_type3A_785, %convert_element_type3A_462, %dot_general3A_786 {dimension_numbers = #tpu.dot_dimension_numbers<[1], [0], [0], [1], [0, 0, 1, 1], [], []>, transpose_lhs_hint = false} : vector<32x128xbf16>, vector<128x64xbf16>, vector<32x64xf32> -> vector<32x64xf32>
    %dot_general3A_788 = arith.constant dense<0.000000e+00> : vector<32x64xf32>
    %dot_general3A_789 = tpu.matmul %convert_element_type3A_785, %convert_element_type3A_465, %dot_general3A_788 {dimension_numbers = #tpu.dot_dimension_numbers<[1], [0], [0], [1], [0, 0, 1, 1], [], []>, transpose_lhs_hint = false} : vector<32x128xbf16>, vector<128x64xbf16>, vector<32x64xf32> -> vector<32x64xf32>
    %add3A_790 = arith.addf %dot_general3A_787, %dot_general3A_789 : vector<32x64xf32>
    %dot_general3A_791 = arith.constant dense<0.000000e+00> : vector<32x64xf32>
    %dot_general3A_792 = tpu.matmul %convert_element_type3A_785, %convert_element_type3A_468, %dot_general3A_791 {dimension_numbers = #tpu.dot_dimension_numbers<[1], [0], [0], [1], [0, 0, 1, 1], [], []>, transpose_lhs_hint = false} : vector<32x128xbf16>, vector<128x64xbf16>, vector<32x64xf32> -> vector<32x64xf32>
    %add3A_793 = arith.addf %add3A_790, %dot_general3A_792 : vector<32x64xf32>
    %max3A_794 = arith.maximumf %max3A_775, %add3A_793 : vector<32x64xf32>
    %argmin3A_795 = tpu.reduce_index %select_n3A_782 {axis = 1 : i32, kind = #tpu.reduction_kind<arg_min>} : vector<32x128xf32> -> vector<32xi32>
    %broadcast_in_dim3A_796 = vector.shape_cast %argmin3A_795 : vector<32xi32> to vector<32x1xi32>
    %eq3A_797 = vector.broadcast %broadcast_in_dim3A_796 : vector<32x1xi32> to vector<32x128xi32>
    %eq3A_798 = arith.cmpi eq, %iota3A_469, %eq3A_797 : vector<32x128xi32>
    %jit3A_799 = arith.constant 1.000000e+30 : f32
    %broadcast_in_dim3A_800 = vector.broadcast %jit3A_799 : f32 to vector<32x128xf32>
    %select_n3A_801 = arith.select %eq3A_798, %broadcast_in_dim3A_800, %select_n3A_782 : vector<32x128xi1>, vector<32x128xf32>
    %convert_element_type3A_802 = arith.extui %eq3A_798 : vector<32x128xi1> to vector<32x128xi32>
    %convert_element_type3A_803 = arith.sitofp %convert_element_type3A_802 : vector<32x128xi32> to vector<32x128xf32>
    %convert_element_type3A_804 = arith.truncf %convert_element_type3A_803 : vector<32x128xf32> to vector<32x128xbf16>
    %dot_general3A_805 = arith.constant dense<0.000000e+00> : vector<32x64xf32>
    %dot_general3A_806 = tpu.matmul %convert_element_type3A_804, %convert_element_type3A_462, %dot_general3A_805 {dimension_numbers = #tpu.dot_dimension_numbers<[1], [0], [0], [1], [0, 0, 1, 1], [], []>, transpose_lhs_hint = false} : vector<32x128xbf16>, vector<128x64xbf16>, vector<32x64xf32> -> vector<32x64xf32>
    %dot_general3A_807 = arith.constant dense<0.000000e+00> : vector<32x64xf32>
    %dot_general3A_808 = tpu.matmul %convert_element_type3A_804, %convert_element_type3A_465, %dot_general3A_807 {dimension_numbers = #tpu.dot_dimension_numbers<[1], [0], [0], [1], [0, 0, 1, 1], [], []>, transpose_lhs_hint = false} : vector<32x128xbf16>, vector<128x64xbf16>, vector<32x64xf32> -> vector<32x64xf32>
    %add3A_809 = arith.addf %dot_general3A_806, %dot_general3A_808 : vector<32x64xf32>
    %dot_general3A_810 = arith.constant dense<0.000000e+00> : vector<32x64xf32>
    %dot_general3A_811 = tpu.matmul %convert_element_type3A_804, %convert_element_type3A_468, %dot_general3A_810 {dimension_numbers = #tpu.dot_dimension_numbers<[1], [0], [0], [1], [0, 0, 1, 1], [], []>, transpose_lhs_hint = false} : vector<32x128xbf16>, vector<128x64xbf16>, vector<32x64xf32> -> vector<32x64xf32>
    %add3A_812 = arith.addf %add3A_809, %dot_general3A_811 : vector<32x64xf32>
    %max3A_813 = arith.maximumf %max3A_794, %add3A_812 : vector<32x64xf32>
    %argmin3A_814 = tpu.reduce_index %select_n3A_801 {axis = 1 : i32, kind = #tpu.reduction_kind<arg_min>} : vector<32x128xf32> -> vector<32xi32>
    %broadcast_in_dim3A_815 = vector.shape_cast %argmin3A_814 : vector<32xi32> to vector<32x1xi32>
    %eq3A_816 = vector.broadcast %broadcast_in_dim3A_815 : vector<32x1xi32> to vector<32x128xi32>
    %eq3A_817 = arith.cmpi eq, %iota3A_469, %eq3A_816 : vector<32x128xi32>
    %jit3A_818 = arith.constant 1.000000e+30 : f32
    %broadcast_in_dim3A_819 = vector.broadcast %jit3A_818 : f32 to vector<32x128xf32>
    %select_n3A_820 = arith.select %eq3A_817, %broadcast_in_dim3A_819, %select_n3A_801 : vector<32x128xi1>, vector<32x128xf32>
    %convert_element_type3A_821 = arith.extui %eq3A_817 : vector<32x128xi1> to vector<32x128xi32>
    %convert_element_type3A_822 = arith.sitofp %convert_element_type3A_821 : vector<32x128xi32> to vector<32x128xf32>
    %convert_element_type3A_823 = arith.truncf %convert_element_type3A_822 : vector<32x128xf32> to vector<32x128xbf16>
    %dot_general3A_824 = arith.constant dense<0.000000e+00> : vector<32x64xf32>
    %dot_general3A_825 = tpu.matmul %convert_element_type3A_823, %convert_element_type3A_462, %dot_general3A_824 {dimension_numbers = #tpu.dot_dimension_numbers<[1], [0], [0], [1], [0, 0, 1, 1], [], []>, transpose_lhs_hint = false} : vector<32x128xbf16>, vector<128x64xbf16>, vector<32x64xf32> -> vector<32x64xf32>
    %dot_general3A_826 = arith.constant dense<0.000000e+00> : vector<32x64xf32>
    %dot_general3A_827 = tpu.matmul %convert_element_type3A_823, %convert_element_type3A_465, %dot_general3A_826 {dimension_numbers = #tpu.dot_dimension_numbers<[1], [0], [0], [1], [0, 0, 1, 1], [], []>, transpose_lhs_hint = false} : vector<32x128xbf16>, vector<128x64xbf16>, vector<32x64xf32> -> vector<32x64xf32>
    %add3A_828 = arith.addf %dot_general3A_825, %dot_general3A_827 : vector<32x64xf32>
    %dot_general3A_829 = arith.constant dense<0.000000e+00> : vector<32x64xf32>
    %dot_general3A_830 = tpu.matmul %convert_element_type3A_823, %convert_element_type3A_468, %dot_general3A_829 {dimension_numbers = #tpu.dot_dimension_numbers<[1], [0], [0], [1], [0, 0, 1, 1], [], []>, transpose_lhs_hint = false} : vector<32x128xbf16>, vector<128x64xbf16>, vector<32x64xf32> -> vector<32x64xf32>
    %add3A_831 = arith.addf %add3A_828, %dot_general3A_830 : vector<32x64xf32>
    %max3A_832 = arith.maximumf %max3A_813, %add3A_831 : vector<32x64xf32>
    %reduce_min3A_833 = arith.constant dense<0x7F800000> : vector<32xf32>
    %reduce_min3A_834 = vector.multi_reduction <minimumf>, %select_n3A_820, %reduce_min3A_833 [1] : vector<32x128xf32> to vector<32xf32>
    %broadcast_in_dim3A_835 = vector.shape_cast %reduce_min3A_834 : vector<32xf32> to vector<32x1xf32>
    %eq3A_836 = vector.broadcast %broadcast_in_dim3A_835 : vector<32x1xf32> to vector<32x128xf32>
    %eq3A_837 = arith.cmpf oeq, %select_n3A_820, %eq3A_836 : vector<32x128xf32>
    %jit3A_838 = arith.constant 128 : i32
    %broadcast_in_dim3A_839 = vector.broadcast %jit3A_838 : i32 to vector<32x128xi32>
    %select_n3A_840 = arith.select %eq3A_837, %iota3A_469, %broadcast_in_dim3A_839 : vector<32x128xi1>, vector<32x128xi32>
    %reduce_min3A_841 = arith.constant dense<2147483647> : vector<32xi32>
    %reduce_min3A_842 = vector.multi_reduction <minsi>, %select_n3A_840, %reduce_min3A_841 [1] : vector<32x128xi32> to vector<32xi32>
    %broadcast_in_dim3A_843 = vector.shape_cast %reduce_min3A_842 : vector<32xi32> to vector<32x1xi32>
    %eq3A_844 = vector.broadcast %broadcast_in_dim3A_843 : vector<32x1xi32> to vector<32x128xi32>
    %eq3A_845 = arith.cmpi eq, %iota3A_469, %eq3A_844 : vector<32x128xi32>
    %convert_element_type3A_846 = arith.extui %eq3A_845 : vector<32x128xi1> to vector<32x128xi32>
    %convert_element_type3A_847 = arith.sitofp %convert_element_type3A_846 : vector<32x128xi32> to vector<32x128xf32>
    %convert_element_type3A_848 = arith.truncf %convert_element_type3A_847 : vector<32x128xf32> to vector<32x128xbf16>
    %dot_general3A_849 = arith.constant dense<0.000000e+00> : vector<32x64xf32>
    %dot_general3A_850 = tpu.matmul %convert_element_type3A_848, %convert_element_type3A_462, %dot_general3A_849 {dimension_numbers = #tpu.dot_dimension_numbers<[1], [0], [0], [1], [0, 0, 1, 1], [], []>, transpose_lhs_hint = false} : vector<32x128xbf16>, vector<128x64xbf16>, vector<32x64xf32> -> vector<32x64xf32>
    %dot_general3A_851 = arith.constant dense<0.000000e+00> : vector<32x64xf32>
    %dot_general3A_852 = tpu.matmul %convert_element_type3A_848, %convert_element_type3A_465, %dot_general3A_851 {dimension_numbers = #tpu.dot_dimension_numbers<[1], [0], [0], [1], [0, 0, 1, 1], [], []>, transpose_lhs_hint = false} : vector<32x128xbf16>, vector<128x64xbf16>, vector<32x64xf32> -> vector<32x64xf32>
    %add3A_853 = arith.addf %dot_general3A_850, %dot_general3A_852 : vector<32x64xf32>
    %dot_general3A_854 = arith.constant dense<0.000000e+00> : vector<32x64xf32>
    %dot_general3A_855 = tpu.matmul %convert_element_type3A_848, %convert_element_type3A_468, %dot_general3A_854 {dimension_numbers = #tpu.dot_dimension_numbers<[1], [0], [0], [1], [0, 0, 1, 1], [], []>, transpose_lhs_hint = false} : vector<32x128xbf16>, vector<128x64xbf16>, vector<32x64xf32> -> vector<32x64xf32>
    %add3A_856 = arith.addf %add3A_853, %dot_general3A_855 : vector<32x64xf32>
    %max3A_857 = arith.maximumf %max3A_832, %add3A_856 : vector<32x64xf32>
    %swap3A = arith.constant 0 : index
    %swap3A_858 = arith.constant 0 : index
    %swap3A_859 = arith.constant 0 : index
    %swap3A_860 = vector.load %arg9[%swap3A, %swap3A_858, %swap3A_859] : memref<1x32x64xf32, #tpu.memory_space<vmem>>, vector<1x32x64xf32>
    %swap3A_861 = vector.shape_cast %swap3A_860 : vector<1x32x64xf32> to vector<32x64xf32>
    %swap3A_862 = vector.shape_cast %max3A_857 : vector<32x64xf32> to vector<1x32x64xf32>
    tpu.vector_store %arg9[%swap3A, %swap3A_858, %swap3A_859], %swap3A_862 {strides = array<i32>} : memref<1x32x64xf32, #tpu.memory_space<vmem>>, vector<1x32x64xf32>,
    %get3A_863 = arith.constant 0 : index
    %get3A_864 = arith.constant 0 : index
    %get3A_865 = vector.load %arg6[%get3A_863, %get3A_864] : memref<64x128xf32, #tpu.memory_space<vmem>>, vector<64x128xf32>
    %convert_element_type3A_866 = arith.truncf %max3A_446 : vector<128x64xf32> to vector<128x64xbf16>
    %convert_element_type3A_867 = arith.truncf %get3A_865 : vector<64x128xf32> to vector<64x128xbf16>
    %dot_general3A_868 = arith.constant dense<0.000000e+00> : vector<128x128xf32>
    %dot_general3A_869 = tpu.matmul %convert_element_type3A_866, %convert_element_type3A_867, %dot_general3A_868 {dimension_numbers = #tpu.dot_dimension_numbers<[1], [0], [0], [1], [0, 0, 1, 1], [], []>, transpose_lhs_hint = false} : vector<128x64xbf16>, vector<64x128xbf16>, vector<128x128xf32> -> vector<128x128xf32>
    %swap3A_870 = arith.constant 0 : index
    %swap3A_871 = arith.constant 0 : index
    %swap3A_872 = arith.constant 0 : index
    %swap3A_873 = vector.load %arg8[%swap3A_870, %swap3A_871, %swap3A_872] : memref<1x128x128xf32, #tpu.memory_space<vmem>>, vector<1x128x128xf32>
    %swap3A_874 = vector.shape_cast %swap3A_873 : vector<1x128x128xf32> to vector<128x128xf32>
    %swap3A_875 = vector.shape_cast %dot_general3A_869 : vector<128x128xf32> to vector<1x128x128xf32>
    tpu.vector_store %arg8[%swap3A_870, %swap3A_871, %swap3A_872], %swap3A_875 {strides = array<i32>} : memref<1x128x128xf32, #tpu.memory_space<vmem>>, vector<1x128x128xf32>,
    %reduce_sum3A = arith.constant dense<0.000000e+00> : vector<128xf32>
    %reduce_sum3A_876 = vector.multi_reduction <add>, %dot_general3A_869, %reduce_sum3A [0] : vector<128x128xf32> to vector<128xf32>
    %broadcast_in_dim3A_877 = vector.shape_cast %reduce_sum3A_876 : vector<128xf32> to vector<1x128xf32>
    %mul3A_878 = arith.mulf %dot_general3A_869, %dot_general3A_869 : vector<128x128xf32>
    %reduce_sum3A_879 = arith.constant dense<0.000000e+00> : vector<128xf32>
    %reduce_sum3A_880 = vector.multi_reduction <add>, %mul3A_878, %reduce_sum3A_879 [0] : vector<128x128xf32> to vector<128xf32>
    %broadcast_in_dim3A_881 = vector.shape_cast %reduce_sum3A_880 : vector<128xf32> to vector<1x128xf32>
    %iota3A_882 = tpu.iota {dimensions = array<i32: 0>} : vector<8x128xi32>
    %eq3A_883 = arith.constant 0 : i32
    %eq3A_884 = vector.broadcast %eq3A_883 : i32 to vector<8x128xi32>
    %eq3A_885 = arith.cmpi eq, %iota3A_882, %eq3A_884 : vector<8x128xi32>
    %broadcast_in_dim3A_886 = vector.shape_cast %broadcast_in_dim3A_877 : vector<1x128xf32> to vector<1x128xf32>
    %broadcast_in_dim3A_887 = vector.broadcast %broadcast_in_dim3A_886 : vector<1x128xf32> to vector<8x128xf32>
    %eq3A_888 = arith.constant 1 : i32
    %eq3A_889 = vector.broadcast %eq3A_888 : i32 to vector<8x128xi32>
    %eq3A_890 = arith.cmpi eq, %iota3A_882, %eq3A_889 : vector<8x128xi32>
    %broadcast_in_dim3A_891 = vector.shape_cast %broadcast_in_dim3A_881 : vector<1x128xf32> to vector<1x128xf32>
    %broadcast_in_dim3A_892 = vector.broadcast %broadcast_in_dim3A_891 : vector<1x128xf32> to vector<8x128xf32>
    %jit3A_893 = arith.constant 0.000000e+00 : f32
    %broadcast_in_dim3A_894 = vector.broadcast %jit3A_893 : f32 to vector<8x128xf32>
    %select_n3A_895 = arith.select %eq3A_890, %broadcast_in_dim3A_892, %broadcast_in_dim3A_894 : vector<8x128xi1>, vector<8x128xf32>
    %select_n3A_896 = arith.select %eq3A_885, %broadcast_in_dim3A_887, %select_n3A_895 : vector<8x128xi1>, vector<8x128xf32>
    %eq3A_897 = arith.constant 0 : i32
    %eq3A_898 = arith.cmpi eq, %arg0, %eq3A_897 : i32
    %convert_element_type3A_899 = arith.extui %eq3A_898 : i1 to i32
    %cond3A = arith.constant 0 : i32
    %cond3A_900 = arith.cmpi ne, %convert_element_type3A_899, %cond3A : i32
    scf.if %cond3A_900 {
      %broadcast_in_dim3A_913 = arith.constant 0.000000e+00 : f32
      %broadcast_in_dim3A_914 = vector.broadcast %broadcast_in_dim3A_913 : f32 to vector<8x128xf32>
      %swap3A_915 = arith.constant 0 : index
      %swap3A_916 = arith.constant 0 : index
      %swap3A_917 = vector.load %arg11[%swap3A_915, %swap3A_916] : memref<8x128xf32, #tpu.memory_space<vmem>>, vector<8x128xf32>
      tpu.vector_store %arg11[%swap3A_915, %swap3A_916], %broadcast_in_dim3A_914 {strides = array<i32>} : memref<8x128xf32, #tpu.memory_space<vmem>>, vector<8x128xf32>,
    } else {
    }
    %get3A_901 = arith.constant 0 : index
    %get3A_902 = arith.constant 0 : index
    %get3A_903 = vector.load %arg11[%get3A_901, %get3A_902] : memref<8x128xf32, #tpu.memory_space<vmem>>, vector<8x128xf32>
    %add3A_904 = arith.addf %get3A_903, %select_n3A_896 : vector<8x128xf32>
    %swap3A_905 = arith.constant 0 : index
    %swap3A_906 = arith.constant 0 : index
    %swap3A_907 = vector.load %arg11[%swap3A_905, %swap3A_906] : memref<8x128xf32, #tpu.memory_space<vmem>>, vector<8x128xf32>
    tpu.vector_store %arg11[%swap3A_905, %swap3A_906], %add3A_904 {strides = array<i32>} : memref<8x128xf32, #tpu.memory_space<vmem>>, vector<8x128xf32>,
    %eq3A_908 = arith.constant 31 : i32
    %eq3A_909 = arith.cmpi eq, %arg0, %eq3A_908 : i32
    %convert_element_type3A_910 = arith.extui %eq3A_909 : i1 to i32
    %cond3A_911 = arith.constant 0 : i32
    %cond3A_912 = arith.cmpi ne, %convert_element_type3A_910, %cond3A_911 : i32
    scf.if %cond3A_912 {
      %get3A_913 = arith.constant 0 : index
      %get3A_914 = arith.constant 0 : index
      %get3A_915 = vector.load %arg11[%get3A_913, %get3A_914] : memref<8x128xf32, #tpu.memory_space<vmem>>, vector<8x128xf32>
      %swap3A_916 = arith.constant 0 : index
      %swap3A_917 = arith.constant 0 : index
      %swap3A_918 = vector.load %arg10[%swap3A_916, %swap3A_917] : memref<8x128xf32, #tpu.memory_space<vmem>>, vector<8x128xf32>
      tpu.vector_store %arg10[%swap3A_916, %swap3A_917], %get3A_915 {strides = array<i32>} : memref<8x128xf32, #tpu.memory_space<vmem>>, vector<8x128xf32>,
    } else {
    }
    return
  }
  func.func @transform_0(%arg0: i32) -> (i32, i32, i32) {
    %c0_i32 = arith.constant 0 : i32
    %c0_i32_0 = arith.constant 0 : i32
    %c0_i32_1 = arith.constant 0 : i32
    return %arg0, %c0_i32, %c0_i32_0 : i32, i32, i32
  }
  func.func @transform_1(%arg0: i32) -> (i32, i32) {
    %c0_i32 = arith.constant 0 : i32
    %c0_i32_0 = arith.constant 0 : i32
    %c0_i32_1 = arith.constant 0 : i32
    return %c0_i32, %c0_i32_0 : i32, i32
  }
  func.func @transform_2(%arg0: i32) -> (i32, i32, i32) {
    %c0_i32 = arith.constant 0 : i32
    %c0_i32_0 = arith.constant 0 : i32
    %c0_i32_1 = arith.constant 0 : i32
    return %arg0, %c0_i32, %c0_i32_0 : i32, i32, i32
  }
  func.func @transform_3(%arg0: i32) -> (i32, i32, i32) {
    %c0_i32 = arith.constant 0 : i32
    %c0_i32_0 = arith.constant 0 : i32
    %c0_i32_1 = arith.constant 0 : i32
    return %arg0, %c0_i32, %c0_i32_0 : i32, i32, i32
  }
  func.func @transform_4(%arg0: i32) -> (i32, i32, i32) {
    %c0_i32 = arith.constant 0 : i32
    %c0_i32_0 = arith.constant 0 : i32
    %c0_i32_1 = arith.constant 0 : i32
    return %arg0, %c0_i32, %c0_i32_0 : i32, i32, i32
  }
  func.func @transform_5(%arg0: i32) -> (i32, i32) {
    %c0_i32 = arith.constant 0 : i32
    %c0_i32_0 = arith.constant 0 : i32
    %c0_i32_1 = arith.constant 0 : i32
    return %c0_i32, %c0_i32_0 : i32, i32
  }
  func.func @transform_6(%arg0: i32) -> (i32, i32) {
    %c0_i32 = arith.constant 0 : i32
    %c0_i32_0 = arith.constant 0 : i32
    %c0_i32_1 = arith.constant 0 : i32
    return %c0_i32, %c0_i32_0 : i32, i32
  }
  func.func @transform_7(%arg0: i32) -> (i32, i32, i32) {
    %c0_i32 = arith.constant 0 : i32
    %c0_i32_0 = arith.constant 0 : i32
    %c0_i32_1 = arith.constant 0 : i32
    return %arg0, %c0_i32, %c0_i32_0 : i32, i32, i32
  }
  func.func @transform_8(%arg0: i32) -> (i32, i32, i32) {
    %c0_i32 = arith.constant 0 : i32
    %c0_i32_0 = arith.constant 0 : i32
    %c0_i32_1 = arith.constant 0 : i32
    return %arg0, %c0_i32, %c0_i32_0 : i32, i32, i32
  }
  func.func @transform_9(%arg0: i32) -> (i32, i32) {
    %c0_i32 = arith.constant 0 : i32
    %c0_i32_0 = arith.constant 0 : i32
    %c0_i32_1 = arith.constant 0 : i32
    return %c0_i32, %c0_i32_0 : i32, i32
  }
}

module attributes {stable_mosaic.version = 14 : i64} {
  func.func @_mid_body(%arg0: i32, %arg1: memref<1x128x128xf32, #tpu.memory_space<vmem>>, %arg2: memref<8x128xf32, #tpu.memory_space<vmem>>, %arg3: memref<1x128x8xf32, #tpu.memory_space<vmem>>, %arg4: memref<1x128x1xf32, #tpu.memory_space<vmem>>, %arg5: memref<1x1x128xf32, #tpu.memory_space<vmem>>, %arg6: memref<128x256xf32, #tpu.memory_space<vmem>>, %arg7: memref<8x128xf32, #tpu.memory_space<vmem>>, %arg8: memref<1x64x256xf32, #tpu.memory_space<vmem>>, %arg9: memref<1x32x128xf32, #tpu.memory_space<vmem>>, %arg10: memref<8x256xf32, #tpu.memory_space<vmem>>, %arg11: memref<8x256xf32, #tpu.memory_space<vmem>>) attributes {dimension_semantics = [#tpu.dimension_semantics<arbitrary>], iteration_bounds = array<i64: 32>, scalar_prefetch = 0 : i64, scratch_operands = 1 : i64, tpu.core_type = #tpu.core_type<tc>, window_params = [{transform_indices = @transform_0, window_bounds = array<i64: 1, 128, 128>}, {pipeline_mode = #tpu.pipeline_mode<synchronous>, transform_indices = @transform_1, window_bounds = array<i64: 8, 128>}, {transform_indices = @transform_2, window_bounds = array<i64: 1, 128, 8>}, {transform_indices = @transform_3, window_bounds = array<i64: 1, 128, 1>}, {transform_indices = @transform_4, window_bounds = array<i64: 1, 1, 128>}, {pipeline_mode = #tpu.pipeline_mode<synchronous>, transform_indices = @transform_5, window_bounds = array<i64: 128, 256>}, {pipeline_mode = #tpu.pipeline_mode<synchronous>, transform_indices = @transform_6, window_bounds = array<i64: 8, 128>}, {transform_indices = @transform_7, window_bounds = array<i64: 1, 64, 256>}, {transform_indices = @transform_8, window_bounds = array<i64: 1, 32, 128>}, {pipeline_mode = #tpu.pipeline_mode<synchronous>, transform_indices = @transform_9, window_bounds = array<i64: 8, 256>}]} {
    %get3A = arith.constant 0 : index
    %get3A_0 = arith.constant 0 : index
    %get3A_1 = arith.constant 0 : index
    %get3A_2 = vector.load %arg1[%get3A, %get3A_0, %get3A_1] : memref<1x128x128xf32, #tpu.memory_space<vmem>>, vector<1x128x128xf32>
    %get3A_3 = vector.shape_cast %get3A_2 : vector<1x128x128xf32> to vector<128x128xf32>
    %get3A_4 = arith.constant 0 : index
    %get3A_5 = arith.constant 0 : index
    %get3A_6 = vector.load %arg2[%get3A_4, %get3A_5] : memref<8x128xf32, #tpu.memory_space<vmem>>, vector<8x128xf32>
    %get3A_7 = arith.constant 0 : index
    %get3A_8 = arith.constant 0 : index
    %get3A_9 = vector.load %arg7[%get3A_7, %get3A_8] : memref<8x128xf32, #tpu.memory_space<vmem>>, vector<8x128xf32>
    %slice3A = vector.extract_strided_slice %get3A_6 {offsets = [0, 0], sizes = [1, 128], strides = [1, 1]} : vector<8x128xf32> to vector<1x128xf32>
    %div3A = arith.constant 4.096000e+03 : f32
    %div3A_10 = vector.broadcast %div3A : f32 to vector<1x128xf32>
    %div3A_11 = arith.divf %slice3A, %div3A_10 : vector<1x128xf32>
    %slice3A_12 = vector.extract_strided_slice %get3A_6 {offsets = [1, 0], sizes = [1, 128], strides = [1, 1]} : vector<8x128xf32> to vector<1x128xf32>
    %div3A_13 = arith.constant 4.096000e+03 : f32
    %div3A_14 = vector.broadcast %div3A_13 : f32 to vector<1x128xf32>
    %div3A_15 = arith.divf %slice3A_12, %div3A_14 : vector<1x128xf32>
    %mul3A = arith.mulf %div3A_11, %div3A_11 : vector<1x128xf32>
    %sub3A = arith.subf %div3A_15, %mul3A : vector<1x128xf32>
    %slice3A_16 = vector.extract_strided_slice %get3A_9 {offsets = [0, 0], sizes = [1, 128], strides = [1, 1]} : vector<8x128xf32> to vector<1x128xf32>
    %add3A = arith.constant 9.99999974E-6 : f32
    %add3A_17 = vector.broadcast %add3A : f32 to vector<1x128xf32>
    %add3A_18 = arith.addf %sub3A, %add3A_17 : vector<1x128xf32>
    %rsqrt3A = math.rsqrt %add3A_18 : vector<1x128xf32>
    %mul3A_19 = arith.mulf %slice3A_16, %rsqrt3A : vector<1x128xf32>
    %sub3A_20 = vector.broadcast %div3A_11 : vector<1x128xf32> to vector<128x128xf32>
    %sub3A_21 = arith.subf %get3A_3, %sub3A_20 : vector<128x128xf32>
    %mul3A_22 = vector.broadcast %mul3A_19 : vector<1x128xf32> to vector<128x128xf32>
    %mul3A_23 = arith.mulf %sub3A_21, %mul3A_22 : vector<128x128xf32>
    %slice3A_24 = vector.extract_strided_slice %get3A_9 {offsets = [1, 0], sizes = [1, 128], strides = [1, 1]} : vector<8x128xf32> to vector<1x128xf32>
    %add3A_25 = vector.broadcast %slice3A_24 : vector<1x128xf32> to vector<128x128xf32>
    %add3A_26 = arith.addf %mul3A_23, %add3A_25 : vector<128x128xf32>
    %ge3A = arith.constant 0.000000e+00 : f32
    %ge3A_27 = vector.broadcast %ge3A : f32 to vector<128x128xf32>
    %ge3A_28 = arith.cmpf oge, %add3A_26, %ge3A_27 : vector<128x128xf32>
    %mul3A_29 = arith.constant 2.000000e-01 : f32
    %mul3A_30 = vector.broadcast %mul3A_29 : f32 to vector<128x128xf32>
    %mul3A_31 = arith.mulf %mul3A_30, %add3A_26 : vector<128x128xf32>
    %select_n3A = arith.select %ge3A_28, %add3A_26, %mul3A_31 : vector<128x128xi1>, vector<128x128xf32>
    %get3A_32 = arith.constant 0 : index
    %get3A_33 = arith.constant 0 : index
    %get3A_34 = arith.constant 0 : index
    %get3A_35 = vector.load %arg3[%get3A_32, %get3A_33, %get3A_34] : memref<1x128x8xf32, #tpu.memory_space<vmem>>, vector<1x128x8xf32>
    %get3A_36 = vector.shape_cast %get3A_35 : vector<1x128x8xf32> to vector<128x8xf32>
    %get3A_37 = arith.constant 0 : index
    %get3A_38 = arith.constant 0 : index
    %get3A_39 = arith.constant 0 : index
    %get3A_40 = vector.load %arg4[%get3A_37, %get3A_38, %get3A_39] : memref<1x128x1xf32, #tpu.memory_space<vmem>>, vector<1x128x1xf32>
    %get3A_41 = vector.shape_cast %get3A_40 : vector<1x128x1xf32> to vector<128x1xf32>
    %get3A_42 = arith.constant 0 : index
    %get3A_43 = arith.constant 0 : index
    %get3A_44 = arith.constant 0 : index
    %get3A_45 = vector.load %arg5[%get3A_42, %get3A_43, %get3A_44] : memref<1x1x128xf32, #tpu.memory_space<vmem>>, vector<1x1x128xf32>
    %get3A_46 = vector.shape_cast %get3A_45 : vector<1x1x128xf32> to vector<1x128xf32>
    %slice3A_47 = vector.extract_strided_slice %get3A_36 {offsets = [0, 0], sizes = [64, 8], strides = [1, 1]} : vector<128x8xf32> to vector<64x8xf32>
    %convert_element_type3A = arith.truncf %slice3A_47 : vector<64x8xf32> to vector<64x8xbf16>
    %convert_element_type3A_48 = arith.truncf %get3A_36 : vector<128x8xf32> to vector<128x8xbf16>
    %dot_general3A = arith.constant dense<0.000000e+00> : vector<64x128xf32>
    %dot_general3A_49 = tpu.matmul %convert_element_type3A, %convert_element_type3A_48, %dot_general3A {dimension_numbers = #tpu.dot_dimension_numbers<[1], [1], [0], [0], [0, 0, 1, 0], [], []>, transpose_lhs_hint = false} : vector<64x8xbf16>, vector<128x8xbf16>, vector<64x128xf32> -> vector<64x128xf32>
    %slice3A_50 = vector.extract_strided_slice %get3A_41 {offsets = [0, 0], sizes = [64, 1], strides = [1, 1]} : vector<128x1xf32> to vector<64x1xf32>
    %mul3A_51 = arith.constant 2.000000e+00 : f32
    %mul3A_52 = vector.broadcast %mul3A_51 : f32 to vector<64x128xf32>
    %mul3A_53 = arith.mulf %mul3A_52, %dot_general3A_49 : vector<64x128xf32>
    %sub3A_54 = vector.broadcast %slice3A_50 : vector<64x1xf32> to vector<64x128xf32>
    %sub3A_55 = arith.subf %sub3A_54, %mul3A_53 : vector<64x128xf32>
    %add3A_56 = vector.broadcast %get3A_46 : vector<1x128xf32> to vector<64x128xf32>
    %add3A_57 = arith.addf %sub3A_55, %add3A_56 : vector<64x128xf32>
    %convert_element_type3A_58 = arith.truncf %select_n3A : vector<128x128xf32> to vector<128x128xbf16>
    %convert_element_type3A_59 = arith.extf %convert_element_type3A_58 : vector<128x128xbf16> to vector<128x128xf32>
    %sub3A_60 = arith.subf %select_n3A, %convert_element_type3A_59 : vector<128x128xf32>
    %convert_element_type3A_61 = arith.truncf %sub3A_60 : vector<128x128xf32> to vector<128x128xbf16>
    %convert_element_type3A_62 = arith.extf %convert_element_type3A_61 : vector<128x128xbf16> to vector<128x128xf32>
    %sub3A_63 = arith.subf %sub3A_60, %convert_element_type3A_62 : vector<128x128xf32>
    %convert_element_type3A_64 = arith.truncf %sub3A_63 : vector<128x128xf32> to vector<128x128xbf16>
    %iota3A = tpu.iota {dimensions = array<i32: 1>} : vector<64x128xi32>
    %broadcast_in_dim3A = arith.constant 0xFF800000 : f32
    %broadcast_in_dim3A_65 = vector.broadcast %broadcast_in_dim3A : f32 to vector<64x128xf32>
    %argmin3A = tpu.reduce_index %add3A_57 {axis = 1 : i32, kind = #tpu.reduction_kind<arg_min>} : vector<64x128xf32> -> vector<64xi32>
    %broadcast_in_dim3A_66 = vector.shape_cast %argmin3A : vector<64xi32> to vector<64x1xi32>
    %eq3A = vector.broadcast %broadcast_in_dim3A_66 : vector<64x1xi32> to vector<64x128xi32>
    %eq3A_67 = arith.cmpi eq, %iota3A, %eq3A : vector<64x128xi32>
    %jit3A = arith.constant 1.000000e+30 : f32
    %broadcast_in_dim3A_68 = vector.broadcast %jit3A : f32 to vector<64x128xf32>
    %select_n3A_69 = arith.select %eq3A_67, %broadcast_in_dim3A_68, %add3A_57 : vector<64x128xi1>, vector<64x128xf32>
    %convert_element_type3A_70 = arith.extui %eq3A_67 : vector<64x128xi1> to vector<64x128xi32>
    %convert_element_type3A_71 = arith.sitofp %convert_element_type3A_70 : vector<64x128xi32> to vector<64x128xf32>
    %convert_element_type3A_72 = arith.truncf %convert_element_type3A_71 : vector<64x128xf32> to vector<64x128xbf16>
    %dot_general3A_73 = arith.constant dense<0.000000e+00> : vector<64x128xf32>
    %dot_general3A_74 = tpu.matmul %convert_element_type3A_72, %convert_element_type3A_58, %dot_general3A_73 {dimension_numbers = #tpu.dot_dimension_numbers<[1], [0], [0], [1], [0, 0, 1, 1], [], []>, transpose_lhs_hint = false} : vector<64x128xbf16>, vector<128x128xbf16>, vector<64x128xf32> -> vector<64x128xf32>
    %dot_general3A_75 = arith.constant dense<0.000000e+00> : vector<64x128xf32>
    %dot_general3A_76 = tpu.matmul %convert_element_type3A_72, %convert_element_type3A_61, %dot_general3A_75 {dimension_numbers = #tpu.dot_dimension_numbers<[1], [0], [0], [1], [0, 0, 1, 1], [], []>, transpose_lhs_hint = false} : vector<64x128xbf16>, vector<128x128xbf16>, vector<64x128xf32> -> vector<64x128xf32>
    %add3A_77 = arith.addf %dot_general3A_74, %dot_general3A_76 : vector<64x128xf32>
    %dot_general3A_78 = arith.constant dense<0.000000e+00> : vector<64x128xf32>
    %dot_general3A_79 = tpu.matmul %convert_element_type3A_72, %convert_element_type3A_64, %dot_general3A_78 {dimension_numbers = #tpu.dot_dimension_numbers<[1], [0], [0], [1], [0, 0, 1, 1], [], []>, transpose_lhs_hint = false} : vector<64x128xbf16>, vector<128x128xbf16>, vector<64x128xf32> -> vector<64x128xf32>
    %add3A_80 = arith.addf %add3A_77, %dot_general3A_79 : vector<64x128xf32>
    %max3A = arith.maximumf %broadcast_in_dim3A_65, %add3A_80 : vector<64x128xf32>
    %argmin3A_81 = tpu.reduce_index %select_n3A_69 {axis = 1 : i32, kind = #tpu.reduction_kind<arg_min>} : vector<64x128xf32> -> vector<64xi32>
    %broadcast_in_dim3A_82 = vector.shape_cast %argmin3A_81 : vector<64xi32> to vector<64x1xi32>
    %eq3A_83 = vector.broadcast %broadcast_in_dim3A_82 : vector<64x1xi32> to vector<64x128xi32>
    %eq3A_84 = arith.cmpi eq, %iota3A, %eq3A_83 : vector<64x128xi32>
    %jit3A_85 = arith.constant 1.000000e+30 : f32
    %broadcast_in_dim3A_86 = vector.broadcast %jit3A_85 : f32 to vector<64x128xf32>
    %select_n3A_87 = arith.select %eq3A_84, %broadcast_in_dim3A_86, %select_n3A_69 : vector<64x128xi1>, vector<64x128xf32>
    %convert_element_type3A_88 = arith.extui %eq3A_84 : vector<64x128xi1> to vector<64x128xi32>
    %convert_element_type3A_89 = arith.sitofp %convert_element_type3A_88 : vector<64x128xi32> to vector<64x128xf32>
    %convert_element_type3A_90 = arith.truncf %convert_element_type3A_89 : vector<64x128xf32> to vector<64x128xbf16>
    %dot_general3A_91 = arith.constant dense<0.000000e+00> : vector<64x128xf32>
    %dot_general3A_92 = tpu.matmul %convert_element_type3A_90, %convert_element_type3A_58, %dot_general3A_91 {dimension_numbers = #tpu.dot_dimension_numbers<[1], [0], [0], [1], [0, 0, 1, 1], [], []>, transpose_lhs_hint = false} : vector<64x128xbf16>, vector<128x128xbf16>, vector<64x128xf32> -> vector<64x128xf32>
    %dot_general3A_93 = arith.constant dense<0.000000e+00> : vector<64x128xf32>
    %dot_general3A_94 = tpu.matmul %convert_element_type3A_90, %convert_element_type3A_61, %dot_general3A_93 {dimension_numbers = #tpu.dot_dimension_numbers<[1], [0], [0], [1], [0, 0, 1, 1], [], []>, transpose_lhs_hint = false} : vector<64x128xbf16>, vector<128x128xbf16>, vector<64x128xf32> -> vector<64x128xf32>
    %add3A_95 = arith.addf %dot_general3A_92, %dot_general3A_94 : vector<64x128xf32>
    %dot_general3A_96 = arith.constant dense<0.000000e+00> : vector<64x128xf32>
    %dot_general3A_97 = tpu.matmul %convert_element_type3A_90, %convert_element_type3A_64, %dot_general3A_96 {dimension_numbers = #tpu.dot_dimension_numbers<[1], [0], [0], [1], [0, 0, 1, 1], [], []>, transpose_lhs_hint = false} : vector<64x128xbf16>, vector<128x128xbf16>, vector<64x128xf32> -> vector<64x128xf32>
    %add3A_98 = arith.addf %add3A_95, %dot_general3A_97 : vector<64x128xf32>
    %max3A_99 = arith.maximumf %max3A, %add3A_98 : vector<64x128xf32>
    %argmin3A_100 = tpu.reduce_index %select_n3A_87 {axis = 1 : i32, kind = #tpu.reduction_kind<arg_min>} : vector<64x128xf32> -> vector<64xi32>
    %broadcast_in_dim3A_101 = vector.shape_cast %argmin3A_100 : vector<64xi32> to vector<64x1xi32>
    %eq3A_102 = vector.broadcast %broadcast_in_dim3A_101 : vector<64x1xi32> to vector<64x128xi32>
    %eq3A_103 = arith.cmpi eq, %iota3A, %eq3A_102 : vector<64x128xi32>
    %jit3A_104 = arith.constant 1.000000e+30 : f32
    %broadcast_in_dim3A_105 = vector.broadcast %jit3A_104 : f32 to vector<64x128xf32>
    %select_n3A_106 = arith.select %eq3A_103, %broadcast_in_dim3A_105, %select_n3A_87 : vector<64x128xi1>, vector<64x128xf32>
    %convert_element_type3A_107 = arith.extui %eq3A_103 : vector<64x128xi1> to vector<64x128xi32>
    %convert_element_type3A_108 = arith.sitofp %convert_element_type3A_107 : vector<64x128xi32> to vector<64x128xf32>
    %convert_element_type3A_109 = arith.truncf %convert_element_type3A_108 : vector<64x128xf32> to vector<64x128xbf16>
    %dot_general3A_110 = arith.constant dense<0.000000e+00> : vector<64x128xf32>
    %dot_general3A_111 = tpu.matmul %convert_element_type3A_109, %convert_element_type3A_58, %dot_general3A_110 {dimension_numbers = #tpu.dot_dimension_numbers<[1], [0], [0], [1], [0, 0, 1, 1], [], []>, transpose_lhs_hint = false} : vector<64x128xbf16>, vector<128x128xbf16>, vector<64x128xf32> -> vector<64x128xf32>
    %dot_general3A_112 = arith.constant dense<0.000000e+00> : vector<64x128xf32>
    %dot_general3A_113 = tpu.matmul %convert_element_type3A_109, %convert_element_type3A_61, %dot_general3A_112 {dimension_numbers = #tpu.dot_dimension_numbers<[1], [0], [0], [1], [0, 0, 1, 1], [], []>, transpose_lhs_hint = false} : vector<64x128xbf16>, vector<128x128xbf16>, vector<64x128xf32> -> vector<64x128xf32>
    %add3A_114 = arith.addf %dot_general3A_111, %dot_general3A_113 : vector<64x128xf32>
    %dot_general3A_115 = arith.constant dense<0.000000e+00> : vector<64x128xf32>
    %dot_general3A_116 = tpu.matmul %convert_element_type3A_109, %convert_element_type3A_64, %dot_general3A_115 {dimension_numbers = #tpu.dot_dimension_numbers<[1], [0], [0], [1], [0, 0, 1, 1], [], []>, transpose_lhs_hint = false} : vector<64x128xbf16>, vector<128x128xbf16>, vector<64x128xf32> -> vector<64x128xf32>
    %add3A_117 = arith.addf %add3A_114, %dot_general3A_116 : vector<64x128xf32>
    %max3A_118 = arith.maximumf %max3A_99, %add3A_117 : vector<64x128xf32>
    %argmin3A_119 = tpu.reduce_index %select_n3A_106 {axis = 1 : i32, kind = #tpu.reduction_kind<arg_min>} : vector<64x128xf32> -> vector<64xi32>
    %broadcast_in_dim3A_120 = vector.shape_cast %argmin3A_119 : vector<64xi32> to vector<64x1xi32>
    %eq3A_121 = vector.broadcast %broadcast_in_dim3A_120 : vector<64x1xi32> to vector<64x128xi32>
    %eq3A_122 = arith.cmpi eq, %iota3A, %eq3A_121 : vector<64x128xi32>
    %jit3A_123 = arith.constant 1.000000e+30 : f32
    %broadcast_in_dim3A_124 = vector.broadcast %jit3A_123 : f32 to vector<64x128xf32>
    %select_n3A_125 = arith.select %eq3A_122, %broadcast_in_dim3A_124, %select_n3A_106 : vector<64x128xi1>, vector<64x128xf32>
    %convert_element_type3A_126 = arith.extui %eq3A_122 : vector<64x128xi1> to vector<64x128xi32>
    %convert_element_type3A_127 = arith.sitofp %convert_element_type3A_126 : vector<64x128xi32> to vector<64x128xf32>
    %convert_element_type3A_128 = arith.truncf %convert_element_type3A_127 : vector<64x128xf32> to vector<64x128xbf16>
    %dot_general3A_129 = arith.constant dense<0.000000e+00> : vector<64x128xf32>
    %dot_general3A_130 = tpu.matmul %convert_element_type3A_128, %convert_element_type3A_58, %dot_general3A_129 {dimension_numbers = #tpu.dot_dimension_numbers<[1], [0], [0], [1], [0, 0, 1, 1], [], []>, transpose_lhs_hint = false} : vector<64x128xbf16>, vector<128x128xbf16>, vector<64x128xf32> -> vector<64x128xf32>
    %dot_general3A_131 = arith.constant dense<0.000000e+00> : vector<64x128xf32>
    %dot_general3A_132 = tpu.matmul %convert_element_type3A_128, %convert_element_type3A_61, %dot_general3A_131 {dimension_numbers = #tpu.dot_dimension_numbers<[1], [0], [0], [1], [0, 0, 1, 1], [], []>, transpose_lhs_hint = false} : vector<64x128xbf16>, vector<128x128xbf16>, vector<64x128xf32> -> vector<64x128xf32>
    %add3A_133 = arith.addf %dot_general3A_130, %dot_general3A_132 : vector<64x128xf32>
    %dot_general3A_134 = arith.constant dense<0.000000e+00> : vector<64x128xf32>
    %dot_general3A_135 = tpu.matmul %convert_element_type3A_128, %convert_element_type3A_64, %dot_general3A_134 {dimension_numbers = #tpu.dot_dimension_numbers<[1], [0], [0], [1], [0, 0, 1, 1], [], []>, transpose_lhs_hint = false} : vector<64x128xbf16>, vector<128x128xbf16>, vector<64x128xf32> -> vector<64x128xf32>
    %add3A_136 = arith.addf %add3A_133, %dot_general3A_135 : vector<64x128xf32>
    %max3A_137 = arith.maximumf %max3A_118, %add3A_136 : vector<64x128xf32>
    %argmin3A_138 = tpu.reduce_index %select_n3A_125 {axis = 1 : i32, kind = #tpu.reduction_kind<arg_min>} : vector<64x128xf32> -> vector<64xi32>
    %broadcast_in_dim3A_139 = vector.shape_cast %argmin3A_138 : vector<64xi32> to vector<64x1xi32>
    %eq3A_140 = vector.broadcast %broadcast_in_dim3A_139 : vector<64x1xi32> to vector<64x128xi32>
    %eq3A_141 = arith.cmpi eq, %iota3A, %eq3A_140 : vector<64x128xi32>
    %jit3A_142 = arith.constant 1.000000e+30 : f32
    %broadcast_in_dim3A_143 = vector.broadcast %jit3A_142 : f32 to vector<64x128xf32>
    %select_n3A_144 = arith.select %eq3A_141, %broadcast_in_dim3A_143, %select_n3A_125 : vector<64x128xi1>, vector<64x128xf32>
    %convert_element_type3A_145 = arith.extui %eq3A_141 : vector<64x128xi1> to vector<64x128xi32>
    %convert_element_type3A_146 = arith.sitofp %convert_element_type3A_145 : vector<64x128xi32> to vector<64x128xf32>
    %convert_element_type3A_147 = arith.truncf %convert_element_type3A_146 : vector<64x128xf32> to vector<64x128xbf16>
    %dot_general3A_148 = arith.constant dense<0.000000e+00> : vector<64x128xf32>
    %dot_general3A_149 = tpu.matmul %convert_element_type3A_147, %convert_element_type3A_58, %dot_general3A_148 {dimension_numbers = #tpu.dot_dimension_numbers<[1], [0], [0], [1], [0, 0, 1, 1], [], []>, transpose_lhs_hint = false} : vector<64x128xbf16>, vector<128x128xbf16>, vector<64x128xf32> -> vector<64x128xf32>
    %dot_general3A_150 = arith.constant dense<0.000000e+00> : vector<64x128xf32>
    %dot_general3A_151 = tpu.matmul %convert_element_type3A_147, %convert_element_type3A_61, %dot_general3A_150 {dimension_numbers = #tpu.dot_dimension_numbers<[1], [0], [0], [1], [0, 0, 1, 1], [], []>, transpose_lhs_hint = false} : vector<64x128xbf16>, vector<128x128xbf16>, vector<64x128xf32> -> vector<64x128xf32>
    %add3A_152 = arith.addf %dot_general3A_149, %dot_general3A_151 : vector<64x128xf32>
    %dot_general3A_153 = arith.constant dense<0.000000e+00> : vector<64x128xf32>
    %dot_general3A_154 = tpu.matmul %convert_element_type3A_147, %convert_element_type3A_64, %dot_general3A_153 {dimension_numbers = #tpu.dot_dimension_numbers<[1], [0], [0], [1], [0, 0, 1, 1], [], []>, transpose_lhs_hint = false} : vector<64x128xbf16>, vector<128x128xbf16>, vector<64x128xf32> -> vector<64x128xf32>
    %add3A_155 = arith.addf %add3A_152, %dot_general3A_154 : vector<64x128xf32>
    %max3A_156 = arith.maximumf %max3A_137, %add3A_155 : vector<64x128xf32>
    %argmin3A_157 = tpu.reduce_index %select_n3A_144 {axis = 1 : i32, kind = #tpu.reduction_kind<arg_min>} : vector<64x128xf32> -> vector<64xi32>
    %broadcast_in_dim3A_158 = vector.shape_cast %argmin3A_157 : vector<64xi32> to vector<64x1xi32>
    %eq3A_159 = vector.broadcast %broadcast_in_dim3A_158 : vector<64x1xi32> to vector<64x128xi32>
    %eq3A_160 = arith.cmpi eq, %iota3A, %eq3A_159 : vector<64x128xi32>
    %jit3A_161 = arith.constant 1.000000e+30 : f32
    %broadcast_in_dim3A_162 = vector.broadcast %jit3A_161 : f32 to vector<64x128xf32>
    %select_n3A_163 = arith.select %eq3A_160, %broadcast_in_dim3A_162, %select_n3A_144 : vector<64x128xi1>, vector<64x128xf32>
    %convert_element_type3A_164 = arith.extui %eq3A_160 : vector<64x128xi1> to vector<64x128xi32>
    %convert_element_type3A_165 = arith.sitofp %convert_element_type3A_164 : vector<64x128xi32> to vector<64x128xf32>
    %convert_element_type3A_166 = arith.truncf %convert_element_type3A_165 : vector<64x128xf32> to vector<64x128xbf16>
    %dot_general3A_167 = arith.constant dense<0.000000e+00> : vector<64x128xf32>
    %dot_general3A_168 = tpu.matmul %convert_element_type3A_166, %convert_element_type3A_58, %dot_general3A_167 {dimension_numbers = #tpu.dot_dimension_numbers<[1], [0], [0], [1], [0, 0, 1, 1], [], []>, transpose_lhs_hint = false} : vector<64x128xbf16>, vector<128x128xbf16>, vector<64x128xf32> -> vector<64x128xf32>
    %dot_general3A_169 = arith.constant dense<0.000000e+00> : vector<64x128xf32>
    %dot_general3A_170 = tpu.matmul %convert_element_type3A_166, %convert_element_type3A_61, %dot_general3A_169 {dimension_numbers = #tpu.dot_dimension_numbers<[1], [0], [0], [1], [0, 0, 1, 1], [], []>, transpose_lhs_hint = false} : vector<64x128xbf16>, vector<128x128xbf16>, vector<64x128xf32> -> vector<64x128xf32>
    %add3A_171 = arith.addf %dot_general3A_168, %dot_general3A_170 : vector<64x128xf32>
    %dot_general3A_172 = arith.constant dense<0.000000e+00> : vector<64x128xf32>
    %dot_general3A_173 = tpu.matmul %convert_element_type3A_166, %convert_element_type3A_64, %dot_general3A_172 {dimension_numbers = #tpu.dot_dimension_numbers<[1], [0], [0], [1], [0, 0, 1, 1], [], []>, transpose_lhs_hint = false} : vector<64x128xbf16>, vector<128x128xbf16>, vector<64x128xf32> -> vector<64x128xf32>
    %add3A_174 = arith.addf %add3A_171, %dot_general3A_173 : vector<64x128xf32>
    %max3A_175 = arith.maximumf %max3A_156, %add3A_174 : vector<64x128xf32>
    %argmin3A_176 = tpu.reduce_index %select_n3A_163 {axis = 1 : i32, kind = #tpu.reduction_kind<arg_min>} : vector<64x128xf32> -> vector<64xi32>
    %broadcast_in_dim3A_177 = vector.shape_cast %argmin3A_176 : vector<64xi32> to vector<64x1xi32>
    %eq3A_178 = vector.broadcast %broadcast_in_dim3A_177 : vector<64x1xi32> to vector<64x128xi32>
    %eq3A_179 = arith.cmpi eq, %iota3A, %eq3A_178 : vector<64x128xi32>
    %jit3A_180 = arith.constant 1.000000e+30 : f32
    %broadcast_in_dim3A_181 = vector.broadcast %jit3A_180 : f32 to vector<64x128xf32>
    %select_n3A_182 = arith.select %eq3A_179, %broadcast_in_dim3A_181, %select_n3A_163 : vector<64x128xi1>, vector<64x128xf32>
    %convert_element_type3A_183 = arith.extui %eq3A_179 : vector<64x128xi1> to vector<64x128xi32>
    %convert_element_type3A_184 = arith.sitofp %convert_element_type3A_183 : vector<64x128xi32> to vector<64x128xf32>
    %convert_element_type3A_185 = arith.truncf %convert_element_type3A_184 : vector<64x128xf32> to vector<64x128xbf16>
    %dot_general3A_186 = arith.constant dense<0.000000e+00> : vector<64x128xf32>
    %dot_general3A_187 = tpu.matmul %convert_element_type3A_185, %convert_element_type3A_58, %dot_general3A_186 {dimension_numbers = #tpu.dot_dimension_numbers<[1], [0], [0], [1], [0, 0, 1, 1], [], []>, transpose_lhs_hint = false} : vector<64x128xbf16>, vector<128x128xbf16>, vector<64x128xf32> -> vector<64x128xf32>
    %dot_general3A_188 = arith.constant dense<0.000000e+00> : vector<64x128xf32>
    %dot_general3A_189 = tpu.matmul %convert_element_type3A_185, %convert_element_type3A_61, %dot_general3A_188 {dimension_numbers = #tpu.dot_dimension_numbers<[1], [0], [0], [1], [0, 0, 1, 1], [], []>, transpose_lhs_hint = false} : vector<64x128xbf16>, vector<128x128xbf16>, vector<64x128xf32> -> vector<64x128xf32>
    %add3A_190 = arith.addf %dot_general3A_187, %dot_general3A_189 : vector<64x128xf32>
    %dot_general3A_191 = arith.constant dense<0.000000e+00> : vector<64x128xf32>
    %dot_general3A_192 = tpu.matmul %convert_element_type3A_185, %convert_element_type3A_64, %dot_general3A_191 {dimension_numbers = #tpu.dot_dimension_numbers<[1], [0], [0], [1], [0, 0, 1, 1], [], []>, transpose_lhs_hint = false} : vector<64x128xbf16>, vector<128x128xbf16>, vector<64x128xf32> -> vector<64x128xf32>
    %add3A_193 = arith.addf %add3A_190, %dot_general3A_192 : vector<64x128xf32>
    %max3A_194 = arith.maximumf %max3A_175, %add3A_193 : vector<64x128xf32>
    %argmin3A_195 = tpu.reduce_index %select_n3A_182 {axis = 1 : i32, kind = #tpu.reduction_kind<arg_min>} : vector<64x128xf32> -> vector<64xi32>
    %broadcast_in_dim3A_196 = vector.shape_cast %argmin3A_195 : vector<64xi32> to vector<64x1xi32>
    %eq3A_197 = vector.broadcast %broadcast_in_dim3A_196 : vector<64x1xi32> to vector<64x128xi32>
    %eq3A_198 = arith.cmpi eq, %iota3A, %eq3A_197 : vector<64x128xi32>
    %jit3A_199 = arith.constant 1.000000e+30 : f32
    %broadcast_in_dim3A_200 = vector.broadcast %jit3A_199 : f32 to vector<64x128xf32>
    %select_n3A_201 = arith.select %eq3A_198, %broadcast_in_dim3A_200, %select_n3A_182 : vector<64x128xi1>, vector<64x128xf32>
    %convert_element_type3A_202 = arith.extui %eq3A_198 : vector<64x128xi1> to vector<64x128xi32>
    %convert_element_type3A_203 = arith.sitofp %convert_element_type3A_202 : vector<64x128xi32> to vector<64x128xf32>
    %convert_element_type3A_204 = arith.truncf %convert_element_type3A_203 : vector<64x128xf32> to vector<64x128xbf16>
    %dot_general3A_205 = arith.constant dense<0.000000e+00> : vector<64x128xf32>
    %dot_general3A_206 = tpu.matmul %convert_element_type3A_204, %convert_element_type3A_58, %dot_general3A_205 {dimension_numbers = #tpu.dot_dimension_numbers<[1], [0], [0], [1], [0, 0, 1, 1], [], []>, transpose_lhs_hint = false} : vector<64x128xbf16>, vector<128x128xbf16>, vector<64x128xf32> -> vector<64x128xf32>
    %dot_general3A_207 = arith.constant dense<0.000000e+00> : vector<64x128xf32>
    %dot_general3A_208 = tpu.matmul %convert_element_type3A_204, %convert_element_type3A_61, %dot_general3A_207 {dimension_numbers = #tpu.dot_dimension_numbers<[1], [0], [0], [1], [0, 0, 1, 1], [], []>, transpose_lhs_hint = false} : vector<64x128xbf16>, vector<128x128xbf16>, vector<64x128xf32> -> vector<64x128xf32>
    %add3A_209 = arith.addf %dot_general3A_206, %dot_general3A_208 : vector<64x128xf32>
    %dot_general3A_210 = arith.constant dense<0.000000e+00> : vector<64x128xf32>
    %dot_general3A_211 = tpu.matmul %convert_element_type3A_204, %convert_element_type3A_64, %dot_general3A_210 {dimension_numbers = #tpu.dot_dimension_numbers<[1], [0], [0], [1], [0, 0, 1, 1], [], []>, transpose_lhs_hint = false} : vector<64x128xbf16>, vector<128x128xbf16>, vector<64x128xf32> -> vector<64x128xf32>
    %add3A_212 = arith.addf %add3A_209, %dot_general3A_211 : vector<64x128xf32>
    %max3A_213 = arith.maximumf %max3A_194, %add3A_212 : vector<64x128xf32>
    %argmin3A_214 = tpu.reduce_index %select_n3A_201 {axis = 1 : i32, kind = #tpu.reduction_kind<arg_min>} : vector<64x128xf32> -> vector<64xi32>
    %broadcast_in_dim3A_215 = vector.shape_cast %argmin3A_214 : vector<64xi32> to vector<64x1xi32>
    %eq3A_216 = vector.broadcast %broadcast_in_dim3A_215 : vector<64x1xi32> to vector<64x128xi32>
    %eq3A_217 = arith.cmpi eq, %iota3A, %eq3A_216 : vector<64x128xi32>
    %jit3A_218 = arith.constant 1.000000e+30 : f32
    %broadcast_in_dim3A_219 = vector.broadcast %jit3A_218 : f32 to vector<64x128xf32>
    %select_n3A_220 = arith.select %eq3A_217, %broadcast_in_dim3A_219, %select_n3A_201 : vector<64x128xi1>, vector<64x128xf32>
    %convert_element_type3A_221 = arith.extui %eq3A_217 : vector<64x128xi1> to vector<64x128xi32>
    %convert_element_type3A_222 = arith.sitofp %convert_element_type3A_221 : vector<64x128xi32> to vector<64x128xf32>
    %convert_element_type3A_223 = arith.truncf %convert_element_type3A_222 : vector<64x128xf32> to vector<64x128xbf16>
    %dot_general3A_224 = arith.constant dense<0.000000e+00> : vector<64x128xf32>
    %dot_general3A_225 = tpu.matmul %convert_element_type3A_223, %convert_element_type3A_58, %dot_general3A_224 {dimension_numbers = #tpu.dot_dimension_numbers<[1], [0], [0], [1], [0, 0, 1, 1], [], []>, transpose_lhs_hint = false} : vector<64x128xbf16>, vector<128x128xbf16>, vector<64x128xf32> -> vector<64x128xf32>
    %dot_general3A_226 = arith.constant dense<0.000000e+00> : vector<64x128xf32>
    %dot_general3A_227 = tpu.matmul %convert_element_type3A_223, %convert_element_type3A_61, %dot_general3A_226 {dimension_numbers = #tpu.dot_dimension_numbers<[1], [0], [0], [1], [0, 0, 1, 1], [], []>, transpose_lhs_hint = false} : vector<64x128xbf16>, vector<128x128xbf16>, vector<64x128xf32> -> vector<64x128xf32>
    %add3A_228 = arith.addf %dot_general3A_225, %dot_general3A_227 : vector<64x128xf32>
    %dot_general3A_229 = arith.constant dense<0.000000e+00> : vector<64x128xf32>
    %dot_general3A_230 = tpu.matmul %convert_element_type3A_223, %convert_element_type3A_64, %dot_general3A_229 {dimension_numbers = #tpu.dot_dimension_numbers<[1], [0], [0], [1], [0, 0, 1, 1], [], []>, transpose_lhs_hint = false} : vector<64x128xbf16>, vector<128x128xbf16>, vector<64x128xf32> -> vector<64x128xf32>
    %add3A_231 = arith.addf %add3A_228, %dot_general3A_230 : vector<64x128xf32>
    %max3A_232 = arith.maximumf %max3A_213, %add3A_231 : vector<64x128xf32>
    %argmin3A_233 = tpu.reduce_index %select_n3A_220 {axis = 1 : i32, kind = #tpu.reduction_kind<arg_min>} : vector<64x128xf32> -> vector<64xi32>
    %broadcast_in_dim3A_234 = vector.shape_cast %argmin3A_233 : vector<64xi32> to vector<64x1xi32>
    %eq3A_235 = vector.broadcast %broadcast_in_dim3A_234 : vector<64x1xi32> to vector<64x128xi32>
    %eq3A_236 = arith.cmpi eq, %iota3A, %eq3A_235 : vector<64x128xi32>
    %jit3A_237 = arith.constant 1.000000e+30 : f32
    %broadcast_in_dim3A_238 = vector.broadcast %jit3A_237 : f32 to vector<64x128xf32>
    %select_n3A_239 = arith.select %eq3A_236, %broadcast_in_dim3A_238, %select_n3A_220 : vector<64x128xi1>, vector<64x128xf32>
    %convert_element_type3A_240 = arith.extui %eq3A_236 : vector<64x128xi1> to vector<64x128xi32>
    %convert_element_type3A_241 = arith.sitofp %convert_element_type3A_240 : vector<64x128xi32> to vector<64x128xf32>
    %convert_element_type3A_242 = arith.truncf %convert_element_type3A_241 : vector<64x128xf32> to vector<64x128xbf16>
    %dot_general3A_243 = arith.constant dense<0.000000e+00> : vector<64x128xf32>
    %dot_general3A_244 = tpu.matmul %convert_element_type3A_242, %convert_element_type3A_58, %dot_general3A_243 {dimension_numbers = #tpu.dot_dimension_numbers<[1], [0], [0], [1], [0, 0, 1, 1], [], []>, transpose_lhs_hint = false} : vector<64x128xbf16>, vector<128x128xbf16>, vector<64x128xf32> -> vector<64x128xf32>
    %dot_general3A_245 = arith.constant dense<0.000000e+00> : vector<64x128xf32>
    %dot_general3A_246 = tpu.matmul %convert_element_type3A_242, %convert_element_type3A_61, %dot_general3A_245 {dimension_numbers = #tpu.dot_dimension_numbers<[1], [0], [0], [1], [0, 0, 1, 1], [], []>, transpose_lhs_hint = false} : vector<64x128xbf16>, vector<128x128xbf16>, vector<64x128xf32> -> vector<64x128xf32>
    %add3A_247 = arith.addf %dot_general3A_244, %dot_general3A_246 : vector<64x128xf32>
    %dot_general3A_248 = arith.constant dense<0.000000e+00> : vector<64x128xf32>
    %dot_general3A_249 = tpu.matmul %convert_element_type3A_242, %convert_element_type3A_64, %dot_general3A_248 {dimension_numbers = #tpu.dot_dimension_numbers<[1], [0], [0], [1], [0, 0, 1, 1], [], []>, transpose_lhs_hint = false} : vector<64x128xbf16>, vector<128x128xbf16>, vector<64x128xf32> -> vector<64x128xf32>
    %add3A_250 = arith.addf %add3A_247, %dot_general3A_249 : vector<64x128xf32>
    %max3A_251 = arith.maximumf %max3A_232, %add3A_250 : vector<64x128xf32>
    %argmin3A_252 = tpu.reduce_index %select_n3A_239 {axis = 1 : i32, kind = #tpu.reduction_kind<arg_min>} : vector<64x128xf32> -> vector<64xi32>
    %broadcast_in_dim3A_253 = vector.shape_cast %argmin3A_252 : vector<64xi32> to vector<64x1xi32>
    %eq3A_254 = vector.broadcast %broadcast_in_dim3A_253 : vector<64x1xi32> to vector<64x128xi32>
    %eq3A_255 = arith.cmpi eq, %iota3A, %eq3A_254 : vector<64x128xi32>
    %jit3A_256 = arith.constant 1.000000e+30 : f32
    %broadcast_in_dim3A_257 = vector.broadcast %jit3A_256 : f32 to vector<64x128xf32>
    %select_n3A_258 = arith.select %eq3A_255, %broadcast_in_dim3A_257, %select_n3A_239 : vector<64x128xi1>, vector<64x128xf32>
    %convert_element_type3A_259 = arith.extui %eq3A_255 : vector<64x128xi1> to vector<64x128xi32>
    %convert_element_type3A_260 = arith.sitofp %convert_element_type3A_259 : vector<64x128xi32> to vector<64x128xf32>
    %convert_element_type3A_261 = arith.truncf %convert_element_type3A_260 : vector<64x128xf32> to vector<64x128xbf16>
    %dot_general3A_262 = arith.constant dense<0.000000e+00> : vector<64x128xf32>
    %dot_general3A_263 = tpu.matmul %convert_element_type3A_261, %convert_element_type3A_58, %dot_general3A_262 {dimension_numbers = #tpu.dot_dimension_numbers<[1], [0], [0], [1], [0, 0, 1, 1], [], []>, transpose_lhs_hint = false} : vector<64x128xbf16>, vector<128x128xbf16>, vector<64x128xf32> -> vector<64x128xf32>
    %dot_general3A_264 = arith.constant dense<0.000000e+00> : vector<64x128xf32>
    %dot_general3A_265 = tpu.matmul %convert_element_type3A_261, %convert_element_type3A_61, %dot_general3A_264 {dimension_numbers = #tpu.dot_dimension_numbers<[1], [0], [0], [1], [0, 0, 1, 1], [], []>, transpose_lhs_hint = false} : vector<64x128xbf16>, vector<128x128xbf16>, vector<64x128xf32> -> vector<64x128xf32>
    %add3A_266 = arith.addf %dot_general3A_263, %dot_general3A_265 : vector<64x128xf32>
    %dot_general3A_267 = arith.constant dense<0.000000e+00> : vector<64x128xf32>
    %dot_general3A_268 = tpu.matmul %convert_element_type3A_261, %convert_element_type3A_64, %dot_general3A_267 {dimension_numbers = #tpu.dot_dimension_numbers<[1], [0], [0], [1], [0, 0, 1, 1], [], []>, transpose_lhs_hint = false} : vector<64x128xbf16>, vector<128x128xbf16>, vector<64x128xf32> -> vector<64x128xf32>
    %add3A_269 = arith.addf %add3A_266, %dot_general3A_268 : vector<64x128xf32>
    %max3A_270 = arith.maximumf %max3A_251, %add3A_269 : vector<64x128xf32>
    %argmin3A_271 = tpu.reduce_index %select_n3A_258 {axis = 1 : i32, kind = #tpu.reduction_kind<arg_min>} : vector<64x128xf32> -> vector<64xi32>
    %broadcast_in_dim3A_272 = vector.shape_cast %argmin3A_271 : vector<64xi32> to vector<64x1xi32>
    %eq3A_273 = vector.broadcast %broadcast_in_dim3A_272 : vector<64x1xi32> to vector<64x128xi32>
    %eq3A_274 = arith.cmpi eq, %iota3A, %eq3A_273 : vector<64x128xi32>
    %jit3A_275 = arith.constant 1.000000e+30 : f32
    %broadcast_in_dim3A_276 = vector.broadcast %jit3A_275 : f32 to vector<64x128xf32>
    %select_n3A_277 = arith.select %eq3A_274, %broadcast_in_dim3A_276, %select_n3A_258 : vector<64x128xi1>, vector<64x128xf32>
    %convert_element_type3A_278 = arith.extui %eq3A_274 : vector<64x128xi1> to vector<64x128xi32>
    %convert_element_type3A_279 = arith.sitofp %convert_element_type3A_278 : vector<64x128xi32> to vector<64x128xf32>
    %convert_element_type3A_280 = arith.truncf %convert_element_type3A_279 : vector<64x128xf32> to vector<64x128xbf16>
    %dot_general3A_281 = arith.constant dense<0.000000e+00> : vector<64x128xf32>
    %dot_general3A_282 = tpu.matmul %convert_element_type3A_280, %convert_element_type3A_58, %dot_general3A_281 {dimension_numbers = #tpu.dot_dimension_numbers<[1], [0], [0], [1], [0, 0, 1, 1], [], []>, transpose_lhs_hint = false} : vector<64x128xbf16>, vector<128x128xbf16>, vector<64x128xf32> -> vector<64x128xf32>
    %dot_general3A_283 = arith.constant dense<0.000000e+00> : vector<64x128xf32>
    %dot_general3A_284 = tpu.matmul %convert_element_type3A_280, %convert_element_type3A_61, %dot_general3A_283 {dimension_numbers = #tpu.dot_dimension_numbers<[1], [0], [0], [1], [0, 0, 1, 1], [], []>, transpose_lhs_hint = false} : vector<64x128xbf16>, vector<128x128xbf16>, vector<64x128xf32> -> vector<64x128xf32>
    %add3A_285 = arith.addf %dot_general3A_282, %dot_general3A_284 : vector<64x128xf32>
    %dot_general3A_286 = arith.constant dense<0.000000e+00> : vector<64x128xf32>
    %dot_general3A_287 = tpu.matmul %convert_element_type3A_280, %convert_element_type3A_64, %dot_general3A_286 {dimension_numbers = #tpu.dot_dimension_numbers<[1], [0], [0], [1], [0, 0, 1, 1], [], []>, transpose_lhs_hint = false} : vector<64x128xbf16>, vector<128x128xbf16>, vector<64x128xf32> -> vector<64x128xf32>
    %add3A_288 = arith.addf %add3A_285, %dot_general3A_287 : vector<64x128xf32>
    %max3A_289 = arith.maximumf %max3A_270, %add3A_288 : vector<64x128xf32>
    %argmin3A_290 = tpu.reduce_index %select_n3A_277 {axis = 1 : i32, kind = #tpu.reduction_kind<arg_min>} : vector<64x128xf32> -> vector<64xi32>
    %broadcast_in_dim3A_291 = vector.shape_cast %argmin3A_290 : vector<64xi32> to vector<64x1xi32>
    %eq3A_292 = vector.broadcast %broadcast_in_dim3A_291 : vector<64x1xi32> to vector<64x128xi32>
    %eq3A_293 = arith.cmpi eq, %iota3A, %eq3A_292 : vector<64x128xi32>
    %jit3A_294 = arith.constant 1.000000e+30 : f32
    %broadcast_in_dim3A_295 = vector.broadcast %jit3A_294 : f32 to vector<64x128xf32>
    %select_n3A_296 = arith.select %eq3A_293, %broadcast_in_dim3A_295, %select_n3A_277 : vector<64x128xi1>, vector<64x128xf32>
    %convert_element_type3A_297 = arith.extui %eq3A_293 : vector<64x128xi1> to vector<64x128xi32>
    %convert_element_type3A_298 = arith.sitofp %convert_element_type3A_297 : vector<64x128xi32> to vector<64x128xf32>
    %convert_element_type3A_299 = arith.truncf %convert_element_type3A_298 : vector<64x128xf32> to vector<64x128xbf16>
    %dot_general3A_300 = arith.constant dense<0.000000e+00> : vector<64x128xf32>
    %dot_general3A_301 = tpu.matmul %convert_element_type3A_299, %convert_element_type3A_58, %dot_general3A_300 {dimension_numbers = #tpu.dot_dimension_numbers<[1], [0], [0], [1], [0, 0, 1, 1], [], []>, transpose_lhs_hint = false} : vector<64x128xbf16>, vector<128x128xbf16>, vector<64x128xf32> -> vector<64x128xf32>
    %dot_general3A_302 = arith.constant dense<0.000000e+00> : vector<64x128xf32>
    %dot_general3A_303 = tpu.matmul %convert_element_type3A_299, %convert_element_type3A_61, %dot_general3A_302 {dimension_numbers = #tpu.dot_dimension_numbers<[1], [0], [0], [1], [0, 0, 1, 1], [], []>, transpose_lhs_hint = false} : vector<64x128xbf16>, vector<128x128xbf16>, vector<64x128xf32> -> vector<64x128xf32>
    %add3A_304 = arith.addf %dot_general3A_301, %dot_general3A_303 : vector<64x128xf32>
    %dot_general3A_305 = arith.constant dense<0.000000e+00> : vector<64x128xf32>
    %dot_general3A_306 = tpu.matmul %convert_element_type3A_299, %convert_element_type3A_64, %dot_general3A_305 {dimension_numbers = #tpu.dot_dimension_numbers<[1], [0], [0], [1], [0, 0, 1, 1], [], []>, transpose_lhs_hint = false} : vector<64x128xbf16>, vector<128x128xbf16>, vector<64x128xf32> -> vector<64x128xf32>
    %add3A_307 = arith.addf %add3A_304, %dot_general3A_306 : vector<64x128xf32>
    %max3A_308 = arith.maximumf %max3A_289, %add3A_307 : vector<64x128xf32>
    %argmin3A_309 = tpu.reduce_index %select_n3A_296 {axis = 1 : i32, kind = #tpu.reduction_kind<arg_min>} : vector<64x128xf32> -> vector<64xi32>
    %broadcast_in_dim3A_310 = vector.shape_cast %argmin3A_309 : vector<64xi32> to vector<64x1xi32>
    %eq3A_311 = vector.broadcast %broadcast_in_dim3A_310 : vector<64x1xi32> to vector<64x128xi32>
    %eq3A_312 = arith.cmpi eq, %iota3A, %eq3A_311 : vector<64x128xi32>
    %jit3A_313 = arith.constant 1.000000e+30 : f32
    %broadcast_in_dim3A_314 = vector.broadcast %jit3A_313 : f32 to vector<64x128xf32>
    %select_n3A_315 = arith.select %eq3A_312, %broadcast_in_dim3A_314, %select_n3A_296 : vector<64x128xi1>, vector<64x128xf32>
    %convert_element_type3A_316 = arith.extui %eq3A_312 : vector<64x128xi1> to vector<64x128xi32>
    %convert_element_type3A_317 = arith.sitofp %convert_element_type3A_316 : vector<64x128xi32> to vector<64x128xf32>
    %convert_element_type3A_318 = arith.truncf %convert_element_type3A_317 : vector<64x128xf32> to vector<64x128xbf16>
    %dot_general3A_319 = arith.constant dense<0.000000e+00> : vector<64x128xf32>
    %dot_general3A_320 = tpu.matmul %convert_element_type3A_318, %convert_element_type3A_58, %dot_general3A_319 {dimension_numbers = #tpu.dot_dimension_numbers<[1], [0], [0], [1], [0, 0, 1, 1], [], []>, transpose_lhs_hint = false} : vector<64x128xbf16>, vector<128x128xbf16>, vector<64x128xf32> -> vector<64x128xf32>
    %dot_general3A_321 = arith.constant dense<0.000000e+00> : vector<64x128xf32>
    %dot_general3A_322 = tpu.matmul %convert_element_type3A_318, %convert_element_type3A_61, %dot_general3A_321 {dimension_numbers = #tpu.dot_dimension_numbers<[1], [0], [0], [1], [0, 0, 1, 1], [], []>, transpose_lhs_hint = false} : vector<64x128xbf16>, vector<128x128xbf16>, vector<64x128xf32> -> vector<64x128xf32>
    %add3A_323 = arith.addf %dot_general3A_320, %dot_general3A_322 : vector<64x128xf32>
    %dot_general3A_324 = arith.constant dense<0.000000e+00> : vector<64x128xf32>
    %dot_general3A_325 = tpu.matmul %convert_element_type3A_318, %convert_element_type3A_64, %dot_general3A_324 {dimension_numbers = #tpu.dot_dimension_numbers<[1], [0], [0], [1], [0, 0, 1, 1], [], []>, transpose_lhs_hint = false} : vector<64x128xbf16>, vector<128x128xbf16>, vector<64x128xf32> -> vector<64x128xf32>
    %add3A_326 = arith.addf %add3A_323, %dot_general3A_325 : vector<64x128xf32>
    %max3A_327 = arith.maximumf %max3A_308, %add3A_326 : vector<64x128xf32>
    %argmin3A_328 = tpu.reduce_index %select_n3A_315 {axis = 1 : i32, kind = #tpu.reduction_kind<arg_min>} : vector<64x128xf32> -> vector<64xi32>
    %broadcast_in_dim3A_329 = vector.shape_cast %argmin3A_328 : vector<64xi32> to vector<64x1xi32>
    %eq3A_330 = vector.broadcast %broadcast_in_dim3A_329 : vector<64x1xi32> to vector<64x128xi32>
    %eq3A_331 = arith.cmpi eq, %iota3A, %eq3A_330 : vector<64x128xi32>
    %jit3A_332 = arith.constant 1.000000e+30 : f32
    %broadcast_in_dim3A_333 = vector.broadcast %jit3A_332 : f32 to vector<64x128xf32>
    %select_n3A_334 = arith.select %eq3A_331, %broadcast_in_dim3A_333, %select_n3A_315 : vector<64x128xi1>, vector<64x128xf32>
    %convert_element_type3A_335 = arith.extui %eq3A_331 : vector<64x128xi1> to vector<64x128xi32>
    %convert_element_type3A_336 = arith.sitofp %convert_element_type3A_335 : vector<64x128xi32> to vector<64x128xf32>
    %convert_element_type3A_337 = arith.truncf %convert_element_type3A_336 : vector<64x128xf32> to vector<64x128xbf16>
    %dot_general3A_338 = arith.constant dense<0.000000e+00> : vector<64x128xf32>
    %dot_general3A_339 = tpu.matmul %convert_element_type3A_337, %convert_element_type3A_58, %dot_general3A_338 {dimension_numbers = #tpu.dot_dimension_numbers<[1], [0], [0], [1], [0, 0, 1, 1], [], []>, transpose_lhs_hint = false} : vector<64x128xbf16>, vector<128x128xbf16>, vector<64x128xf32> -> vector<64x128xf32>
    %dot_general3A_340 = arith.constant dense<0.000000e+00> : vector<64x128xf32>
    %dot_general3A_341 = tpu.matmul %convert_element_type3A_337, %convert_element_type3A_61, %dot_general3A_340 {dimension_numbers = #tpu.dot_dimension_numbers<[1], [0], [0], [1], [0, 0, 1, 1], [], []>, transpose_lhs_hint = false} : vector<64x128xbf16>, vector<128x128xbf16>, vector<64x128xf32> -> vector<64x128xf32>
    %add3A_342 = arith.addf %dot_general3A_339, %dot_general3A_341 : vector<64x128xf32>
    %dot_general3A_343 = arith.constant dense<0.000000e+00> : vector<64x128xf32>
    %dot_general3A_344 = tpu.matmul %convert_element_type3A_337, %convert_element_type3A_64, %dot_general3A_343 {dimension_numbers = #tpu.dot_dimension_numbers<[1], [0], [0], [1], [0, 0, 1, 1], [], []>, transpose_lhs_hint = false} : vector<64x128xbf16>, vector<128x128xbf16>, vector<64x128xf32> -> vector<64x128xf32>
    %add3A_345 = arith.addf %add3A_342, %dot_general3A_344 : vector<64x128xf32>
    %max3A_346 = arith.maximumf %max3A_327, %add3A_345 : vector<64x128xf32>
    %argmin3A_347 = tpu.reduce_index %select_n3A_334 {axis = 1 : i32, kind = #tpu.reduction_kind<arg_min>} : vector<64x128xf32> -> vector<64xi32>
    %broadcast_in_dim3A_348 = vector.shape_cast %argmin3A_347 : vector<64xi32> to vector<64x1xi32>
    %eq3A_349 = vector.broadcast %broadcast_in_dim3A_348 : vector<64x1xi32> to vector<64x128xi32>
    %eq3A_350 = arith.cmpi eq, %iota3A, %eq3A_349 : vector<64x128xi32>
    %jit3A_351 = arith.constant 1.000000e+30 : f32
    %broadcast_in_dim3A_352 = vector.broadcast %jit3A_351 : f32 to vector<64x128xf32>
    %select_n3A_353 = arith.select %eq3A_350, %broadcast_in_dim3A_352, %select_n3A_334 : vector<64x128xi1>, vector<64x128xf32>
    %convert_element_type3A_354 = arith.extui %eq3A_350 : vector<64x128xi1> to vector<64x128xi32>
    %convert_element_type3A_355 = arith.sitofp %convert_element_type3A_354 : vector<64x128xi32> to vector<64x128xf32>
    %convert_element_type3A_356 = arith.truncf %convert_element_type3A_355 : vector<64x128xf32> to vector<64x128xbf16>
    %dot_general3A_357 = arith.constant dense<0.000000e+00> : vector<64x128xf32>
    %dot_general3A_358 = tpu.matmul %convert_element_type3A_356, %convert_element_type3A_58, %dot_general3A_357 {dimension_numbers = #tpu.dot_dimension_numbers<[1], [0], [0], [1], [0, 0, 1, 1], [], []>, transpose_lhs_hint = false} : vector<64x128xbf16>, vector<128x128xbf16>, vector<64x128xf32> -> vector<64x128xf32>
    %dot_general3A_359 = arith.constant dense<0.000000e+00> : vector<64x128xf32>
    %dot_general3A_360 = tpu.matmul %convert_element_type3A_356, %convert_element_type3A_61, %dot_general3A_359 {dimension_numbers = #tpu.dot_dimension_numbers<[1], [0], [0], [1], [0, 0, 1, 1], [], []>, transpose_lhs_hint = false} : vector<64x128xbf16>, vector<128x128xbf16>, vector<64x128xf32> -> vector<64x128xf32>
    %add3A_361 = arith.addf %dot_general3A_358, %dot_general3A_360 : vector<64x128xf32>
    %dot_general3A_362 = arith.constant dense<0.000000e+00> : vector<64x128xf32>
    %dot_general3A_363 = tpu.matmul %convert_element_type3A_356, %convert_element_type3A_64, %dot_general3A_362 {dimension_numbers = #tpu.dot_dimension_numbers<[1], [0], [0], [1], [0, 0, 1, 1], [], []>, transpose_lhs_hint = false} : vector<64x128xbf16>, vector<128x128xbf16>, vector<64x128xf32> -> vector<64x128xf32>
    %add3A_364 = arith.addf %add3A_361, %dot_general3A_363 : vector<64x128xf32>
    %max3A_365 = arith.maximumf %max3A_346, %add3A_364 : vector<64x128xf32>
    %argmin3A_366 = tpu.reduce_index %select_n3A_353 {axis = 1 : i32, kind = #tpu.reduction_kind<arg_min>} : vector<64x128xf32> -> vector<64xi32>
    %broadcast_in_dim3A_367 = vector.shape_cast %argmin3A_366 : vector<64xi32> to vector<64x1xi32>
    %eq3A_368 = vector.broadcast %broadcast_in_dim3A_367 : vector<64x1xi32> to vector<64x128xi32>
    %eq3A_369 = arith.cmpi eq, %iota3A, %eq3A_368 : vector<64x128xi32>
    %jit3A_370 = arith.constant 1.000000e+30 : f32
    %broadcast_in_dim3A_371 = vector.broadcast %jit3A_370 : f32 to vector<64x128xf32>
    %select_n3A_372 = arith.select %eq3A_369, %broadcast_in_dim3A_371, %select_n3A_353 : vector<64x128xi1>, vector<64x128xf32>
    %convert_element_type3A_373 = arith.extui %eq3A_369 : vector<64x128xi1> to vector<64x128xi32>
    %convert_element_type3A_374 = arith.sitofp %convert_element_type3A_373 : vector<64x128xi32> to vector<64x128xf32>
    %convert_element_type3A_375 = arith.truncf %convert_element_type3A_374 : vector<64x128xf32> to vector<64x128xbf16>
    %dot_general3A_376 = arith.constant dense<0.000000e+00> : vector<64x128xf32>
    %dot_general3A_377 = tpu.matmul %convert_element_type3A_375, %convert_element_type3A_58, %dot_general3A_376 {dimension_numbers = #tpu.dot_dimension_numbers<[1], [0], [0], [1], [0, 0, 1, 1], [], []>, transpose_lhs_hint = false} : vector<64x128xbf16>, vector<128x128xbf16>, vector<64x128xf32> -> vector<64x128xf32>
    %dot_general3A_378 = arith.constant dense<0.000000e+00> : vector<64x128xf32>
    %dot_general3A_379 = tpu.matmul %convert_element_type3A_375, %convert_element_type3A_61, %dot_general3A_378 {dimension_numbers = #tpu.dot_dimension_numbers<[1], [0], [0], [1], [0, 0, 1, 1], [], []>, transpose_lhs_hint = false} : vector<64x128xbf16>, vector<128x128xbf16>, vector<64x128xf32> -> vector<64x128xf32>
    %add3A_380 = arith.addf %dot_general3A_377, %dot_general3A_379 : vector<64x128xf32>
    %dot_general3A_381 = arith.constant dense<0.000000e+00> : vector<64x128xf32>
    %dot_general3A_382 = tpu.matmul %convert_element_type3A_375, %convert_element_type3A_64, %dot_general3A_381 {dimension_numbers = #tpu.dot_dimension_numbers<[1], [0], [0], [1], [0, 0, 1, 1], [], []>, transpose_lhs_hint = false} : vector<64x128xbf16>, vector<128x128xbf16>, vector<64x128xf32> -> vector<64x128xf32>
    %add3A_383 = arith.addf %add3A_380, %dot_general3A_382 : vector<64x128xf32>
    %max3A_384 = arith.maximumf %max3A_365, %add3A_383 : vector<64x128xf32>
    %argmin3A_385 = tpu.reduce_index %select_n3A_372 {axis = 1 : i32, kind = #tpu.reduction_kind<arg_min>} : vector<64x128xf32> -> vector<64xi32>
    %broadcast_in_dim3A_386 = vector.shape_cast %argmin3A_385 : vector<64xi32> to vector<64x1xi32>
    %eq3A_387 = vector.broadcast %broadcast_in_dim3A_386 : vector<64x1xi32> to vector<64x128xi32>
    %eq3A_388 = arith.cmpi eq, %iota3A, %eq3A_387 : vector<64x128xi32>
    %jit3A_389 = arith.constant 1.000000e+30 : f32
    %broadcast_in_dim3A_390 = vector.broadcast %jit3A_389 : f32 to vector<64x128xf32>
    %select_n3A_391 = arith.select %eq3A_388, %broadcast_in_dim3A_390, %select_n3A_372 : vector<64x128xi1>, vector<64x128xf32>
    %convert_element_type3A_392 = arith.extui %eq3A_388 : vector<64x128xi1> to vector<64x128xi32>
    %convert_element_type3A_393 = arith.sitofp %convert_element_type3A_392 : vector<64x128xi32> to vector<64x128xf32>
    %convert_element_type3A_394 = arith.truncf %convert_element_type3A_393 : vector<64x128xf32> to vector<64x128xbf16>
    %dot_general3A_395 = arith.constant dense<0.000000e+00> : vector<64x128xf32>
    %dot_general3A_396 = tpu.matmul %convert_element_type3A_394, %convert_element_type3A_58, %dot_general3A_395 {dimension_numbers = #tpu.dot_dimension_numbers<[1], [0], [0], [1], [0, 0, 1, 1], [], []>, transpose_lhs_hint = false} : vector<64x128xbf16>, vector<128x128xbf16>, vector<64x128xf32> -> vector<64x128xf32>
    %dot_general3A_397 = arith.constant dense<0.000000e+00> : vector<64x128xf32>
    %dot_general3A_398 = tpu.matmul %convert_element_type3A_394, %convert_element_type3A_61, %dot_general3A_397 {dimension_numbers = #tpu.dot_dimension_numbers<[1], [0], [0], [1], [0, 0, 1, 1], [], []>, transpose_lhs_hint = false} : vector<64x128xbf16>, vector<128x128xbf16>, vector<64x128xf32> -> vector<64x128xf32>
    %add3A_399 = arith.addf %dot_general3A_396, %dot_general3A_398 : vector<64x128xf32>
    %dot_general3A_400 = arith.constant dense<0.000000e+00> : vector<64x128xf32>
    %dot_general3A_401 = tpu.matmul %convert_element_type3A_394, %convert_element_type3A_64, %dot_general3A_400 {dimension_numbers = #tpu.dot_dimension_numbers<[1], [0], [0], [1], [0, 0, 1, 1], [], []>, transpose_lhs_hint = false} : vector<64x128xbf16>, vector<128x128xbf16>, vector<64x128xf32> -> vector<64x128xf32>
    %add3A_402 = arith.addf %add3A_399, %dot_general3A_401 : vector<64x128xf32>
    %max3A_403 = arith.maximumf %max3A_384, %add3A_402 : vector<64x128xf32>
    %argmin3A_404 = tpu.reduce_index %select_n3A_391 {axis = 1 : i32, kind = #tpu.reduction_kind<arg_min>} : vector<64x128xf32> -> vector<64xi32>
    %broadcast_in_dim3A_405 = vector.shape_cast %argmin3A_404 : vector<64xi32> to vector<64x1xi32>
    %eq3A_406 = vector.broadcast %broadcast_in_dim3A_405 : vector<64x1xi32> to vector<64x128xi32>
    %eq3A_407 = arith.cmpi eq, %iota3A, %eq3A_406 : vector<64x128xi32>
    %jit3A_408 = arith.constant 1.000000e+30 : f32
    %broadcast_in_dim3A_409 = vector.broadcast %jit3A_408 : f32 to vector<64x128xf32>
    %select_n3A_410 = arith.select %eq3A_407, %broadcast_in_dim3A_409, %select_n3A_391 : vector<64x128xi1>, vector<64x128xf32>
    %convert_element_type3A_411 = arith.extui %eq3A_407 : vector<64x128xi1> to vector<64x128xi32>
    %convert_element_type3A_412 = arith.sitofp %convert_element_type3A_411 : vector<64x128xi32> to vector<64x128xf32>
    %convert_element_type3A_413 = arith.truncf %convert_element_type3A_412 : vector<64x128xf32> to vector<64x128xbf16>
    %dot_general3A_414 = arith.constant dense<0.000000e+00> : vector<64x128xf32>
    %dot_general3A_415 = tpu.matmul %convert_element_type3A_413, %convert_element_type3A_58, %dot_general3A_414 {dimension_numbers = #tpu.dot_dimension_numbers<[1], [0], [0], [1], [0, 0, 1, 1], [], []>, transpose_lhs_hint = false} : vector<64x128xbf16>, vector<128x128xbf16>, vector<64x128xf32> -> vector<64x128xf32>
    %dot_general3A_416 = arith.constant dense<0.000000e+00> : vector<64x128xf32>
    %dot_general3A_417 = tpu.matmul %convert_element_type3A_413, %convert_element_type3A_61, %dot_general3A_416 {dimension_numbers = #tpu.dot_dimension_numbers<[1], [0], [0], [1], [0, 0, 1, 1], [], []>, transpose_lhs_hint = false} : vector<64x128xbf16>, vector<128x128xbf16>, vector<64x128xf32> -> vector<64x128xf32>
    %add3A_418 = arith.addf %dot_general3A_415, %dot_general3A_417 : vector<64x128xf32>
    %dot_general3A_419 = arith.constant dense<0.000000e+00> : vector<64x128xf32>
    %dot_general3A_420 = tpu.matmul %convert_element_type3A_413, %convert_element_type3A_64, %dot_general3A_419 {dimension_numbers = #tpu.dot_dimension_numbers<[1], [0], [0], [1], [0, 0, 1, 1], [], []>, transpose_lhs_hint = false} : vector<64x128xbf16>, vector<128x128xbf16>, vector<64x128xf32> -> vector<64x128xf32>
    %add3A_421 = arith.addf %add3A_418, %dot_general3A_420 : vector<64x128xf32>
    %max3A_422 = arith.maximumf %max3A_403, %add3A_421 : vector<64x128xf32>
    %reduce_min3A = arith.constant dense<0x7F800000> : vector<64xf32>
    %reduce_min3A_423 = vector.multi_reduction <minimumf>, %select_n3A_410, %reduce_min3A [1] : vector<64x128xf32> to vector<64xf32>
    %broadcast_in_dim3A_424 = vector.shape_cast %reduce_min3A_423 : vector<64xf32> to vector<64x1xf32>
    %eq3A_425 = vector.broadcast %broadcast_in_dim3A_424 : vector<64x1xf32> to vector<64x128xf32>
    %eq3A_426 = arith.cmpf oeq, %select_n3A_410, %eq3A_425 : vector<64x128xf32>
    %jit3A_427 = arith.constant 128 : i32
    %broadcast_in_dim3A_428 = vector.broadcast %jit3A_427 : i32 to vector<64x128xi32>
    %select_n3A_429 = arith.select %eq3A_426, %iota3A, %broadcast_in_dim3A_428 : vector<64x128xi1>, vector<64x128xi32>
    %reduce_min3A_430 = arith.constant dense<2147483647> : vector<64xi32>
    %reduce_min3A_431 = vector.multi_reduction <minsi>, %select_n3A_429, %reduce_min3A_430 [1] : vector<64x128xi32> to vector<64xi32>
    %broadcast_in_dim3A_432 = vector.shape_cast %reduce_min3A_431 : vector<64xi32> to vector<64x1xi32>
    %eq3A_433 = vector.broadcast %broadcast_in_dim3A_432 : vector<64x1xi32> to vector<64x128xi32>
    %eq3A_434 = arith.cmpi eq, %iota3A, %eq3A_433 : vector<64x128xi32>
    %convert_element_type3A_435 = arith.extui %eq3A_434 : vector<64x128xi1> to vector<64x128xi32>
    %convert_element_type3A_436 = arith.sitofp %convert_element_type3A_435 : vector<64x128xi32> to vector<64x128xf32>
    %convert_element_type3A_437 = arith.truncf %convert_element_type3A_436 : vector<64x128xf32> to vector<64x128xbf16>
    %dot_general3A_438 = arith.constant dense<0.000000e+00> : vector<64x128xf32>
    %dot_general3A_439 = tpu.matmul %convert_element_type3A_437, %convert_element_type3A_58, %dot_general3A_438 {dimension_numbers = #tpu.dot_dimension_numbers<[1], [0], [0], [1], [0, 0, 1, 1], [], []>, transpose_lhs_hint = false} : vector<64x128xbf16>, vector<128x128xbf16>, vector<64x128xf32> -> vector<64x128xf32>
    %dot_general3A_440 = arith.constant dense<0.000000e+00> : vector<64x128xf32>
    %dot_general3A_441 = tpu.matmul %convert_element_type3A_437, %convert_element_type3A_61, %dot_general3A_440 {dimension_numbers = #tpu.dot_dimension_numbers<[1], [0], [0], [1], [0, 0, 1, 1], [], []>, transpose_lhs_hint = false} : vector<64x128xbf16>, vector<128x128xbf16>, vector<64x128xf32> -> vector<64x128xf32>
    %add3A_442 = arith.addf %dot_general3A_439, %dot_general3A_441 : vector<64x128xf32>
    %dot_general3A_443 = arith.constant dense<0.000000e+00> : vector<64x128xf32>
    %dot_general3A_444 = tpu.matmul %convert_element_type3A_437, %convert_element_type3A_64, %dot_general3A_443 {dimension_numbers = #tpu.dot_dimension_numbers<[1], [0], [0], [1], [0, 0, 1, 1], [], []>, transpose_lhs_hint = false} : vector<64x128xbf16>, vector<128x128xbf16>, vector<64x128xf32> -> vector<64x128xf32>
    %add3A_445 = arith.addf %add3A_442, %dot_general3A_444 : vector<64x128xf32>
    %max3A_446 = arith.maximumf %max3A_422, %add3A_445 : vector<64x128xf32>
    %slice3A_447 = vector.extract_strided_slice %get3A_36 {offsets = [0, 0], sizes = [32, 8], strides = [1, 1]} : vector<128x8xf32> to vector<32x8xf32>
    %slice3A_448 = vector.extract_strided_slice %get3A_36 {offsets = [0, 0], sizes = [64, 8], strides = [1, 1]} : vector<128x8xf32> to vector<64x8xf32>
    %convert_element_type3A_449 = arith.truncf %slice3A_447 : vector<32x8xf32> to vector<32x8xbf16>
    %convert_element_type3A_450 = arith.truncf %slice3A_448 : vector<64x8xf32> to vector<64x8xbf16>
    %dot_general3A_451 = arith.constant dense<0.000000e+00> : vector<32x64xf32>
    %dot_general3A_452 = tpu.matmul %convert_element_type3A_449, %convert_element_type3A_450, %dot_general3A_451 {dimension_numbers = #tpu.dot_dimension_numbers<[1], [1], [0], [0], [0, 0, 1, 0], [], []>, transpose_lhs_hint = false} : vector<32x8xbf16>, vector<64x8xbf16>, vector<32x64xf32> -> vector<32x64xf32>
    %slice3A_453 = vector.extract_strided_slice %get3A_41 {offsets = [0, 0], sizes = [32, 1], strides = [1, 1]} : vector<128x1xf32> to vector<32x1xf32>
    %mul3A_454 = arith.constant 2.000000e+00 : f32
    %mul3A_455 = vector.broadcast %mul3A_454 : f32 to vector<32x64xf32>
    %mul3A_456 = arith.mulf %mul3A_455, %dot_general3A_452 : vector<32x64xf32>
    %sub3A_457 = vector.broadcast %slice3A_453 : vector<32x1xf32> to vector<32x64xf32>
    %sub3A_458 = arith.subf %sub3A_457, %mul3A_456 : vector<32x64xf32>
    %slice3A_459 = vector.extract_strided_slice %get3A_46 {offsets = [0, 0], sizes = [1, 64], strides = [1, 1]} : vector<1x128xf32> to vector<1x64xf32>
    %add3A_460 = vector.broadcast %slice3A_459 : vector<1x64xf32> to vector<32x64xf32>
    %add3A_461 = arith.addf %sub3A_458, %add3A_460 : vector<32x64xf32>
    %convert_element_type3A_462 = arith.truncf %max3A_446 : vector<64x128xf32> to vector<64x128xbf16>
    %convert_element_type3A_463 = arith.extf %convert_element_type3A_462 : vector<64x128xbf16> to vector<64x128xf32>
    %sub3A_464 = arith.subf %max3A_446, %convert_element_type3A_463 : vector<64x128xf32>
    %convert_element_type3A_465 = arith.truncf %sub3A_464 : vector<64x128xf32> to vector<64x128xbf16>
    %convert_element_type3A_466 = arith.extf %convert_element_type3A_465 : vector<64x128xbf16> to vector<64x128xf32>
    %sub3A_467 = arith.subf %sub3A_464, %convert_element_type3A_466 : vector<64x128xf32>
    %convert_element_type3A_468 = arith.truncf %sub3A_467 : vector<64x128xf32> to vector<64x128xbf16>
    %iota3A_469 = tpu.iota {dimensions = array<i32: 1>} : vector<32x64xi32>
    %broadcast_in_dim3A_470 = arith.constant 0xFF800000 : f32
    %broadcast_in_dim3A_471 = vector.broadcast %broadcast_in_dim3A_470 : f32 to vector<32x128xf32>
    %argmin3A_472 = tpu.reduce_index %add3A_461 {axis = 1 : i32, kind = #tpu.reduction_kind<arg_min>} : vector<32x64xf32> -> vector<32xi32>
    %broadcast_in_dim3A_473 = vector.shape_cast %argmin3A_472 : vector<32xi32> to vector<32x1xi32>
    %eq3A_474 = vector.broadcast %broadcast_in_dim3A_473 : vector<32x1xi32> to vector<32x64xi32>
    %eq3A_475 = arith.cmpi eq, %iota3A_469, %eq3A_474 : vector<32x64xi32>
    %jit3A_476 = arith.constant 1.000000e+30 : f32
    %broadcast_in_dim3A_477 = vector.broadcast %jit3A_476 : f32 to vector<32x64xf32>
    %select_n3A_478 = arith.select %eq3A_475, %broadcast_in_dim3A_477, %add3A_461 : vector<32x64xi1>, vector<32x64xf32>
    %convert_element_type3A_479 = arith.extui %eq3A_475 : vector<32x64xi1> to vector<32x64xi32>
    %convert_element_type3A_480 = arith.sitofp %convert_element_type3A_479 : vector<32x64xi32> to vector<32x64xf32>
    %convert_element_type3A_481 = arith.truncf %convert_element_type3A_480 : vector<32x64xf32> to vector<32x64xbf16>
    %dot_general3A_482 = arith.constant dense<0.000000e+00> : vector<32x128xf32>
    %dot_general3A_483 = tpu.matmul %convert_element_type3A_481, %convert_element_type3A_462, %dot_general3A_482 {dimension_numbers = #tpu.dot_dimension_numbers<[1], [0], [0], [1], [0, 0, 1, 1], [], []>, transpose_lhs_hint = false} : vector<32x64xbf16>, vector<64x128xbf16>, vector<32x128xf32> -> vector<32x128xf32>
    %dot_general3A_484 = arith.constant dense<0.000000e+00> : vector<32x128xf32>
    %dot_general3A_485 = tpu.matmul %convert_element_type3A_481, %convert_element_type3A_465, %dot_general3A_484 {dimension_numbers = #tpu.dot_dimension_numbers<[1], [0], [0], [1], [0, 0, 1, 1], [], []>, transpose_lhs_hint = false} : vector<32x64xbf16>, vector<64x128xbf16>, vector<32x128xf32> -> vector<32x128xf32>
    %add3A_486 = arith.addf %dot_general3A_483, %dot_general3A_485 : vector<32x128xf32>
    %dot_general3A_487 = arith.constant dense<0.000000e+00> : vector<32x128xf32>
    %dot_general3A_488 = tpu.matmul %convert_element_type3A_481, %convert_element_type3A_468, %dot_general3A_487 {dimension_numbers = #tpu.dot_dimension_numbers<[1], [0], [0], [1], [0, 0, 1, 1], [], []>, transpose_lhs_hint = false} : vector<32x64xbf16>, vector<64x128xbf16>, vector<32x128xf32> -> vector<32x128xf32>
    %add3A_489 = arith.addf %add3A_486, %dot_general3A_488 : vector<32x128xf32>
    %max3A_490 = arith.maximumf %broadcast_in_dim3A_471, %add3A_489 : vector<32x128xf32>
    %argmin3A_491 = tpu.reduce_index %select_n3A_478 {axis = 1 : i32, kind = #tpu.reduction_kind<arg_min>} : vector<32x64xf32> -> vector<32xi32>
    %broadcast_in_dim3A_492 = vector.shape_cast %argmin3A_491 : vector<32xi32> to vector<32x1xi32>
    %eq3A_493 = vector.broadcast %broadcast_in_dim3A_492 : vector<32x1xi32> to vector<32x64xi32>
    %eq3A_494 = arith.cmpi eq, %iota3A_469, %eq3A_493 : vector<32x64xi32>
    %jit3A_495 = arith.constant 1.000000e+30 : f32
    %broadcast_in_dim3A_496 = vector.broadcast %jit3A_495 : f32 to vector<32x64xf32>
    %select_n3A_497 = arith.select %eq3A_494, %broadcast_in_dim3A_496, %select_n3A_478 : vector<32x64xi1>, vector<32x64xf32>
    %convert_element_type3A_498 = arith.extui %eq3A_494 : vector<32x64xi1> to vector<32x64xi32>
    %convert_element_type3A_499 = arith.sitofp %convert_element_type3A_498 : vector<32x64xi32> to vector<32x64xf32>
    %convert_element_type3A_500 = arith.truncf %convert_element_type3A_499 : vector<32x64xf32> to vector<32x64xbf16>
    %dot_general3A_501 = arith.constant dense<0.000000e+00> : vector<32x128xf32>
    %dot_general3A_502 = tpu.matmul %convert_element_type3A_500, %convert_element_type3A_462, %dot_general3A_501 {dimension_numbers = #tpu.dot_dimension_numbers<[1], [0], [0], [1], [0, 0, 1, 1], [], []>, transpose_lhs_hint = false} : vector<32x64xbf16>, vector<64x128xbf16>, vector<32x128xf32> -> vector<32x128xf32>
    %dot_general3A_503 = arith.constant dense<0.000000e+00> : vector<32x128xf32>
    %dot_general3A_504 = tpu.matmul %convert_element_type3A_500, %convert_element_type3A_465, %dot_general3A_503 {dimension_numbers = #tpu.dot_dimension_numbers<[1], [0], [0], [1], [0, 0, 1, 1], [], []>, transpose_lhs_hint = false} : vector<32x64xbf16>, vector<64x128xbf16>, vector<32x128xf32> -> vector<32x128xf32>
    %add3A_505 = arith.addf %dot_general3A_502, %dot_general3A_504 : vector<32x128xf32>
    %dot_general3A_506 = arith.constant dense<0.000000e+00> : vector<32x128xf32>
    %dot_general3A_507 = tpu.matmul %convert_element_type3A_500, %convert_element_type3A_468, %dot_general3A_506 {dimension_numbers = #tpu.dot_dimension_numbers<[1], [0], [0], [1], [0, 0, 1, 1], [], []>, transpose_lhs_hint = false} : vector<32x64xbf16>, vector<64x128xbf16>, vector<32x128xf32> -> vector<32x128xf32>
    %add3A_508 = arith.addf %add3A_505, %dot_general3A_507 : vector<32x128xf32>
    %max3A_509 = arith.maximumf %max3A_490, %add3A_508 : vector<32x128xf32>
    %argmin3A_510 = tpu.reduce_index %select_n3A_497 {axis = 1 : i32, kind = #tpu.reduction_kind<arg_min>} : vector<32x64xf32> -> vector<32xi32>
    %broadcast_in_dim3A_511 = vector.shape_cast %argmin3A_510 : vector<32xi32> to vector<32x1xi32>
    %eq3A_512 = vector.broadcast %broadcast_in_dim3A_511 : vector<32x1xi32> to vector<32x64xi32>
    %eq3A_513 = arith.cmpi eq, %iota3A_469, %eq3A_512 : vector<32x64xi32>
    %jit3A_514 = arith.constant 1.000000e+30 : f32
    %broadcast_in_dim3A_515 = vector.broadcast %jit3A_514 : f32 to vector<32x64xf32>
    %select_n3A_516 = arith.select %eq3A_513, %broadcast_in_dim3A_515, %select_n3A_497 : vector<32x64xi1>, vector<32x64xf32>
    %convert_element_type3A_517 = arith.extui %eq3A_513 : vector<32x64xi1> to vector<32x64xi32>
    %convert_element_type3A_518 = arith.sitofp %convert_element_type3A_517 : vector<32x64xi32> to vector<32x64xf32>
    %convert_element_type3A_519 = arith.truncf %convert_element_type3A_518 : vector<32x64xf32> to vector<32x64xbf16>
    %dot_general3A_520 = arith.constant dense<0.000000e+00> : vector<32x128xf32>
    %dot_general3A_521 = tpu.matmul %convert_element_type3A_519, %convert_element_type3A_462, %dot_general3A_520 {dimension_numbers = #tpu.dot_dimension_numbers<[1], [0], [0], [1], [0, 0, 1, 1], [], []>, transpose_lhs_hint = false} : vector<32x64xbf16>, vector<64x128xbf16>, vector<32x128xf32> -> vector<32x128xf32>
    %dot_general3A_522 = arith.constant dense<0.000000e+00> : vector<32x128xf32>
    %dot_general3A_523 = tpu.matmul %convert_element_type3A_519, %convert_element_type3A_465, %dot_general3A_522 {dimension_numbers = #tpu.dot_dimension_numbers<[1], [0], [0], [1], [0, 0, 1, 1], [], []>, transpose_lhs_hint = false} : vector<32x64xbf16>, vector<64x128xbf16>, vector<32x128xf32> -> vector<32x128xf32>
    %add3A_524 = arith.addf %dot_general3A_521, %dot_general3A_523 : vector<32x128xf32>
    %dot_general3A_525 = arith.constant dense<0.000000e+00> : vector<32x128xf32>
    %dot_general3A_526 = tpu.matmul %convert_element_type3A_519, %convert_element_type3A_468, %dot_general3A_525 {dimension_numbers = #tpu.dot_dimension_numbers<[1], [0], [0], [1], [0, 0, 1, 1], [], []>, transpose_lhs_hint = false} : vector<32x64xbf16>, vector<64x128xbf16>, vector<32x128xf32> -> vector<32x128xf32>
    %add3A_527 = arith.addf %add3A_524, %dot_general3A_526 : vector<32x128xf32>
    %max3A_528 = arith.maximumf %max3A_509, %add3A_527 : vector<32x128xf32>
    %argmin3A_529 = tpu.reduce_index %select_n3A_516 {axis = 1 : i32, kind = #tpu.reduction_kind<arg_min>} : vector<32x64xf32> -> vector<32xi32>
    %broadcast_in_dim3A_530 = vector.shape_cast %argmin3A_529 : vector<32xi32> to vector<32x1xi32>
    %eq3A_531 = vector.broadcast %broadcast_in_dim3A_530 : vector<32x1xi32> to vector<32x64xi32>
    %eq3A_532 = arith.cmpi eq, %iota3A_469, %eq3A_531 : vector<32x64xi32>
    %jit3A_533 = arith.constant 1.000000e+30 : f32
    %broadcast_in_dim3A_534 = vector.broadcast %jit3A_533 : f32 to vector<32x64xf32>
    %select_n3A_535 = arith.select %eq3A_532, %broadcast_in_dim3A_534, %select_n3A_516 : vector<32x64xi1>, vector<32x64xf32>
    %convert_element_type3A_536 = arith.extui %eq3A_532 : vector<32x64xi1> to vector<32x64xi32>
    %convert_element_type3A_537 = arith.sitofp %convert_element_type3A_536 : vector<32x64xi32> to vector<32x64xf32>
    %convert_element_type3A_538 = arith.truncf %convert_element_type3A_537 : vector<32x64xf32> to vector<32x64xbf16>
    %dot_general3A_539 = arith.constant dense<0.000000e+00> : vector<32x128xf32>
    %dot_general3A_540 = tpu.matmul %convert_element_type3A_538, %convert_element_type3A_462, %dot_general3A_539 {dimension_numbers = #tpu.dot_dimension_numbers<[1], [0], [0], [1], [0, 0, 1, 1], [], []>, transpose_lhs_hint = false} : vector<32x64xbf16>, vector<64x128xbf16>, vector<32x128xf32> -> vector<32x128xf32>
    %dot_general3A_541 = arith.constant dense<0.000000e+00> : vector<32x128xf32>
    %dot_general3A_542 = tpu.matmul %convert_element_type3A_538, %convert_element_type3A_465, %dot_general3A_541 {dimension_numbers = #tpu.dot_dimension_numbers<[1], [0], [0], [1], [0, 0, 1, 1], [], []>, transpose_lhs_hint = false} : vector<32x64xbf16>, vector<64x128xbf16>, vector<32x128xf32> -> vector<32x128xf32>
    %add3A_543 = arith.addf %dot_general3A_540, %dot_general3A_542 : vector<32x128xf32>
    %dot_general3A_544 = arith.constant dense<0.000000e+00> : vector<32x128xf32>
    %dot_general3A_545 = tpu.matmul %convert_element_type3A_538, %convert_element_type3A_468, %dot_general3A_544 {dimension_numbers = #tpu.dot_dimension_numbers<[1], [0], [0], [1], [0, 0, 1, 1], [], []>, transpose_lhs_hint = false} : vector<32x64xbf16>, vector<64x128xbf16>, vector<32x128xf32> -> vector<32x128xf32>
    %add3A_546 = arith.addf %add3A_543, %dot_general3A_545 : vector<32x128xf32>
    %max3A_547 = arith.maximumf %max3A_528, %add3A_546 : vector<32x128xf32>
    %argmin3A_548 = tpu.reduce_index %select_n3A_535 {axis = 1 : i32, kind = #tpu.reduction_kind<arg_min>} : vector<32x64xf32> -> vector<32xi32>
    %broadcast_in_dim3A_549 = vector.shape_cast %argmin3A_548 : vector<32xi32> to vector<32x1xi32>
    %eq3A_550 = vector.broadcast %broadcast_in_dim3A_549 : vector<32x1xi32> to vector<32x64xi32>
    %eq3A_551 = arith.cmpi eq, %iota3A_469, %eq3A_550 : vector<32x64xi32>
    %jit3A_552 = arith.constant 1.000000e+30 : f32
    %broadcast_in_dim3A_553 = vector.broadcast %jit3A_552 : f32 to vector<32x64xf32>
    %select_n3A_554 = arith.select %eq3A_551, %broadcast_in_dim3A_553, %select_n3A_535 : vector<32x64xi1>, vector<32x64xf32>
    %convert_element_type3A_555 = arith.extui %eq3A_551 : vector<32x64xi1> to vector<32x64xi32>
    %convert_element_type3A_556 = arith.sitofp %convert_element_type3A_555 : vector<32x64xi32> to vector<32x64xf32>
    %convert_element_type3A_557 = arith.truncf %convert_element_type3A_556 : vector<32x64xf32> to vector<32x64xbf16>
    %dot_general3A_558 = arith.constant dense<0.000000e+00> : vector<32x128xf32>
    %dot_general3A_559 = tpu.matmul %convert_element_type3A_557, %convert_element_type3A_462, %dot_general3A_558 {dimension_numbers = #tpu.dot_dimension_numbers<[1], [0], [0], [1], [0, 0, 1, 1], [], []>, transpose_lhs_hint = false} : vector<32x64xbf16>, vector<64x128xbf16>, vector<32x128xf32> -> vector<32x128xf32>
    %dot_general3A_560 = arith.constant dense<0.000000e+00> : vector<32x128xf32>
    %dot_general3A_561 = tpu.matmul %convert_element_type3A_557, %convert_element_type3A_465, %dot_general3A_560 {dimension_numbers = #tpu.dot_dimension_numbers<[1], [0], [0], [1], [0, 0, 1, 1], [], []>, transpose_lhs_hint = false} : vector<32x64xbf16>, vector<64x128xbf16>, vector<32x128xf32> -> vector<32x128xf32>
    %add3A_562 = arith.addf %dot_general3A_559, %dot_general3A_561 : vector<32x128xf32>
    %dot_general3A_563 = arith.constant dense<0.000000e+00> : vector<32x128xf32>
    %dot_general3A_564 = tpu.matmul %convert_element_type3A_557, %convert_element_type3A_468, %dot_general3A_563 {dimension_numbers = #tpu.dot_dimension_numbers<[1], [0], [0], [1], [0, 0, 1, 1], [], []>, transpose_lhs_hint = false} : vector<32x64xbf16>, vector<64x128xbf16>, vector<32x128xf32> -> vector<32x128xf32>
    %add3A_565 = arith.addf %add3A_562, %dot_general3A_564 : vector<32x128xf32>
    %max3A_566 = arith.maximumf %max3A_547, %add3A_565 : vector<32x128xf32>
    %argmin3A_567 = tpu.reduce_index %select_n3A_554 {axis = 1 : i32, kind = #tpu.reduction_kind<arg_min>} : vector<32x64xf32> -> vector<32xi32>
    %broadcast_in_dim3A_568 = vector.shape_cast %argmin3A_567 : vector<32xi32> to vector<32x1xi32>
    %eq3A_569 = vector.broadcast %broadcast_in_dim3A_568 : vector<32x1xi32> to vector<32x64xi32>
    %eq3A_570 = arith.cmpi eq, %iota3A_469, %eq3A_569 : vector<32x64xi32>
    %jit3A_571 = arith.constant 1.000000e+30 : f32
    %broadcast_in_dim3A_572 = vector.broadcast %jit3A_571 : f32 to vector<32x64xf32>
    %select_n3A_573 = arith.select %eq3A_570, %broadcast_in_dim3A_572, %select_n3A_554 : vector<32x64xi1>, vector<32x64xf32>
    %convert_element_type3A_574 = arith.extui %eq3A_570 : vector<32x64xi1> to vector<32x64xi32>
    %convert_element_type3A_575 = arith.sitofp %convert_element_type3A_574 : vector<32x64xi32> to vector<32x64xf32>
    %convert_element_type3A_576 = arith.truncf %convert_element_type3A_575 : vector<32x64xf32> to vector<32x64xbf16>
    %dot_general3A_577 = arith.constant dense<0.000000e+00> : vector<32x128xf32>
    %dot_general3A_578 = tpu.matmul %convert_element_type3A_576, %convert_element_type3A_462, %dot_general3A_577 {dimension_numbers = #tpu.dot_dimension_numbers<[1], [0], [0], [1], [0, 0, 1, 1], [], []>, transpose_lhs_hint = false} : vector<32x64xbf16>, vector<64x128xbf16>, vector<32x128xf32> -> vector<32x128xf32>
    %dot_general3A_579 = arith.constant dense<0.000000e+00> : vector<32x128xf32>
    %dot_general3A_580 = tpu.matmul %convert_element_type3A_576, %convert_element_type3A_465, %dot_general3A_579 {dimension_numbers = #tpu.dot_dimension_numbers<[1], [0], [0], [1], [0, 0, 1, 1], [], []>, transpose_lhs_hint = false} : vector<32x64xbf16>, vector<64x128xbf16>, vector<32x128xf32> -> vector<32x128xf32>
    %add3A_581 = arith.addf %dot_general3A_578, %dot_general3A_580 : vector<32x128xf32>
    %dot_general3A_582 = arith.constant dense<0.000000e+00> : vector<32x128xf32>
    %dot_general3A_583 = tpu.matmul %convert_element_type3A_576, %convert_element_type3A_468, %dot_general3A_582 {dimension_numbers = #tpu.dot_dimension_numbers<[1], [0], [0], [1], [0, 0, 1, 1], [], []>, transpose_lhs_hint = false} : vector<32x64xbf16>, vector<64x128xbf16>, vector<32x128xf32> -> vector<32x128xf32>
    %add3A_584 = arith.addf %add3A_581, %dot_general3A_583 : vector<32x128xf32>
    %max3A_585 = arith.maximumf %max3A_566, %add3A_584 : vector<32x128xf32>
    %argmin3A_586 = tpu.reduce_index %select_n3A_573 {axis = 1 : i32, kind = #tpu.reduction_kind<arg_min>} : vector<32x64xf32> -> vector<32xi32>
    %broadcast_in_dim3A_587 = vector.shape_cast %argmin3A_586 : vector<32xi32> to vector<32x1xi32>
    %eq3A_588 = vector.broadcast %broadcast_in_dim3A_587 : vector<32x1xi32> to vector<32x64xi32>
    %eq3A_589 = arith.cmpi eq, %iota3A_469, %eq3A_588 : vector<32x64xi32>
    %jit3A_590 = arith.constant 1.000000e+30 : f32
    %broadcast_in_dim3A_591 = vector.broadcast %jit3A_590 : f32 to vector<32x64xf32>
    %select_n3A_592 = arith.select %eq3A_589, %broadcast_in_dim3A_591, %select_n3A_573 : vector<32x64xi1>, vector<32x64xf32>
    %convert_element_type3A_593 = arith.extui %eq3A_589 : vector<32x64xi1> to vector<32x64xi32>
    %convert_element_type3A_594 = arith.sitofp %convert_element_type3A_593 : vector<32x64xi32> to vector<32x64xf32>
    %convert_element_type3A_595 = arith.truncf %convert_element_type3A_594 : vector<32x64xf32> to vector<32x64xbf16>
    %dot_general3A_596 = arith.constant dense<0.000000e+00> : vector<32x128xf32>
    %dot_general3A_597 = tpu.matmul %convert_element_type3A_595, %convert_element_type3A_462, %dot_general3A_596 {dimension_numbers = #tpu.dot_dimension_numbers<[1], [0], [0], [1], [0, 0, 1, 1], [], []>, transpose_lhs_hint = false} : vector<32x64xbf16>, vector<64x128xbf16>, vector<32x128xf32> -> vector<32x128xf32>
    %dot_general3A_598 = arith.constant dense<0.000000e+00> : vector<32x128xf32>
    %dot_general3A_599 = tpu.matmul %convert_element_type3A_595, %convert_element_type3A_465, %dot_general3A_598 {dimension_numbers = #tpu.dot_dimension_numbers<[1], [0], [0], [1], [0, 0, 1, 1], [], []>, transpose_lhs_hint = false} : vector<32x64xbf16>, vector<64x128xbf16>, vector<32x128xf32> -> vector<32x128xf32>
    %add3A_600 = arith.addf %dot_general3A_597, %dot_general3A_599 : vector<32x128xf32>
    %dot_general3A_601 = arith.constant dense<0.000000e+00> : vector<32x128xf32>
    %dot_general3A_602 = tpu.matmul %convert_element_type3A_595, %convert_element_type3A_468, %dot_general3A_601 {dimension_numbers = #tpu.dot_dimension_numbers<[1], [0], [0], [1], [0, 0, 1, 1], [], []>, transpose_lhs_hint = false} : vector<32x64xbf16>, vector<64x128xbf16>, vector<32x128xf32> -> vector<32x128xf32>
    %add3A_603 = arith.addf %add3A_600, %dot_general3A_602 : vector<32x128xf32>
    %max3A_604 = arith.maximumf %max3A_585, %add3A_603 : vector<32x128xf32>
    %argmin3A_605 = tpu.reduce_index %select_n3A_592 {axis = 1 : i32, kind = #tpu.reduction_kind<arg_min>} : vector<32x64xf32> -> vector<32xi32>
    %broadcast_in_dim3A_606 = vector.shape_cast %argmin3A_605 : vector<32xi32> to vector<32x1xi32>
    %eq3A_607 = vector.broadcast %broadcast_in_dim3A_606 : vector<32x1xi32> to vector<32x64xi32>
    %eq3A_608 = arith.cmpi eq, %iota3A_469, %eq3A_607 : vector<32x64xi32>
    %jit3A_609 = arith.constant 1.000000e+30 : f32
    %broadcast_in_dim3A_610 = vector.broadcast %jit3A_609 : f32 to vector<32x64xf32>
    %select_n3A_611 = arith.select %eq3A_608, %broadcast_in_dim3A_610, %select_n3A_592 : vector<32x64xi1>, vector<32x64xf32>
    %convert_element_type3A_612 = arith.extui %eq3A_608 : vector<32x64xi1> to vector<32x64xi32>
    %convert_element_type3A_613 = arith.sitofp %convert_element_type3A_612 : vector<32x64xi32> to vector<32x64xf32>
    %convert_element_type3A_614 = arith.truncf %convert_element_type3A_613 : vector<32x64xf32> to vector<32x64xbf16>
    %dot_general3A_615 = arith.constant dense<0.000000e+00> : vector<32x128xf32>
    %dot_general3A_616 = tpu.matmul %convert_element_type3A_614, %convert_element_type3A_462, %dot_general3A_615 {dimension_numbers = #tpu.dot_dimension_numbers<[1], [0], [0], [1], [0, 0, 1, 1], [], []>, transpose_lhs_hint = false} : vector<32x64xbf16>, vector<64x128xbf16>, vector<32x128xf32> -> vector<32x128xf32>
    %dot_general3A_617 = arith.constant dense<0.000000e+00> : vector<32x128xf32>
    %dot_general3A_618 = tpu.matmul %convert_element_type3A_614, %convert_element_type3A_465, %dot_general3A_617 {dimension_numbers = #tpu.dot_dimension_numbers<[1], [0], [0], [1], [0, 0, 1, 1], [], []>, transpose_lhs_hint = false} : vector<32x64xbf16>, vector<64x128xbf16>, vector<32x128xf32> -> vector<32x128xf32>
    %add3A_619 = arith.addf %dot_general3A_616, %dot_general3A_618 : vector<32x128xf32>
    %dot_general3A_620 = arith.constant dense<0.000000e+00> : vector<32x128xf32>
    %dot_general3A_621 = tpu.matmul %convert_element_type3A_614, %convert_element_type3A_468, %dot_general3A_620 {dimension_numbers = #tpu.dot_dimension_numbers<[1], [0], [0], [1], [0, 0, 1, 1], [], []>, transpose_lhs_hint = false} : vector<32x64xbf16>, vector<64x128xbf16>, vector<32x128xf32> -> vector<32x128xf32>
    %add3A_622 = arith.addf %add3A_619, %dot_general3A_621 : vector<32x128xf32>
    %max3A_623 = arith.maximumf %max3A_604, %add3A_622 : vector<32x128xf32>
    %argmin3A_624 = tpu.reduce_index %select_n3A_611 {axis = 1 : i32, kind = #tpu.reduction_kind<arg_min>} : vector<32x64xf32> -> vector<32xi32>
    %broadcast_in_dim3A_625 = vector.shape_cast %argmin3A_624 : vector<32xi32> to vector<32x1xi32>
    %eq3A_626 = vector.broadcast %broadcast_in_dim3A_625 : vector<32x1xi32> to vector<32x64xi32>
    %eq3A_627 = arith.cmpi eq, %iota3A_469, %eq3A_626 : vector<32x64xi32>
    %jit3A_628 = arith.constant 1.000000e+30 : f32
    %broadcast_in_dim3A_629 = vector.broadcast %jit3A_628 : f32 to vector<32x64xf32>
    %select_n3A_630 = arith.select %eq3A_627, %broadcast_in_dim3A_629, %select_n3A_611 : vector<32x64xi1>, vector<32x64xf32>
    %convert_element_type3A_631 = arith.extui %eq3A_627 : vector<32x64xi1> to vector<32x64xi32>
    %convert_element_type3A_632 = arith.sitofp %convert_element_type3A_631 : vector<32x64xi32> to vector<32x64xf32>
    %convert_element_type3A_633 = arith.truncf %convert_element_type3A_632 : vector<32x64xf32> to vector<32x64xbf16>
    %dot_general3A_634 = arith.constant dense<0.000000e+00> : vector<32x128xf32>
    %dot_general3A_635 = tpu.matmul %convert_element_type3A_633, %convert_element_type3A_462, %dot_general3A_634 {dimension_numbers = #tpu.dot_dimension_numbers<[1], [0], [0], [1], [0, 0, 1, 1], [], []>, transpose_lhs_hint = false} : vector<32x64xbf16>, vector<64x128xbf16>, vector<32x128xf32> -> vector<32x128xf32>
    %dot_general3A_636 = arith.constant dense<0.000000e+00> : vector<32x128xf32>
    %dot_general3A_637 = tpu.matmul %convert_element_type3A_633, %convert_element_type3A_465, %dot_general3A_636 {dimension_numbers = #tpu.dot_dimension_numbers<[1], [0], [0], [1], [0, 0, 1, 1], [], []>, transpose_lhs_hint = false} : vector<32x64xbf16>, vector<64x128xbf16>, vector<32x128xf32> -> vector<32x128xf32>
    %add3A_638 = arith.addf %dot_general3A_635, %dot_general3A_637 : vector<32x128xf32>
    %dot_general3A_639 = arith.constant dense<0.000000e+00> : vector<32x128xf32>
    %dot_general3A_640 = tpu.matmul %convert_element_type3A_633, %convert_element_type3A_468, %dot_general3A_639 {dimension_numbers = #tpu.dot_dimension_numbers<[1], [0], [0], [1], [0, 0, 1, 1], [], []>, transpose_lhs_hint = false} : vector<32x64xbf16>, vector<64x128xbf16>, vector<32x128xf32> -> vector<32x128xf32>
    %add3A_641 = arith.addf %add3A_638, %dot_general3A_640 : vector<32x128xf32>
    %max3A_642 = arith.maximumf %max3A_623, %add3A_641 : vector<32x128xf32>
    %argmin3A_643 = tpu.reduce_index %select_n3A_630 {axis = 1 : i32, kind = #tpu.reduction_kind<arg_min>} : vector<32x64xf32> -> vector<32xi32>
    %broadcast_in_dim3A_644 = vector.shape_cast %argmin3A_643 : vector<32xi32> to vector<32x1xi32>
    %eq3A_645 = vector.broadcast %broadcast_in_dim3A_644 : vector<32x1xi32> to vector<32x64xi32>
    %eq3A_646 = arith.cmpi eq, %iota3A_469, %eq3A_645 : vector<32x64xi32>
    %jit3A_647 = arith.constant 1.000000e+30 : f32
    %broadcast_in_dim3A_648 = vector.broadcast %jit3A_647 : f32 to vector<32x64xf32>
    %select_n3A_649 = arith.select %eq3A_646, %broadcast_in_dim3A_648, %select_n3A_630 : vector<32x64xi1>, vector<32x64xf32>
    %convert_element_type3A_650 = arith.extui %eq3A_646 : vector<32x64xi1> to vector<32x64xi32>
    %convert_element_type3A_651 = arith.sitofp %convert_element_type3A_650 : vector<32x64xi32> to vector<32x64xf32>
    %convert_element_type3A_652 = arith.truncf %convert_element_type3A_651 : vector<32x64xf32> to vector<32x64xbf16>
    %dot_general3A_653 = arith.constant dense<0.000000e+00> : vector<32x128xf32>
    %dot_general3A_654 = tpu.matmul %convert_element_type3A_652, %convert_element_type3A_462, %dot_general3A_653 {dimension_numbers = #tpu.dot_dimension_numbers<[1], [0], [0], [1], [0, 0, 1, 1], [], []>, transpose_lhs_hint = false} : vector<32x64xbf16>, vector<64x128xbf16>, vector<32x128xf32> -> vector<32x128xf32>
    %dot_general3A_655 = arith.constant dense<0.000000e+00> : vector<32x128xf32>
    %dot_general3A_656 = tpu.matmul %convert_element_type3A_652, %convert_element_type3A_465, %dot_general3A_655 {dimension_numbers = #tpu.dot_dimension_numbers<[1], [0], [0], [1], [0, 0, 1, 1], [], []>, transpose_lhs_hint = false} : vector<32x64xbf16>, vector<64x128xbf16>, vector<32x128xf32> -> vector<32x128xf32>
    %add3A_657 = arith.addf %dot_general3A_654, %dot_general3A_656 : vector<32x128xf32>
    %dot_general3A_658 = arith.constant dense<0.000000e+00> : vector<32x128xf32>
    %dot_general3A_659 = tpu.matmul %convert_element_type3A_652, %convert_element_type3A_468, %dot_general3A_658 {dimension_numbers = #tpu.dot_dimension_numbers<[1], [0], [0], [1], [0, 0, 1, 1], [], []>, transpose_lhs_hint = false} : vector<32x64xbf16>, vector<64x128xbf16>, vector<32x128xf32> -> vector<32x128xf32>
    %add3A_660 = arith.addf %add3A_657, %dot_general3A_659 : vector<32x128xf32>
    %max3A_661 = arith.maximumf %max3A_642, %add3A_660 : vector<32x128xf32>
    %argmin3A_662 = tpu.reduce_index %select_n3A_649 {axis = 1 : i32, kind = #tpu.reduction_kind<arg_min>} : vector<32x64xf32> -> vector<32xi32>
    %broadcast_in_dim3A_663 = vector.shape_cast %argmin3A_662 : vector<32xi32> to vector<32x1xi32>
    %eq3A_664 = vector.broadcast %broadcast_in_dim3A_663 : vector<32x1xi32> to vector<32x64xi32>
    %eq3A_665 = arith.cmpi eq, %iota3A_469, %eq3A_664 : vector<32x64xi32>
    %jit3A_666 = arith.constant 1.000000e+30 : f32
    %broadcast_in_dim3A_667 = vector.broadcast %jit3A_666 : f32 to vector<32x64xf32>
    %select_n3A_668 = arith.select %eq3A_665, %broadcast_in_dim3A_667, %select_n3A_649 : vector<32x64xi1>, vector<32x64xf32>
    %convert_element_type3A_669 = arith.extui %eq3A_665 : vector<32x64xi1> to vector<32x64xi32>
    %convert_element_type3A_670 = arith.sitofp %convert_element_type3A_669 : vector<32x64xi32> to vector<32x64xf32>
    %convert_element_type3A_671 = arith.truncf %convert_element_type3A_670 : vector<32x64xf32> to vector<32x64xbf16>
    %dot_general3A_672 = arith.constant dense<0.000000e+00> : vector<32x128xf32>
    %dot_general3A_673 = tpu.matmul %convert_element_type3A_671, %convert_element_type3A_462, %dot_general3A_672 {dimension_numbers = #tpu.dot_dimension_numbers<[1], [0], [0], [1], [0, 0, 1, 1], [], []>, transpose_lhs_hint = false} : vector<32x64xbf16>, vector<64x128xbf16>, vector<32x128xf32> -> vector<32x128xf32>
    %dot_general3A_674 = arith.constant dense<0.000000e+00> : vector<32x128xf32>
    %dot_general3A_675 = tpu.matmul %convert_element_type3A_671, %convert_element_type3A_465, %dot_general3A_674 {dimension_numbers = #tpu.dot_dimension_numbers<[1], [0], [0], [1], [0, 0, 1, 1], [], []>, transpose_lhs_hint = false} : vector<32x64xbf16>, vector<64x128xbf16>, vector<32x128xf32> -> vector<32x128xf32>
    %add3A_676 = arith.addf %dot_general3A_673, %dot_general3A_675 : vector<32x128xf32>
    %dot_general3A_677 = arith.constant dense<0.000000e+00> : vector<32x128xf32>
    %dot_general3A_678 = tpu.matmul %convert_element_type3A_671, %convert_element_type3A_468, %dot_general3A_677 {dimension_numbers = #tpu.dot_dimension_numbers<[1], [0], [0], [1], [0, 0, 1, 1], [], []>, transpose_lhs_hint = false} : vector<32x64xbf16>, vector<64x128xbf16>, vector<32x128xf32> -> vector<32x128xf32>
    %add3A_679 = arith.addf %add3A_676, %dot_general3A_678 : vector<32x128xf32>
    %max3A_680 = arith.maximumf %max3A_661, %add3A_679 : vector<32x128xf32>
    %argmin3A_681 = tpu.reduce_index %select_n3A_668 {axis = 1 : i32, kind = #tpu.reduction_kind<arg_min>} : vector<32x64xf32> -> vector<32xi32>
    %broadcast_in_dim3A_682 = vector.shape_cast %argmin3A_681 : vector<32xi32> to vector<32x1xi32>
    %eq3A_683 = vector.broadcast %broadcast_in_dim3A_682 : vector<32x1xi32> to vector<32x64xi32>
    %eq3A_684 = arith.cmpi eq, %iota3A_469, %eq3A_683 : vector<32x64xi32>
    %jit3A_685 = arith.constant 1.000000e+30 : f32
    %broadcast_in_dim3A_686 = vector.broadcast %jit3A_685 : f32 to vector<32x64xf32>
    %select_n3A_687 = arith.select %eq3A_684, %broadcast_in_dim3A_686, %select_n3A_668 : vector<32x64xi1>, vector<32x64xf32>
    %convert_element_type3A_688 = arith.extui %eq3A_684 : vector<32x64xi1> to vector<32x64xi32>
    %convert_element_type3A_689 = arith.sitofp %convert_element_type3A_688 : vector<32x64xi32> to vector<32x64xf32>
    %convert_element_type3A_690 = arith.truncf %convert_element_type3A_689 : vector<32x64xf32> to vector<32x64xbf16>
    %dot_general3A_691 = arith.constant dense<0.000000e+00> : vector<32x128xf32>
    %dot_general3A_692 = tpu.matmul %convert_element_type3A_690, %convert_element_type3A_462, %dot_general3A_691 {dimension_numbers = #tpu.dot_dimension_numbers<[1], [0], [0], [1], [0, 0, 1, 1], [], []>, transpose_lhs_hint = false} : vector<32x64xbf16>, vector<64x128xbf16>, vector<32x128xf32> -> vector<32x128xf32>
    %dot_general3A_693 = arith.constant dense<0.000000e+00> : vector<32x128xf32>
    %dot_general3A_694 = tpu.matmul %convert_element_type3A_690, %convert_element_type3A_465, %dot_general3A_693 {dimension_numbers = #tpu.dot_dimension_numbers<[1], [0], [0], [1], [0, 0, 1, 1], [], []>, transpose_lhs_hint = false} : vector<32x64xbf16>, vector<64x128xbf16>, vector<32x128xf32> -> vector<32x128xf32>
    %add3A_695 = arith.addf %dot_general3A_692, %dot_general3A_694 : vector<32x128xf32>
    %dot_general3A_696 = arith.constant dense<0.000000e+00> : vector<32x128xf32>
    %dot_general3A_697 = tpu.matmul %convert_element_type3A_690, %convert_element_type3A_468, %dot_general3A_696 {dimension_numbers = #tpu.dot_dimension_numbers<[1], [0], [0], [1], [0, 0, 1, 1], [], []>, transpose_lhs_hint = false} : vector<32x64xbf16>, vector<64x128xbf16>, vector<32x128xf32> -> vector<32x128xf32>
    %add3A_698 = arith.addf %add3A_695, %dot_general3A_697 : vector<32x128xf32>
    %max3A_699 = arith.maximumf %max3A_680, %add3A_698 : vector<32x128xf32>
    %argmin3A_700 = tpu.reduce_index %select_n3A_687 {axis = 1 : i32, kind = #tpu.reduction_kind<arg_min>} : vector<32x64xf32> -> vector<32xi32>
    %broadcast_in_dim3A_701 = vector.shape_cast %argmin3A_700 : vector<32xi32> to vector<32x1xi32>
    %eq3A_702 = vector.broadcast %broadcast_in_dim3A_701 : vector<32x1xi32> to vector<32x64xi32>
    %eq3A_703 = arith.cmpi eq, %iota3A_469, %eq3A_702 : vector<32x64xi32>
    %jit3A_704 = arith.constant 1.000000e+30 : f32
    %broadcast_in_dim3A_705 = vector.broadcast %jit3A_704 : f32 to vector<32x64xf32>
    %select_n3A_706 = arith.select %eq3A_703, %broadcast_in_dim3A_705, %select_n3A_687 : vector<32x64xi1>, vector<32x64xf32>
    %convert_element_type3A_707 = arith.extui %eq3A_703 : vector<32x64xi1> to vector<32x64xi32>
    %convert_element_type3A_708 = arith.sitofp %convert_element_type3A_707 : vector<32x64xi32> to vector<32x64xf32>
    %convert_element_type3A_709 = arith.truncf %convert_element_type3A_708 : vector<32x64xf32> to vector<32x64xbf16>
    %dot_general3A_710 = arith.constant dense<0.000000e+00> : vector<32x128xf32>
    %dot_general3A_711 = tpu.matmul %convert_element_type3A_709, %convert_element_type3A_462, %dot_general3A_710 {dimension_numbers = #tpu.dot_dimension_numbers<[1], [0], [0], [1], [0, 0, 1, 1], [], []>, transpose_lhs_hint = false} : vector<32x64xbf16>, vector<64x128xbf16>, vector<32x128xf32> -> vector<32x128xf32>
    %dot_general3A_712 = arith.constant dense<0.000000e+00> : vector<32x128xf32>
    %dot_general3A_713 = tpu.matmul %convert_element_type3A_709, %convert_element_type3A_465, %dot_general3A_712 {dimension_numbers = #tpu.dot_dimension_numbers<[1], [0], [0], [1], [0, 0, 1, 1], [], []>, transpose_lhs_hint = false} : vector<32x64xbf16>, vector<64x128xbf16>, vector<32x128xf32> -> vector<32x128xf32>
    %add3A_714 = arith.addf %dot_general3A_711, %dot_general3A_713 : vector<32x128xf32>
    %dot_general3A_715 = arith.constant dense<0.000000e+00> : vector<32x128xf32>
    %dot_general3A_716 = tpu.matmul %convert_element_type3A_709, %convert_element_type3A_468, %dot_general3A_715 {dimension_numbers = #tpu.dot_dimension_numbers<[1], [0], [0], [1], [0, 0, 1, 1], [], []>, transpose_lhs_hint = false} : vector<32x64xbf16>, vector<64x128xbf16>, vector<32x128xf32> -> vector<32x128xf32>
    %add3A_717 = arith.addf %add3A_714, %dot_general3A_716 : vector<32x128xf32>
    %max3A_718 = arith.maximumf %max3A_699, %add3A_717 : vector<32x128xf32>
    %argmin3A_719 = tpu.reduce_index %select_n3A_706 {axis = 1 : i32, kind = #tpu.reduction_kind<arg_min>} : vector<32x64xf32> -> vector<32xi32>
    %broadcast_in_dim3A_720 = vector.shape_cast %argmin3A_719 : vector<32xi32> to vector<32x1xi32>
    %eq3A_721 = vector.broadcast %broadcast_in_dim3A_720 : vector<32x1xi32> to vector<32x64xi32>
    %eq3A_722 = arith.cmpi eq, %iota3A_469, %eq3A_721 : vector<32x64xi32>
    %jit3A_723 = arith.constant 1.000000e+30 : f32
    %broadcast_in_dim3A_724 = vector.broadcast %jit3A_723 : f32 to vector<32x64xf32>
    %select_n3A_725 = arith.select %eq3A_722, %broadcast_in_dim3A_724, %select_n3A_706 : vector<32x64xi1>, vector<32x64xf32>
    %convert_element_type3A_726 = arith.extui %eq3A_722 : vector<32x64xi1> to vector<32x64xi32>
    %convert_element_type3A_727 = arith.sitofp %convert_element_type3A_726 : vector<32x64xi32> to vector<32x64xf32>
    %convert_element_type3A_728 = arith.truncf %convert_element_type3A_727 : vector<32x64xf32> to vector<32x64xbf16>
    %dot_general3A_729 = arith.constant dense<0.000000e+00> : vector<32x128xf32>
    %dot_general3A_730 = tpu.matmul %convert_element_type3A_728, %convert_element_type3A_462, %dot_general3A_729 {dimension_numbers = #tpu.dot_dimension_numbers<[1], [0], [0], [1], [0, 0, 1, 1], [], []>, transpose_lhs_hint = false} : vector<32x64xbf16>, vector<64x128xbf16>, vector<32x128xf32> -> vector<32x128xf32>
    %dot_general3A_731 = arith.constant dense<0.000000e+00> : vector<32x128xf32>
    %dot_general3A_732 = tpu.matmul %convert_element_type3A_728, %convert_element_type3A_465, %dot_general3A_731 {dimension_numbers = #tpu.dot_dimension_numbers<[1], [0], [0], [1], [0, 0, 1, 1], [], []>, transpose_lhs_hint = false} : vector<32x64xbf16>, vector<64x128xbf16>, vector<32x128xf32> -> vector<32x128xf32>
    %add3A_733 = arith.addf %dot_general3A_730, %dot_general3A_732 : vector<32x128xf32>
    %dot_general3A_734 = arith.constant dense<0.000000e+00> : vector<32x128xf32>
    %dot_general3A_735 = tpu.matmul %convert_element_type3A_728, %convert_element_type3A_468, %dot_general3A_734 {dimension_numbers = #tpu.dot_dimension_numbers<[1], [0], [0], [1], [0, 0, 1, 1], [], []>, transpose_lhs_hint = false} : vector<32x64xbf16>, vector<64x128xbf16>, vector<32x128xf32> -> vector<32x128xf32>
    %add3A_736 = arith.addf %add3A_733, %dot_general3A_735 : vector<32x128xf32>
    %max3A_737 = arith.maximumf %max3A_718, %add3A_736 : vector<32x128xf32>
    %argmin3A_738 = tpu.reduce_index %select_n3A_725 {axis = 1 : i32, kind = #tpu.reduction_kind<arg_min>} : vector<32x64xf32> -> vector<32xi32>
    %broadcast_in_dim3A_739 = vector.shape_cast %argmin3A_738 : vector<32xi32> to vector<32x1xi32>
    %eq3A_740 = vector.broadcast %broadcast_in_dim3A_739 : vector<32x1xi32> to vector<32x64xi32>
    %eq3A_741 = arith.cmpi eq, %iota3A_469, %eq3A_740 : vector<32x64xi32>
    %jit3A_742 = arith.constant 1.000000e+30 : f32
    %broadcast_in_dim3A_743 = vector.broadcast %jit3A_742 : f32 to vector<32x64xf32>
    %select_n3A_744 = arith.select %eq3A_741, %broadcast_in_dim3A_743, %select_n3A_725 : vector<32x64xi1>, vector<32x64xf32>
    %convert_element_type3A_745 = arith.extui %eq3A_741 : vector<32x64xi1> to vector<32x64xi32>
    %convert_element_type3A_746 = arith.sitofp %convert_element_type3A_745 : vector<32x64xi32> to vector<32x64xf32>
    %convert_element_type3A_747 = arith.truncf %convert_element_type3A_746 : vector<32x64xf32> to vector<32x64xbf16>
    %dot_general3A_748 = arith.constant dense<0.000000e+00> : vector<32x128xf32>
    %dot_general3A_749 = tpu.matmul %convert_element_type3A_747, %convert_element_type3A_462, %dot_general3A_748 {dimension_numbers = #tpu.dot_dimension_numbers<[1], [0], [0], [1], [0, 0, 1, 1], [], []>, transpose_lhs_hint = false} : vector<32x64xbf16>, vector<64x128xbf16>, vector<32x128xf32> -> vector<32x128xf32>
    %dot_general3A_750 = arith.constant dense<0.000000e+00> : vector<32x128xf32>
    %dot_general3A_751 = tpu.matmul %convert_element_type3A_747, %convert_element_type3A_465, %dot_general3A_750 {dimension_numbers = #tpu.dot_dimension_numbers<[1], [0], [0], [1], [0, 0, 1, 1], [], []>, transpose_lhs_hint = false} : vector<32x64xbf16>, vector<64x128xbf16>, vector<32x128xf32> -> vector<32x128xf32>
    %add3A_752 = arith.addf %dot_general3A_749, %dot_general3A_751 : vector<32x128xf32>
    %dot_general3A_753 = arith.constant dense<0.000000e+00> : vector<32x128xf32>
    %dot_general3A_754 = tpu.matmul %convert_element_type3A_747, %convert_element_type3A_468, %dot_general3A_753 {dimension_numbers = #tpu.dot_dimension_numbers<[1], [0], [0], [1], [0, 0, 1, 1], [], []>, transpose_lhs_hint = false} : vector<32x64xbf16>, vector<64x128xbf16>, vector<32x128xf32> -> vector<32x128xf32>
    %add3A_755 = arith.addf %add3A_752, %dot_general3A_754 : vector<32x128xf32>
    %max3A_756 = arith.maximumf %max3A_737, %add3A_755 : vector<32x128xf32>
    %argmin3A_757 = tpu.reduce_index %select_n3A_744 {axis = 1 : i32, kind = #tpu.reduction_kind<arg_min>} : vector<32x64xf32> -> vector<32xi32>
    %broadcast_in_dim3A_758 = vector.shape_cast %argmin3A_757 : vector<32xi32> to vector<32x1xi32>
    %eq3A_759 = vector.broadcast %broadcast_in_dim3A_758 : vector<32x1xi32> to vector<32x64xi32>
    %eq3A_760 = arith.cmpi eq, %iota3A_469, %eq3A_759 : vector<32x64xi32>
    %jit3A_761 = arith.constant 1.000000e+30 : f32
    %broadcast_in_dim3A_762 = vector.broadcast %jit3A_761 : f32 to vector<32x64xf32>
    %select_n3A_763 = arith.select %eq3A_760, %broadcast_in_dim3A_762, %select_n3A_744 : vector<32x64xi1>, vector<32x64xf32>
    %convert_element_type3A_764 = arith.extui %eq3A_760 : vector<32x64xi1> to vector<32x64xi32>
    %convert_element_type3A_765 = arith.sitofp %convert_element_type3A_764 : vector<32x64xi32> to vector<32x64xf32>
    %convert_element_type3A_766 = arith.truncf %convert_element_type3A_765 : vector<32x64xf32> to vector<32x64xbf16>
    %dot_general3A_767 = arith.constant dense<0.000000e+00> : vector<32x128xf32>
    %dot_general3A_768 = tpu.matmul %convert_element_type3A_766, %convert_element_type3A_462, %dot_general3A_767 {dimension_numbers = #tpu.dot_dimension_numbers<[1], [0], [0], [1], [0, 0, 1, 1], [], []>, transpose_lhs_hint = false} : vector<32x64xbf16>, vector<64x128xbf16>, vector<32x128xf32> -> vector<32x128xf32>
    %dot_general3A_769 = arith.constant dense<0.000000e+00> : vector<32x128xf32>
    %dot_general3A_770 = tpu.matmul %convert_element_type3A_766, %convert_element_type3A_465, %dot_general3A_769 {dimension_numbers = #tpu.dot_dimension_numbers<[1], [0], [0], [1], [0, 0, 1, 1], [], []>, transpose_lhs_hint = false} : vector<32x64xbf16>, vector<64x128xbf16>, vector<32x128xf32> -> vector<32x128xf32>
    %add3A_771 = arith.addf %dot_general3A_768, %dot_general3A_770 : vector<32x128xf32>
    %dot_general3A_772 = arith.constant dense<0.000000e+00> : vector<32x128xf32>
    %dot_general3A_773 = tpu.matmul %convert_element_type3A_766, %convert_element_type3A_468, %dot_general3A_772 {dimension_numbers = #tpu.dot_dimension_numbers<[1], [0], [0], [1], [0, 0, 1, 1], [], []>, transpose_lhs_hint = false} : vector<32x64xbf16>, vector<64x128xbf16>, vector<32x128xf32> -> vector<32x128xf32>
    %add3A_774 = arith.addf %add3A_771, %dot_general3A_773 : vector<32x128xf32>
    %max3A_775 = arith.maximumf %max3A_756, %add3A_774 : vector<32x128xf32>
    %argmin3A_776 = tpu.reduce_index %select_n3A_763 {axis = 1 : i32, kind = #tpu.reduction_kind<arg_min>} : vector<32x64xf32> -> vector<32xi32>
    %broadcast_in_dim3A_777 = vector.shape_cast %argmin3A_776 : vector<32xi32> to vector<32x1xi32>
    %eq3A_778 = vector.broadcast %broadcast_in_dim3A_777 : vector<32x1xi32> to vector<32x64xi32>
    %eq3A_779 = arith.cmpi eq, %iota3A_469, %eq3A_778 : vector<32x64xi32>
    %jit3A_780 = arith.constant 1.000000e+30 : f32
    %broadcast_in_dim3A_781 = vector.broadcast %jit3A_780 : f32 to vector<32x64xf32>
    %select_n3A_782 = arith.select %eq3A_779, %broadcast_in_dim3A_781, %select_n3A_763 : vector<32x64xi1>, vector<32x64xf32>
    %convert_element_type3A_783 = arith.extui %eq3A_779 : vector<32x64xi1> to vector<32x64xi32>
    %convert_element_type3A_784 = arith.sitofp %convert_element_type3A_783 : vector<32x64xi32> to vector<32x64xf32>
    %convert_element_type3A_785 = arith.truncf %convert_element_type3A_784 : vector<32x64xf32> to vector<32x64xbf16>
    %dot_general3A_786 = arith.constant dense<0.000000e+00> : vector<32x128xf32>
    %dot_general3A_787 = tpu.matmul %convert_element_type3A_785, %convert_element_type3A_462, %dot_general3A_786 {dimension_numbers = #tpu.dot_dimension_numbers<[1], [0], [0], [1], [0, 0, 1, 1], [], []>, transpose_lhs_hint = false} : vector<32x64xbf16>, vector<64x128xbf16>, vector<32x128xf32> -> vector<32x128xf32>
    %dot_general3A_788 = arith.constant dense<0.000000e+00> : vector<32x128xf32>
    %dot_general3A_789 = tpu.matmul %convert_element_type3A_785, %convert_element_type3A_465, %dot_general3A_788 {dimension_numbers = #tpu.dot_dimension_numbers<[1], [0], [0], [1], [0, 0, 1, 1], [], []>, transpose_lhs_hint = false} : vector<32x64xbf16>, vector<64x128xbf16>, vector<32x128xf32> -> vector<32x128xf32>
    %add3A_790 = arith.addf %dot_general3A_787, %dot_general3A_789 : vector<32x128xf32>
    %dot_general3A_791 = arith.constant dense<0.000000e+00> : vector<32x128xf32>
    %dot_general3A_792 = tpu.matmul %convert_element_type3A_785, %convert_element_type3A_468, %dot_general3A_791 {dimension_numbers = #tpu.dot_dimension_numbers<[1], [0], [0], [1], [0, 0, 1, 1], [], []>, transpose_lhs_hint = false} : vector<32x64xbf16>, vector<64x128xbf16>, vector<32x128xf32> -> vector<32x128xf32>
    %add3A_793 = arith.addf %add3A_790, %dot_general3A_792 : vector<32x128xf32>
    %max3A_794 = arith.maximumf %max3A_775, %add3A_793 : vector<32x128xf32>
    %argmin3A_795 = tpu.reduce_index %select_n3A_782 {axis = 1 : i32, kind = #tpu.reduction_kind<arg_min>} : vector<32x64xf32> -> vector<32xi32>
    %broadcast_in_dim3A_796 = vector.shape_cast %argmin3A_795 : vector<32xi32> to vector<32x1xi32>
    %eq3A_797 = vector.broadcast %broadcast_in_dim3A_796 : vector<32x1xi32> to vector<32x64xi32>
    %eq3A_798 = arith.cmpi eq, %iota3A_469, %eq3A_797 : vector<32x64xi32>
    %jit3A_799 = arith.constant 1.000000e+30 : f32
    %broadcast_in_dim3A_800 = vector.broadcast %jit3A_799 : f32 to vector<32x64xf32>
    %select_n3A_801 = arith.select %eq3A_798, %broadcast_in_dim3A_800, %select_n3A_782 : vector<32x64xi1>, vector<32x64xf32>
    %convert_element_type3A_802 = arith.extui %eq3A_798 : vector<32x64xi1> to vector<32x64xi32>
    %convert_element_type3A_803 = arith.sitofp %convert_element_type3A_802 : vector<32x64xi32> to vector<32x64xf32>
    %convert_element_type3A_804 = arith.truncf %convert_element_type3A_803 : vector<32x64xf32> to vector<32x64xbf16>
    %dot_general3A_805 = arith.constant dense<0.000000e+00> : vector<32x128xf32>
    %dot_general3A_806 = tpu.matmul %convert_element_type3A_804, %convert_element_type3A_462, %dot_general3A_805 {dimension_numbers = #tpu.dot_dimension_numbers<[1], [0], [0], [1], [0, 0, 1, 1], [], []>, transpose_lhs_hint = false} : vector<32x64xbf16>, vector<64x128xbf16>, vector<32x128xf32> -> vector<32x128xf32>
    %dot_general3A_807 = arith.constant dense<0.000000e+00> : vector<32x128xf32>
    %dot_general3A_808 = tpu.matmul %convert_element_type3A_804, %convert_element_type3A_465, %dot_general3A_807 {dimension_numbers = #tpu.dot_dimension_numbers<[1], [0], [0], [1], [0, 0, 1, 1], [], []>, transpose_lhs_hint = false} : vector<32x64xbf16>, vector<64x128xbf16>, vector<32x128xf32> -> vector<32x128xf32>
    %add3A_809 = arith.addf %dot_general3A_806, %dot_general3A_808 : vector<32x128xf32>
    %dot_general3A_810 = arith.constant dense<0.000000e+00> : vector<32x128xf32>
    %dot_general3A_811 = tpu.matmul %convert_element_type3A_804, %convert_element_type3A_468, %dot_general3A_810 {dimension_numbers = #tpu.dot_dimension_numbers<[1], [0], [0], [1], [0, 0, 1, 1], [], []>, transpose_lhs_hint = false} : vector<32x64xbf16>, vector<64x128xbf16>, vector<32x128xf32> -> vector<32x128xf32>
    %add3A_812 = arith.addf %add3A_809, %dot_general3A_811 : vector<32x128xf32>
    %max3A_813 = arith.maximumf %max3A_794, %add3A_812 : vector<32x128xf32>
    %argmin3A_814 = tpu.reduce_index %select_n3A_801 {axis = 1 : i32, kind = #tpu.reduction_kind<arg_min>} : vector<32x64xf32> -> vector<32xi32>
    %broadcast_in_dim3A_815 = vector.shape_cast %argmin3A_814 : vector<32xi32> to vector<32x1xi32>
    %eq3A_816 = vector.broadcast %broadcast_in_dim3A_815 : vector<32x1xi32> to vector<32x64xi32>
    %eq3A_817 = arith.cmpi eq, %iota3A_469, %eq3A_816 : vector<32x64xi32>
    %jit3A_818 = arith.constant 1.000000e+30 : f32
    %broadcast_in_dim3A_819 = vector.broadcast %jit3A_818 : f32 to vector<32x64xf32>
    %select_n3A_820 = arith.select %eq3A_817, %broadcast_in_dim3A_819, %select_n3A_801 : vector<32x64xi1>, vector<32x64xf32>
    %convert_element_type3A_821 = arith.extui %eq3A_817 : vector<32x64xi1> to vector<32x64xi32>
    %convert_element_type3A_822 = arith.sitofp %convert_element_type3A_821 : vector<32x64xi32> to vector<32x64xf32>
    %convert_element_type3A_823 = arith.truncf %convert_element_type3A_822 : vector<32x64xf32> to vector<32x64xbf16>
    %dot_general3A_824 = arith.constant dense<0.000000e+00> : vector<32x128xf32>
    %dot_general3A_825 = tpu.matmul %convert_element_type3A_823, %convert_element_type3A_462, %dot_general3A_824 {dimension_numbers = #tpu.dot_dimension_numbers<[1], [0], [0], [1], [0, 0, 1, 1], [], []>, transpose_lhs_hint = false} : vector<32x64xbf16>, vector<64x128xbf16>, vector<32x128xf32> -> vector<32x128xf32>
    %dot_general3A_826 = arith.constant dense<0.000000e+00> : vector<32x128xf32>
    %dot_general3A_827 = tpu.matmul %convert_element_type3A_823, %convert_element_type3A_465, %dot_general3A_826 {dimension_numbers = #tpu.dot_dimension_numbers<[1], [0], [0], [1], [0, 0, 1, 1], [], []>, transpose_lhs_hint = false} : vector<32x64xbf16>, vector<64x128xbf16>, vector<32x128xf32> -> vector<32x128xf32>
    %add3A_828 = arith.addf %dot_general3A_825, %dot_general3A_827 : vector<32x128xf32>
    %dot_general3A_829 = arith.constant dense<0.000000e+00> : vector<32x128xf32>
    %dot_general3A_830 = tpu.matmul %convert_element_type3A_823, %convert_element_type3A_468, %dot_general3A_829 {dimension_numbers = #tpu.dot_dimension_numbers<[1], [0], [0], [1], [0, 0, 1, 1], [], []>, transpose_lhs_hint = false} : vector<32x64xbf16>, vector<64x128xbf16>, vector<32x128xf32> -> vector<32x128xf32>
    %add3A_831 = arith.addf %add3A_828, %dot_general3A_830 : vector<32x128xf32>
    %max3A_832 = arith.maximumf %max3A_813, %add3A_831 : vector<32x128xf32>
    %reduce_min3A_833 = arith.constant dense<0x7F800000> : vector<32xf32>
    %reduce_min3A_834 = vector.multi_reduction <minimumf>, %select_n3A_820, %reduce_min3A_833 [1] : vector<32x64xf32> to vector<32xf32>
    %broadcast_in_dim3A_835 = vector.shape_cast %reduce_min3A_834 : vector<32xf32> to vector<32x1xf32>
    %eq3A_836 = vector.broadcast %broadcast_in_dim3A_835 : vector<32x1xf32> to vector<32x64xf32>
    %eq3A_837 = arith.cmpf oeq, %select_n3A_820, %eq3A_836 : vector<32x64xf32>
    %jit3A_838 = arith.constant 64 : i32
    %broadcast_in_dim3A_839 = vector.broadcast %jit3A_838 : i32 to vector<32x64xi32>
    %select_n3A_840 = arith.select %eq3A_837, %iota3A_469, %broadcast_in_dim3A_839 : vector<32x64xi1>, vector<32x64xi32>
    %reduce_min3A_841 = arith.constant dense<2147483647> : vector<32xi32>
    %reduce_min3A_842 = vector.multi_reduction <minsi>, %select_n3A_840, %reduce_min3A_841 [1] : vector<32x64xi32> to vector<32xi32>
    %broadcast_in_dim3A_843 = vector.shape_cast %reduce_min3A_842 : vector<32xi32> to vector<32x1xi32>
    %eq3A_844 = vector.broadcast %broadcast_in_dim3A_843 : vector<32x1xi32> to vector<32x64xi32>
    %eq3A_845 = arith.cmpi eq, %iota3A_469, %eq3A_844 : vector<32x64xi32>
    %convert_element_type3A_846 = arith.extui %eq3A_845 : vector<32x64xi1> to vector<32x64xi32>
    %convert_element_type3A_847 = arith.sitofp %convert_element_type3A_846 : vector<32x64xi32> to vector<32x64xf32>
    %convert_element_type3A_848 = arith.truncf %convert_element_type3A_847 : vector<32x64xf32> to vector<32x64xbf16>
    %dot_general3A_849 = arith.constant dense<0.000000e+00> : vector<32x128xf32>
    %dot_general3A_850 = tpu.matmul %convert_element_type3A_848, %convert_element_type3A_462, %dot_general3A_849 {dimension_numbers = #tpu.dot_dimension_numbers<[1], [0], [0], [1], [0, 0, 1, 1], [], []>, transpose_lhs_hint = false} : vector<32x64xbf16>, vector<64x128xbf16>, vector<32x128xf32> -> vector<32x128xf32>
    %dot_general3A_851 = arith.constant dense<0.000000e+00> : vector<32x128xf32>
    %dot_general3A_852 = tpu.matmul %convert_element_type3A_848, %convert_element_type3A_465, %dot_general3A_851 {dimension_numbers = #tpu.dot_dimension_numbers<[1], [0], [0], [1], [0, 0, 1, 1], [], []>, transpose_lhs_hint = false} : vector<32x64xbf16>, vector<64x128xbf16>, vector<32x128xf32> -> vector<32x128xf32>
    %add3A_853 = arith.addf %dot_general3A_850, %dot_general3A_852 : vector<32x128xf32>
    %dot_general3A_854 = arith.constant dense<0.000000e+00> : vector<32x128xf32>
    %dot_general3A_855 = tpu.matmul %convert_element_type3A_848, %convert_element_type3A_468, %dot_general3A_854 {dimension_numbers = #tpu.dot_dimension_numbers<[1], [0], [0], [1], [0, 0, 1, 1], [], []>, transpose_lhs_hint = false} : vector<32x64xbf16>, vector<64x128xbf16>, vector<32x128xf32> -> vector<32x128xf32>
    %add3A_856 = arith.addf %add3A_853, %dot_general3A_855 : vector<32x128xf32>
    %max3A_857 = arith.maximumf %max3A_832, %add3A_856 : vector<32x128xf32>
    %swap3A = arith.constant 0 : index
    %swap3A_858 = arith.constant 0 : index
    %swap3A_859 = arith.constant 0 : index
    %swap3A_860 = vector.load %arg9[%swap3A, %swap3A_858, %swap3A_859] : memref<1x32x128xf32, #tpu.memory_space<vmem>>, vector<1x32x128xf32>
    %swap3A_861 = vector.shape_cast %swap3A_860 : vector<1x32x128xf32> to vector<32x128xf32>
    %swap3A_862 = vector.shape_cast %max3A_857 : vector<32x128xf32> to vector<1x32x128xf32>
    tpu.vector_store %arg9[%swap3A, %swap3A_858, %swap3A_859], %swap3A_862 {strides = array<i32>} : memref<1x32x128xf32, #tpu.memory_space<vmem>>, vector<1x32x128xf32>,
    %get3A_863 = arith.constant 0 : index
    %get3A_864 = arith.constant 0 : index
    %get3A_865 = vector.load %arg6[%get3A_863, %get3A_864] : memref<128x256xf32, #tpu.memory_space<vmem>>, vector<128x256xf32>
    %convert_element_type3A_866 = arith.truncf %max3A_446 : vector<64x128xf32> to vector<64x128xbf16>
    %convert_element_type3A_867 = arith.truncf %get3A_865 : vector<128x256xf32> to vector<128x256xbf16>
    %dot_general3A_868 = arith.constant dense<0.000000e+00> : vector<64x256xf32>
    %dot_general3A_869 = tpu.matmul %convert_element_type3A_866, %convert_element_type3A_867, %dot_general3A_868 {dimension_numbers = #tpu.dot_dimension_numbers<[1], [0], [0], [1], [0, 0, 1, 1], [], []>, transpose_lhs_hint = false} : vector<64x128xbf16>, vector<128x256xbf16>, vector<64x256xf32> -> vector<64x256xf32>
    %swap3A_870 = arith.constant 0 : index
    %swap3A_871 = arith.constant 0 : index
    %swap3A_872 = arith.constant 0 : index
    %swap3A_873 = vector.load %arg8[%swap3A_870, %swap3A_871, %swap3A_872] : memref<1x64x256xf32, #tpu.memory_space<vmem>>, vector<1x64x256xf32>
    %swap3A_874 = vector.shape_cast %swap3A_873 : vector<1x64x256xf32> to vector<64x256xf32>
    %swap3A_875 = vector.shape_cast %dot_general3A_869 : vector<64x256xf32> to vector<1x64x256xf32>
    tpu.vector_store %arg8[%swap3A_870, %swap3A_871, %swap3A_872], %swap3A_875 {strides = array<i32>} : memref<1x64x256xf32, #tpu.memory_space<vmem>>, vector<1x64x256xf32>,
    %reduce_sum3A = arith.constant dense<0.000000e+00> : vector<256xf32>
    %reduce_sum3A_876 = vector.multi_reduction <add>, %dot_general3A_869, %reduce_sum3A [0] : vector<64x256xf32> to vector<256xf32>
    %broadcast_in_dim3A_877 = vector.shape_cast %reduce_sum3A_876 : vector<256xf32> to vector<1x256xf32>
    %mul3A_878 = arith.mulf %dot_general3A_869, %dot_general3A_869 : vector<64x256xf32>
    %reduce_sum3A_879 = arith.constant dense<0.000000e+00> : vector<256xf32>
    %reduce_sum3A_880 = vector.multi_reduction <add>, %mul3A_878, %reduce_sum3A_879 [0] : vector<64x256xf32> to vector<256xf32>
    %broadcast_in_dim3A_881 = vector.shape_cast %reduce_sum3A_880 : vector<256xf32> to vector<1x256xf32>
    %iota3A_882 = tpu.iota {dimensions = array<i32: 0>} : vector<8x256xi32>
    %eq3A_883 = arith.constant 0 : i32
    %eq3A_884 = vector.broadcast %eq3A_883 : i32 to vector<8x256xi32>
    %eq3A_885 = arith.cmpi eq, %iota3A_882, %eq3A_884 : vector<8x256xi32>
    %broadcast_in_dim3A_886 = vector.shape_cast %broadcast_in_dim3A_877 : vector<1x256xf32> to vector<1x256xf32>
    %broadcast_in_dim3A_887 = vector.broadcast %broadcast_in_dim3A_886 : vector<1x256xf32> to vector<8x256xf32>
    %eq3A_888 = arith.constant 1 : i32
    %eq3A_889 = vector.broadcast %eq3A_888 : i32 to vector<8x256xi32>
    %eq3A_890 = arith.cmpi eq, %iota3A_882, %eq3A_889 : vector<8x256xi32>
    %broadcast_in_dim3A_891 = vector.shape_cast %broadcast_in_dim3A_881 : vector<1x256xf32> to vector<1x256xf32>
    %broadcast_in_dim3A_892 = vector.broadcast %broadcast_in_dim3A_891 : vector<1x256xf32> to vector<8x256xf32>
    %jit3A_893 = arith.constant 0.000000e+00 : f32
    %broadcast_in_dim3A_894 = vector.broadcast %jit3A_893 : f32 to vector<8x256xf32>
    %select_n3A_895 = arith.select %eq3A_890, %broadcast_in_dim3A_892, %broadcast_in_dim3A_894 : vector<8x256xi1>, vector<8x256xf32>
    %select_n3A_896 = arith.select %eq3A_885, %broadcast_in_dim3A_887, %select_n3A_895 : vector<8x256xi1>, vector<8x256xf32>
    %eq3A_897 = arith.constant 0 : i32
    %eq3A_898 = arith.cmpi eq, %arg0, %eq3A_897 : i32
    %convert_element_type3A_899 = arith.extui %eq3A_898 : i1 to i32
    %cond3A = arith.constant 0 : i32
    %cond3A_900 = arith.cmpi ne, %convert_element_type3A_899, %cond3A : i32
    scf.if %cond3A_900 {
      %broadcast_in_dim3A_913 = arith.constant 0.000000e+00 : f32
      %broadcast_in_dim3A_914 = vector.broadcast %broadcast_in_dim3A_913 : f32 to vector<8x256xf32>
      %swap3A_915 = arith.constant 0 : index
      %swap3A_916 = arith.constant 0 : index
      %swap3A_917 = vector.load %arg11[%swap3A_915, %swap3A_916] : memref<8x256xf32, #tpu.memory_space<vmem>>, vector<8x256xf32>
      tpu.vector_store %arg11[%swap3A_915, %swap3A_916], %broadcast_in_dim3A_914 {strides = array<i32>} : memref<8x256xf32, #tpu.memory_space<vmem>>, vector<8x256xf32>,
    } else {
    }
    %get3A_901 = arith.constant 0 : index
    %get3A_902 = arith.constant 0 : index
    %get3A_903 = vector.load %arg11[%get3A_901, %get3A_902] : memref<8x256xf32, #tpu.memory_space<vmem>>, vector<8x256xf32>
    %add3A_904 = arith.addf %get3A_903, %select_n3A_896 : vector<8x256xf32>
    %swap3A_905 = arith.constant 0 : index
    %swap3A_906 = arith.constant 0 : index
    %swap3A_907 = vector.load %arg11[%swap3A_905, %swap3A_906] : memref<8x256xf32, #tpu.memory_space<vmem>>, vector<8x256xf32>
    tpu.vector_store %arg11[%swap3A_905, %swap3A_906], %add3A_904 {strides = array<i32>} : memref<8x256xf32, #tpu.memory_space<vmem>>, vector<8x256xf32>,
    %eq3A_908 = arith.constant 31 : i32
    %eq3A_909 = arith.cmpi eq, %arg0, %eq3A_908 : i32
    %convert_element_type3A_910 = arith.extui %eq3A_909 : i1 to i32
    %cond3A_911 = arith.constant 0 : i32
    %cond3A_912 = arith.cmpi ne, %convert_element_type3A_910, %cond3A_911 : i32
    scf.if %cond3A_912 {
      %get3A_913 = arith.constant 0 : index
      %get3A_914 = arith.constant 0 : index
      %get3A_915 = vector.load %arg11[%get3A_913, %get3A_914] : memref<8x256xf32, #tpu.memory_space<vmem>>, vector<8x256xf32>
      %swap3A_916 = arith.constant 0 : index
      %swap3A_917 = arith.constant 0 : index
      %swap3A_918 = vector.load %arg10[%swap3A_916, %swap3A_917] : memref<8x256xf32, #tpu.memory_space<vmem>>, vector<8x256xf32>
      tpu.vector_store %arg10[%swap3A_916, %swap3A_917], %get3A_915 {strides = array<i32>} : memref<8x256xf32, #tpu.memory_space<vmem>>, vector<8x256xf32>,
    } else {
    }
    return
  }
  func.func @transform_0(%arg0: i32) -> (i32, i32, i32) {
    %c0_i32 = arith.constant 0 : i32
    %c0_i32_0 = arith.constant 0 : i32
    %c0_i32_1 = arith.constant 0 : i32
    return %arg0, %c0_i32, %c0_i32_0 : i32, i32, i32
  }
  func.func @transform_1(%arg0: i32) -> (i32, i32) {
    %c0_i32 = arith.constant 0 : i32
    %c0_i32_0 = arith.constant 0 : i32
    %c0_i32_1 = arith.constant 0 : i32
    return %c0_i32, %c0_i32_0 : i32, i32
  }
  func.func @transform_2(%arg0: i32) -> (i32, i32, i32) {
    %c0_i32 = arith.constant 0 : i32
    %c0_i32_0 = arith.constant 0 : i32
    %c0_i32_1 = arith.constant 0 : i32
    return %arg0, %c0_i32, %c0_i32_0 : i32, i32, i32
  }
  func.func @transform_3(%arg0: i32) -> (i32, i32, i32) {
    %c0_i32 = arith.constant 0 : i32
    %c0_i32_0 = arith.constant 0 : i32
    %c0_i32_1 = arith.constant 0 : i32
    return %arg0, %c0_i32, %c0_i32_0 : i32, i32, i32
  }
  func.func @transform_4(%arg0: i32) -> (i32, i32, i32) {
    %c0_i32 = arith.constant 0 : i32
    %c0_i32_0 = arith.constant 0 : i32
    %c0_i32_1 = arith.constant 0 : i32
    return %arg0, %c0_i32, %c0_i32_0 : i32, i32, i32
  }
  func.func @transform_5(%arg0: i32) -> (i32, i32) {
    %c0_i32 = arith.constant 0 : i32
    %c0_i32_0 = arith.constant 0 : i32
    %c0_i32_1 = arith.constant 0 : i32
    return %c0_i32, %c0_i32_0 : i32, i32
  }
  func.func @transform_6(%arg0: i32) -> (i32, i32) {
    %c0_i32 = arith.constant 0 : i32
    %c0_i32_0 = arith.constant 0 : i32
    %c0_i32_1 = arith.constant 0 : i32
    return %c0_i32, %c0_i32_0 : i32, i32
  }
  func.func @transform_7(%arg0: i32) -> (i32, i32, i32) {
    %c0_i32 = arith.constant 0 : i32
    %c0_i32_0 = arith.constant 0 : i32
    %c0_i32_1 = arith.constant 0 : i32
    return %arg0, %c0_i32, %c0_i32_0 : i32, i32, i32
  }
  func.func @transform_8(%arg0: i32) -> (i32, i32, i32) {
    %c0_i32 = arith.constant 0 : i32
    %c0_i32_0 = arith.constant 0 : i32
    %c0_i32_1 = arith.constant 0 : i32
    return %arg0, %c0_i32, %c0_i32_0 : i32, i32, i32
  }
  func.func @transform_9(%arg0: i32) -> (i32, i32) {
    %c0_i32 = arith.constant 0 : i32
    %c0_i32_0 = arith.constant 0 : i32
    %c0_i32_1 = arith.constant 0 : i32
    return %c0_i32, %c0_i32_0 : i32, i32
  }
}

module attributes {stable_mosaic.version = 14 : i64} {
  func.func @_c5_body(%arg0: i32, %arg1: memref<1x64x256xf32, #tpu.memory_space<vmem>>, %arg2: memref<8x256xf32, #tpu.memory_space<vmem>>, %arg3: memref<1x64x8xf32, #tpu.memory_space<vmem>>, %arg4: memref<1x64x1xf32, #tpu.memory_space<vmem>>, %arg5: memref<1x1x64xf32, #tpu.memory_space<vmem>>, %arg6: memref<1x32x64xf32, #tpu.memory_space<vmem>>, %arg7: memref<1x32x64xf32, #tpu.memory_space<vmem>>, %arg8: memref<1x32x128xf32, #tpu.memory_space<vmem>>, %arg9: memref<512x1024xf32, #tpu.memory_space<vmem>>, %arg10: memref<8x256xf32, #tpu.memory_space<vmem>>, %arg11: memref<1x32x1024xf32, #tpu.memory_space<vmem>>, %arg12: memref<8x1024xf32, #tpu.memory_space<vmem>>, %arg13: memref<8x1024xf32, #tpu.memory_space<vmem>>) attributes {dimension_semantics = [#tpu.dimension_semantics<arbitrary>], iteration_bounds = array<i64: 32>, scalar_prefetch = 0 : i64, scratch_operands = 1 : i64, tpu.core_type = #tpu.core_type<tc>, window_params = [{transform_indices = @transform_0, window_bounds = array<i64: 1, 64, 256>}, {pipeline_mode = #tpu.pipeline_mode<synchronous>, transform_indices = @transform_1, window_bounds = array<i64: 8, 256>}, {transform_indices = @transform_2, window_bounds = array<i64: 1, 64, 8>}, {transform_indices = @transform_3, window_bounds = array<i64: 1, 64, 1>}, {transform_indices = @transform_4, window_bounds = array<i64: 1, 1, 64>}, {transform_indices = @transform_5, window_bounds = array<i64: 1, 32, 64>}, {transform_indices = @transform_6, window_bounds = array<i64: 1, 32, 64>}, {transform_indices = @transform_7, window_bounds = array<i64: 1, 32, 128>}, {pipeline_mode = #tpu.pipeline_mode<synchronous>, transform_indices = @transform_8, window_bounds = array<i64: 512, 1024>}, {pipeline_mode = #tpu.pipeline_mode<synchronous>, transform_indices = @transform_9, window_bounds = array<i64: 8, 256>}, {transform_indices = @transform_10, window_bounds = array<i64: 1, 32, 1024>}, {pipeline_mode = #tpu.pipeline_mode<synchronous>, transform_indices = @transform_11, window_bounds = array<i64: 8, 1024>}]} {
    %get3A = arith.constant 0 : index
    %get3A_0 = arith.constant 0 : index
    %get3A_1 = arith.constant 0 : index
    %get3A_2 = vector.load %arg1[%get3A, %get3A_0, %get3A_1] : memref<1x64x256xf32, #tpu.memory_space<vmem>>, vector<1x64x256xf32>
    %get3A_3 = vector.shape_cast %get3A_2 : vector<1x64x256xf32> to vector<64x256xf32>
    %get3A_4 = arith.constant 0 : index
    %get3A_5 = arith.constant 0 : index
    %get3A_6 = vector.load %arg2[%get3A_4, %get3A_5] : memref<8x256xf32, #tpu.memory_space<vmem>>, vector<8x256xf32>
    %get3A_7 = arith.constant 0 : index
    %get3A_8 = arith.constant 0 : index
    %get3A_9 = vector.load %arg10[%get3A_7, %get3A_8] : memref<8x256xf32, #tpu.memory_space<vmem>>, vector<8x256xf32>
    %slice3A = vector.extract_strided_slice %get3A_6 {offsets = [0, 0], sizes = [1, 256], strides = [1, 1]} : vector<8x256xf32> to vector<1x256xf32>
    %div3A = arith.constant 2.048000e+03 : f32
    %div3A_10 = vector.broadcast %div3A : f32 to vector<1x256xf32>
    %div3A_11 = arith.divf %slice3A, %div3A_10 : vector<1x256xf32>
    %slice3A_12 = vector.extract_strided_slice %get3A_6 {offsets = [1, 0], sizes = [1, 256], strides = [1, 1]} : vector<8x256xf32> to vector<1x256xf32>
    %div3A_13 = arith.constant 2.048000e+03 : f32
    %div3A_14 = vector.broadcast %div3A_13 : f32 to vector<1x256xf32>
    %div3A_15 = arith.divf %slice3A_12, %div3A_14 : vector<1x256xf32>
    %mul3A = arith.mulf %div3A_11, %div3A_11 : vector<1x256xf32>
    %sub3A = arith.subf %div3A_15, %mul3A : vector<1x256xf32>
    %slice3A_16 = vector.extract_strided_slice %get3A_9 {offsets = [0, 0], sizes = [1, 256], strides = [1, 1]} : vector<8x256xf32> to vector<1x256xf32>
    %add3A = arith.constant 9.99999974E-6 : f32
    %add3A_17 = vector.broadcast %add3A : f32 to vector<1x256xf32>
    %add3A_18 = arith.addf %sub3A, %add3A_17 : vector<1x256xf32>
    %rsqrt3A = math.rsqrt %add3A_18 : vector<1x256xf32>
    %mul3A_19 = arith.mulf %slice3A_16, %rsqrt3A : vector<1x256xf32>
    %sub3A_20 = vector.broadcast %div3A_11 : vector<1x256xf32> to vector<64x256xf32>
    %sub3A_21 = arith.subf %get3A_3, %sub3A_20 : vector<64x256xf32>
    %mul3A_22 = vector.broadcast %mul3A_19 : vector<1x256xf32> to vector<64x256xf32>
    %mul3A_23 = arith.mulf %sub3A_21, %mul3A_22 : vector<64x256xf32>
    %slice3A_24 = vector.extract_strided_slice %get3A_9 {offsets = [1, 0], sizes = [1, 256], strides = [1, 1]} : vector<8x256xf32> to vector<1x256xf32>
    %add3A_25 = vector.broadcast %slice3A_24 : vector<1x256xf32> to vector<64x256xf32>
    %add3A_26 = arith.addf %mul3A_23, %add3A_25 : vector<64x256xf32>
    %ge3A = arith.constant 0.000000e+00 : f32
    %ge3A_27 = vector.broadcast %ge3A : f32 to vector<64x256xf32>
    %ge3A_28 = arith.cmpf oge, %add3A_26, %ge3A_27 : vector<64x256xf32>
    %mul3A_29 = arith.constant 2.000000e-01 : f32
    %mul3A_30 = vector.broadcast %mul3A_29 : f32 to vector<64x256xf32>
    %mul3A_31 = arith.mulf %mul3A_30, %add3A_26 : vector<64x256xf32>
    %select_n3A = arith.select %ge3A_28, %add3A_26, %mul3A_31 : vector<64x256xi1>, vector<64x256xf32>
    %get3A_32 = arith.constant 0 : index
    %get3A_33 = arith.constant 0 : index
    %get3A_34 = arith.constant 0 : index
    %get3A_35 = vector.load %arg3[%get3A_32, %get3A_33, %get3A_34] : memref<1x64x8xf32, #tpu.memory_space<vmem>>, vector<1x64x8xf32>
    %get3A_36 = vector.shape_cast %get3A_35 : vector<1x64x8xf32> to vector<64x8xf32>
    %get3A_37 = arith.constant 0 : index
    %get3A_38 = arith.constant 0 : index
    %get3A_39 = arith.constant 0 : index
    %get3A_40 = vector.load %arg4[%get3A_37, %get3A_38, %get3A_39] : memref<1x64x1xf32, #tpu.memory_space<vmem>>, vector<1x64x1xf32>
    %get3A_41 = vector.shape_cast %get3A_40 : vector<1x64x1xf32> to vector<64x1xf32>
    %get3A_42 = arith.constant 0 : index
    %get3A_43 = arith.constant 0 : index
    %get3A_44 = arith.constant 0 : index
    %get3A_45 = vector.load %arg5[%get3A_42, %get3A_43, %get3A_44] : memref<1x1x64xf32, #tpu.memory_space<vmem>>, vector<1x1x64xf32>
    %get3A_46 = vector.shape_cast %get3A_45 : vector<1x1x64xf32> to vector<1x64xf32>
    %slice3A_47 = vector.extract_strided_slice %get3A_36 {offsets = [0, 0], sizes = [32, 8], strides = [1, 1]} : vector<64x8xf32> to vector<32x8xf32>
    %convert_element_type3A = arith.truncf %slice3A_47 : vector<32x8xf32> to vector<32x8xbf16>
    %convert_element_type3A_48 = arith.truncf %get3A_36 : vector<64x8xf32> to vector<64x8xbf16>
    %dot_general3A = arith.constant dense<0.000000e+00> : vector<32x64xf32>
    %dot_general3A_49 = tpu.matmul %convert_element_type3A, %convert_element_type3A_48, %dot_general3A {dimension_numbers = #tpu.dot_dimension_numbers<[1], [1], [0], [0], [0, 0, 1, 0], [], []>, transpose_lhs_hint = false} : vector<32x8xbf16>, vector<64x8xbf16>, vector<32x64xf32> -> vector<32x64xf32>
    %slice3A_50 = vector.extract_strided_slice %get3A_41 {offsets = [0, 0], sizes = [32, 1], strides = [1, 1]} : vector<64x1xf32> to vector<32x1xf32>
    %mul3A_51 = arith.constant 2.000000e+00 : f32
    %mul3A_52 = vector.broadcast %mul3A_51 : f32 to vector<32x64xf32>
    %mul3A_53 = arith.mulf %mul3A_52, %dot_general3A_49 : vector<32x64xf32>
    %sub3A_54 = vector.broadcast %slice3A_50 : vector<32x1xf32> to vector<32x64xf32>
    %sub3A_55 = arith.subf %sub3A_54, %mul3A_53 : vector<32x64xf32>
    %add3A_56 = vector.broadcast %get3A_46 : vector<1x64xf32> to vector<32x64xf32>
    %add3A_57 = arith.addf %sub3A_55, %add3A_56 : vector<32x64xf32>
    %convert_element_type3A_58 = arith.truncf %select_n3A : vector<64x256xf32> to vector<64x256xbf16>
    %convert_element_type3A_59 = arith.extf %convert_element_type3A_58 : vector<64x256xbf16> to vector<64x256xf32>
    %sub3A_60 = arith.subf %select_n3A, %convert_element_type3A_59 : vector<64x256xf32>
    %convert_element_type3A_61 = arith.truncf %sub3A_60 : vector<64x256xf32> to vector<64x256xbf16>
    %convert_element_type3A_62 = arith.extf %convert_element_type3A_61 : vector<64x256xbf16> to vector<64x256xf32>
    %sub3A_63 = arith.subf %sub3A_60, %convert_element_type3A_62 : vector<64x256xf32>
    %convert_element_type3A_64 = arith.truncf %sub3A_63 : vector<64x256xf32> to vector<64x256xbf16>
    %iota3A = tpu.iota {dimensions = array<i32: 1>} : vector<32x64xi32>
    %broadcast_in_dim3A = arith.constant 0xFF800000 : f32
    %broadcast_in_dim3A_65 = vector.broadcast %broadcast_in_dim3A : f32 to vector<32x256xf32>
    %argmin3A = tpu.reduce_index %add3A_57 {axis = 1 : i32, kind = #tpu.reduction_kind<arg_min>} : vector<32x64xf32> -> vector<32xi32>
    %broadcast_in_dim3A_66 = vector.shape_cast %argmin3A : vector<32xi32> to vector<32x1xi32>
    %eq3A = vector.broadcast %broadcast_in_dim3A_66 : vector<32x1xi32> to vector<32x64xi32>
    %eq3A_67 = arith.cmpi eq, %iota3A, %eq3A : vector<32x64xi32>
    %jit3A = arith.constant 1.000000e+30 : f32
    %broadcast_in_dim3A_68 = vector.broadcast %jit3A : f32 to vector<32x64xf32>
    %select_n3A_69 = arith.select %eq3A_67, %broadcast_in_dim3A_68, %add3A_57 : vector<32x64xi1>, vector<32x64xf32>
    %convert_element_type3A_70 = arith.extui %eq3A_67 : vector<32x64xi1> to vector<32x64xi32>
    %convert_element_type3A_71 = arith.sitofp %convert_element_type3A_70 : vector<32x64xi32> to vector<32x64xf32>
    %convert_element_type3A_72 = arith.truncf %convert_element_type3A_71 : vector<32x64xf32> to vector<32x64xbf16>
    %dot_general3A_73 = arith.constant dense<0.000000e+00> : vector<32x256xf32>
    %dot_general3A_74 = tpu.matmul %convert_element_type3A_72, %convert_element_type3A_58, %dot_general3A_73 {dimension_numbers = #tpu.dot_dimension_numbers<[1], [0], [0], [1], [0, 0, 1, 1], [], []>, transpose_lhs_hint = false} : vector<32x64xbf16>, vector<64x256xbf16>, vector<32x256xf32> -> vector<32x256xf32>
    %dot_general3A_75 = arith.constant dense<0.000000e+00> : vector<32x256xf32>
    %dot_general3A_76 = tpu.matmul %convert_element_type3A_72, %convert_element_type3A_61, %dot_general3A_75 {dimension_numbers = #tpu.dot_dimension_numbers<[1], [0], [0], [1], [0, 0, 1, 1], [], []>, transpose_lhs_hint = false} : vector<32x64xbf16>, vector<64x256xbf16>, vector<32x256xf32> -> vector<32x256xf32>
    %add3A_77 = arith.addf %dot_general3A_74, %dot_general3A_76 : vector<32x256xf32>
    %dot_general3A_78 = arith.constant dense<0.000000e+00> : vector<32x256xf32>
    %dot_general3A_79 = tpu.matmul %convert_element_type3A_72, %convert_element_type3A_64, %dot_general3A_78 {dimension_numbers = #tpu.dot_dimension_numbers<[1], [0], [0], [1], [0, 0, 1, 1], [], []>, transpose_lhs_hint = false} : vector<32x64xbf16>, vector<64x256xbf16>, vector<32x256xf32> -> vector<32x256xf32>
    %add3A_80 = arith.addf %add3A_77, %dot_general3A_79 : vector<32x256xf32>
    %max3A = arith.maximumf %broadcast_in_dim3A_65, %add3A_80 : vector<32x256xf32>
    %argmin3A_81 = tpu.reduce_index %select_n3A_69 {axis = 1 : i32, kind = #tpu.reduction_kind<arg_min>} : vector<32x64xf32> -> vector<32xi32>
    %broadcast_in_dim3A_82 = vector.shape_cast %argmin3A_81 : vector<32xi32> to vector<32x1xi32>
    %eq3A_83 = vector.broadcast %broadcast_in_dim3A_82 : vector<32x1xi32> to vector<32x64xi32>
    %eq3A_84 = arith.cmpi eq, %iota3A, %eq3A_83 : vector<32x64xi32>
    %jit3A_85 = arith.constant 1.000000e+30 : f32
    %broadcast_in_dim3A_86 = vector.broadcast %jit3A_85 : f32 to vector<32x64xf32>
    %select_n3A_87 = arith.select %eq3A_84, %broadcast_in_dim3A_86, %select_n3A_69 : vector<32x64xi1>, vector<32x64xf32>
    %convert_element_type3A_88 = arith.extui %eq3A_84 : vector<32x64xi1> to vector<32x64xi32>
    %convert_element_type3A_89 = arith.sitofp %convert_element_type3A_88 : vector<32x64xi32> to vector<32x64xf32>
    %convert_element_type3A_90 = arith.truncf %convert_element_type3A_89 : vector<32x64xf32> to vector<32x64xbf16>
    %dot_general3A_91 = arith.constant dense<0.000000e+00> : vector<32x256xf32>
    %dot_general3A_92 = tpu.matmul %convert_element_type3A_90, %convert_element_type3A_58, %dot_general3A_91 {dimension_numbers = #tpu.dot_dimension_numbers<[1], [0], [0], [1], [0, 0, 1, 1], [], []>, transpose_lhs_hint = false} : vector<32x64xbf16>, vector<64x256xbf16>, vector<32x256xf32> -> vector<32x256xf32>
    %dot_general3A_93 = arith.constant dense<0.000000e+00> : vector<32x256xf32>
    %dot_general3A_94 = tpu.matmul %convert_element_type3A_90, %convert_element_type3A_61, %dot_general3A_93 {dimension_numbers = #tpu.dot_dimension_numbers<[1], [0], [0], [1], [0, 0, 1, 1], [], []>, transpose_lhs_hint = false} : vector<32x64xbf16>, vector<64x256xbf16>, vector<32x256xf32> -> vector<32x256xf32>
    %add3A_95 = arith.addf %dot_general3A_92, %dot_general3A_94 : vector<32x256xf32>
    %dot_general3A_96 = arith.constant dense<0.000000e+00> : vector<32x256xf32>
    %dot_general3A_97 = tpu.matmul %convert_element_type3A_90, %convert_element_type3A_64, %dot_general3A_96 {dimension_numbers = #tpu.dot_dimension_numbers<[1], [0], [0], [1], [0, 0, 1, 1], [], []>, transpose_lhs_hint = false} : vector<32x64xbf16>, vector<64x256xbf16>, vector<32x256xf32> -> vector<32x256xf32>
    %add3A_98 = arith.addf %add3A_95, %dot_general3A_97 : vector<32x256xf32>
    %max3A_99 = arith.maximumf %max3A, %add3A_98 : vector<32x256xf32>
    %argmin3A_100 = tpu.reduce_index %select_n3A_87 {axis = 1 : i32, kind = #tpu.reduction_kind<arg_min>} : vector<32x64xf32> -> vector<32xi32>
    %broadcast_in_dim3A_101 = vector.shape_cast %argmin3A_100 : vector<32xi32> to vector<32x1xi32>
    %eq3A_102 = vector.broadcast %broadcast_in_dim3A_101 : vector<32x1xi32> to vector<32x64xi32>
    %eq3A_103 = arith.cmpi eq, %iota3A, %eq3A_102 : vector<32x64xi32>
    %jit3A_104 = arith.constant 1.000000e+30 : f32
    %broadcast_in_dim3A_105 = vector.broadcast %jit3A_104 : f32 to vector<32x64xf32>
    %select_n3A_106 = arith.select %eq3A_103, %broadcast_in_dim3A_105, %select_n3A_87 : vector<32x64xi1>, vector<32x64xf32>
    %convert_element_type3A_107 = arith.extui %eq3A_103 : vector<32x64xi1> to vector<32x64xi32>
    %convert_element_type3A_108 = arith.sitofp %convert_element_type3A_107 : vector<32x64xi32> to vector<32x64xf32>
    %convert_element_type3A_109 = arith.truncf %convert_element_type3A_108 : vector<32x64xf32> to vector<32x64xbf16>
    %dot_general3A_110 = arith.constant dense<0.000000e+00> : vector<32x256xf32>
    %dot_general3A_111 = tpu.matmul %convert_element_type3A_109, %convert_element_type3A_58, %dot_general3A_110 {dimension_numbers = #tpu.dot_dimension_numbers<[1], [0], [0], [1], [0, 0, 1, 1], [], []>, transpose_lhs_hint = false} : vector<32x64xbf16>, vector<64x256xbf16>, vector<32x256xf32> -> vector<32x256xf32>
    %dot_general3A_112 = arith.constant dense<0.000000e+00> : vector<32x256xf32>
    %dot_general3A_113 = tpu.matmul %convert_element_type3A_109, %convert_element_type3A_61, %dot_general3A_112 {dimension_numbers = #tpu.dot_dimension_numbers<[1], [0], [0], [1], [0, 0, 1, 1], [], []>, transpose_lhs_hint = false} : vector<32x64xbf16>, vector<64x256xbf16>, vector<32x256xf32> -> vector<32x256xf32>
    %add3A_114 = arith.addf %dot_general3A_111, %dot_general3A_113 : vector<32x256xf32>
    %dot_general3A_115 = arith.constant dense<0.000000e+00> : vector<32x256xf32>
    %dot_general3A_116 = tpu.matmul %convert_element_type3A_109, %convert_element_type3A_64, %dot_general3A_115 {dimension_numbers = #tpu.dot_dimension_numbers<[1], [0], [0], [1], [0, 0, 1, 1], [], []>, transpose_lhs_hint = false} : vector<32x64xbf16>, vector<64x256xbf16>, vector<32x256xf32> -> vector<32x256xf32>
    %add3A_117 = arith.addf %add3A_114, %dot_general3A_116 : vector<32x256xf32>
    %max3A_118 = arith.maximumf %max3A_99, %add3A_117 : vector<32x256xf32>
    %argmin3A_119 = tpu.reduce_index %select_n3A_106 {axis = 1 : i32, kind = #tpu.reduction_kind<arg_min>} : vector<32x64xf32> -> vector<32xi32>
    %broadcast_in_dim3A_120 = vector.shape_cast %argmin3A_119 : vector<32xi32> to vector<32x1xi32>
    %eq3A_121 = vector.broadcast %broadcast_in_dim3A_120 : vector<32x1xi32> to vector<32x64xi32>
    %eq3A_122 = arith.cmpi eq, %iota3A, %eq3A_121 : vector<32x64xi32>
    %jit3A_123 = arith.constant 1.000000e+30 : f32
    %broadcast_in_dim3A_124 = vector.broadcast %jit3A_123 : f32 to vector<32x64xf32>
    %select_n3A_125 = arith.select %eq3A_122, %broadcast_in_dim3A_124, %select_n3A_106 : vector<32x64xi1>, vector<32x64xf32>
    %convert_element_type3A_126 = arith.extui %eq3A_122 : vector<32x64xi1> to vector<32x64xi32>
    %convert_element_type3A_127 = arith.sitofp %convert_element_type3A_126 : vector<32x64xi32> to vector<32x64xf32>
    %convert_element_type3A_128 = arith.truncf %convert_element_type3A_127 : vector<32x64xf32> to vector<32x64xbf16>
    %dot_general3A_129 = arith.constant dense<0.000000e+00> : vector<32x256xf32>
    %dot_general3A_130 = tpu.matmul %convert_element_type3A_128, %convert_element_type3A_58, %dot_general3A_129 {dimension_numbers = #tpu.dot_dimension_numbers<[1], [0], [0], [1], [0, 0, 1, 1], [], []>, transpose_lhs_hint = false} : vector<32x64xbf16>, vector<64x256xbf16>, vector<32x256xf32> -> vector<32x256xf32>
    %dot_general3A_131 = arith.constant dense<0.000000e+00> : vector<32x256xf32>
    %dot_general3A_132 = tpu.matmul %convert_element_type3A_128, %convert_element_type3A_61, %dot_general3A_131 {dimension_numbers = #tpu.dot_dimension_numbers<[1], [0], [0], [1], [0, 0, 1, 1], [], []>, transpose_lhs_hint = false} : vector<32x64xbf16>, vector<64x256xbf16>, vector<32x256xf32> -> vector<32x256xf32>
    %add3A_133 = arith.addf %dot_general3A_130, %dot_general3A_132 : vector<32x256xf32>
    %dot_general3A_134 = arith.constant dense<0.000000e+00> : vector<32x256xf32>
    %dot_general3A_135 = tpu.matmul %convert_element_type3A_128, %convert_element_type3A_64, %dot_general3A_134 {dimension_numbers = #tpu.dot_dimension_numbers<[1], [0], [0], [1], [0, 0, 1, 1], [], []>, transpose_lhs_hint = false} : vector<32x64xbf16>, vector<64x256xbf16>, vector<32x256xf32> -> vector<32x256xf32>
    %add3A_136 = arith.addf %add3A_133, %dot_general3A_135 : vector<32x256xf32>
    %max3A_137 = arith.maximumf %max3A_118, %add3A_136 : vector<32x256xf32>
    %argmin3A_138 = tpu.reduce_index %select_n3A_125 {axis = 1 : i32, kind = #tpu.reduction_kind<arg_min>} : vector<32x64xf32> -> vector<32xi32>
    %broadcast_in_dim3A_139 = vector.shape_cast %argmin3A_138 : vector<32xi32> to vector<32x1xi32>
    %eq3A_140 = vector.broadcast %broadcast_in_dim3A_139 : vector<32x1xi32> to vector<32x64xi32>
    %eq3A_141 = arith.cmpi eq, %iota3A, %eq3A_140 : vector<32x64xi32>
    %jit3A_142 = arith.constant 1.000000e+30 : f32
    %broadcast_in_dim3A_143 = vector.broadcast %jit3A_142 : f32 to vector<32x64xf32>
    %select_n3A_144 = arith.select %eq3A_141, %broadcast_in_dim3A_143, %select_n3A_125 : vector<32x64xi1>, vector<32x64xf32>
    %convert_element_type3A_145 = arith.extui %eq3A_141 : vector<32x64xi1> to vector<32x64xi32>
    %convert_element_type3A_146 = arith.sitofp %convert_element_type3A_145 : vector<32x64xi32> to vector<32x64xf32>
    %convert_element_type3A_147 = arith.truncf %convert_element_type3A_146 : vector<32x64xf32> to vector<32x64xbf16>
    %dot_general3A_148 = arith.constant dense<0.000000e+00> : vector<32x256xf32>
    %dot_general3A_149 = tpu.matmul %convert_element_type3A_147, %convert_element_type3A_58, %dot_general3A_148 {dimension_numbers = #tpu.dot_dimension_numbers<[1], [0], [0], [1], [0, 0, 1, 1], [], []>, transpose_lhs_hint = false} : vector<32x64xbf16>, vector<64x256xbf16>, vector<32x256xf32> -> vector<32x256xf32>
    %dot_general3A_150 = arith.constant dense<0.000000e+00> : vector<32x256xf32>
    %dot_general3A_151 = tpu.matmul %convert_element_type3A_147, %convert_element_type3A_61, %dot_general3A_150 {dimension_numbers = #tpu.dot_dimension_numbers<[1], [0], [0], [1], [0, 0, 1, 1], [], []>, transpose_lhs_hint = false} : vector<32x64xbf16>, vector<64x256xbf16>, vector<32x256xf32> -> vector<32x256xf32>
    %add3A_152 = arith.addf %dot_general3A_149, %dot_general3A_151 : vector<32x256xf32>
    %dot_general3A_153 = arith.constant dense<0.000000e+00> : vector<32x256xf32>
    %dot_general3A_154 = tpu.matmul %convert_element_type3A_147, %convert_element_type3A_64, %dot_general3A_153 {dimension_numbers = #tpu.dot_dimension_numbers<[1], [0], [0], [1], [0, 0, 1, 1], [], []>, transpose_lhs_hint = false} : vector<32x64xbf16>, vector<64x256xbf16>, vector<32x256xf32> -> vector<32x256xf32>
    %add3A_155 = arith.addf %add3A_152, %dot_general3A_154 : vector<32x256xf32>
    %max3A_156 = arith.maximumf %max3A_137, %add3A_155 : vector<32x256xf32>
    %argmin3A_157 = tpu.reduce_index %select_n3A_144 {axis = 1 : i32, kind = #tpu.reduction_kind<arg_min>} : vector<32x64xf32> -> vector<32xi32>
    %broadcast_in_dim3A_158 = vector.shape_cast %argmin3A_157 : vector<32xi32> to vector<32x1xi32>
    %eq3A_159 = vector.broadcast %broadcast_in_dim3A_158 : vector<32x1xi32> to vector<32x64xi32>
    %eq3A_160 = arith.cmpi eq, %iota3A, %eq3A_159 : vector<32x64xi32>
    %jit3A_161 = arith.constant 1.000000e+30 : f32
    %broadcast_in_dim3A_162 = vector.broadcast %jit3A_161 : f32 to vector<32x64xf32>
    %select_n3A_163 = arith.select %eq3A_160, %broadcast_in_dim3A_162, %select_n3A_144 : vector<32x64xi1>, vector<32x64xf32>
    %convert_element_type3A_164 = arith.extui %eq3A_160 : vector<32x64xi1> to vector<32x64xi32>
    %convert_element_type3A_165 = arith.sitofp %convert_element_type3A_164 : vector<32x64xi32> to vector<32x64xf32>
    %convert_element_type3A_166 = arith.truncf %convert_element_type3A_165 : vector<32x64xf32> to vector<32x64xbf16>
    %dot_general3A_167 = arith.constant dense<0.000000e+00> : vector<32x256xf32>
    %dot_general3A_168 = tpu.matmul %convert_element_type3A_166, %convert_element_type3A_58, %dot_general3A_167 {dimension_numbers = #tpu.dot_dimension_numbers<[1], [0], [0], [1], [0, 0, 1, 1], [], []>, transpose_lhs_hint = false} : vector<32x64xbf16>, vector<64x256xbf16>, vector<32x256xf32> -> vector<32x256xf32>
    %dot_general3A_169 = arith.constant dense<0.000000e+00> : vector<32x256xf32>
    %dot_general3A_170 = tpu.matmul %convert_element_type3A_166, %convert_element_type3A_61, %dot_general3A_169 {dimension_numbers = #tpu.dot_dimension_numbers<[1], [0], [0], [1], [0, 0, 1, 1], [], []>, transpose_lhs_hint = false} : vector<32x64xbf16>, vector<64x256xbf16>, vector<32x256xf32> -> vector<32x256xf32>
    %add3A_171 = arith.addf %dot_general3A_168, %dot_general3A_170 : vector<32x256xf32>
    %dot_general3A_172 = arith.constant dense<0.000000e+00> : vector<32x256xf32>
    %dot_general3A_173 = tpu.matmul %convert_element_type3A_166, %convert_element_type3A_64, %dot_general3A_172 {dimension_numbers = #tpu.dot_dimension_numbers<[1], [0], [0], [1], [0, 0, 1, 1], [], []>, transpose_lhs_hint = false} : vector<32x64xbf16>, vector<64x256xbf16>, vector<32x256xf32> -> vector<32x256xf32>
    %add3A_174 = arith.addf %add3A_171, %dot_general3A_173 : vector<32x256xf32>
    %max3A_175 = arith.maximumf %max3A_156, %add3A_174 : vector<32x256xf32>
    %argmin3A_176 = tpu.reduce_index %select_n3A_163 {axis = 1 : i32, kind = #tpu.reduction_kind<arg_min>} : vector<32x64xf32> -> vector<32xi32>
    %broadcast_in_dim3A_177 = vector.shape_cast %argmin3A_176 : vector<32xi32> to vector<32x1xi32>
    %eq3A_178 = vector.broadcast %broadcast_in_dim3A_177 : vector<32x1xi32> to vector<32x64xi32>
    %eq3A_179 = arith.cmpi eq, %iota3A, %eq3A_178 : vector<32x64xi32>
    %jit3A_180 = arith.constant 1.000000e+30 : f32
    %broadcast_in_dim3A_181 = vector.broadcast %jit3A_180 : f32 to vector<32x64xf32>
    %select_n3A_182 = arith.select %eq3A_179, %broadcast_in_dim3A_181, %select_n3A_163 : vector<32x64xi1>, vector<32x64xf32>
    %convert_element_type3A_183 = arith.extui %eq3A_179 : vector<32x64xi1> to vector<32x64xi32>
    %convert_element_type3A_184 = arith.sitofp %convert_element_type3A_183 : vector<32x64xi32> to vector<32x64xf32>
    %convert_element_type3A_185 = arith.truncf %convert_element_type3A_184 : vector<32x64xf32> to vector<32x64xbf16>
    %dot_general3A_186 = arith.constant dense<0.000000e+00> : vector<32x256xf32>
    %dot_general3A_187 = tpu.matmul %convert_element_type3A_185, %convert_element_type3A_58, %dot_general3A_186 {dimension_numbers = #tpu.dot_dimension_numbers<[1], [0], [0], [1], [0, 0, 1, 1], [], []>, transpose_lhs_hint = false} : vector<32x64xbf16>, vector<64x256xbf16>, vector<32x256xf32> -> vector<32x256xf32>
    %dot_general3A_188 = arith.constant dense<0.000000e+00> : vector<32x256xf32>
    %dot_general3A_189 = tpu.matmul %convert_element_type3A_185, %convert_element_type3A_61, %dot_general3A_188 {dimension_numbers = #tpu.dot_dimension_numbers<[1], [0], [0], [1], [0, 0, 1, 1], [], []>, transpose_lhs_hint = false} : vector<32x64xbf16>, vector<64x256xbf16>, vector<32x256xf32> -> vector<32x256xf32>
    %add3A_190 = arith.addf %dot_general3A_187, %dot_general3A_189 : vector<32x256xf32>
    %dot_general3A_191 = arith.constant dense<0.000000e+00> : vector<32x256xf32>
    %dot_general3A_192 = tpu.matmul %convert_element_type3A_185, %convert_element_type3A_64, %dot_general3A_191 {dimension_numbers = #tpu.dot_dimension_numbers<[1], [0], [0], [1], [0, 0, 1, 1], [], []>, transpose_lhs_hint = false} : vector<32x64xbf16>, vector<64x256xbf16>, vector<32x256xf32> -> vector<32x256xf32>
    %add3A_193 = arith.addf %add3A_190, %dot_general3A_192 : vector<32x256xf32>
    %max3A_194 = arith.maximumf %max3A_175, %add3A_193 : vector<32x256xf32>
    %argmin3A_195 = tpu.reduce_index %select_n3A_182 {axis = 1 : i32, kind = #tpu.reduction_kind<arg_min>} : vector<32x64xf32> -> vector<32xi32>
    %broadcast_in_dim3A_196 = vector.shape_cast %argmin3A_195 : vector<32xi32> to vector<32x1xi32>
    %eq3A_197 = vector.broadcast %broadcast_in_dim3A_196 : vector<32x1xi32> to vector<32x64xi32>
    %eq3A_198 = arith.cmpi eq, %iota3A, %eq3A_197 : vector<32x64xi32>
    %jit3A_199 = arith.constant 1.000000e+30 : f32
    %broadcast_in_dim3A_200 = vector.broadcast %jit3A_199 : f32 to vector<32x64xf32>
    %select_n3A_201 = arith.select %eq3A_198, %broadcast_in_dim3A_200, %select_n3A_182 : vector<32x64xi1>, vector<32x64xf32>
    %convert_element_type3A_202 = arith.extui %eq3A_198 : vector<32x64xi1> to vector<32x64xi32>
    %convert_element_type3A_203 = arith.sitofp %convert_element_type3A_202 : vector<32x64xi32> to vector<32x64xf32>
    %convert_element_type3A_204 = arith.truncf %convert_element_type3A_203 : vector<32x64xf32> to vector<32x64xbf16>
    %dot_general3A_205 = arith.constant dense<0.000000e+00> : vector<32x256xf32>
    %dot_general3A_206 = tpu.matmul %convert_element_type3A_204, %convert_element_type3A_58, %dot_general3A_205 {dimension_numbers = #tpu.dot_dimension_numbers<[1], [0], [0], [1], [0, 0, 1, 1], [], []>, transpose_lhs_hint = false} : vector<32x64xbf16>, vector<64x256xbf16>, vector<32x256xf32> -> vector<32x256xf32>
    %dot_general3A_207 = arith.constant dense<0.000000e+00> : vector<32x256xf32>
    %dot_general3A_208 = tpu.matmul %convert_element_type3A_204, %convert_element_type3A_61, %dot_general3A_207 {dimension_numbers = #tpu.dot_dimension_numbers<[1], [0], [0], [1], [0, 0, 1, 1], [], []>, transpose_lhs_hint = false} : vector<32x64xbf16>, vector<64x256xbf16>, vector<32x256xf32> -> vector<32x256xf32>
    %add3A_209 = arith.addf %dot_general3A_206, %dot_general3A_208 : vector<32x256xf32>
    %dot_general3A_210 = arith.constant dense<0.000000e+00> : vector<32x256xf32>
    %dot_general3A_211 = tpu.matmul %convert_element_type3A_204, %convert_element_type3A_64, %dot_general3A_210 {dimension_numbers = #tpu.dot_dimension_numbers<[1], [0], [0], [1], [0, 0, 1, 1], [], []>, transpose_lhs_hint = false} : vector<32x64xbf16>, vector<64x256xbf16>, vector<32x256xf32> -> vector<32x256xf32>
    %add3A_212 = arith.addf %add3A_209, %dot_general3A_211 : vector<32x256xf32>
    %max3A_213 = arith.maximumf %max3A_194, %add3A_212 : vector<32x256xf32>
    %argmin3A_214 = tpu.reduce_index %select_n3A_201 {axis = 1 : i32, kind = #tpu.reduction_kind<arg_min>} : vector<32x64xf32> -> vector<32xi32>
    %broadcast_in_dim3A_215 = vector.shape_cast %argmin3A_214 : vector<32xi32> to vector<32x1xi32>
    %eq3A_216 = vector.broadcast %broadcast_in_dim3A_215 : vector<32x1xi32> to vector<32x64xi32>
    %eq3A_217 = arith.cmpi eq, %iota3A, %eq3A_216 : vector<32x64xi32>
    %jit3A_218 = arith.constant 1.000000e+30 : f32
    %broadcast_in_dim3A_219 = vector.broadcast %jit3A_218 : f32 to vector<32x64xf32>
    %select_n3A_220 = arith.select %eq3A_217, %broadcast_in_dim3A_219, %select_n3A_201 : vector<32x64xi1>, vector<32x64xf32>
    %convert_element_type3A_221 = arith.extui %eq3A_217 : vector<32x64xi1> to vector<32x64xi32>
    %convert_element_type3A_222 = arith.sitofp %convert_element_type3A_221 : vector<32x64xi32> to vector<32x64xf32>
    %convert_element_type3A_223 = arith.truncf %convert_element_type3A_222 : vector<32x64xf32> to vector<32x64xbf16>
    %dot_general3A_224 = arith.constant dense<0.000000e+00> : vector<32x256xf32>
    %dot_general3A_225 = tpu.matmul %convert_element_type3A_223, %convert_element_type3A_58, %dot_general3A_224 {dimension_numbers = #tpu.dot_dimension_numbers<[1], [0], [0], [1], [0, 0, 1, 1], [], []>, transpose_lhs_hint = false} : vector<32x64xbf16>, vector<64x256xbf16>, vector<32x256xf32> -> vector<32x256xf32>
    %dot_general3A_226 = arith.constant dense<0.000000e+00> : vector<32x256xf32>
    %dot_general3A_227 = tpu.matmul %convert_element_type3A_223, %convert_element_type3A_61, %dot_general3A_226 {dimension_numbers = #tpu.dot_dimension_numbers<[1], [0], [0], [1], [0, 0, 1, 1], [], []>, transpose_lhs_hint = false} : vector<32x64xbf16>, vector<64x256xbf16>, vector<32x256xf32> -> vector<32x256xf32>
    %add3A_228 = arith.addf %dot_general3A_225, %dot_general3A_227 : vector<32x256xf32>
    %dot_general3A_229 = arith.constant dense<0.000000e+00> : vector<32x256xf32>
    %dot_general3A_230 = tpu.matmul %convert_element_type3A_223, %convert_element_type3A_64, %dot_general3A_229 {dimension_numbers = #tpu.dot_dimension_numbers<[1], [0], [0], [1], [0, 0, 1, 1], [], []>, transpose_lhs_hint = false} : vector<32x64xbf16>, vector<64x256xbf16>, vector<32x256xf32> -> vector<32x256xf32>
    %add3A_231 = arith.addf %add3A_228, %dot_general3A_230 : vector<32x256xf32>
    %max3A_232 = arith.maximumf %max3A_213, %add3A_231 : vector<32x256xf32>
    %argmin3A_233 = tpu.reduce_index %select_n3A_220 {axis = 1 : i32, kind = #tpu.reduction_kind<arg_min>} : vector<32x64xf32> -> vector<32xi32>
    %broadcast_in_dim3A_234 = vector.shape_cast %argmin3A_233 : vector<32xi32> to vector<32x1xi32>
    %eq3A_235 = vector.broadcast %broadcast_in_dim3A_234 : vector<32x1xi32> to vector<32x64xi32>
    %eq3A_236 = arith.cmpi eq, %iota3A, %eq3A_235 : vector<32x64xi32>
    %jit3A_237 = arith.constant 1.000000e+30 : f32
    %broadcast_in_dim3A_238 = vector.broadcast %jit3A_237 : f32 to vector<32x64xf32>
    %select_n3A_239 = arith.select %eq3A_236, %broadcast_in_dim3A_238, %select_n3A_220 : vector<32x64xi1>, vector<32x64xf32>
    %convert_element_type3A_240 = arith.extui %eq3A_236 : vector<32x64xi1> to vector<32x64xi32>
    %convert_element_type3A_241 = arith.sitofp %convert_element_type3A_240 : vector<32x64xi32> to vector<32x64xf32>
    %convert_element_type3A_242 = arith.truncf %convert_element_type3A_241 : vector<32x64xf32> to vector<32x64xbf16>
    %dot_general3A_243 = arith.constant dense<0.000000e+00> : vector<32x256xf32>
    %dot_general3A_244 = tpu.matmul %convert_element_type3A_242, %convert_element_type3A_58, %dot_general3A_243 {dimension_numbers = #tpu.dot_dimension_numbers<[1], [0], [0], [1], [0, 0, 1, 1], [], []>, transpose_lhs_hint = false} : vector<32x64xbf16>, vector<64x256xbf16>, vector<32x256xf32> -> vector<32x256xf32>
    %dot_general3A_245 = arith.constant dense<0.000000e+00> : vector<32x256xf32>
    %dot_general3A_246 = tpu.matmul %convert_element_type3A_242, %convert_element_type3A_61, %dot_general3A_245 {dimension_numbers = #tpu.dot_dimension_numbers<[1], [0], [0], [1], [0, 0, 1, 1], [], []>, transpose_lhs_hint = false} : vector<32x64xbf16>, vector<64x256xbf16>, vector<32x256xf32> -> vector<32x256xf32>
    %add3A_247 = arith.addf %dot_general3A_244, %dot_general3A_246 : vector<32x256xf32>
    %dot_general3A_248 = arith.constant dense<0.000000e+00> : vector<32x256xf32>
    %dot_general3A_249 = tpu.matmul %convert_element_type3A_242, %convert_element_type3A_64, %dot_general3A_248 {dimension_numbers = #tpu.dot_dimension_numbers<[1], [0], [0], [1], [0, 0, 1, 1], [], []>, transpose_lhs_hint = false} : vector<32x64xbf16>, vector<64x256xbf16>, vector<32x256xf32> -> vector<32x256xf32>
    %add3A_250 = arith.addf %add3A_247, %dot_general3A_249 : vector<32x256xf32>
    %max3A_251 = arith.maximumf %max3A_232, %add3A_250 : vector<32x256xf32>
    %argmin3A_252 = tpu.reduce_index %select_n3A_239 {axis = 1 : i32, kind = #tpu.reduction_kind<arg_min>} : vector<32x64xf32> -> vector<32xi32>
    %broadcast_in_dim3A_253 = vector.shape_cast %argmin3A_252 : vector<32xi32> to vector<32x1xi32>
    %eq3A_254 = vector.broadcast %broadcast_in_dim3A_253 : vector<32x1xi32> to vector<32x64xi32>
    %eq3A_255 = arith.cmpi eq, %iota3A, %eq3A_254 : vector<32x64xi32>
    %jit3A_256 = arith.constant 1.000000e+30 : f32
    %broadcast_in_dim3A_257 = vector.broadcast %jit3A_256 : f32 to vector<32x64xf32>
    %select_n3A_258 = arith.select %eq3A_255, %broadcast_in_dim3A_257, %select_n3A_239 : vector<32x64xi1>, vector<32x64xf32>
    %convert_element_type3A_259 = arith.extui %eq3A_255 : vector<32x64xi1> to vector<32x64xi32>
    %convert_element_type3A_260 = arith.sitofp %convert_element_type3A_259 : vector<32x64xi32> to vector<32x64xf32>
    %convert_element_type3A_261 = arith.truncf %convert_element_type3A_260 : vector<32x64xf32> to vector<32x64xbf16>
    %dot_general3A_262 = arith.constant dense<0.000000e+00> : vector<32x256xf32>
    %dot_general3A_263 = tpu.matmul %convert_element_type3A_261, %convert_element_type3A_58, %dot_general3A_262 {dimension_numbers = #tpu.dot_dimension_numbers<[1], [0], [0], [1], [0, 0, 1, 1], [], []>, transpose_lhs_hint = false} : vector<32x64xbf16>, vector<64x256xbf16>, vector<32x256xf32> -> vector<32x256xf32>
    %dot_general3A_264 = arith.constant dense<0.000000e+00> : vector<32x256xf32>
    %dot_general3A_265 = tpu.matmul %convert_element_type3A_261, %convert_element_type3A_61, %dot_general3A_264 {dimension_numbers = #tpu.dot_dimension_numbers<[1], [0], [0], [1], [0, 0, 1, 1], [], []>, transpose_lhs_hint = false} : vector<32x64xbf16>, vector<64x256xbf16>, vector<32x256xf32> -> vector<32x256xf32>
    %add3A_266 = arith.addf %dot_general3A_263, %dot_general3A_265 : vector<32x256xf32>
    %dot_general3A_267 = arith.constant dense<0.000000e+00> : vector<32x256xf32>
    %dot_general3A_268 = tpu.matmul %convert_element_type3A_261, %convert_element_type3A_64, %dot_general3A_267 {dimension_numbers = #tpu.dot_dimension_numbers<[1], [0], [0], [1], [0, 0, 1, 1], [], []>, transpose_lhs_hint = false} : vector<32x64xbf16>, vector<64x256xbf16>, vector<32x256xf32> -> vector<32x256xf32>
    %add3A_269 = arith.addf %add3A_266, %dot_general3A_268 : vector<32x256xf32>
    %max3A_270 = arith.maximumf %max3A_251, %add3A_269 : vector<32x256xf32>
    %argmin3A_271 = tpu.reduce_index %select_n3A_258 {axis = 1 : i32, kind = #tpu.reduction_kind<arg_min>} : vector<32x64xf32> -> vector<32xi32>
    %broadcast_in_dim3A_272 = vector.shape_cast %argmin3A_271 : vector<32xi32> to vector<32x1xi32>
    %eq3A_273 = vector.broadcast %broadcast_in_dim3A_272 : vector<32x1xi32> to vector<32x64xi32>
    %eq3A_274 = arith.cmpi eq, %iota3A, %eq3A_273 : vector<32x64xi32>
    %jit3A_275 = arith.constant 1.000000e+30 : f32
    %broadcast_in_dim3A_276 = vector.broadcast %jit3A_275 : f32 to vector<32x64xf32>
    %select_n3A_277 = arith.select %eq3A_274, %broadcast_in_dim3A_276, %select_n3A_258 : vector<32x64xi1>, vector<32x64xf32>
    %convert_element_type3A_278 = arith.extui %eq3A_274 : vector<32x64xi1> to vector<32x64xi32>
    %convert_element_type3A_279 = arith.sitofp %convert_element_type3A_278 : vector<32x64xi32> to vector<32x64xf32>
    %convert_element_type3A_280 = arith.truncf %convert_element_type3A_279 : vector<32x64xf32> to vector<32x64xbf16>
    %dot_general3A_281 = arith.constant dense<0.000000e+00> : vector<32x256xf32>
    %dot_general3A_282 = tpu.matmul %convert_element_type3A_280, %convert_element_type3A_58, %dot_general3A_281 {dimension_numbers = #tpu.dot_dimension_numbers<[1], [0], [0], [1], [0, 0, 1, 1], [], []>, transpose_lhs_hint = false} : vector<32x64xbf16>, vector<64x256xbf16>, vector<32x256xf32> -> vector<32x256xf32>
    %dot_general3A_283 = arith.constant dense<0.000000e+00> : vector<32x256xf32>
    %dot_general3A_284 = tpu.matmul %convert_element_type3A_280, %convert_element_type3A_61, %dot_general3A_283 {dimension_numbers = #tpu.dot_dimension_numbers<[1], [0], [0], [1], [0, 0, 1, 1], [], []>, transpose_lhs_hint = false} : vector<32x64xbf16>, vector<64x256xbf16>, vector<32x256xf32> -> vector<32x256xf32>
    %add3A_285 = arith.addf %dot_general3A_282, %dot_general3A_284 : vector<32x256xf32>
    %dot_general3A_286 = arith.constant dense<0.000000e+00> : vector<32x256xf32>
    %dot_general3A_287 = tpu.matmul %convert_element_type3A_280, %convert_element_type3A_64, %dot_general3A_286 {dimension_numbers = #tpu.dot_dimension_numbers<[1], [0], [0], [1], [0, 0, 1, 1], [], []>, transpose_lhs_hint = false} : vector<32x64xbf16>, vector<64x256xbf16>, vector<32x256xf32> -> vector<32x256xf32>
    %add3A_288 = arith.addf %add3A_285, %dot_general3A_287 : vector<32x256xf32>
    %max3A_289 = arith.maximumf %max3A_270, %add3A_288 : vector<32x256xf32>
    %argmin3A_290 = tpu.reduce_index %select_n3A_277 {axis = 1 : i32, kind = #tpu.reduction_kind<arg_min>} : vector<32x64xf32> -> vector<32xi32>
    %broadcast_in_dim3A_291 = vector.shape_cast %argmin3A_290 : vector<32xi32> to vector<32x1xi32>
    %eq3A_292 = vector.broadcast %broadcast_in_dim3A_291 : vector<32x1xi32> to vector<32x64xi32>
    %eq3A_293 = arith.cmpi eq, %iota3A, %eq3A_292 : vector<32x64xi32>
    %jit3A_294 = arith.constant 1.000000e+30 : f32
    %broadcast_in_dim3A_295 = vector.broadcast %jit3A_294 : f32 to vector<32x64xf32>
    %select_n3A_296 = arith.select %eq3A_293, %broadcast_in_dim3A_295, %select_n3A_277 : vector<32x64xi1>, vector<32x64xf32>
    %convert_element_type3A_297 = arith.extui %eq3A_293 : vector<32x64xi1> to vector<32x64xi32>
    %convert_element_type3A_298 = arith.sitofp %convert_element_type3A_297 : vector<32x64xi32> to vector<32x64xf32>
    %convert_element_type3A_299 = arith.truncf %convert_element_type3A_298 : vector<32x64xf32> to vector<32x64xbf16>
    %dot_general3A_300 = arith.constant dense<0.000000e+00> : vector<32x256xf32>
    %dot_general3A_301 = tpu.matmul %convert_element_type3A_299, %convert_element_type3A_58, %dot_general3A_300 {dimension_numbers = #tpu.dot_dimension_numbers<[1], [0], [0], [1], [0, 0, 1, 1], [], []>, transpose_lhs_hint = false} : vector<32x64xbf16>, vector<64x256xbf16>, vector<32x256xf32> -> vector<32x256xf32>
    %dot_general3A_302 = arith.constant dense<0.000000e+00> : vector<32x256xf32>
    %dot_general3A_303 = tpu.matmul %convert_element_type3A_299, %convert_element_type3A_61, %dot_general3A_302 {dimension_numbers = #tpu.dot_dimension_numbers<[1], [0], [0], [1], [0, 0, 1, 1], [], []>, transpose_lhs_hint = false} : vector<32x64xbf16>, vector<64x256xbf16>, vector<32x256xf32> -> vector<32x256xf32>
    %add3A_304 = arith.addf %dot_general3A_301, %dot_general3A_303 : vector<32x256xf32>
    %dot_general3A_305 = arith.constant dense<0.000000e+00> : vector<32x256xf32>
    %dot_general3A_306 = tpu.matmul %convert_element_type3A_299, %convert_element_type3A_64, %dot_general3A_305 {dimension_numbers = #tpu.dot_dimension_numbers<[1], [0], [0], [1], [0, 0, 1, 1], [], []>, transpose_lhs_hint = false} : vector<32x64xbf16>, vector<64x256xbf16>, vector<32x256xf32> -> vector<32x256xf32>
    %add3A_307 = arith.addf %add3A_304, %dot_general3A_306 : vector<32x256xf32>
    %max3A_308 = arith.maximumf %max3A_289, %add3A_307 : vector<32x256xf32>
    %argmin3A_309 = tpu.reduce_index %select_n3A_296 {axis = 1 : i32, kind = #tpu.reduction_kind<arg_min>} : vector<32x64xf32> -> vector<32xi32>
    %broadcast_in_dim3A_310 = vector.shape_cast %argmin3A_309 : vector<32xi32> to vector<32x1xi32>
    %eq3A_311 = vector.broadcast %broadcast_in_dim3A_310 : vector<32x1xi32> to vector<32x64xi32>
    %eq3A_312 = arith.cmpi eq, %iota3A, %eq3A_311 : vector<32x64xi32>
    %jit3A_313 = arith.constant 1.000000e+30 : f32
    %broadcast_in_dim3A_314 = vector.broadcast %jit3A_313 : f32 to vector<32x64xf32>
    %select_n3A_315 = arith.select %eq3A_312, %broadcast_in_dim3A_314, %select_n3A_296 : vector<32x64xi1>, vector<32x64xf32>
    %convert_element_type3A_316 = arith.extui %eq3A_312 : vector<32x64xi1> to vector<32x64xi32>
    %convert_element_type3A_317 = arith.sitofp %convert_element_type3A_316 : vector<32x64xi32> to vector<32x64xf32>
    %convert_element_type3A_318 = arith.truncf %convert_element_type3A_317 : vector<32x64xf32> to vector<32x64xbf16>
    %dot_general3A_319 = arith.constant dense<0.000000e+00> : vector<32x256xf32>
    %dot_general3A_320 = tpu.matmul %convert_element_type3A_318, %convert_element_type3A_58, %dot_general3A_319 {dimension_numbers = #tpu.dot_dimension_numbers<[1], [0], [0], [1], [0, 0, 1, 1], [], []>, transpose_lhs_hint = false} : vector<32x64xbf16>, vector<64x256xbf16>, vector<32x256xf32> -> vector<32x256xf32>
    %dot_general3A_321 = arith.constant dense<0.000000e+00> : vector<32x256xf32>
    %dot_general3A_322 = tpu.matmul %convert_element_type3A_318, %convert_element_type3A_61, %dot_general3A_321 {dimension_numbers = #tpu.dot_dimension_numbers<[1], [0], [0], [1], [0, 0, 1, 1], [], []>, transpose_lhs_hint = false} : vector<32x64xbf16>, vector<64x256xbf16>, vector<32x256xf32> -> vector<32x256xf32>
    %add3A_323 = arith.addf %dot_general3A_320, %dot_general3A_322 : vector<32x256xf32>
    %dot_general3A_324 = arith.constant dense<0.000000e+00> : vector<32x256xf32>
    %dot_general3A_325 = tpu.matmul %convert_element_type3A_318, %convert_element_type3A_64, %dot_general3A_324 {dimension_numbers = #tpu.dot_dimension_numbers<[1], [0], [0], [1], [0, 0, 1, 1], [], []>, transpose_lhs_hint = false} : vector<32x64xbf16>, vector<64x256xbf16>, vector<32x256xf32> -> vector<32x256xf32>
    %add3A_326 = arith.addf %add3A_323, %dot_general3A_325 : vector<32x256xf32>
    %max3A_327 = arith.maximumf %max3A_308, %add3A_326 : vector<32x256xf32>
    %argmin3A_328 = tpu.reduce_index %select_n3A_315 {axis = 1 : i32, kind = #tpu.reduction_kind<arg_min>} : vector<32x64xf32> -> vector<32xi32>
    %broadcast_in_dim3A_329 = vector.shape_cast %argmin3A_328 : vector<32xi32> to vector<32x1xi32>
    %eq3A_330 = vector.broadcast %broadcast_in_dim3A_329 : vector<32x1xi32> to vector<32x64xi32>
    %eq3A_331 = arith.cmpi eq, %iota3A, %eq3A_330 : vector<32x64xi32>
    %jit3A_332 = arith.constant 1.000000e+30 : f32
    %broadcast_in_dim3A_333 = vector.broadcast %jit3A_332 : f32 to vector<32x64xf32>
    %select_n3A_334 = arith.select %eq3A_331, %broadcast_in_dim3A_333, %select_n3A_315 : vector<32x64xi1>, vector<32x64xf32>
    %convert_element_type3A_335 = arith.extui %eq3A_331 : vector<32x64xi1> to vector<32x64xi32>
    %convert_element_type3A_336 = arith.sitofp %convert_element_type3A_335 : vector<32x64xi32> to vector<32x64xf32>
    %convert_element_type3A_337 = arith.truncf %convert_element_type3A_336 : vector<32x64xf32> to vector<32x64xbf16>
    %dot_general3A_338 = arith.constant dense<0.000000e+00> : vector<32x256xf32>
    %dot_general3A_339 = tpu.matmul %convert_element_type3A_337, %convert_element_type3A_58, %dot_general3A_338 {dimension_numbers = #tpu.dot_dimension_numbers<[1], [0], [0], [1], [0, 0, 1, 1], [], []>, transpose_lhs_hint = false} : vector<32x64xbf16>, vector<64x256xbf16>, vector<32x256xf32> -> vector<32x256xf32>
    %dot_general3A_340 = arith.constant dense<0.000000e+00> : vector<32x256xf32>
    %dot_general3A_341 = tpu.matmul %convert_element_type3A_337, %convert_element_type3A_61, %dot_general3A_340 {dimension_numbers = #tpu.dot_dimension_numbers<[1], [0], [0], [1], [0, 0, 1, 1], [], []>, transpose_lhs_hint = false} : vector<32x64xbf16>, vector<64x256xbf16>, vector<32x256xf32> -> vector<32x256xf32>
    %add3A_342 = arith.addf %dot_general3A_339, %dot_general3A_341 : vector<32x256xf32>
    %dot_general3A_343 = arith.constant dense<0.000000e+00> : vector<32x256xf32>
    %dot_general3A_344 = tpu.matmul %convert_element_type3A_337, %convert_element_type3A_64, %dot_general3A_343 {dimension_numbers = #tpu.dot_dimension_numbers<[1], [0], [0], [1], [0, 0, 1, 1], [], []>, transpose_lhs_hint = false} : vector<32x64xbf16>, vector<64x256xbf16>, vector<32x256xf32> -> vector<32x256xf32>
    %add3A_345 = arith.addf %add3A_342, %dot_general3A_344 : vector<32x256xf32>
    %max3A_346 = arith.maximumf %max3A_327, %add3A_345 : vector<32x256xf32>
    %argmin3A_347 = tpu.reduce_index %select_n3A_334 {axis = 1 : i32, kind = #tpu.reduction_kind<arg_min>} : vector<32x64xf32> -> vector<32xi32>
    %broadcast_in_dim3A_348 = vector.shape_cast %argmin3A_347 : vector<32xi32> to vector<32x1xi32>
    %eq3A_349 = vector.broadcast %broadcast_in_dim3A_348 : vector<32x1xi32> to vector<32x64xi32>
    %eq3A_350 = arith.cmpi eq, %iota3A, %eq3A_349 : vector<32x64xi32>
    %jit3A_351 = arith.constant 1.000000e+30 : f32
    %broadcast_in_dim3A_352 = vector.broadcast %jit3A_351 : f32 to vector<32x64xf32>
    %select_n3A_353 = arith.select %eq3A_350, %broadcast_in_dim3A_352, %select_n3A_334 : vector<32x64xi1>, vector<32x64xf32>
    %convert_element_type3A_354 = arith.extui %eq3A_350 : vector<32x64xi1> to vector<32x64xi32>
    %convert_element_type3A_355 = arith.sitofp %convert_element_type3A_354 : vector<32x64xi32> to vector<32x64xf32>
    %convert_element_type3A_356 = arith.truncf %convert_element_type3A_355 : vector<32x64xf32> to vector<32x64xbf16>
    %dot_general3A_357 = arith.constant dense<0.000000e+00> : vector<32x256xf32>
    %dot_general3A_358 = tpu.matmul %convert_element_type3A_356, %convert_element_type3A_58, %dot_general3A_357 {dimension_numbers = #tpu.dot_dimension_numbers<[1], [0], [0], [1], [0, 0, 1, 1], [], []>, transpose_lhs_hint = false} : vector<32x64xbf16>, vector<64x256xbf16>, vector<32x256xf32> -> vector<32x256xf32>
    %dot_general3A_359 = arith.constant dense<0.000000e+00> : vector<32x256xf32>
    %dot_general3A_360 = tpu.matmul %convert_element_type3A_356, %convert_element_type3A_61, %dot_general3A_359 {dimension_numbers = #tpu.dot_dimension_numbers<[1], [0], [0], [1], [0, 0, 1, 1], [], []>, transpose_lhs_hint = false} : vector<32x64xbf16>, vector<64x256xbf16>, vector<32x256xf32> -> vector<32x256xf32>
    %add3A_361 = arith.addf %dot_general3A_358, %dot_general3A_360 : vector<32x256xf32>
    %dot_general3A_362 = arith.constant dense<0.000000e+00> : vector<32x256xf32>
    %dot_general3A_363 = tpu.matmul %convert_element_type3A_356, %convert_element_type3A_64, %dot_general3A_362 {dimension_numbers = #tpu.dot_dimension_numbers<[1], [0], [0], [1], [0, 0, 1, 1], [], []>, transpose_lhs_hint = false} : vector<32x64xbf16>, vector<64x256xbf16>, vector<32x256xf32> -> vector<32x256xf32>
    %add3A_364 = arith.addf %add3A_361, %dot_general3A_363 : vector<32x256xf32>
    %max3A_365 = arith.maximumf %max3A_346, %add3A_364 : vector<32x256xf32>
    %argmin3A_366 = tpu.reduce_index %select_n3A_353 {axis = 1 : i32, kind = #tpu.reduction_kind<arg_min>} : vector<32x64xf32> -> vector<32xi32>
    %broadcast_in_dim3A_367 = vector.shape_cast %argmin3A_366 : vector<32xi32> to vector<32x1xi32>
    %eq3A_368 = vector.broadcast %broadcast_in_dim3A_367 : vector<32x1xi32> to vector<32x64xi32>
    %eq3A_369 = arith.cmpi eq, %iota3A, %eq3A_368 : vector<32x64xi32>
    %jit3A_370 = arith.constant 1.000000e+30 : f32
    %broadcast_in_dim3A_371 = vector.broadcast %jit3A_370 : f32 to vector<32x64xf32>
    %select_n3A_372 = arith.select %eq3A_369, %broadcast_in_dim3A_371, %select_n3A_353 : vector<32x64xi1>, vector<32x64xf32>
    %convert_element_type3A_373 = arith.extui %eq3A_369 : vector<32x64xi1> to vector<32x64xi32>
    %convert_element_type3A_374 = arith.sitofp %convert_element_type3A_373 : vector<32x64xi32> to vector<32x64xf32>
    %convert_element_type3A_375 = arith.truncf %convert_element_type3A_374 : vector<32x64xf32> to vector<32x64xbf16>
    %dot_general3A_376 = arith.constant dense<0.000000e+00> : vector<32x256xf32>
    %dot_general3A_377 = tpu.matmul %convert_element_type3A_375, %convert_element_type3A_58, %dot_general3A_376 {dimension_numbers = #tpu.dot_dimension_numbers<[1], [0], [0], [1], [0, 0, 1, 1], [], []>, transpose_lhs_hint = false} : vector<32x64xbf16>, vector<64x256xbf16>, vector<32x256xf32> -> vector<32x256xf32>
    %dot_general3A_378 = arith.constant dense<0.000000e+00> : vector<32x256xf32>
    %dot_general3A_379 = tpu.matmul %convert_element_type3A_375, %convert_element_type3A_61, %dot_general3A_378 {dimension_numbers = #tpu.dot_dimension_numbers<[1], [0], [0], [1], [0, 0, 1, 1], [], []>, transpose_lhs_hint = false} : vector<32x64xbf16>, vector<64x256xbf16>, vector<32x256xf32> -> vector<32x256xf32>
    %add3A_380 = arith.addf %dot_general3A_377, %dot_general3A_379 : vector<32x256xf32>
    %dot_general3A_381 = arith.constant dense<0.000000e+00> : vector<32x256xf32>
    %dot_general3A_382 = tpu.matmul %convert_element_type3A_375, %convert_element_type3A_64, %dot_general3A_381 {dimension_numbers = #tpu.dot_dimension_numbers<[1], [0], [0], [1], [0, 0, 1, 1], [], []>, transpose_lhs_hint = false} : vector<32x64xbf16>, vector<64x256xbf16>, vector<32x256xf32> -> vector<32x256xf32>
    %add3A_383 = arith.addf %add3A_380, %dot_general3A_382 : vector<32x256xf32>
    %max3A_384 = arith.maximumf %max3A_365, %add3A_383 : vector<32x256xf32>
    %argmin3A_385 = tpu.reduce_index %select_n3A_372 {axis = 1 : i32, kind = #tpu.reduction_kind<arg_min>} : vector<32x64xf32> -> vector<32xi32>
    %broadcast_in_dim3A_386 = vector.shape_cast %argmin3A_385 : vector<32xi32> to vector<32x1xi32>
    %eq3A_387 = vector.broadcast %broadcast_in_dim3A_386 : vector<32x1xi32> to vector<32x64xi32>
    %eq3A_388 = arith.cmpi eq, %iota3A, %eq3A_387 : vector<32x64xi32>
    %jit3A_389 = arith.constant 1.000000e+30 : f32
    %broadcast_in_dim3A_390 = vector.broadcast %jit3A_389 : f32 to vector<32x64xf32>
    %select_n3A_391 = arith.select %eq3A_388, %broadcast_in_dim3A_390, %select_n3A_372 : vector<32x64xi1>, vector<32x64xf32>
    %convert_element_type3A_392 = arith.extui %eq3A_388 : vector<32x64xi1> to vector<32x64xi32>
    %convert_element_type3A_393 = arith.sitofp %convert_element_type3A_392 : vector<32x64xi32> to vector<32x64xf32>
    %convert_element_type3A_394 = arith.truncf %convert_element_type3A_393 : vector<32x64xf32> to vector<32x64xbf16>
    %dot_general3A_395 = arith.constant dense<0.000000e+00> : vector<32x256xf32>
    %dot_general3A_396 = tpu.matmul %convert_element_type3A_394, %convert_element_type3A_58, %dot_general3A_395 {dimension_numbers = #tpu.dot_dimension_numbers<[1], [0], [0], [1], [0, 0, 1, 1], [], []>, transpose_lhs_hint = false} : vector<32x64xbf16>, vector<64x256xbf16>, vector<32x256xf32> -> vector<32x256xf32>
    %dot_general3A_397 = arith.constant dense<0.000000e+00> : vector<32x256xf32>
    %dot_general3A_398 = tpu.matmul %convert_element_type3A_394, %convert_element_type3A_61, %dot_general3A_397 {dimension_numbers = #tpu.dot_dimension_numbers<[1], [0], [0], [1], [0, 0, 1, 1], [], []>, transpose_lhs_hint = false} : vector<32x64xbf16>, vector<64x256xbf16>, vector<32x256xf32> -> vector<32x256xf32>
    %add3A_399 = arith.addf %dot_general3A_396, %dot_general3A_398 : vector<32x256xf32>
    %dot_general3A_400 = arith.constant dense<0.000000e+00> : vector<32x256xf32>
    %dot_general3A_401 = tpu.matmul %convert_element_type3A_394, %convert_element_type3A_64, %dot_general3A_400 {dimension_numbers = #tpu.dot_dimension_numbers<[1], [0], [0], [1], [0, 0, 1, 1], [], []>, transpose_lhs_hint = false} : vector<32x64xbf16>, vector<64x256xbf16>, vector<32x256xf32> -> vector<32x256xf32>
    %add3A_402 = arith.addf %add3A_399, %dot_general3A_401 : vector<32x256xf32>
    %max3A_403 = arith.maximumf %max3A_384, %add3A_402 : vector<32x256xf32>
    %argmin3A_404 = tpu.reduce_index %select_n3A_391 {axis = 1 : i32, kind = #tpu.reduction_kind<arg_min>} : vector<32x64xf32> -> vector<32xi32>
    %broadcast_in_dim3A_405 = vector.shape_cast %argmin3A_404 : vector<32xi32> to vector<32x1xi32>
    %eq3A_406 = vector.broadcast %broadcast_in_dim3A_405 : vector<32x1xi32> to vector<32x64xi32>
    %eq3A_407 = arith.cmpi eq, %iota3A, %eq3A_406 : vector<32x64xi32>
    %jit3A_408 = arith.constant 1.000000e+30 : f32
    %broadcast_in_dim3A_409 = vector.broadcast %jit3A_408 : f32 to vector<32x64xf32>
    %select_n3A_410 = arith.select %eq3A_407, %broadcast_in_dim3A_409, %select_n3A_391 : vector<32x64xi1>, vector<32x64xf32>
    %convert_element_type3A_411 = arith.extui %eq3A_407 : vector<32x64xi1> to vector<32x64xi32>
    %convert_element_type3A_412 = arith.sitofp %convert_element_type3A_411 : vector<32x64xi32> to vector<32x64xf32>
    %convert_element_type3A_413 = arith.truncf %convert_element_type3A_412 : vector<32x64xf32> to vector<32x64xbf16>
    %dot_general3A_414 = arith.constant dense<0.000000e+00> : vector<32x256xf32>
    %dot_general3A_415 = tpu.matmul %convert_element_type3A_413, %convert_element_type3A_58, %dot_general3A_414 {dimension_numbers = #tpu.dot_dimension_numbers<[1], [0], [0], [1], [0, 0, 1, 1], [], []>, transpose_lhs_hint = false} : vector<32x64xbf16>, vector<64x256xbf16>, vector<32x256xf32> -> vector<32x256xf32>
    %dot_general3A_416 = arith.constant dense<0.000000e+00> : vector<32x256xf32>
    %dot_general3A_417 = tpu.matmul %convert_element_type3A_413, %convert_element_type3A_61, %dot_general3A_416 {dimension_numbers = #tpu.dot_dimension_numbers<[1], [0], [0], [1], [0, 0, 1, 1], [], []>, transpose_lhs_hint = false} : vector<32x64xbf16>, vector<64x256xbf16>, vector<32x256xf32> -> vector<32x256xf32>
    %add3A_418 = arith.addf %dot_general3A_415, %dot_general3A_417 : vector<32x256xf32>
    %dot_general3A_419 = arith.constant dense<0.000000e+00> : vector<32x256xf32>
    %dot_general3A_420 = tpu.matmul %convert_element_type3A_413, %convert_element_type3A_64, %dot_general3A_419 {dimension_numbers = #tpu.dot_dimension_numbers<[1], [0], [0], [1], [0, 0, 1, 1], [], []>, transpose_lhs_hint = false} : vector<32x64xbf16>, vector<64x256xbf16>, vector<32x256xf32> -> vector<32x256xf32>
    %add3A_421 = arith.addf %add3A_418, %dot_general3A_420 : vector<32x256xf32>
    %max3A_422 = arith.maximumf %max3A_403, %add3A_421 : vector<32x256xf32>
    %reduce_min3A = arith.constant dense<0x7F800000> : vector<32xf32>
    %reduce_min3A_423 = vector.multi_reduction <minimumf>, %select_n3A_410, %reduce_min3A [1] : vector<32x64xf32> to vector<32xf32>
    %broadcast_in_dim3A_424 = vector.shape_cast %reduce_min3A_423 : vector<32xf32> to vector<32x1xf32>
    %eq3A_425 = vector.broadcast %broadcast_in_dim3A_424 : vector<32x1xf32> to vector<32x64xf32>
    %eq3A_426 = arith.cmpf oeq, %select_n3A_410, %eq3A_425 : vector<32x64xf32>
    %jit3A_427 = arith.constant 64 : i32
    %broadcast_in_dim3A_428 = vector.broadcast %jit3A_427 : i32 to vector<32x64xi32>
    %select_n3A_429 = arith.select %eq3A_426, %iota3A, %broadcast_in_dim3A_428 : vector<32x64xi1>, vector<32x64xi32>
    %reduce_min3A_430 = arith.constant dense<2147483647> : vector<32xi32>
    %reduce_min3A_431 = vector.multi_reduction <minsi>, %select_n3A_429, %reduce_min3A_430 [1] : vector<32x64xi32> to vector<32xi32>
    %broadcast_in_dim3A_432 = vector.shape_cast %reduce_min3A_431 : vector<32xi32> to vector<32x1xi32>
    %eq3A_433 = vector.broadcast %broadcast_in_dim3A_432 : vector<32x1xi32> to vector<32x64xi32>
    %eq3A_434 = arith.cmpi eq, %iota3A, %eq3A_433 : vector<32x64xi32>
    %convert_element_type3A_435 = arith.extui %eq3A_434 : vector<32x64xi1> to vector<32x64xi32>
    %convert_element_type3A_436 = arith.sitofp %convert_element_type3A_435 : vector<32x64xi32> to vector<32x64xf32>
    %convert_element_type3A_437 = arith.truncf %convert_element_type3A_436 : vector<32x64xf32> to vector<32x64xbf16>
    %dot_general3A_438 = arith.constant dense<0.000000e+00> : vector<32x256xf32>
    %dot_general3A_439 = tpu.matmul %convert_element_type3A_437, %convert_element_type3A_58, %dot_general3A_438 {dimension_numbers = #tpu.dot_dimension_numbers<[1], [0], [0], [1], [0, 0, 1, 1], [], []>, transpose_lhs_hint = false} : vector<32x64xbf16>, vector<64x256xbf16>, vector<32x256xf32> -> vector<32x256xf32>
    %dot_general3A_440 = arith.constant dense<0.000000e+00> : vector<32x256xf32>
    %dot_general3A_441 = tpu.matmul %convert_element_type3A_437, %convert_element_type3A_61, %dot_general3A_440 {dimension_numbers = #tpu.dot_dimension_numbers<[1], [0], [0], [1], [0, 0, 1, 1], [], []>, transpose_lhs_hint = false} : vector<32x64xbf16>, vector<64x256xbf16>, vector<32x256xf32> -> vector<32x256xf32>
    %add3A_442 = arith.addf %dot_general3A_439, %dot_general3A_441 : vector<32x256xf32>
    %dot_general3A_443 = arith.constant dense<0.000000e+00> : vector<32x256xf32>
    %dot_general3A_444 = tpu.matmul %convert_element_type3A_437, %convert_element_type3A_64, %dot_general3A_443 {dimension_numbers = #tpu.dot_dimension_numbers<[1], [0], [0], [1], [0, 0, 1, 1], [], []>, transpose_lhs_hint = false} : vector<32x64xbf16>, vector<64x256xbf16>, vector<32x256xf32> -> vector<32x256xf32>
    %add3A_445 = arith.addf %add3A_442, %dot_general3A_444 : vector<32x256xf32>
    %max3A_446 = arith.maximumf %max3A_422, %add3A_445 : vector<32x256xf32>
    %get3A_447 = arith.constant 0 : index
    %get3A_448 = arith.constant 0 : index
    %get3A_449 = arith.constant 0 : index
    %get3A_450 = vector.load %arg6[%get3A_447, %get3A_448, %get3A_449] : memref<1x32x64xf32, #tpu.memory_space<vmem>>, vector<1x32x64xf32>
    %get3A_451 = vector.shape_cast %get3A_450 : vector<1x32x64xf32> to vector<32x64xf32>
    %get3A_452 = arith.constant 0 : index
    %get3A_453 = arith.constant 0 : index
    %get3A_454 = arith.constant 0 : index
    %get3A_455 = vector.load %arg7[%get3A_452, %get3A_453, %get3A_454] : memref<1x32x64xf32, #tpu.memory_space<vmem>>, vector<1x32x64xf32>
    %get3A_456 = vector.shape_cast %get3A_455 : vector<1x32x64xf32> to vector<32x64xf32>
    %get3A_457 = arith.constant 0 : index
    %get3A_458 = arith.constant 0 : index
    %get3A_459 = arith.constant 0 : index
    %get3A_460 = vector.load %arg8[%get3A_457, %get3A_458, %get3A_459] : memref<1x32x128xf32, #tpu.memory_space<vmem>>, vector<1x32x128xf32>
    %get3A_461 = vector.shape_cast %get3A_460 : vector<1x32x128xf32> to vector<32x128xf32>
    %concatenate3A = tpu.concatenate %get3A_451, %get3A_456, %get3A_461, %max3A_446 in 1 : vector<32x64xf32>, vector<32x64xf32>, vector<32x128xf32>, vector<32x256xf32> -> vector<32x512xf32>
    %get3A_462 = arith.constant 0 : index
    %get3A_463 = arith.constant 0 : index
    %get3A_464 = vector.load %arg9[%get3A_462, %get3A_463] : memref<512x1024xf32, #tpu.memory_space<vmem>>, vector<512x1024xf32>
    %convert_element_type3A_465 = arith.truncf %concatenate3A : vector<32x512xf32> to vector<32x512xbf16>
    %convert_element_type3A_466 = arith.truncf %get3A_464 : vector<512x1024xf32> to vector<512x1024xbf16>
    %dot_general3A_467 = arith.constant dense<0.000000e+00> : vector<32x1024xf32>
    %dot_general3A_468 = tpu.matmul %convert_element_type3A_465, %convert_element_type3A_466, %dot_general3A_467 {dimension_numbers = #tpu.dot_dimension_numbers<[1], [0], [0], [1], [0, 0, 1, 1], [], []>, transpose_lhs_hint = false} : vector<32x512xbf16>, vector<512x1024xbf16>, vector<32x1024xf32> -> vector<32x1024xf32>
    %swap3A = arith.constant 0 : index
    %swap3A_469 = arith.constant 0 : index
    %swap3A_470 = arith.constant 0 : index
    %swap3A_471 = vector.load %arg11[%swap3A, %swap3A_469, %swap3A_470] : memref<1x32x1024xf32, #tpu.memory_space<vmem>>, vector<1x32x1024xf32>
    %swap3A_472 = vector.shape_cast %swap3A_471 : vector<1x32x1024xf32> to vector<32x1024xf32>
    %swap3A_473 = vector.shape_cast %dot_general3A_468 : vector<32x1024xf32> to vector<1x32x1024xf32>
    tpu.vector_store %arg11[%swap3A, %swap3A_469, %swap3A_470], %swap3A_473 {strides = array<i32>} : memref<1x32x1024xf32, #tpu.memory_space<vmem>>, vector<1x32x1024xf32>,
    %reduce_sum3A = arith.constant dense<0.000000e+00> : vector<1024xf32>
    %reduce_sum3A_474 = vector.multi_reduction <add>, %dot_general3A_468, %reduce_sum3A [0] : vector<32x1024xf32> to vector<1024xf32>
    %broadcast_in_dim3A_475 = vector.shape_cast %reduce_sum3A_474 : vector<1024xf32> to vector<1x1024xf32>
    %mul3A_476 = arith.mulf %dot_general3A_468, %dot_general3A_468 : vector<32x1024xf32>
    %reduce_sum3A_477 = arith.constant dense<0.000000e+00> : vector<1024xf32>
    %reduce_sum3A_478 = vector.multi_reduction <add>, %mul3A_476, %reduce_sum3A_477 [0] : vector<32x1024xf32> to vector<1024xf32>
    %broadcast_in_dim3A_479 = vector.shape_cast %reduce_sum3A_478 : vector<1024xf32> to vector<1x1024xf32>
    %iota3A_480 = tpu.iota {dimensions = array<i32: 0>} : vector<8x1024xi32>
    %eq3A_481 = arith.constant 0 : i32
    %eq3A_482 = vector.broadcast %eq3A_481 : i32 to vector<8x1024xi32>
    %eq3A_483 = arith.cmpi eq, %iota3A_480, %eq3A_482 : vector<8x1024xi32>
    %broadcast_in_dim3A_484 = vector.shape_cast %broadcast_in_dim3A_475 : vector<1x1024xf32> to vector<1x1024xf32>
    %broadcast_in_dim3A_485 = vector.broadcast %broadcast_in_dim3A_484 : vector<1x1024xf32> to vector<8x1024xf32>
    %eq3A_486 = arith.constant 1 : i32
    %eq3A_487 = vector.broadcast %eq3A_486 : i32 to vector<8x1024xi32>
    %eq3A_488 = arith.cmpi eq, %iota3A_480, %eq3A_487 : vector<8x1024xi32>
    %broadcast_in_dim3A_489 = vector.shape_cast %broadcast_in_dim3A_479 : vector<1x1024xf32> to vector<1x1024xf32>
    %broadcast_in_dim3A_490 = vector.broadcast %broadcast_in_dim3A_489 : vector<1x1024xf32> to vector<8x1024xf32>
    %jit3A_491 = arith.constant 0.000000e+00 : f32
    %broadcast_in_dim3A_492 = vector.broadcast %jit3A_491 : f32 to vector<8x1024xf32>
    %select_n3A_493 = arith.select %eq3A_488, %broadcast_in_dim3A_490, %broadcast_in_dim3A_492 : vector<8x1024xi1>, vector<8x1024xf32>
    %select_n3A_494 = arith.select %eq3A_483, %broadcast_in_dim3A_485, %select_n3A_493 : vector<8x1024xi1>, vector<8x1024xf32>
    %eq3A_495 = arith.constant 0 : i32
    %eq3A_496 = arith.cmpi eq, %arg0, %eq3A_495 : i32
    %convert_element_type3A_497 = arith.extui %eq3A_496 : i1 to i32
    %cond3A = arith.constant 0 : i32
    %cond3A_498 = arith.cmpi ne, %convert_element_type3A_497, %cond3A : i32
    scf.if %cond3A_498 {
      %broadcast_in_dim3A_511 = arith.constant 0.000000e+00 : f32
      %broadcast_in_dim3A_512 = vector.broadcast %broadcast_in_dim3A_511 : f32 to vector<8x1024xf32>
      %swap3A_513 = arith.constant 0 : index
      %swap3A_514 = arith.constant 0 : index
      %swap3A_515 = vector.load %arg13[%swap3A_513, %swap3A_514] : memref<8x1024xf32, #tpu.memory_space<vmem>>, vector<8x1024xf32>
      tpu.vector_store %arg13[%swap3A_513, %swap3A_514], %broadcast_in_dim3A_512 {strides = array<i32>} : memref<8x1024xf32, #tpu.memory_space<vmem>>, vector<8x1024xf32>,
    } else {
    }
    %get3A_499 = arith.constant 0 : index
    %get3A_500 = arith.constant 0 : index
    %get3A_501 = vector.load %arg13[%get3A_499, %get3A_500] : memref<8x1024xf32, #tpu.memory_space<vmem>>, vector<8x1024xf32>
    %add3A_502 = arith.addf %get3A_501, %select_n3A_494 : vector<8x1024xf32>
    %swap3A_503 = arith.constant 0 : index
    %swap3A_504 = arith.constant 0 : index
    %swap3A_505 = vector.load %arg13[%swap3A_503, %swap3A_504] : memref<8x1024xf32, #tpu.memory_space<vmem>>, vector<8x1024xf32>
    tpu.vector_store %arg13[%swap3A_503, %swap3A_504], %add3A_502 {strides = array<i32>} : memref<8x1024xf32, #tpu.memory_space<vmem>>, vector<8x1024xf32>,
    %eq3A_506 = arith.constant 31 : i32
    %eq3A_507 = arith.cmpi eq, %arg0, %eq3A_506 : i32
    %convert_element_type3A_508 = arith.extui %eq3A_507 : i1 to i32
    %cond3A_509 = arith.constant 0 : i32
    %cond3A_510 = arith.cmpi ne, %convert_element_type3A_508, %cond3A_509 : i32
    scf.if %cond3A_510 {
      %get3A_511 = arith.constant 0 : index
      %get3A_512 = arith.constant 0 : index
      %get3A_513 = vector.load %arg13[%get3A_511, %get3A_512] : memref<8x1024xf32, #tpu.memory_space<vmem>>, vector<8x1024xf32>
      %swap3A_514 = arith.constant 0 : index
      %swap3A_515 = arith.constant 0 : index
      %swap3A_516 = vector.load %arg12[%swap3A_514, %swap3A_515] : memref<8x1024xf32, #tpu.memory_space<vmem>>, vector<8x1024xf32>
      tpu.vector_store %arg12[%swap3A_514, %swap3A_515], %get3A_513 {strides = array<i32>} : memref<8x1024xf32, #tpu.memory_space<vmem>>, vector<8x1024xf32>,
    } else {
    }
    return
  }
  func.func @transform_0(%arg0: i32) -> (i32, i32, i32) {
    %c0_i32 = arith.constant 0 : i32
    %c0_i32_0 = arith.constant 0 : i32
    %c0_i32_1 = arith.constant 0 : i32
    return %arg0, %c0_i32, %c0_i32_0 : i32, i32, i32
  }
  func.func @transform_1(%arg0: i32) -> (i32, i32) {
    %c0_i32 = arith.constant 0 : i32
    %c0_i32_0 = arith.constant 0 : i32
    %c0_i32_1 = arith.constant 0 : i32
    return %c0_i32, %c0_i32_0 : i32, i32
  }
  func.func @transform_2(%arg0: i32) -> (i32, i32, i32) {
    %c0_i32 = arith.constant 0 : i32
    %c0_i32_0 = arith.constant 0 : i32
    %c0_i32_1 = arith.constant 0 : i32
    return %arg0, %c0_i32, %c0_i32_0 : i32, i32, i32
  }
  func.func @transform_3(%arg0: i32) -> (i32, i32, i32) {
    %c0_i32 = arith.constant 0 : i32
    %c0_i32_0 = arith.constant 0 : i32
    %c0_i32_1 = arith.constant 0 : i32
    return %arg0, %c0_i32, %c0_i32_0 : i32, i32, i32
  }
  func.func @transform_4(%arg0: i32) -> (i32, i32, i32) {
    %c0_i32 = arith.constant 0 : i32
    %c0_i32_0 = arith.constant 0 : i32
    %c0_i32_1 = arith.constant 0 : i32
    return %arg0, %c0_i32, %c0_i32_0 : i32, i32, i32
  }
  func.func @transform_5(%arg0: i32) -> (i32, i32, i32) {
    %c0_i32 = arith.constant 0 : i32
    %c0_i32_0 = arith.constant 0 : i32
    %c0_i32_1 = arith.constant 0 : i32
    return %arg0, %c0_i32, %c0_i32_0 : i32, i32, i32
  }
  func.func @transform_6(%arg0: i32) -> (i32, i32, i32) {
    %c0_i32 = arith.constant 0 : i32
    %c0_i32_0 = arith.constant 0 : i32
    %c0_i32_1 = arith.constant 0 : i32
    return %arg0, %c0_i32, %c0_i32_0 : i32, i32, i32
  }
  func.func @transform_7(%arg0: i32) -> (i32, i32, i32) {
    %c0_i32 = arith.constant 0 : i32
    %c0_i32_0 = arith.constant 0 : i32
    %c0_i32_1 = arith.constant 0 : i32
    return %arg0, %c0_i32, %c0_i32_0 : i32, i32, i32
  }
  func.func @transform_8(%arg0: i32) -> (i32, i32) {
    %c0_i32 = arith.constant 0 : i32
    %c0_i32_0 = arith.constant 0 : i32
    %c0_i32_1 = arith.constant 0 : i32
    return %c0_i32, %c0_i32_0 : i32, i32
  }
  func.func @transform_9(%arg0: i32) -> (i32, i32) {
    %c0_i32 = arith.constant 0 : i32
    %c0_i32_0 = arith.constant 0 : i32
    %c0_i32_1 = arith.constant 0 : i32
    return %c0_i32, %c0_i32_0 : i32, i32
  }
  func.func @transform_10(%arg0: i32) -> (i32, i32, i32) {
    %c0_i32 = arith.constant 0 : i32
    %c0_i32_0 = arith.constant 0 : i32
    %c0_i32_1 = arith.constant 0 : i32
    return %arg0, %c0_i32, %c0_i32_0 : i32, i32, i32
  }
  func.func @transform_11(%arg0: i32) -> (i32, i32) {
    %c0_i32 = arith.constant 0 : i32
    %c0_i32_0 = arith.constant 0 : i32
    %c0_i32_1 = arith.constant 0 : i32
    return %c0_i32, %c0_i32_0 : i32, i32
  }
}

module attributes {stable_mosaic.version = 14 : i64} {
  func.func @_head_body(%arg0: memref<32x32x1024xf32, #tpu.memory_space<vmem>>, %arg1: memref<8x1024xf32, #tpu.memory_space<vmem>>, %arg2: memref<8x1024xf32, #tpu.memory_space<vmem>>, %arg3: memref<2048x512xf32, #tpu.memory_space<vmem>>, %arg4: memref<8x512xf32, #tpu.memory_space<vmem>>, %arg5: memref<512x256xf32, #tpu.memory_space<vmem>>, %arg6: memref<1x256xf32, #tpu.memory_space<vmem>>, %arg7: memref<8x256xf32, #tpu.memory_space<vmem>>, %arg8: memref<256x40xf32, #tpu.memory_space<vmem>>, %arg9: memref<1x40xf32, #tpu.memory_space<vmem>>, %arg10: memref<32x40xf32, #tpu.memory_space<vmem>>) attributes {dimension_semantics = [], scalar_prefetch = 0 : i64, scratch_operands = 0 : i64, tpu.core_type = #tpu.core_type<tc>} {
    %get3A = arith.constant 0 : index
    %get3A_0 = arith.constant 0 : index
    %get3A_1 = arith.constant 0 : index
    %get3A_2 = vector.load %arg0[%get3A, %get3A_0, %get3A_1] : memref<32x32x1024xf32, #tpu.memory_space<vmem>>, vector<32x32x1024xf32>
    %get3A_3 = arith.constant 0 : index
    %get3A_4 = arith.constant 0 : index
    %get3A_5 = vector.load %arg1[%get3A_3, %get3A_4] : memref<8x1024xf32, #tpu.memory_space<vmem>>, vector<8x1024xf32>
    %slice3A = vector.extract_strided_slice %get3A_5 {offsets = [0, 0], sizes = [1, 1024], strides = [1, 1]} : vector<8x1024xf32> to vector<1x1024xf32>
    %div3A = arith.constant 1.024000e+03 : f32
    %div3A_6 = vector.broadcast %div3A : f32 to vector<1x1024xf32>
    %div3A_7 = arith.divf %slice3A, %div3A_6 : vector<1x1024xf32>
    %broadcast_in_dim3A = vector.shape_cast %div3A_7 : vector<1x1024xf32> to vector<1x1x1024xf32>
    %slice3A_8 = vector.extract_strided_slice %get3A_5 {offsets = [1, 0], sizes = [1, 1024], strides = [1, 1]} : vector<8x1024xf32> to vector<1x1024xf32>
    %div3A_9 = arith.constant 1.024000e+03 : f32
    %div3A_10 = vector.broadcast %div3A_9 : f32 to vector<1x1024xf32>
    %div3A_11 = arith.divf %slice3A_8, %div3A_10 : vector<1x1024xf32>
    %broadcast_in_dim3A_12 = vector.shape_cast %div3A_11 : vector<1x1024xf32> to vector<1x1x1024xf32>
    %mul3A = arith.mulf %broadcast_in_dim3A, %broadcast_in_dim3A : vector<1x1x1024xf32>
    %sub3A = arith.subf %broadcast_in_dim3A_12, %mul3A : vector<1x1x1024xf32>
    %get3A_13 = arith.constant 0 : index
    %get3A_14 = arith.constant 0 : index
    %get3A_15 = vector.load %arg2[%get3A_13, %get3A_14] : memref<8x1024xf32, #tpu.memory_space<vmem>>, vector<1x1024xf32>
    %broadcast_in_dim3A_16 = vector.shape_cast %get3A_15 : vector<1x1024xf32> to vector<1x1x1024xf32>
    %add3A = arith.constant 9.99999974E-6 : f32
    %add3A_17 = vector.broadcast %add3A : f32 to vector<1x1x1024xf32>
    %add3A_18 = arith.addf %sub3A, %add3A_17 : vector<1x1x1024xf32>
    %rsqrt3A = math.rsqrt %add3A_18 : vector<1x1x1024xf32>
    %mul3A_19 = arith.mulf %broadcast_in_dim3A_16, %rsqrt3A : vector<1x1x1024xf32>
    %sub3A_20 = vector.broadcast %broadcast_in_dim3A : vector<1x1x1024xf32> to vector<32x32x1024xf32>
    %sub3A_21 = arith.subf %get3A_2, %sub3A_20 : vector<32x32x1024xf32>
    %mul3A_22 = vector.broadcast %mul3A_19 : vector<1x1x1024xf32> to vector<32x32x1024xf32>
    %mul3A_23 = arith.mulf %sub3A_21, %mul3A_22 : vector<32x32x1024xf32>
    %get3A_24 = arith.constant 1 : index
    %get3A_25 = arith.constant 0 : index
    %get3A_26 = vector.load %arg2[%get3A_24, %get3A_25] : memref<8x1024xf32, #tpu.memory_space<vmem>>, vector<1x1024xf32>
    %broadcast_in_dim3A_27 = vector.shape_cast %get3A_26 : vector<1x1024xf32> to vector<1x1x1024xf32>
    %add3A_28 = vector.broadcast %broadcast_in_dim3A_27 : vector<1x1x1024xf32> to vector<32x32x1024xf32>
    %add3A_29 = arith.addf %mul3A_23, %add3A_28 : vector<32x32x1024xf32>
    %ge3A = arith.constant 0.000000e+00 : f32
    %ge3A_30 = vector.broadcast %ge3A : f32 to vector<32x32x1024xf32>
    %ge3A_31 = arith.cmpf oge, %add3A_29, %ge3A_30 : vector<32x32x1024xf32>
    %mul3A_32 = arith.constant 2.000000e-01 : f32
    %mul3A_33 = vector.broadcast %mul3A_32 : f32 to vector<32x32x1024xf32>
    %mul3A_34 = arith.mulf %mul3A_33, %add3A_29 : vector<32x32x1024xf32>
    %select_n3A = arith.select %ge3A_31, %add3A_29, %mul3A_34 : vector<32x32x1024xi1>, vector<32x32x1024xf32>
    %reduce_max3A = arith.constant dense<0xFF800000> : vector<32x1024xf32>
    %reduce_max3A_35 = vector.multi_reduction <maximumf>, %select_n3A, %reduce_max3A [1] : vector<32x32x1024xf32> to vector<32x1024xf32>
    %reduce_sum3A = arith.constant dense<0.000000e+00> : vector<32x1024xf32>
    %reduce_sum3A_36 = vector.multi_reduction <add>, %select_n3A, %reduce_sum3A [1] : vector<32x32x1024xf32> to vector<32x1024xf32>
    %div3A_37 = arith.constant 3.200000e+01 : f32
    %div3A_38 = vector.broadcast %div3A_37 : f32 to vector<32x1024xf32>
    %div3A_39 = arith.divf %reduce_sum3A_36, %div3A_38 : vector<32x1024xf32>
    %concatenate3A = tpu.concatenate %reduce_max3A_35, %div3A_39 in 1 : vector<32x1024xf32>, vector<32x1024xf32> -> vector<32x2048xf32>
    %get3A_40 = arith.constant 0 : index
    %get3A_41 = arith.constant 0 : index
    %get3A_42 = vector.load %arg3[%get3A_40, %get3A_41] : memref<2048x512xf32, #tpu.memory_space<vmem>>, vector<2048x512xf32>
    %convert_element_type3A = arith.truncf %concatenate3A : vector<32x2048xf32> to vector<32x2048xbf16>
    %convert_element_type3A_43 = arith.truncf %get3A_42 : vector<2048x512xf32> to vector<2048x512xbf16>
    %dot_general3A = arith.constant dense<0.000000e+00> : vector<32x512xf32>
    %dot_general3A_44 = tpu.matmul %convert_element_type3A, %convert_element_type3A_43, %dot_general3A {dimension_numbers = #tpu.dot_dimension_numbers<[1], [0], [0], [1], [0, 0, 1, 1], [], []>, transpose_lhs_hint = false} : vector<32x2048xbf16>, vector<2048x512xbf16>, vector<32x512xf32> -> vector<32x512xf32>
    %reduce_sum3A_45 = arith.constant dense<0.000000e+00> : vector<512xf32>
    %reduce_sum3A_46 = vector.multi_reduction <add>, %dot_general3A_44, %reduce_sum3A_45 [0] : vector<32x512xf32> to vector<512xf32>
    %broadcast_in_dim3A_47 = vector.shape_cast %reduce_sum3A_46 : vector<512xf32> to vector<1x512xf32>
    %div3A_48 = arith.constant 3.200000e+01 : f32
    %div3A_49 = vector.broadcast %div3A_48 : f32 to vector<1x512xf32>
    %div3A_50 = arith.divf %broadcast_in_dim3A_47, %div3A_49 : vector<1x512xf32>
    %mul3A_51 = arith.mulf %dot_general3A_44, %dot_general3A_44 : vector<32x512xf32>
    %reduce_sum3A_52 = arith.constant dense<0.000000e+00> : vector<512xf32>
    %reduce_sum3A_53 = vector.multi_reduction <add>, %mul3A_51, %reduce_sum3A_52 [0] : vector<32x512xf32> to vector<512xf32>
    %broadcast_in_dim3A_54 = vector.shape_cast %reduce_sum3A_53 : vector<512xf32> to vector<1x512xf32>
    %div3A_55 = arith.constant 3.200000e+01 : f32
    %div3A_56 = vector.broadcast %div3A_55 : f32 to vector<1x512xf32>
    %div3A_57 = arith.divf %broadcast_in_dim3A_54, %div3A_56 : vector<1x512xf32>
    %mul3A_58 = arith.mulf %div3A_50, %div3A_50 : vector<1x512xf32>
    %sub3A_59 = arith.subf %div3A_57, %mul3A_58 : vector<1x512xf32>
    %get3A_60 = arith.constant 0 : index
    %get3A_61 = arith.constant 0 : index
    %get3A_62 = vector.load %arg4[%get3A_60, %get3A_61] : memref<8x512xf32, #tpu.memory_space<vmem>>, vector<1x512xf32>
    %sub3A_63 = vector.broadcast %div3A_50 : vector<1x512xf32> to vector<32x512xf32>
    %sub3A_64 = arith.subf %dot_general3A_44, %sub3A_63 : vector<32x512xf32>
    %mul3A_65 = vector.broadcast %get3A_62 : vector<1x512xf32> to vector<32x512xf32>
    %mul3A_66 = arith.mulf %mul3A_65, %sub3A_64 : vector<32x512xf32>
    %add3A_67 = arith.constant 9.99999974E-6 : f32
    %add3A_68 = vector.broadcast %add3A_67 : f32 to vector<1x512xf32>
    %add3A_69 = arith.addf %sub3A_59, %add3A_68 : vector<1x512xf32>
    %rsqrt3A_70 = math.rsqrt %add3A_69 : vector<1x512xf32>
    %mul3A_71 = vector.broadcast %rsqrt3A_70 : vector<1x512xf32> to vector<32x512xf32>
    %mul3A_72 = arith.mulf %mul3A_66, %mul3A_71 : vector<32x512xf32>
    %get3A_73 = arith.constant 1 : index
    %get3A_74 = arith.constant 0 : index
    %get3A_75 = vector.load %arg4[%get3A_73, %get3A_74] : memref<8x512xf32, #tpu.memory_space<vmem>>, vector<1x512xf32>
    %add3A_76 = vector.broadcast %get3A_75 : vector<1x512xf32> to vector<32x512xf32>
    %add3A_77 = arith.addf %mul3A_72, %add3A_76 : vector<32x512xf32>
    %ge3A_78 = arith.constant 0.000000e+00 : f32
    %ge3A_79 = vector.broadcast %ge3A_78 : f32 to vector<32x512xf32>
    %ge3A_80 = arith.cmpf oge, %add3A_77, %ge3A_79 : vector<32x512xf32>
    %mul3A_81 = arith.constant 2.000000e-01 : f32
    %mul3A_82 = vector.broadcast %mul3A_81 : f32 to vector<32x512xf32>
    %mul3A_83 = arith.mulf %mul3A_82, %add3A_77 : vector<32x512xf32>
    %select_n3A_84 = arith.select %ge3A_80, %add3A_77, %mul3A_83 : vector<32x512xi1>, vector<32x512xf32>
    %get3A_85 = arith.constant 0 : index
    %get3A_86 = arith.constant 0 : index
    %get3A_87 = vector.load %arg5[%get3A_85, %get3A_86] : memref<512x256xf32, #tpu.memory_space<vmem>>, vector<512x256xf32>
    %convert_element_type3A_88 = arith.truncf %select_n3A_84 : vector<32x512xf32> to vector<32x512xbf16>
    %convert_element_type3A_89 = arith.truncf %get3A_87 : vector<512x256xf32> to vector<512x256xbf16>
    %dot_general3A_90 = arith.constant dense<0.000000e+00> : vector<32x256xf32>
    %dot_general3A_91 = tpu.matmul %convert_element_type3A_88, %convert_element_type3A_89, %dot_general3A_90 {dimension_numbers = #tpu.dot_dimension_numbers<[1], [0], [0], [1], [0, 0, 1, 1], [], []>, transpose_lhs_hint = false} : vector<32x512xbf16>, vector<512x256xbf16>, vector<32x256xf32> -> vector<32x256xf32>
    %get3A_92 = arith.constant 0 : index
    %get3A_93 = arith.constant 0 : index
    %get3A_94 = vector.load %arg6[%get3A_92, %get3A_93] : memref<1x256xf32, #tpu.memory_space<vmem>>, vector<1x256xf32>
    %add3A_95 = vector.broadcast %get3A_94 : vector<1x256xf32> to vector<32x256xf32>
    %add3A_96 = arith.addf %dot_general3A_91, %add3A_95 : vector<32x256xf32>
    %reduce_sum3A_97 = arith.constant dense<0.000000e+00> : vector<256xf32>
    %reduce_sum3A_98 = vector.multi_reduction <add>, %add3A_96, %reduce_sum3A_97 [0] : vector<32x256xf32> to vector<256xf32>
    %broadcast_in_dim3A_99 = vector.shape_cast %reduce_sum3A_98 : vector<256xf32> to vector<1x256xf32>
    %div3A_100 = arith.constant 3.200000e+01 : f32
    %div3A_101 = vector.broadcast %div3A_100 : f32 to vector<1x256xf32>
    %div3A_102 = arith.divf %broadcast_in_dim3A_99, %div3A_101 : vector<1x256xf32>
    %mul3A_103 = arith.mulf %add3A_96, %add3A_96 : vector<32x256xf32>
    %reduce_sum3A_104 = arith.constant dense<0.000000e+00> : vector<256xf32>
    %reduce_sum3A_105 = vector.multi_reduction <add>, %mul3A_103, %reduce_sum3A_104 [0] : vector<32x256xf32> to vector<256xf32>
    %broadcast_in_dim3A_106 = vector.shape_cast %reduce_sum3A_105 : vector<256xf32> to vector<1x256xf32>
    %div3A_107 = arith.constant 3.200000e+01 : f32
    %div3A_108 = vector.broadcast %div3A_107 : f32 to vector<1x256xf32>
    %div3A_109 = arith.divf %broadcast_in_dim3A_106, %div3A_108 : vector<1x256xf32>
    %mul3A_110 = arith.mulf %div3A_102, %div3A_102 : vector<1x256xf32>
    %sub3A_111 = arith.subf %div3A_109, %mul3A_110 : vector<1x256xf32>
    %get3A_112 = arith.constant 0 : index
    %get3A_113 = arith.constant 0 : index
    %get3A_114 = vector.load %arg7[%get3A_112, %get3A_113] : memref<8x256xf32, #tpu.memory_space<vmem>>, vector<1x256xf32>
    %sub3A_115 = vector.broadcast %div3A_102 : vector<1x256xf32> to vector<32x256xf32>
    %sub3A_116 = arith.subf %add3A_96, %sub3A_115 : vector<32x256xf32>
    %mul3A_117 = vector.broadcast %get3A_114 : vector<1x256xf32> to vector<32x256xf32>
    %mul3A_118 = arith.mulf %mul3A_117, %sub3A_116 : vector<32x256xf32>
    %add3A_119 = arith.constant 9.99999974E-6 : f32
    %add3A_120 = vector.broadcast %add3A_119 : f32 to vector<1x256xf32>
    %add3A_121 = arith.addf %sub3A_111, %add3A_120 : vector<1x256xf32>
    %rsqrt3A_122 = math.rsqrt %add3A_121 : vector<1x256xf32>
    %mul3A_123 = vector.broadcast %rsqrt3A_122 : vector<1x256xf32> to vector<32x256xf32>
    %mul3A_124 = arith.mulf %mul3A_118, %mul3A_123 : vector<32x256xf32>
    %get3A_125 = arith.constant 1 : index
    %get3A_126 = arith.constant 0 : index
    %get3A_127 = vector.load %arg7[%get3A_125, %get3A_126] : memref<8x256xf32, #tpu.memory_space<vmem>>, vector<1x256xf32>
    %add3A_128 = vector.broadcast %get3A_127 : vector<1x256xf32> to vector<32x256xf32>
    %add3A_129 = arith.addf %mul3A_124, %add3A_128 : vector<32x256xf32>
    %ge3A_130 = arith.constant 0.000000e+00 : f32
    %ge3A_131 = vector.broadcast %ge3A_130 : f32 to vector<32x256xf32>
    %ge3A_132 = arith.cmpf oge, %add3A_129, %ge3A_131 : vector<32x256xf32>
    %mul3A_133 = arith.constant 2.000000e-01 : f32
    %mul3A_134 = vector.broadcast %mul3A_133 : f32 to vector<32x256xf32>
    %mul3A_135 = arith.mulf %mul3A_134, %add3A_129 : vector<32x256xf32>
    %select_n3A_136 = arith.select %ge3A_132, %add3A_129, %mul3A_135 : vector<32x256xi1>, vector<32x256xf32>
    %get3A_137 = arith.constant 0 : index
    %get3A_138 = arith.constant 0 : index
    %get3A_139 = vector.load %arg8[%get3A_137, %get3A_138] : memref<256x40xf32, #tpu.memory_space<vmem>>, vector<256x40xf32>
    %convert_element_type3A_140 = arith.truncf %select_n3A_136 : vector<32x256xf32> to vector<32x256xbf16>
    %convert_element_type3A_141 = arith.truncf %get3A_139 : vector<256x40xf32> to vector<256x40xbf16>
    %dot_general3A_142 = arith.constant dense<0.000000e+00> : vector<32x40xf32>
    %dot_general3A_143 = tpu.matmul %convert_element_type3A_140, %convert_element_type3A_141, %dot_general3A_142 {dimension_numbers = #tpu.dot_dimension_numbers<[1], [0], [0], [1], [0, 0, 1, 1], [], []>, transpose_lhs_hint = false} : vector<32x256xbf16>, vector<256x40xbf16>, vector<32x40xf32> -> vector<32x40xf32>
    %get3A_144 = arith.constant 0 : index
    %get3A_145 = arith.constant 0 : index
    %get3A_146 = vector.load %arg9[%get3A_144, %get3A_145] : memref<1x40xf32, #tpu.memory_space<vmem>>, vector<1x40xf32>
    %add3A_147 = vector.broadcast %get3A_146 : vector<1x40xf32> to vector<32x40xf32>
    %add3A_148 = arith.addf %dot_general3A_143, %add3A_147 : vector<32x40xf32>
    %swap3A = arith.constant 0 : index
    %swap3A_149 = arith.constant 0 : index
    %swap3A_150 = vector.load %arg10[%swap3A, %swap3A_149] : memref<32x40xf32, #tpu.memory_space<vmem>>, vector<32x40xf32>
    tpu.vector_store %arg10[%swap3A, %swap3A_149], %add3A_148 {strides = array<i32>} : memref<32x40xf32, #tpu.memory_space<vmem>>, vector<32x40xf32>,
    return
  }
}

</mosaic_0001>

<sc_bundles>
// kernel: kernel.13.cloned.1.call-start
scs
__scs_entry_jumppad:
0x0: {  	(pc) =	sbr.rel $0x88, $3  }
0x1: {  	(tag) =	ssettag $0x0;
	lr =	simm.s32 $0x1  }
0x2: {  	[smem:$0x3F88] =	sst lr;
	_ =	strace $0xD0000000  }
0x3: {  	_ = 	snop  }
0x4: {  	_ = 	snop  }
0x5: {  	_ = 	snop  }
0x6: {  	_ = 	snop  }
0x7: {  	_ = 	snop  }
__scs_overlays_trampoline_lowered:
0x8: {  	[smem:$0x3F97] =	sst s0  }
0x9: {  	[smem:$0x3F98] =	sst s1  }
0xa: {  	[smem:$0x3F99] =	sst s2  }
0xb: {  	[smem:$0x3F9A] =	sst s3  }
0xc: {  	[smem:$0x3F9B] =	sst s4  }
0xd: {  	[smem:$0x3F9C] =	sst s5  }
0xe: {  	[smem:$0x3F9D] =	sst s6  }
0xf: {  	[smem:$0x3F9E] =	sst s7  }
0x10: {  	[smem:$0x3F9F] =	sst s8  }
0x11: {  	[smem:$0x3FA0] =	sst s9;
	s0 =	simm.s32 @!p0 $0x0  }
0x12: {  	s1 =	sld [smem:$0x3F86];
	s0 =	simm.s32 @p0 $0x1  }
0x13: {  	[smem:$0x3FA1] =	sst s0;
	s0 =	simm.s32 @!p1 $0x0  }
0x14: {  	s2 =	sld [smem:$0x3F85];
	s0 =	simm.s32 @p1 $0x1  }
0x15: {  	[smem:$0x3FA2] =	sst s0;
	s0 =	simm.s32 @!p2 $0x0  }
0x16: {  	s3 =	sld [smem:$0x3FDB];
	s0 =	simm.s32 @p2 $0x1  }
0x17: {  	s4 =	simm.s32 $0x1BF5;
	[smem:$0x3FA4] =	sst s0  }
0x18: {  	s0 =	sld [smem:$0x3F87];
	_ =	swait.ge [sflag:s4], $0x0  }
0x19: {  	s7 =	sld [smem:$0x3F88]  }
0x1a: {  	s8 =	sadd.s32 $0xFFFFE003, lr  }
0x1b: {  	s9 =	sadd.s32 $0xFFFFFEF7, lr;
	s5 =	simm.s32 $0xFFFFFFFF;
	p2 =	slt.u32 s8, $0xFFFFF086  }
0x1c: {  	p1 =	slt.u32 s9, $0xF7A;
	s5 =	simm.s32 @!p2 $0x0  }
0x1d: {  	s5 =	simm.s32 @p1 $0x1;
	p0 =	seq.s32 s7, s2  }
0x1e: {  	s7 =	smul.u32 @!p0 $0xF7A, s2;
	p2 =	seq.s32 @!p0 s5, $0x0  }
0x1f: {  	s9 =	smul.u32 $0xF7A, s1;
	s8 =	simm.s32 @!p0 $0x1BF5;
	p2 =	por !p2, p0  }
0x20: {  	[sflag:s8] =	ssyncset.s32 @!p0 $0xFFFFF086;
	s6 =	sadd.s32 @!p0 s3, s7;
	s7 =	simm.s32 @!p0 $0x108  }
0x21: {  	s3 =	sadd.s32 s3, s9;
	s6 =	sadd.s32 @!p0 $0x88, s6;
	s7 =	simm.s32 @p2 $0x1082  }
0x22: {  	[simem:s7], [sflag:s8] =	dma.local @!p0 [hbm:s6], $0xF7A  }
0x23: {  	s9 =	sor.u32 $0xD0000000, s2;
	s6 =	simm.s32 $0x108;
	_ =	swait.ge @!p0 [sflag:s8], $0x0  }
0x24: {  	s3 =	sadd.s32 $0x88, s3;
	s6 =	simm.s32 @!p1 $0x1082;
	[sflag:s4] =	ssyncset.s32 $0xFFFFF086  }
0x25: {  	[simem:s6], [sflag:s4] =	dma.local [hbm:s3], $0xF7A  }
0x26: {  	[smem:$0x3F88] =	sst s1;
	(tag) =	ssettag s2;
	_ =	strace s9  }
0x27: {  	s1 =	sld [smem:$0x3F98]  }
0x28: {  	s2 =	sld [smem:$0x3F99]  }
0x29: {  	s4 =	sld [smem:$0x3F9B]  }
0x2a: {  	p0 =	seq.s32 s5, $0x0;
	s5 =	sld [smem:$0x3F9C]  }
0x2b: {  	s6 =	sld [smem:$0x3F9D]  }
0x2c: {  	s7 =	sld [smem:$0x3F9E]  }
0x2d: {  	s3 =	simm.s32 $0x108;
	s8 =	sld [smem:$0x3F9F]  }
0x2e: {  	s3 =	simm.s32 @!p0 $0x1082;
	s9 =	sld [smem:$0x3FA0]  }
0x2f: {  	lr =	sadd.s32 s0, s3;
	s0 =	sld [smem:$0x3F97]  }
0x30: {  	s3 =	sld [smem:$0x3F9A]  }
0x31: {  	[smem:$0x3FA3] =	sst s10  }
0x32: {  	s10 =	sld [smem:$0x3FA1];
	_ =	sdelay $0x3  }
0x33: {  	p0 =	seq.s32 s10, $0x1;
	s10 =	sld [smem:$0x3FA3];
	_ =	sdelay $0x3  }
0x34: {  	[smem:$0x3FA3] =	sst s10  }
0x35: {  	s10 =	sld [smem:$0x3FA2];
	_ =	sdelay $0x3  }
0x36: {  	p1 =	seq.s32 s10, $0x1;
	s10 =	sld [smem:$0x3FA3];
	_ =	sdelay $0x3  }
0x37: {  	[smem:$0x3FA3] =	sst s10  }
0x38: {  	s10 =	sld [smem:$0x3FA4]  }
0x39: {  	_ = 	snop;
	(pc) =	sbr.ind lr, $3  }
0x3a: {  	_ = 	snop  }
0x3b: {  	_ = 	snop  }
0x3c: {  	p2 =	seq.s32 s10, $0x1;
	s10 =	sld [smem:$0x3FA3]  }
0x3d: {  	_ =	shalt  }
0x3e: {  	_ =	shalt  }
0x3f: {  	_ =	shalt  }
0x40: {  	_ =	shalt  }
0x41: {  	_ =	shalt  }
0x42: {  	_ =	shalt  }
0x43: {  	_ =	shalt  }
0x44: {  	_ =	shalt  }
0x45: {  	_ =	shalt  }
0x46: {  	_ =	shalt  }
0x47: {  	_ =	shalt  }
0x48: {  	_ =	shalt  }
0x49: {  	_ =	shalt  }
0x4a: {  	_ =	shalt  }
0x4b: {  	_ =	shalt  }
0x4c: {  	_ =	shalt  }
0x4d: {  	_ =	shalt  }
0x4e: {  	_ =	shalt  }
0x4f: {  	_ =	shalt  }
0x50: {  	_ =	shalt  }
0x51: {  	_ =	shalt  }
0x52: {  	_ =	shalt  }
0x53: {  	_ =	shalt  }
0x54: {  	_ =	shalt  }
0x55: {  	_ =	shalt  }
0x56: {  	_ =	shalt  }
0x57: {  	_ =	shalt  }
0x58: {  	_ =	shalt  }
0x59: {  	_ =	shalt  }
0x5a: {  	_ =	shalt  }
0x5b: {  	_ =	shalt  }
0x5c: {  	_ =	shalt  }
0x5d: {  	_ =	shalt  }
0x5e: {  	_ =	shalt  }
0x5f: {  	_ =	shalt  }
0x60: {  	_ =	shalt  }
0x61: {  	_ =	shalt  }
0x62: {  	_ =	shalt  }
0x63: {  	_ =	shalt  }
0x64: {  	_ =	shalt  }
0x65: {  	_ =	shalt  }
0x66: {  	_ =	shalt  }
0x67: {  	_ =	shalt  }
0x68: {  	_ =	shalt  }
0x69: {  	_ =	shalt  }
0x6a: {  	_ =	shalt  }
0x6b: {  	_ =	shalt  }
0x6c: {  	_ =	shalt  }
0x6d: {  	_ =	shalt  }
0x6e: {  	_ =	shalt  }
0x6f: {  	_ =	shalt  }
0x70: {  	_ =	shalt  }
0x71: {  	_ =	shalt  }
0x72: {  	_ =	shalt  }
0x73: {  	_ =	shalt  }
0x74: {  	_ =	shalt  }
0x75: {  	_ =	shalt  }
0x76: {  	_ =	shalt  }
0x77: {  	_ =	shalt  }
0x78: {  	_ =	shalt  }
0x79: {  	_ =	shalt  }
0x7a: {  	_ =	shalt  }
0x7b: {  	_ =	shalt  }
0x7c: {  	_ =	shalt  }
0x7d: {  	_ =	shalt  }
0x7e: {  	_ =	shalt  }
0x7f: {  	_ =	shalt  }
0x80: {  	_ =	shalt  }
0x81: {  	_ =	shalt  }
0x82: {  	_ =	shalt  }
0x83: {  	_ =	shalt  }
0x84: {  	_ =	shalt  }
0x85: {  	_ =	shalt  }
0x86: {  	_ =	shalt  }
0x87: {  	_ =	shalt  }
.Lfunc_end0:
.L_simem_size_0:
called_computation_lowered:
.L_overlay_start_0:
0x88: {  	s2 =	sld [smem:$0x3FD9]  }
0x89: {  	s3 =	sld [smem:$0x3FFE];
	_ =	sdelay $0x1  }
0x8a: {  	s1 =	srdreg.scid  }
0x8b: {  	s0 =	sand.u32 $0x1, s1  }
0x8c: {  	s17 =	sshll.u32 s0, $0xA;
	s2 =	sadd.s32 s3, s2  }
0x8d: {  	s2 =	sadd.s32 s2, s17  }
0x8e: {  	[smem:$0x3FAF] =	sst s2  }
0x8f: {  	_ = 	snop  }
0x90: {  	(tm) =	ssettm $0x1  }
0x91: {  	s18 =	sld [smem:$0x3FFB];
	_ =	sdelay $0x3  }
0x92: {  	_ =	strace s18  }
0x93: {  	s2 =	sld [smem:$0x3FFC];
	_ =	sdelay $0x3  }
0x94: {  	_ =	strace s2  }
0x95: {  	s2 =	sld [smem:$0x3FFD];
	_ =	sdelay $0x3  }
0x96: {  	_ =	strace s2  }
0x97: {  	_ =	strace $0x8FFFFFFF  }
0x98: {  	s19 =	sld [smem:$0x3FDB];
	_ =	sdelay $0x1  }
0x99: {  	s20 =	simm.s32 $_scs_section_size  }
0x9a: {  	s4 =	simm.s32 $_size__tile_overlayer_lowered;
	s5 =	simm.s32 $_tile_overlayer_lowered  }
0x9b: {  	s6 =	simm.s32 $0x1BFF;
	s21 =	sshll.u32 s5, $0x1;
	s3 =	sadd.s32 s20, s19  }
0x9c: {  	s22 =	simm.s32 $0x0;
	s4 =	sshll.u32 s4, $0x1;
	s5 =	sadd.s32 s21, s3  }
0x9d: {  	[timem:s22], [sflag:s6] =	dma.local [hbm:s5], s4  }
0x9e: {  	_ =	swait.ge [sflag:s6], s4  }
0x9f: {  	s4 =	ssub.s32 $0x0, s4;
	[sflag:s6] =	ssyncset.done $0x0  }
0xa0: {  	[sflag:s6] =	ssyncadd.s32 s4;
	_ =	sdelay $0x1  }
0xa1: {  	s23 =	simm.s32 $0x1B8B  }
0xa2: {  	_ =	swait.ge [sflag:s23], $0x1  }
0xa3: {  	[sflag:s23] =	ssyncset.done $0x0  }
0xa4: {  	[sflag:s23] =	ssyncadd.s32 $0xFFFFFFFF  }
0xa5: {  	s4 =	sld [smem:$0x0]  }
0xa6: {  	s5 =	sand.u32 $0xFFFFFFFE, s1  }
0xa7: {  	p0 =	sne.s32 s1, s5  }
0xa8: {  	s5 =	sshll.u32 @p0 s5, $0xE  }
0xa9: {  	s5 =	sadd.s32 @p0 $0x11B8D, s5;
	s6 =	sshll.u32 @p0 s4, $0x11  }
0xaa: {  	s5 =	sor.u32 @p0 s6, s5  }
0xab: {  	[sflag:s5] =	ssyncadd.remote.s32 @p0 $0x1;
	_ =	sdelay $0x1  }
0xac: {  	s5 =	simm.s32 @p0 $0x1B8D  }
0xad: {  	_ =	swait.eq @p0 [sflag:s5], $0x1  }
0xae: {  	[sflag:s5] =	ssyncadd.s32 @p0 $0xFFFFFFFF  }
0xaf: {  	s6 =	sshll.u32 @!p0 s1, $0xE  }
0xb0: {  	s6 =	sor.u32 @!p0 $0x4000, s6;
	s5 =	simm.s32 @!p0 $0x1B8D  }
0xb1: {  	s4 =	sshll.u32 @!p0 s4, $0x11;
	s6 =	sadd.s32 @!p0 $0x11B8D, s6;
	_ =	swait.eq @!p0 [sflag:s5], $0x1  }
0xb2: {  	s4 =	sor.u32 @!p0 s4, s6;
	[sflag:s5] =	ssyncadd.s32 @!p0 $0xFFFFFFFF  }
0xb3: {  	s25 =	simm.s32 $0x1B8E;
	s24 =	sld [smem:$0x3FFE];
	[sflag:s4] =	ssyncadd.remote.s32 @!p0 $0x1  }
0xb4: {  	s26 =	simm.s32 $execute0_lowered;
	[smem:$0x3FD2] =	sst s25  }
0xb5: {  	s5 =	sshll.u32 s26, $0x1;
	_ =	strace $0x80000049;
	[dreg:$0x1] =	wrdreg $0xFFFFFFFF  }
0xb6: {  	s28 =	simm.s32 $_size_execute0_lowered;
	s3 =	sadd.s32 s3, s5;
	[dreg:$0x0] =	wrdreg $0x0  }
0xb7: {  	s5 =	sshll.u32 s28, $0x1;
	[dreg:$0x2] =	wrdreg s3  }
0xb8: {  	[dreg:$0x3] =	wrdreg s5  }
0xb9: {  	[dreg:$0x4] =	wrdreg $0xC0  }
0xba: {  	_ =	task [dreg:s22], $0x5FFFF  }
0xbb: {  	[dreg:$0x1] =	wrdreg $0xFFFFFFFF  }
0xbc: {  	[dreg:$0x0] =	wrdreg $0x60  }
0xbd: {  	[dreg:$0x2] =	wrdreg s24  }
0xbe: {  	[dreg:$0x3] =	wrdreg $0x9  }
0xbf: {  	_ =	task.clear_ibuf [dreg:s22], $0x4FFFF;
	_ =	strace $0x90000049  }
0xc0: {  	s29 =	simm.s32 $0x9;
	_ =	strace $0x8000004B  }
0xc1: {  	_ =	swait.ge [sflag:s29], $0x1  }
0xc2: {  	[sflag:s29] =	ssyncadd.s32 $0xFFFFFFFF  }
0xc3: {  	_ =	strace $0x9000004B  }
0xc4: {  	_ =	sfence  }
0xc5: {  	s30 =	sld [smem:$0x0];
	_ =	sdelay $0x2  }
0xc6: {  	s31 =	sshll.u32 s1, $0xD;
	s1 =	sshrl.u32 s1, $0x2  }
0xc7: {  	s4 =	sand.u32 $0x4000, s31;
	s1 =	sadd.s32 s1, s30  }
0xc8: {  	s0 =	sor.u32 s4, s0;
	s1 =	sshll.u32 s1, $0x11  }
0xc9: {  	s0 =	sor.u32 s1, s0  }
0xca: {  	s0 =	sadd.s32 $0x8F2B, s0  }
0xcb: {  	[sflag:s0] =	ssyncadd.remote.s32 $0x1  }
0xcc: {  	_ =	sfence.sel $0xFFFF  }
0xcd: {  	[dreg:$0x0] =	wrdreg $0xFFFFFFFF;
	(pc) =	sbr.abs _section_cstart, $3  }
0xce: {  	[dreg:$0x1] =	wrdreg $0xFFFFFFFF  }
0xcf: {  	_ =	task.clear_ibuf [dreg:s22], $0x2FFFF;
	_ =	strace $0x9FFFFFFF  }
0xd0: {  	(tm) =	ssettm $0x7FFFFFFF  }
0xd1: {  	_ =	shalt  }
tec
execute0_lowered:
.L_overlay_start_1:
0x0: {  	(tag) =	ssettag $0x1  }
0x1: {  	s4 =	rddreg [dreg:$0x0]  }
0x2: {  	s0 =	rddreg [dreg:$0x1];
	s2 =	simm.s32 $0x0;
	s1 =	stileid.u32  }
0x3: {  	s3 =	srdreg.scid;
	s10 =	simm.s32 $0x0;
	s6 =	smul.u32 $0x2800, s1  }
0x4: {  	[smem:$0x7FF] =	sst s2;
	s5 =	sand.u32 $0x1, s3;
	s8 =	smul.u32 $0x28000, s1  }
0x5: {  	s3 =	sadd.s32 $0x186600, s4;
	s7 =	smul.u32 $0x1400, s5;
	s9 =	ssub.s32 $0x2, s5  }
0x6: {  	_ =	strace $0x8000004A;
	s5 =	smul.u32 $0x14000, s5;
	s31 =	sshrl.u32 s9, $0x1  }
0x7: {  	s8 =	sadd.s32 s8, s4;
	s6 =	sadd.s32 s7, s6;
	s7 =	ssub.s32 s9, s31  }
0x8: {  	s5 =	sadd.s32 s5, s8;
	s8 =	simm.s32 $0x100;
	s6 =	sshrl.u32 s6, $0x3  }
0x9: {  	s9 =	simm.s32 $0x1;
	s5 =	sadd.s32 $0x588600, s5;
	s6 =	sadd.s32 s6, s4  }
0xa: {  	s4 =	smax.u32 s7, $0x1;
	s7 =	simm.s32 $0x2;
	s6 =	sadd.s32 $0x20B600, s6  }
.LBB2_1:
0xb: {  	s11 =	sadd.s32 $0x0, s6  }
0xc: {  	[tilespmem:s2], [sflag:$0x2] =	stream.linear.gather [hbm4b:s11+s2], $0x100, $0x38;
	[tilespmem:$0x8100] =	vst v63  }
0xd: {  	_ =	swait.ge [sflag:s7], $0x100  }
0xe: {  	[sflag:s7] =	ssyncset.done $0x0  }
0xf: {  	[sflag:s7] =	ssyncadd.s32 $0xFFFFFF00  }
0x10: {  	[tilespmem:s8], [sflag:$0x1] =	stream.indirect.gather [hbm4b:s3+s8], $0x80, s2, s8, $0xb8;
	[tilespmem:$0x8100] =	vst v63  }
0x11: {  	_ =	swait.ge [sflag:s9], $0x8000  }
0x12: {  	[sflag:s9] =	ssyncset.done $0x0  }
0x13: {  	[sflag:s9] =	ssyncadd.s32 $0xFFFF8000  }
0x14: {  	[hbm4b:s5+s2] =	stream.linear.scatter [tilespmem:s8], [sflag:$0x2], $0x8000, $0x38;
	[tilespmem:$0x8100] =	vst v63  }
0x15: {  	s12 =	simm.s32 $0x20;
	_ =	swait.ge [sflag:s7], $0x8000  }
0x16: {  	s13 =	simm.s32 $0x40;
	s11 =	sadd.s32 $0x1000, s5;
	[sflag:s7] =	ssyncset.done $0x0  }
.LBB2_2:
0x17: {  	s14 =	sadd.s32 s12, s6  }
0x18: {  	[sflag:s7] =	ssyncadd.s32 $0xFFFF8000;
	s12 =	smov.u32 s13;
	s15 =	sadd.s32 $0x20, s13  }
0x19: {  	[tilespmem:s2], [sflag:$0x2] =	stream.linear.gather [hbm4b:s14+s2], $0x100, $0x38;
	[tilespmem:$0x8100] =	vst v63  }
0x1a: {  	p0 =	sne.s32 s13, $0x260;
	_ =	swait.ge [sflag:s7], $0x100  }
0x1b: {  	[sflag:s7] =	ssyncset.done $0x0  }
0x1c: {  	[sflag:s7] =	ssyncadd.s32 $0xFFFFFF00  }
0x1d: {  	[tilespmem:s8], [sflag:$0x1] =	stream.indirect.gather [hbm4b:s3+s8], $0x80, s2, s8, $0xb8;
	[tilespmem:$0x8100] =	vst v63  }
0x1e: {  	_ =	swait.ge [sflag:s9], $0x8000  }
.Ltmp0:
0x1f: {  	[sflag:s9] =	ssyncset.done $0x0;
	(pc) =	sbr.rel @p0 .LBB2_2-.Ltmp0, $4  }
0x20: {  	[sflag:s9] =	ssyncadd.s32 $0xFFFF8000  }
0x21: {  	[hbm4b:s11+s2] =	stream.linear.scatter [tilespmem:s8], [sflag:$0x2], $0x8000, $0x38;
	[tilespmem:$0x8100] =	vst v63  }
0x22: {  	_ =	swait.ge [sflag:s7], $0x8000  }
0x23: {  	s13 =	smov.u32 s15;
	s11 =	sadd.s32 $0x1000, s11;
	[sflag:s7] =	ssyncset.done $0x0  }
0x24: {  	s12 =	sadd.s32 s12, s6;
	[sflag:s7] =	ssyncadd.s32 $0xFFFF8000  }
0x25: {  	[tilespmem:s2], [sflag:$0x2] =	stream.linear.gather [hbm4b:s12+s2], $0x100, $0x38;
	[tilespmem:$0x8100] =	vst v63  }
0x26: {  	_ =	swait.ge [sflag:s7], $0x100  }
0x27: {  	[sflag:s7] =	ssyncset.done $0x0  }
0x28: {  	[sflag:s7] =	ssyncadd.s32 $0xFFFFFF00  }
0x29: {  	[tilespmem:s8], [sflag:$0x1] =	stream.indirect.gather [hbm4b:s3+s8], $0x80, s2, s8, $0xb8;
	[tilespmem:$0x8100] =	vst v63  }
0x2a: {  	s10 =	sadd.s32 $0x1, s10;
	_ =	swait.ge [sflag:s9], $0x8000  }
0x2b: {  	p0 =	sne.s32 s10, s4;
	[sflag:s9] =	ssyncset.done $0x0  }
.Ltmp1:
0x2c: {  	[sflag:s9] =	ssyncadd.s32 $0xFFFF8000;
	(pc) =	sbr.rel @p0 .LBB2_1-.Ltmp1, $4  }
0x2d: {  	[hbm4b:s11+s2] =	stream.linear.scatter [tilespmem:s8], [sflag:$0x2], $0x8000, $0x38;
	[tilespmem:$0x8100] =	vst v63  }
0x2e: {  	_ =	swait.ge [sflag:s7], $0x8000  }
0x2f: {  	[sflag:s7] =	ssyncset.done $0x0  }
0x30: {  	[sflag:s7] =	ssyncadd.s32 $0xFFFF8000  }
0x31: {  	_ =	sfence.sel $0x180000  }
0x32: {  	[bflag:$0x0] =	sbarrier.arrive $0xFFFF  }
0x33: {  	p0 =	sne.s32 s1, $0x0;
	_ =	strace $0x9000004A  }
0x34: {  	s0 =	sadd.s32 @!p0 $0x100000, s0;
	[bflag:$0x2] =	sbarrier.arrive $0xFFFF  }
0x35: {  	[sflag:s0] =	ssyncadd.tile.s32 @!p0 $0x1;
	_ =	shalt  }
.Lfunc_end2:
_tile_overlayer_lowered:
.L_overlay_start_2:
0x36: {  	(tag) =	ssettag $0x2  }
0x37: {  	s0 =	rddreg [dreg:$0x0];
	s2 =	stileid.u32  }
0x38: {  	s1 =	rddreg [dreg:$0x1];
	p0 =	sne.s32 s2, $0x0  }
0x39: {  	s3 =	rddreg [dreg:$0x2];
	[bflag:$0x3] =	sbarrier.arrive $0xFFFF;
	s2 =	simm.s32 @!p0 $0x1C02  }
0x3a: {  	[timem:s3], [sflag:s2] =	dma.local @!p0 [hbm:s0], s1  }
0x3b: {  	s0 =	simm.s32 @!p0 $0x2  }
0x3c: {  	_ =	swait.ge @!p0 [sflag:s0], s1  }
0x3d: {  	s1 =	ssub.s32 @!p0 $0x0, s1;
	[sflag:s0] =	ssyncset.done @!p0 $0x0  }
0x3e: {  	[sflag:s0] =	ssyncadd.s32 @!p0 s1  }
0x3f: {  	[bflag:$0x3] =	sbarrier.arrive $0xFFFF  }
0x40: {  	_ =	shalt  }

// kernel: kernel.16.cloned.1.call-start
scs
__scs_entry_jumppad:
0x0: {  	(pc) =	sbr.rel $0x88, $3  }
0x1: {  	(tag) =	ssettag $0x0;
	lr =	simm.s32 $0x1  }
0x2: {  	[smem:$0x3F88] =	sst lr;
	_ =	strace $0xD0000000  }
0x3: {  	_ = 	snop  }
0x4: {  	_ = 	snop  }
0x5: {  	_ = 	snop  }
0x6: {  	_ = 	snop  }
0x7: {  	_ = 	snop  }
__scs_overlays_trampoline_lowered:
0x8: {  	[smem:$0x3F97] =	sst s0  }
0x9: {  	[smem:$0x3F98] =	sst s1  }
0xa: {  	[smem:$0x3F99] =	sst s2  }
0xb: {  	[smem:$0x3F9A] =	sst s3  }
0xc: {  	[smem:$0x3F9B] =	sst s4  }
0xd: {  	[smem:$0x3F9C] =	sst s5  }
0xe: {  	[smem:$0x3F9D] =	sst s6  }
0xf: {  	[smem:$0x3F9E] =	sst s7  }
0x10: {  	[smem:$0x3F9F] =	sst s8  }
0x11: {  	[smem:$0x3FA0] =	sst s9;
	s0 =	simm.s32 @!p0 $0x0  }
0x12: {  	s1 =	sld [smem:$0x3F86];
	s0 =	simm.s32 @p0 $0x1  }
0x13: {  	[smem:$0x3FA1] =	sst s0;
	s0 =	simm.s32 @!p1 $0x0  }
0x14: {  	s2 =	sld [smem:$0x3F85];
	s0 =	simm.s32 @p1 $0x1  }
0x15: {  	[smem:$0x3FA2] =	sst s0;
	s0 =	simm.s32 @!p2 $0x0  }
0x16: {  	s3 =	sld [smem:$0x3FDB];
	s0 =	simm.s32 @p2 $0x1  }
0x17: {  	s4 =	simm.s32 $0x1BF5;
	[smem:$0x3FA4] =	sst s0  }
0x18: {  	s0 =	sld [smem:$0x3F87];
	_ =	swait.ge [sflag:s4], $0x0  }
0x19: {  	s7 =	sld [smem:$0x3F88]  }
0x1a: {  	s8 =	sadd.s32 $0xFFFFE003, lr  }
0x1b: {  	s9 =	sadd.s32 $0xFFFFFEF7, lr;
	s5 =	simm.s32 $0xFFFFFFFF;
	p2 =	slt.u32 s8, $0xFFFFF086  }
0x1c: {  	p1 =	slt.u32 s9, $0xF7A;
	s5 =	simm.s32 @!p2 $0x0  }
0x1d: {  	s5 =	simm.s32 @p1 $0x1;
	p0 =	seq.s32 s7, s2  }
0x1e: {  	s7 =	smul.u32 @!p0 $0xF7A, s2;
	p2 =	seq.s32 @!p0 s5, $0x0  }
0x1f: {  	s9 =	smul.u32 $0xF7A, s1;
	s8 =	simm.s32 @!p0 $0x1BF5;
	p2 =	por !p2, p0  }
0x20: {  	[sflag:s8] =	ssyncset.s32 @!p0 $0xFFFFF086;
	s6 =	sadd.s32 @!p0 s3, s7;
	s7 =	simm.s32 @!p0 $0x108  }
0x21: {  	s3 =	sadd.s32 s3, s9;
	s6 =	sadd.s32 @!p0 $0x88, s6;
	s7 =	simm.s32 @p2 $0x1082  }
0x22: {  	[simem:s7], [sflag:s8] =	dma.local @!p0 [hbm:s6], $0xF7A  }
0x23: {  	s9 =	sor.u32 $0xD0000000, s2;
	s6 =	simm.s32 $0x108;
	_ =	swait.ge @!p0 [sflag:s8], $0x0  }
0x24: {  	s3 =	sadd.s32 $0x88, s3;
	s6 =	simm.s32 @!p1 $0x1082;
	[sflag:s4] =	ssyncset.s32 $0xFFFFF086  }
0x25: {  	[simem:s6], [sflag:s4] =	dma.local [hbm:s3], $0xF7A  }
0x26: {  	[smem:$0x3F88] =	sst s1;
	(tag) =	ssettag s2;
	_ =	strace s9  }
0x27: {  	s1 =	sld [smem:$0x3F98]  }
0x28: {  	s2 =	sld [smem:$0x3F99]  }
0x29: {  	s4 =	sld [smem:$0x3F9B]  }
0x2a: {  	p0 =	seq.s32 s5, $0x0;
	s5 =	sld [smem:$0x3F9C]  }
0x2b: {  	s6 =	sld [smem:$0x3F9D]  }
0x2c: {  	s7 =	sld [smem:$0x3F9E]  }
0x2d: {  	s3 =	simm.s32 $0x108;
	s8 =	sld [smem:$0x3F9F]  }
0x2e: {  	s3 =	simm.s32 @!p0 $0x1082;
	s9 =	sld [smem:$0x3FA0]  }
0x2f: {  	lr =	sadd.s32 s0, s3;
	s0 =	sld [smem:$0x3F97]  }
0x30: {  	s3 =	sld [smem:$0x3F9A]  }
0x31: {  	[smem:$0x3FA3] =	sst s10  }
0x32: {  	s10 =	sld [smem:$0x3FA1];
	_ =	sdelay $0x3  }
0x33: {  	p0 =	seq.s32 s10, $0x1;
	s10 =	sld [smem:$0x3FA3];
	_ =	sdelay $0x3  }
0x34: {  	[smem:$0x3FA3] =	sst s10  }
0x35: {  	s10 =	sld [smem:$0x3FA2];
	_ =	sdelay $0x3  }
0x36: {  	p1 =	seq.s32 s10, $0x1;
	s10 =	sld [smem:$0x3FA3];
	_ =	sdelay $0x3  }
0x37: {  	[smem:$0x3FA3] =	sst s10  }
0x38: {  	s10 =	sld [smem:$0x3FA4]  }
0x39: {  	_ = 	snop;
	(pc) =	sbr.ind lr, $3  }
0x3a: {  	_ = 	snop  }
0x3b: {  	_ = 	snop  }
0x3c: {  	p2 =	seq.s32 s10, $0x1;
	s10 =	sld [smem:$0x3FA3]  }
0x3d: {  	_ =	shalt  }
0x3e: {  	_ =	shalt  }
0x3f: {  	_ =	shalt  }
0x40: {  	_ =	shalt  }
0x41: {  	_ =	shalt  }
0x42: {  	_ =	shalt  }
0x43: {  	_ =	shalt  }
0x44: {  	_ =	shalt  }
0x45: {  	_ =	shalt  }
0x46: {  	_ =	shalt  }
0x47: {  	_ =	shalt  }
0x48: {  	_ =	shalt  }
0x49: {  	_ =	shalt  }
0x4a: {  	_ =	shalt  }
0x4b: {  	_ =	shalt  }
0x4c: {  	_ =	shalt  }
0x4d: {  	_ =	shalt  }
0x4e: {  	_ =	shalt  }
0x4f: {  	_ =	shalt  }
0x50: {  	_ =	shalt  }
0x51: {  	_ =	shalt  }
0x52: {  	_ =	shalt  }
0x53: {  	_ =	shalt  }
0x54: {  	_ =	shalt  }
0x55: {  	_ =	shalt  }
0x56: {  	_ =	shalt  }
0x57: {  	_ =	shalt  }
0x58: {  	_ =	shalt  }
0x59: {  	_ =	shalt  }
0x5a: {  	_ =	shalt  }
0x5b: {  	_ =	shalt  }
0x5c: {  	_ =	shalt  }
0x5d: {  	_ =	shalt  }
0x5e: {  	_ =	shalt  }
0x5f: {  	_ =	shalt  }
0x60: {  	_ =	shalt  }
0x61: {  	_ =	shalt  }
0x62: {  	_ =	shalt  }
0x63: {  	_ =	shalt  }
0x64: {  	_ =	shalt  }
0x65: {  	_ =	shalt  }
0x66: {  	_ =	shalt  }
0x67: {  	_ =	shalt  }
0x68: {  	_ =	shalt  }
0x69: {  	_ =	shalt  }
0x6a: {  	_ =	shalt  }
0x6b: {  	_ =	shalt  }
0x6c: {  	_ =	shalt  }
0x6d: {  	_ =	shalt  }
0x6e: {  	_ =	shalt  }
0x6f: {  	_ =	shalt  }
0x70: {  	_ =	shalt  }
0x71: {  	_ =	shalt  }
0x72: {  	_ =	shalt  }
0x73: {  	_ =	shalt  }
0x74: {  	_ =	shalt  }
0x75: {  	_ =	shalt  }
0x76: {  	_ =	shalt  }
0x77: {  	_ =	shalt  }
0x78: {  	_ =	shalt  }
0x79: {  	_ =	shalt  }
0x7a: {  	_ =	shalt  }
0x7b: {  	_ =	shalt  }
0x7c: {  	_ =	shalt  }
0x7d: {  	_ =	shalt  }
0x7e: {  	_ =	shalt  }
0x7f: {  	_ =	shalt  }
0x80: {  	_ =	shalt  }
0x81: {  	_ =	shalt  }
0x82: {  	_ =	shalt  }
0x83: {  	_ =	shalt  }
0x84: {  	_ =	shalt  }
0x85: {  	_ =	shalt  }
0x86: {  	_ =	shalt  }
0x87: {  	_ =	shalt  }
.Lfunc_end0:
.L_simem_size_0:
called_computation.1_lowered:
.L_overlay_start_0:
0x88: {  	s2 =	sld [smem:$0x3FD9]  }
0x89: {  	s3 =	sld [smem:$0x3FFE];
	_ =	sdelay $0x1  }
0x8a: {  	s1 =	srdreg.scid  }
0x8b: {  	s0 =	sand.u32 $0x1, s1  }
0x8c: {  	s16 =	sshll.u32 s0, $0xA;
	s2 =	sadd.s32 s3, s2  }
0x8d: {  	s2 =	sadd.s32 s2, s16  }
0x8e: {  	[smem:$0x3FAF] =	sst s2  }
0x8f: {  	_ = 	snop  }
0x90: {  	(tm) =	ssettm $0x1  }
0x91: {  	s17 =	sld [smem:$0x3FFB];
	_ =	sdelay $0x3  }
0x92: {  	_ =	strace s17  }
0x93: {  	s2 =	sld [smem:$0x3FFC];
	_ =	sdelay $0x3  }
0x94: {  	_ =	strace s2  }
0x95: {  	s2 =	sld [smem:$0x3FFD];
	_ =	sdelay $0x3  }
0x96: {  	_ =	strace s2  }
0x97: {  	_ =	strace $0x8FFFFFFF  }
0x98: {  	s18 =	sld [smem:$0x3FDB];
	_ =	sdelay $0x1  }
0x99: {  	s19 =	simm.s32 $_scs_section_size  }
0x9a: {  	s4 =	simm.s32 $_size__tile_overlayer_lowered;
	s5 =	simm.s32 $_tile_overlayer_lowered  }
0x9b: {  	s22 =	simm.s32 $0x1BFF;
	s21 =	sshll.u32 s5, $0x1;
	s2 =	sadd.s32 s19, s18  }
0x9c: {  	s6 =	simm.s32 $0x0;
	s20 =	sshll.u32 s4, $0x1;
	s4 =	sadd.s32 s21, s2  }
0x9d: {  	[timem:s6], [sflag:s22] =	dma.local [hbm:s4], s20  }
0x9e: {  	_ =	swait.ge [sflag:s22], s20  }
0x9f: {  	s3 =	ssub.s32 $0x0, s20;
	[sflag:s22] =	ssyncset.done $0x0  }
0xa0: {  	[sflag:s22] =	ssyncadd.s32 s3;
	_ =	sdelay $0x1  }
0xa1: {  	s23 =	simm.s32 $0x1B8B  }
0xa2: {  	_ =	swait.ge [sflag:s23], $0x1  }
0xa3: {  	[sflag:s23] =	ssyncset.done $0x0  }
0xa4: {  	s25 =	simm.s32 $0x1B8E;
	s24 =	sld [smem:$0x3FFE];
	[sflag:s23] =	ssyncadd.s32 $0xFFFFFFFF  }
0xa5: {  	s26 =	simm.s32 $execute0_lowered;
	[smem:$0x3FD2] =	sst s25  }
0xa6: {  	s4 =	sshll.u32 s26, $0x1;
	_ =	strace $0x80000046;
	[dreg:$0x1] =	wrdreg $0xFFFFFFFF  }
0xa7: {  	s28 =	simm.s32 $_size_execute0_lowered;
	s2 =	sadd.s32 s2, s4;
	[dreg:$0x0] =	wrdreg $0x0  }
0xa8: {  	s4 =	sshll.u32 s28, $0x1;
	[dreg:$0x2] =	wrdreg s2  }
0xa9: {  	[dreg:$0x3] =	wrdreg s4  }
0xaa: {  	[dreg:$0x4] =	wrdreg $0xC0  }
0xab: {  	_ =	task [dreg:s6], $0x5FFFF  }
0xac: {  	[dreg:$0x1] =	wrdreg $0xFFFFFFFF  }
0xad: {  	[dreg:$0x0] =	wrdreg $0x60  }
0xae: {  	[dreg:$0x2] =	wrdreg s24  }
0xaf: {  	[dreg:$0x3] =	wrdreg $0xA  }
0xb0: {  	_ =	task.clear_ibuf [dreg:s6], $0x4FFFF;
	_ =	strace $0x90000046  }
0xb1: {  	s29 =	simm.s32 $0xA;
	_ =	strace $0x80000048  }
0xb2: {  	_ =	swait.ge [sflag:s29], $0x1  }
0xb3: {  	[sflag:s29] =	ssyncadd.s32 $0xFFFFFFFF  }
0xb4: {  	_ =	strace $0x90000048  }
0xb5: {  	_ =	sfence  }
0xb6: {  	s30 =	sld [smem:$0x0];
	_ =	sdelay $0x2  }
0xb7: {  	s31 =	sshll.u32 s1, $0xD;
	s1 =	sshrl.u32 s1, $0x2  }
0xb8: {  	s3 =	sand.u32 $0x4000, s31;
	s1 =	sadd.s32 s1, s30  }
0xb9: {  	s0 =	sor.u32 s3, s0;
	s1 =	sshll.u32 s1, $0x11  }
0xba: {  	s0 =	sor.u32 s1, s0  }
0xbb: {  	s0 =	sadd.s32 $0x8F2B, s0  }
0xbc: {  	[sflag:s0] =	ssyncadd.remote.s32 $0x1  }
0xbd: {  	_ =	sfence.sel $0xFFFF  }
0xbe: {  	[dreg:$0x0] =	wrdreg $0xFFFFFFFF;
	(pc) =	sbr.abs _section_cstart, $3  }
0xbf: {  	[dreg:$0x1] =	wrdreg $0xFFFFFFFF  }
0xc0: {  	_ =	task.clear_ibuf [dreg:s6], $0x2FFFF;
	_ =	strace $0x9FFFFFFF  }
0xc1: {  	(tm) =	ssettm $0x7FFFFFFF  }
tec
execute0_lowered:
.L_overlay_start_1:
0x0: {  	(tag) =	ssettag $0x1  }
0x1: {  	s4 =	rddreg [dreg:$0x0]  }
0x2: {  	s0 =	rddreg [dreg:$0x1];
	s2 =	simm.s32 $0x0;
	s1 =	stileid.u32  }
0x3: {  	s3 =	srdreg.scid;
	s10 =	simm.s32 $0x0;
	s6 =	smul.u32 $0x2800, s1  }
0x4: {  	[smem:$0x7FF] =	sst s2;
	s5 =	sand.u32 $0x1, s3;
	s8 =	smul.u32 $0x28000, s1  }
0x5: {  	s3 =	sadd.s32 $0x106600, s4;
	s7 =	smul.u32 $0x1400, s5;
	s9 =	ssub.s32 $0x2, s5  }
0x6: {  	_ =	strace $0x80000047;
	s5 =	smul.u32 $0x14000, s5;
	s31 =	sshrl.u32 s9, $0x1  }
0x7: {  	s8 =	sadd.s32 s8, s4;
	s6 =	sadd.s32 s7, s6;
	s7 =	ssub.s32 s9, s31  }
0x8: {  	s5 =	sadd.s32 s5, s8;
	s8 =	simm.s32 $0x100;
	s6 =	sshrl.u32 s6, $0x3  }
0x9: {  	s9 =	simm.s32 $0x1;
	s5 =	sadd.s32 $0x308600, s5;
	s6 =	sadd.s32 s6, s4  }
0xa: {  	s4 =	smax.u32 s7, $0x1;
	s7 =	simm.s32 $0x2;
	s6 =	sadd.s32 $0x206600, s6  }
.LBB2_1:
0xb: {  	s11 =	sadd.s32 $0x0, s6  }
0xc: {  	[tilespmem:s2], [sflag:$0x2] =	stream.linear.gather [hbm4b:s11+s2], $0x100, $0x38;
	[tilespmem:$0x8100] =	vst v63  }
0xd: {  	_ =	swait.ge [sflag:s7], $0x100  }
0xe: {  	[sflag:s7] =	ssyncset.done $0x0  }
0xf: {  	[sflag:s7] =	ssyncadd.s32 $0xFFFFFF00  }
0x10: {  	[tilespmem:s8], [sflag:$0x1] =	stream.indirect.gather [hbm4b:s3+s8], $0x80, s2, s8, $0xb8;
	[tilespmem:$0x8100] =	vst v63  }
0x11: {  	_ =	swait.ge [sflag:s9], $0x8000  }
0x12: {  	[sflag:s9] =	ssyncset.done $0x0  }
0x13: {  	[sflag:s9] =	ssyncadd.s32 $0xFFFF8000  }
0x14: {  	[hbm4b:s5+s2] =	stream.linear.scatter [tilespmem:s8], [sflag:$0x2], $0x8000, $0x38;
	[tilespmem:$0x8100] =	vst v63  }
0x15: {  	s12 =	simm.s32 $0x20;
	_ =	swait.ge [sflag:s7], $0x8000  }
0x16: {  	s13 =	simm.s32 $0x40;
	s11 =	sadd.s32 $0x1000, s5;
	[sflag:s7] =	ssyncset.done $0x0  }
.LBB2_2:
0x17: {  	s14 =	sadd.s32 s12, s6  }
0x18: {  	[sflag:s7] =	ssyncadd.s32 $0xFFFF8000;
	s12 =	smov.u32 s13;
	s15 =	sadd.s32 $0x20, s13  }
0x19: {  	[tilespmem:s2], [sflag:$0x2] =	stream.linear.gather [hbm4b:s14+s2], $0x100, $0x38;
	[tilespmem:$0x8100] =	vst v63  }
0x1a: {  	p0 =	sne.s32 s13, $0x260;
	_ =	swait.ge [sflag:s7], $0x100  }
0x1b: {  	[sflag:s7] =	ssyncset.done $0x0  }
0x1c: {  	[sflag:s7] =	ssyncadd.s32 $0xFFFFFF00  }
0x1d: {  	[tilespmem:s8], [sflag:$0x1] =	stream.indirect.gather [hbm4b:s3+s8], $0x80, s2, s8, $0xb8;
	[tilespmem:$0x8100] =	vst v63  }
0x1e: {  	_ =	swait.ge [sflag:s9], $0x8000  }
.Ltmp0:
0x1f: {  	[sflag:s9] =	ssyncset.done $0x0;
	(pc) =	sbr.rel @p0 .LBB2_2-.Ltmp0, $4  }
0x20: {  	[sflag:s9] =	ssyncadd.s32 $0xFFFF8000  }
0x21: {  	[hbm4b:s11+s2] =	stream.linear.scatter [tilespmem:s8], [sflag:$0x2], $0x8000, $0x38;
	[tilespmem:$0x8100] =	vst v63  }
0x22: {  	_ =	swait.ge [sflag:s7], $0x8000  }
0x23: {  	s13 =	smov.u32 s15;
	s11 =	sadd.s32 $0x1000, s11;
	[sflag:s7] =	ssyncset.done $0x0  }
0x24: {  	s12 =	sadd.s32 s12, s6;
	[sflag:s7] =	ssyncadd.s32 $0xFFFF8000  }
0x25: {  	[tilespmem:s2], [sflag:$0x2] =	stream.linear.gather [hbm4b:s12+s2], $0x100, $0x38;
	[tilespmem:$0x8100] =	vst v63  }
0x26: {  	_ =	swait.ge [sflag:s7], $0x100  }
0x27: {  	[sflag:s7] =	ssyncset.done $0x0  }
0x28: {  	[sflag:s7] =	ssyncadd.s32 $0xFFFFFF00  }
0x29: {  	[tilespmem:s8], [sflag:$0x1] =	stream.indirect.gather [hbm4b:s3+s8], $0x80, s2, s8, $0xb8;
	[tilespmem:$0x8100] =	vst v63  }
0x2a: {  	s10 =	sadd.s32 $0x1, s10;
	_ =	swait.ge [sflag:s9], $0x8000  }
0x2b: {  	p0 =	sne.s32 s10, s4;
	[sflag:s9] =	ssyncset.done $0x0  }
.Ltmp1:
0x2c: {  	[sflag:s9] =	ssyncadd.s32 $0xFFFF8000;
	(pc) =	sbr.rel @p0 .LBB2_1-.Ltmp1, $4  }
0x2d: {  	[hbm4b:s11+s2] =	stream.linear.scatter [tilespmem:s8], [sflag:$0x2], $0x8000, $0x38;
	[tilespmem:$0x8100] =	vst v63  }
0x2e: {  	_ =	swait.ge [sflag:s7], $0x8000  }
0x2f: {  	[sflag:s7] =	ssyncset.done $0x0  }
0x30: {  	[sflag:s7] =	ssyncadd.s32 $0xFFFF8000  }
0x31: {  	_ =	sfence.sel $0x180000  }
0x32: {  	[bflag:$0x0] =	sbarrier.arrive $0xFFFF  }
0x33: {  	p0 =	sne.s32 s1, $0x0;
	_ =	strace $0x90000047  }
0x34: {  	s0 =	sadd.s32 @!p0 $0x100000, s0;
	[bflag:$0x2] =	sbarrier.arrive $0xFFFF  }
0x35: {  	[sflag:s0] =	ssyncadd.tile.s32 @!p0 $0x1;
	_ =	shalt  }
.Lfunc_end2:
_tile_overlayer_lowered:
.L_overlay_start_2:
0x36: {  	(tag) =	ssettag $0x2  }
0x37: {  	s0 =	rddreg [dreg:$0x0];
	s2 =	stileid.u32  }
0x38: {  	s1 =	rddreg [dreg:$0x1];
	p0 =	sne.s32 s2, $0x0  }
0x39: {  	s3 =	rddreg [dreg:$0x2];
	[bflag:$0x3] =	sbarrier.arrive $0xFFFF;
	s2 =	simm.s32 @!p0 $0x1C02  }
0x3a: {  	[timem:s3], [sflag:s2] =	dma.local @!p0 [hbm:s0], s1  }
0x3b: {  	s0 =	simm.s32 @!p0 $0x2  }
0x3c: {  	_ =	swait.ge @!p0 [sflag:s0], s1  }
0x3d: {  	s1 =	ssub.s32 @!p0 $0x0, s1;
	[sflag:s0] =	ssyncset.done @!p0 $0x0  }
0x3e: {  	[sflag:s0] =	ssyncadd.s32 @!p0 s1  }
0x3f: {  	[bflag:$0x3] =	sbarrier.arrive $0xFFFF  }
0x40: {  	_ =	shalt  }

</sc_bundles>
